<compile_context>
chip_gen: v7x
topology: tpu7x:2x2x1
jax: 0.10.2.dev20260603
libtpu: 0.0.44.dev20260713+nightly
codegen_flags: <defaults>
</compile_context>

<pallas_src>
import jax
import jax.numpy as jnp
from jax.experimental import pallas as pl
from jax.experimental.pallas import tpu as pltpu
from jax.experimental.pallas import tpu_sc as plsc

B, N, DE = 32, 576, 768
H, D = 8, 64
K = 1024
DM = 64
BN = B * N
HBN = H * BN

ROWS = 256
RB = 64
KC = 128
GW = 128
MROWS = 512
CHUNKS = 1


def _prep_body(cb_ref, cbsq_ref, cb2_ref):
    cb = cb_ref[0]
    cbsq_ref[0] = jnp.sum(cb * cb, axis=1)[None, :]
    cb2_ref[0] = cb + cb


def _vq_body(x_ref, rp_ref, cb2_ref, cbsq_ref, idx_ref):
    xv = x_ref[...]
    xp = jax.lax.dot_general(
        xv, rp_ref[...], (((1,), (0,)), ((), ())),
        preferred_element_type=jnp.float32)
    lane = jax.lax.broadcasted_iota(jnp.int32, (RB, KC), 1).astype(jnp.float32)
    for h in range(H):
        xph = xp[:, h * D:(h + 1) * D]
        x_sq = jnp.sum(xph * xph, axis=1, keepdims=True)
        cross2 = jax.lax.dot_general(
            xph, cb2_ref[h], (((1,), (1,)), ((), ())),
            preferred_element_type=jnp.float32)
        cq = cbsq_ref[h]
        for r0 in range(0, ROWS, RB):
            xs = x_sq[r0 : r0 + RB]
            acc_v = (xs - cross2[r0 : r0 + RB, 0:KC]) + cq[:, 0:KC]
            acc_c = jnp.zeros((RB, KC), jnp.float32)
            for kc in range(KC, K, KC):
                d = ((xs - cross2[r0 : r0 + RB, kc : kc + KC])
                     + cq[:, kc : kc + KC])
                better = d < acc_v
                acc_v = jnp.where(better, d, acc_v)
                acc_c = jnp.where(better, float(kc // KC), acc_c)
            m = jnp.min(acc_v, axis=1, keepdims=True)
            cand = jnp.where(acc_v == m, acc_c * float(KC) + lane, float(K))
            best = jnp.min(cand, axis=1, keepdims=True)
            idx_ref[r0 : r0 + RB, h : h + 1] = best.astype(jnp.int32) + h * K


def _mean_body(g_ref, o_ref):
    o_ref[...] = jnp.sum(g_ref[...], axis=1) * (1.0 / H)


def _make_indices(x2, rp_all, cb2, cbsq):
    nb = x2.shape[0]
    return pl.pallas_call(
        _vq_body,
        grid=(nb // ROWS,),
        in_specs=[
            pl.BlockSpec((ROWS, DE), lambda i: (i, 0)),
            pl.BlockSpec((DE, H * D), lambda i: (0, 0)),
            pl.BlockSpec((H, K, D), lambda i: (0, 0, 0)),
            pl.BlockSpec((H, 1, K), lambda i: (0, 0, 0)),
        ],
        out_specs=pl.BlockSpec((ROWS, H), lambda i: (i, 0)),
        out_shape=jax.ShapeDtypeStruct((nb, H), jnp.int32),
    )(x2, rp_all, cb2, cbsq)


def _mean(g3):
    nb = g3.shape[0]
    return pl.pallas_call(
        _mean_body,
        grid=(nb // MROWS,),
        in_specs=[pl.BlockSpec((MROWS, H, DM), lambda i: (i, 0, 0))],
        out_specs=pl.BlockSpec((MROWS, DM), lambda i: (i, 0)),
        out_shape=jax.ShapeDtypeStruct((nb, DM), jnp.float32),
    )(g3)


def _sc_gather(values_flat, idx_flat):
    n = idx_flat.shape[1]
    mesh = plsc.VectorSubcoreMesh(core_axis_name="core",
                                  subcore_axis_name="subcore")

    @pl.kernel(out_type=jax.ShapeDtypeStruct((n, DM), jnp.float32),
               mesh=mesh, scratch_types=[],
               compiler_params=pltpu.CompilerParams(use_tc_tiling_on_sc=False))
    def k(tbl_hbm, i_hbm, o_hbm):
        def body(i_vmem, o_vmem):
            pltpu.sync_copy(tbl_hbm.at[i_vmem.at[0]], o_vmem)

        pltpu.emit_pipeline(
            body,
            grid=(n // GW,),
            in_specs=[pl.BlockSpec((1, GW), lambda i: (0, i))],
            out_specs=[pl.BlockSpec((GW, DM), lambda i: (i, 0))],
            core_axis_name=("core", "subcore"),
            dimension_semantics=(pltpu.PARALLEL,),
        )(i_hbm, o_hbm)

    return k(values_flat, idx_flat)


def kernel(x, rand_proj, codebook, values):
    cbsq, cb2 = pl.pallas_call(
        _prep_body,
        grid=(H,),
        in_specs=[pl.BlockSpec((1, K, D), lambda h: (h, 0, 0))],
        out_specs=[
            pl.BlockSpec((1, 1, K), lambda h: (h, 0, 0)),
            pl.BlockSpec((1, K, D), lambda h: (h, 0, 0)),
        ],
        out_shape=[
            jax.ShapeDtypeStruct((H, 1, K), jnp.float32),
            jax.ShapeDtypeStruct((H, K, D), jnp.float32),
        ],
    )(codebook)

    x2 = x.reshape(BN, DE)
    rp_all = rand_proj.transpose(1, 0, 2).reshape(DE, H * D)
    values_flat = values.reshape(H * K, DM)

    cb_rows = BN // CHUNKS
    outs = []
    for c in range(CHUNKS):
        xc = jax.lax.slice(x2, (c * cb_rows, 0), ((c + 1) * cb_rows, DE))
        idx = _make_indices(xc, rp_all, cb2, cbsq)
        g = _sc_gather(values_flat, idx.reshape(1, cb_rows * H))
        outs.append(_mean(g.reshape(cb_rows, H, DM)))

    return jnp.concatenate(outs, axis=0).reshape(B, N, DM)

# --- scband reference (transcript-rebuilt; emitter-appended) ---
"""Pipeline reference for scband-discrete-key-value-bottleneck-16801912062407 (READ-ONLY COPY).

The authoritative reference and input builder live on the scoring server;
editing this copy changes nothing except your own understanding.
"""

import jax, jax.numpy as jnp
import numpy as np

B, N, DE = 32, 576, 768
H, D = 8, 64
K = 1024
DM = 64


def setup_inputs(seed: int = 0) -> dict:
    key = jax.random.key(seed)
    k1, k2, k3, k4 = jax.random.split(key, 4)
    x = jax.random.normal(k1, (B, N, DE), dtype=jnp.float32)
    # xavier normal init for rand_proj per codebook: std = sqrt(2 / (fan_in + fan_out))
    std = (2.0 / (DE + D)) ** 0.5
    rand_proj = jax.random.normal(k2, (H, DE, D), dtype=jnp.float32) * std
    codebook = jax.random.normal(k3, (H, K, D), dtype=jnp.float32)
    values = jax.random.normal(k4, (H, K, DM), dtype=jnp.float32)
    return {"x": x, "rand_proj": rand_proj, "codebook": codebook, "values": values}


def reference(x, rand_proj, codebook, values):
    # project encoder embeddings into per-codebook key space:
    # einsum('b n d, c d e -> b n c e')
    xp = jnp.einsum('bnd,cde->bnce', x, rand_proj)  # [B, N, H, D]

    # vector quantization with separate codebook per head:
    # squared L2 distances to each code
    x_sq = jnp.sum(xp ** 2, axis=-1, keepdims=True)                 # [B, N, H, 1]
    cb_sq = jnp.sum(codebook ** 2, axis=-1)[None, None, :, :]       # [1, 1, H, K]
    cross = jnp.einsum('bnhd,hkd->bnhk', xp, codebook)              # [B, N, H, K]
    dist = x_sq - 2.0 * cross + cb_sq                                # [B, N, H, K]
    indices = jnp.argmin(dist, axis=-1)                              # [B, N, H]

    # rearrange 'b n h -> b h n'
    idx = jnp.transpose(indices, (0, 2, 1))                          # [B, H, N]

    # gather memory values: values[h, idx[b,h,n], :]
    h_idx = jnp.arange(values.shape[0])[None, :, None]               # [1, H, 1]
    memories = values[h_idx, idx]                                    # [B, H, N, DM]

    # average pool over codebooks: 'b h n d -> b n d'
    memories = jnp.mean(memories, axis=1)                            # [B, N, DM]
    return memories

if __name__ == "__main__":
    import jax
    _d = setup_inputs()
    print(jax.jit(kernel)(*tuple(_d.values())))

</pallas_src>

<mosaic_0001>
#map = affine_map<(d0, d1) -> (0, 0)>
module attributes {stable_mosaic.version = 14 : i64} {
  func.func @k(%arg0: i32, %arg1: i32, %arg2: memref<8192x64xf32, #tpu.memory_space<hbm>>, %arg3: memref<1x147456xi32, #tpu.memory_space<hbm>>, %arg4: memref<147456x64xf32, #tpu.memory_space<hbm>>) attributes {dimension_semantics = [#tpu.dimension_semantics<core_parallel>, #tpu.dimension_semantics<subcore_parallel>], iteration_bounds = array<i64: 2, 16>, scalar_prefetch = 0 : i64, scratch_operands = 0 : i64, tpu.core_type = #tpu.core_type<sc_vector_subcore>, window_params = [{transform_indices = #map}, {transform_indices = #map}, {transform_indices = #map}]} {
    %mul3A = arith.constant 1 : i32
    %mul3A_0 = arith.muli %arg1, %mul3A : i32
    %add3A = arith.constant 0 : i32
    %add3A_1 = arith.addi %add3A, %mul3A_0 : i32
    %mul3A_2 = arith.constant 16 : i32
    %mul3A_3 = arith.muli %arg0, %mul3A_2 : i32
    %add3A_4 = arith.addi %add3A_1, %mul3A_3 : i32
    %mul3A_5 = arith.constant 36 : i32
    %mul3A_6 = arith.muli %add3A_4, %mul3A_5 : i32
    "tpu.region"() ({
      %run_scoped3A = memref.alloca() : memref<2x1x128xi32, #tpu.memory_space<vmem>>
      %run_scoped3A_7 = tpu.sem_alloc : memref<2x!tpu.dma_semaphore, #tpu.memory_space<semaphore_mem>>
      %run_scoped3A_8 = memref.alloca() : memref<2x128x64xf32, #tpu.memory_space<vmem>>
      %run_scoped3A_9 = tpu.sem_alloc : memref<2x!tpu.dma_semaphore, #tpu.memory_space<semaphore_mem>>
      %add3A_10 = arith.constant 0 : i32
      %add3A_11 = arith.addi %add3A_10, %mul3A_6 : i32
      %select_n3A = arith.constant true
      %select_n3A_12 = arith.constant 0 : i32
      %select_n3A_13 = arith.constant -1 : i32
      %select_n3A_14 = arith.select %select_n3A, %select_n3A_13, %select_n3A_12 : i32
      %eq3A = arith.constant -1 : i32
      %eq3A_15 = arith.cmpi eq, %select_n3A_14, %eq3A : i32
      %select_n3A_16 = arith.constant 35 : i32
      %select_n3A_17 = arith.select %eq3A_15, %select_n3A_16, %select_n3A_14 : i32
      %add3A_18 = arith.addi %select_n3A_17, %mul3A_6 : i32
      %select_n3A_19 = arith.constant true
      %select_n3A_20 = arith.constant 0 : i32
      %select_n3A_21 = arith.constant 1 : i32
      %select_n3A_22 = arith.select %select_n3A_19, %select_n3A_21, %select_n3A_20 : i32
      %eq3A_23 = arith.constant 36 : i32
      %eq3A_24 = arith.cmpi eq, %select_n3A_22, %eq3A_23 : i32
      %select_n3A_25 = arith.constant 0 : i32
      %select_n3A_26 = arith.select %eq3A_24, %select_n3A_25, %select_n3A_22 : i32
      %add3A_27 = arith.addi %select_n3A_26, %mul3A_6 : i32
      %add3A_28 = arith.constant 1 : i32
      %add3A_29 = arith.addi %select_n3A_26, %add3A_28 : i32
      %select_n3A_30 = arith.constant true
      %select_n3A_31 = arith.select %select_n3A_30, %add3A_29, %select_n3A_26 : i32
      %eq3A_32 = arith.constant 36 : i32
      %eq3A_33 = arith.cmpi eq, %select_n3A_31, %eq3A_32 : i32
      %select_n3A_34 = arith.constant 0 : i32
      %select_n3A_35 = arith.select %eq3A_33, %select_n3A_34, %select_n3A_31 : i32
      %add3A_36 = arith.addi %select_n3A_35, %mul3A_6 : i32
      "tpu.trace_start"() <{level = 10 : i32, message = "ep_initialize_0"}> : () -> ()
      %rem3A = arith.constant 0 : i32
      %rem3A_37 = arith.constant 2 : i32
      %rem3A_38 = arith.remui %rem3A, %rem3A_37 : i32
      %mul3A_39 = arith.constant 128 : i32
      %mul3A_40 = arith.muli %mul3A_39, %add3A_11 : i32
      %dma_start3A = arith.constant 0 : i32
      %dma_start3A_41 = arith.constant 0 : i32
      %dma_start3A_42 = tpu.memref_slice %run_scoped3A[%rem3A_38, %dma_start3A, %dma_start3A_41] : memref<2x1x128xi32, #tpu.memory_space<vmem>> -> memref<1x1x128xi32, #tpu.memory_space<vmem>>
      %dma_start3A_43 = tpu.memref_squeeze %dma_start3A_42 : memref<1x1x128xi32, #tpu.memory_space<vmem>> -> memref<1x128xi32, #tpu.memory_space<vmem>>
      %dma_start3A_44 = arith.constant 0 : i32
      %dma_start3A_45 = tpu.memref_slice %arg3[%dma_start3A_44, %mul3A_40] : memref<1x147456xi32, #tpu.memory_space<hbm>> -> memref<1x128xi32, #tpu.memory_space<hbm>>
      %dma_start3A_46 = tpu.memref_slice %run_scoped3A_7[%rem3A_38] : memref<2x!tpu.dma_semaphore, #tpu.memory_space<semaphore_mem>> -> memref<1x!tpu.dma_semaphore, #tpu.memory_space<semaphore_mem>>
      %dma_start3A_47 = tpu.memref_squeeze %dma_start3A_46 : memref<1x!tpu.dma_semaphore, #tpu.memory_space<semaphore_mem>> -> memref<!tpu.dma_semaphore, #tpu.memory_space<semaphore_mem>>
      %dma_start3A_48 = arith.constant 0 : i32
      %dma_start3A_49 = arith.constant 0 : i32
      %dma_start3A_50 = tpu.memref_slice %run_scoped3A[%rem3A_38, %dma_start3A_48, %dma_start3A_49] : memref<2x1x128xi32, #tpu.memory_space<vmem>> -> memref<1x1x128xi32, #tpu.memory_space<vmem>>
      %dma_start3A_51 = tpu.memref_squeeze %dma_start3A_50 : memref<1x1x128xi32, #tpu.memory_space<vmem>> -> memref<1x128xi32, #tpu.memory_space<vmem>>
      %dma_start3A_52 = arith.constant 0 : i32
      %dma_start3A_53 = tpu.memref_slice %arg3[%dma_start3A_52, %mul3A_40] : memref<1x147456xi32, #tpu.memory_space<hbm>> -> memref<1x128xi32, #tpu.memory_space<hbm>>
      tpu.enqueue_dma source(%dma_start3A_53 : memref<1x128xi32, #tpu.memory_space<hbm>>) target(%dma_start3A_51 : memref<1x128xi32, #tpu.memory_space<vmem>>) target_semaphore(%dma_start3A_47 : memref<!tpu.dma_semaphore, #tpu.memory_space<semaphore_mem>>)
      %add3A_54 = arith.constant 0 : i32
      %add3A_55 = arith.constant 1 : i32
      %add3A_56 = arith.addi %add3A_54, %add3A_55 : i32
      %select_n3A_57 = arith.constant true
      %select_n3A_58 = arith.constant 0 : i32
      %select_n3A_59 = arith.select %select_n3A_57, %add3A_56, %select_n3A_58 : i32
      "tpu.trace_stop"() : () -> ()
      %scan3A = arith.constant 0 : i32
      %scan3A_60 = arith.constant 0 : i32
      %scan3A_61 = arith.constant 0 : i32
      %scan3A_62 = arith.constant 0 : i32
      %scan3A_63 = arith.constant 0 : i32
      %scan3A_64 = arith.constant 36 : i32
      %scan3A_65 = arith.addi %scan3A_63, %scan3A_64 : i32
      %scan3A_66 = arith.constant 1 : i32
      %scan3A_67:5 = scf.for %scan3A_121 = %scan3A_63 to %scan3A_65 step %scan3A_66 iter_args(%scan3A_122 = %select_n3A_59, %scan3A_123 = %scan3A, %scan3A_124 = %scan3A_60, %scan3A_125 = %scan3A_61, %scan3A_126 = %scan3A_62) -> (i32, i32, i32, i32, i32)  : i32 {
        %eq3A_127 = arith.constant 0 : i32
        %eq3A_128 = arith.cmpi eq, %scan3A_121, %eq3A_127 : i32
        %eq3A_129 = arith.constant 35 : i32
        %eq3A_130 = arith.cmpi eq, %scan3A_121, %eq3A_129 : i32
        %add3A_131 = arith.addi %scan3A_126, %mul3A_6 : i32
        %sub3A_132 = arith.constant 1 : i32
        %sub3A_133 = arith.subi %scan3A_126, %sub3A_132 : i32
        %select_n3A_134 = arith.constant true
        %select_n3A_135 = arith.select %select_n3A_134, %sub3A_133, %scan3A_126 : i32
        %eq3A_136 = arith.constant -1 : i32
        %eq3A_137 = arith.cmpi eq, %select_n3A_135, %eq3A_136 : i32
        %select_n3A_138 = arith.constant 35 : i32
        %select_n3A_139 = arith.select %eq3A_137, %select_n3A_138, %select_n3A_135 : i32
        %add3A_140 = arith.addi %select_n3A_139, %mul3A_6 : i32
        %add3A_141 = arith.constant 1 : i32
        %add3A_142 = arith.addi %scan3A_126, %add3A_141 : i32
        %select_n3A_143 = arith.constant true
        %select_n3A_144 = arith.select %select_n3A_143, %add3A_142, %scan3A_126 : i32
        %eq3A_145 = arith.constant 36 : i32
        %eq3A_146 = arith.cmpi eq, %select_n3A_144, %eq3A_145 : i32
        %select_n3A_147 = arith.constant 0 : i32
        %select_n3A_148 = arith.select %eq3A_146, %select_n3A_147, %select_n3A_144 : i32
        %add3A_149 = arith.addi %select_n3A_148, %mul3A_6 : i32
        %add3A_150 = arith.constant 1 : i32
        %add3A_151 = arith.addi %select_n3A_148, %add3A_150 : i32
        %select_n3A_152 = arith.constant true
        %select_n3A_153 = arith.select %select_n3A_152, %add3A_151, %select_n3A_148 : i32
        %eq3A_154 = arith.constant 36 : i32
        %eq3A_155 = arith.cmpi eq, %select_n3A_153, %eq3A_154 : i32
        %select_n3A_156 = arith.constant 0 : i32
        %select_n3A_157 = arith.select %eq3A_155, %select_n3A_156, %select_n3A_153 : i32
        %add3A_158 = arith.addi %select_n3A_157, %mul3A_6 : i32
        %ne3A = arith.cmpi ne, %add3A_131, %add3A_149 : i32
        %or3A = arith.constant false
        %or3A_159 = arith.ori %or3A, %ne3A : i1
        %ge3A = arith.constant 35 : i32
        %ge3A_160 = arith.cmpi sge, %scan3A_121, %ge3A : i32
        %not3A = arith.constant true
        %not3A_161 = arith.xori %ge3A_160, %not3A : i1
        %and3A = arith.andi %or3A_159, %not3A_161 : i1
        %convert_element_type3A = arith.extui %and3A : i1 to i32
        %cond3A = arith.constant 0 : i32
        %cond3A_162 = arith.cmpi ne, %convert_element_type3A, %cond3A : i32
        scf.if %cond3A_162 {
          "tpu.trace_start"() <{level = 10 : i32, message = "ep_copy_in"}> : () -> ()
          %rem3A_264 = arith.constant 2 : i32
          %rem3A_265 = arith.remui %scan3A_122, %rem3A_264 : i32
          %mul3A_266 = arith.constant 128 : i32
          %mul3A_267 = arith.muli %mul3A_266, %add3A_149 : i32
          %dma_start3A_268 = arith.constant 0 : i32
          %dma_start3A_269 = arith.constant 0 : i32
          %dma_start3A_270 = tpu.memref_slice %run_scoped3A[%rem3A_265, %dma_start3A_268, %dma_start3A_269] : memref<2x1x128xi32, #tpu.memory_space<vmem>> -> memref<1x1x128xi32, #tpu.memory_space<vmem>>
          %dma_start3A_271 = tpu.memref_squeeze %dma_start3A_270 : memref<1x1x128xi32, #tpu.memory_space<vmem>> -> memref<1x128xi32, #tpu.memory_space<vmem>>
          %dma_start3A_272 = arith.constant 0 : i32
          %dma_start3A_273 = tpu.memref_slice %arg3[%dma_start3A_272, %mul3A_267] : memref<1x147456xi32, #tpu.memory_space<hbm>> -> memref<1x128xi32, #tpu.memory_space<hbm>>
          %dma_start3A_274 = tpu.memref_slice %run_scoped3A_7[%rem3A_265] : memref<2x!tpu.dma_semaphore, #tpu.memory_space<semaphore_mem>> -> memref<1x!tpu.dma_semaphore, #tpu.memory_space<semaphore_mem>>
          %dma_start3A_275 = tpu.memref_squeeze %dma_start3A_274 : memref<1x!tpu.dma_semaphore, #tpu.memory_space<semaphore_mem>> -> memref<!tpu.dma_semaphore, #tpu.memory_space<semaphore_mem>>
          %dma_start3A_276 = arith.constant 0 : i32
          %dma_start3A_277 = arith.constant 0 : i32
          %dma_start3A_278 = tpu.memref_slice %run_scoped3A[%rem3A_265, %dma_start3A_276, %dma_start3A_277] : memref<2x1x128xi32, #tpu.memory_space<vmem>> -> memref<1x1x128xi32, #tpu.memory_space<vmem>>
          %dma_start3A_279 = tpu.memref_squeeze %dma_start3A_278 : memref<1x1x128xi32, #tpu.memory_space<vmem>> -> memref<1x128xi32, #tpu.memory_space<vmem>>
          %dma_start3A_280 = arith.constant 0 : i32
          %dma_start3A_281 = tpu.memref_slice %arg3[%dma_start3A_280, %mul3A_267] : memref<1x147456xi32, #tpu.memory_space<hbm>> -> memref<1x128xi32, #tpu.memory_space<hbm>>
          tpu.enqueue_dma source(%dma_start3A_281 : memref<1x128xi32, #tpu.memory_space<hbm>>) target(%dma_start3A_279 : memref<1x128xi32, #tpu.memory_space<vmem>>) target_semaphore(%dma_start3A_275 : memref<!tpu.dma_semaphore, #tpu.memory_space<semaphore_mem>>)
          "tpu.trace_stop"() : () -> ()
        } else {
        }
        %and3A_163 = arith.constant true
        %and3A_164 = arith.andi %and3A, %and3A_163 : i1
        %add3A_165 = arith.constant 1 : i32
        %add3A_166 = arith.addi %scan3A_122, %add3A_165 : i32
        %select_n3A_167 = arith.select %and3A_164, %add3A_166, %scan3A_122 : i32
        %ne3A_168 = arith.cmpi ne, %add3A_131, %add3A_149 : i32
        %or3A_169 = arith.constant false
        %or3A_170 = arith.ori %or3A_169, %ne3A_168 : i1
        %or3A_171 = arith.constant false
        %or3A_172 = arith.ori %or3A_170, %or3A_171 : i1
        %ge3A_173 = arith.constant 35 : i32
        %ge3A_174 = arith.cmpi sge, %scan3A_121, %ge3A_173 : i32
        %not3A_175 = arith.constant true
        %not3A_176 = arith.xori %ge3A_174, %not3A_175 : i1
        %and3A_177 = arith.andi %or3A_172, %not3A_176 : i1
        %ne3A_178 = arith.cmpi ne, %add3A_131, %add3A_140 : i32
        %or3A_179 = arith.constant false
        %or3A_180 = arith.ori %or3A_179, %ne3A_178 : i1
        %or3A_181 = arith.ori %or3A_180, %eq3A_128 : i1
        %convert_element_type3A_182 = arith.extui %or3A_181 : i1 to i32
        %cond3A_183 = arith.constant 0 : i32
        %cond3A_184 = arith.cmpi ne, %convert_element_type3A_182, %cond3A_183 : i32
        scf.if %cond3A_184 {
          "tpu.trace_start"() <{level = 10 : i32, message = "ep_wait_in"}> : () -> ()
          %mul3A_264 = arith.constant 128 : i32
          %mul3A_265 = arith.muli %mul3A_264, %add3A_131 : i32
          %rem3A_266 = arith.constant 2 : i32
          %rem3A_267 = arith.remui %scan3A_123, %rem3A_266 : i32
          %dma_wait3A_268 = arith.constant 0 : i32
          %dma_wait3A_269 = arith.constant 0 : i32
          %dma_wait3A_270 = tpu.memref_slice %run_scoped3A[%rem3A_267, %dma_wait3A_268, %dma_wait3A_269] : memref<2x1x128xi32, #tpu.memory_space<vmem>> -> memref<1x1x128xi32, #tpu.memory_space<vmem>>
          %dma_wait3A_271 = tpu.memref_squeeze %dma_wait3A_270 : memref<1x1x128xi32, #tpu.memory_space<vmem>> -> memref<1x128xi32, #tpu.memory_space<vmem>>
          %dma_wait3A_272 = arith.constant 0 : i32
          %dma_wait3A_273 = tpu.memref_slice %arg3[%dma_wait3A_272, %mul3A_265] : memref<1x147456xi32, #tpu.memory_space<hbm>> -> memref<1x128xi32, #tpu.memory_space<hbm>>
          %dma_wait3A_274 = tpu.memref_slice %run_scoped3A_7[%rem3A_267] : memref<2x!tpu.dma_semaphore, #tpu.memory_space<semaphore_mem>> -> memref<1x!tpu.dma_semaphore, #tpu.memory_space<semaphore_mem>>
          %dma_wait3A_275 = tpu.memref_squeeze %dma_wait3A_274 : memref<1x!tpu.dma_semaphore, #tpu.memory_space<semaphore_mem>> -> memref<!tpu.dma_semaphore, #tpu.memory_space<semaphore_mem>>
          %dma_wait3A_276 = arith.constant 0 : i32
          %dma_wait3A_277 = arith.constant 0 : i32
          %dma_wait3A_278 = tpu.memref_slice %run_scoped3A[%rem3A_267, %dma_wait3A_276, %dma_wait3A_277] : memref<2x1x128xi32, #tpu.memory_space<vmem>> -> memref<1x1x128xi32, #tpu.memory_space<vmem>>
          %dma_wait3A_279 = tpu.memref_squeeze %dma_wait3A_278 : memref<1x1x128xi32, #tpu.memory_space<vmem>> -> memref<1x128xi32, #tpu.memory_space<vmem>>
          %dma_wait3A_280 = arith.constant 0 : i32
          %dma_wait3A_281 = tpu.memref_slice %arg3[%dma_wait3A_280, %mul3A_265] : memref<1x147456xi32, #tpu.memory_space<hbm>> -> memref<1x128xi32, #tpu.memory_space<hbm>>
          tpu.wait_dma2 semaphore(%dma_wait3A_275 : memref<!tpu.dma_semaphore, #tpu.memory_space<semaphore_mem>>) src(%dma_wait3A_281 : memref<1x128xi32, #tpu.memory_space<hbm>>) dst(%dma_wait3A_279 : memref<1x128xi32, #tpu.memory_space<vmem>>)
          "tpu.trace_stop"() : () -> ()
        } else {
        }
        %ne3A_185 = arith.cmpi ne, %add3A_131, %add3A_140 : i32
        %or3A_186 = arith.constant false
        %or3A_187 = arith.ori %or3A_186, %ne3A_185 : i1
        %or3A_188 = arith.constant false
        %or3A_189 = arith.ori %or3A_187, %or3A_188 : i1
        %or3A_190 = arith.ori %or3A_189, %eq3A_128 : i1
        %convert_element_type3A_191 = arith.extui %or3A_190 : i1 to i32
        %cond3A_192 = arith.constant 0 : i32
        %cond3A_193 = arith.cmpi ne, %convert_element_type3A_191, %cond3A_192 : i32
        scf.if %cond3A_193 {
        } else {
        }
        %rem3A_194 = arith.constant 2 : i32
        %rem3A_195 = arith.remui %scan3A_123, %rem3A_194 : i32
        %rem3A_196 = arith.constant 2 : i32
        %rem3A_197 = arith.remui %scan3A_124, %rem3A_196 : i32
        %run_scoped3A_198 = arith.constant 0 : i32
        "tpu.trace_start"() <{level = 10 : i32, message = "ep_run_kernel"}> : () -> ()
        "tpu.region"() ({
          %run_scoped3A_264 = tpu.sem_alloc : memref<!tpu.dma_semaphore, #tpu.memory_space<semaphore_mem>>
          %dma_start3A_265 = arith.constant 0 : i32
          %dma_start3A_266 = arith.constant 0 : i32
          %dma_start3A_267 = tpu.memref_slice %run_scoped3A_8[%rem3A_197, %dma_start3A_265, %dma_start3A_266] : memref<2x128x64xf32, #tpu.memory_space<vmem>> -> memref<1x128x64xf32, #tpu.memory_space<vmem>>
          %dma_start3A_268 = tpu.memref_squeeze %dma_start3A_267 : memref<1x128x64xf32, #tpu.memory_space<vmem>> -> memref<128x64xf32, #tpu.memory_space<vmem>>
          %dma_start3A_269 = arith.constant 0 : i32
          %dma_start3A_270 = arith.constant 0 : i32
          %dma_start3A_271 = tpu.memref_slice %run_scoped3A[%rem3A_195, %dma_start3A_269, %dma_start3A_270] : memref<2x1x128xi32, #tpu.memory_space<vmem>> -> memref<1x1x128xi32, #tpu.memory_space<vmem>>
          %dma_start3A_272 = tpu.memref_squeeze %dma_start3A_271 : memref<1x1x128xi32, #tpu.memory_space<vmem>> -> memref<1x128xi32, #tpu.memory_space<vmem>>
          %dma_start3A_273 = arith.constant 0 : i32
          %dma_start3A_274 = tpu.memref_slice %dma_start3A_272[%run_scoped3A_198, %dma_start3A_273] : memref<1x128xi32, #tpu.memory_space<vmem>> -> memref<1x128xi32, #tpu.memory_space<vmem>>
          %dma_start3A_275 = tpu.memref_squeeze %dma_start3A_274 : memref<1x128xi32, #tpu.memory_space<vmem>> -> memref<128xi32, #tpu.memory_space<vmem>>
          %dma_start3A_276 = arith.constant 0 : i32
          %dma_start3A_277 = arith.constant 0 : i32
          %dma_start3A_278 = tpu.memref_slice %arg2[%dma_start3A_276, %dma_start3A_277] : memref<8192x64xf32, #tpu.memory_space<hbm>> -> memref<8192x64xf32, #tpu.memory_space<hbm>>
          tpu.enqueue_indirect_dma source(%dma_start3A_278 : memref<8192x64xf32, #tpu.memory_space<hbm>>) target(%dma_start3A_268 : memref<128x64xf32, #tpu.memory_space<vmem>>) offsets(%dma_start3A_275 : memref<128xi32, #tpu.memory_space<vmem>>) semaphore(%run_scoped3A_264 : memref<!tpu.dma_semaphore, #tpu.memory_space<semaphore_mem>>)
          %dma_wait3A_279 = arith.constant 0 : i32
          %dma_wait3A_280 = arith.constant 0 : i32
          %dma_wait3A_281 = tpu.memref_slice %run_scoped3A_8[%rem3A_197, %dma_wait3A_279, %dma_wait3A_280] : memref<2x128x64xf32, #tpu.memory_space<vmem>> -> memref<1x128x64xf32, #tpu.memory_space<vmem>>
          %dma_wait3A_282 = tpu.memref_squeeze %dma_wait3A_281 : memref<1x128x64xf32, #tpu.memory_space<vmem>> -> memref<128x64xf32, #tpu.memory_space<vmem>>
          %dma_wait3A_283 = arith.constant 0 : i32
          %dma_wait3A_284 = arith.constant 0 : i32
          %dma_wait3A_285 = tpu.memref_slice %run_scoped3A[%rem3A_195, %dma_wait3A_283, %dma_wait3A_284] : memref<2x1x128xi32, #tpu.memory_space<vmem>> -> memref<1x1x128xi32, #tpu.memory_space<vmem>>
          %dma_wait3A_286 = tpu.memref_squeeze %dma_wait3A_285 : memref<1x1x128xi32, #tpu.memory_space<vmem>> -> memref<1x128xi32, #tpu.memory_space<vmem>>
          %dma_wait3A_287 = arith.constant 0 : i32
          %dma_wait3A_288 = tpu.memref_slice %dma_wait3A_286[%run_scoped3A_198, %dma_wait3A_287] : memref<1x128xi32, #tpu.memory_space<vmem>> -> memref<1x128xi32, #tpu.memory_space<vmem>>
          %dma_wait3A_289 = tpu.memref_squeeze %dma_wait3A_288 : memref<1x128xi32, #tpu.memory_space<vmem>> -> memref<128xi32, #tpu.memory_space<vmem>>
          %dma_wait3A_290 = arith.constant 0 : i32
          %dma_wait3A_291 = arith.constant 0 : i32
          %dma_wait3A_292 = tpu.memref_slice %arg2[%dma_wait3A_290, %dma_wait3A_291] : memref<8192x64xf32, #tpu.memory_space<hbm>> -> memref<8192x64xf32, #tpu.memory_space<hbm>>
          tpu.wait_indirect_dma semaphore(%run_scoped3A_264 : memref<!tpu.dma_semaphore, #tpu.memory_space<semaphore_mem>>) src(%dma_wait3A_292 : memref<8192x64xf32, #tpu.memory_space<hbm>>) dst(%dma_wait3A_282 : memref<128x64xf32, #tpu.memory_space<vmem>>)
          tpu.yield
        }) : () -> ()
        "tpu.trace_stop"() : () -> ()
        %ne3A_199 = arith.cmpi ne, %add3A_131, %add3A_149 : i32
        %or3A_200 = arith.constant false
        %or3A_201 = arith.ori %or3A_200, %ne3A_199 : i1
        %or3A_202 = arith.ori %or3A_201, %eq3A_130 : i1
        %convert_element_type3A_203 = arith.extui %or3A_202 : i1 to i32
        %cond3A_204 = arith.constant 0 : i32
        %cond3A_205 = arith.cmpi ne, %convert_element_type3A_203, %cond3A_204 : i32
        scf.if %cond3A_205 {
        } else {
        }
        %and3A_206 = arith.constant false
        %and3A_207 = arith.andi %or3A_202, %and3A_206 : i1
        %ne3A_208 = arith.cmpi ne, %add3A_131, %add3A_149 : i32
        %or3A_209 = arith.constant false
        %or3A_210 = arith.ori %or3A_209, %ne3A_208 : i1
        %or3A_211 = arith.constant false
        %or3A_212 = arith.ori %or3A_210, %or3A_211 : i1
        %or3A_213 = arith.ori %or3A_212, %eq3A_130 : i1
        %convert_element_type3A_214 = arith.extui %or3A_213 : i1 to i32
        %cond3A_215 = arith.constant 0 : i32
        %cond3A_216 = arith.cmpi ne, %convert_element_type3A_214, %cond3A_215 : i32
        scf.if %cond3A_216 {
          "tpu.trace_start"() <{level = 10 : i32, message = "ep_copy_out"}> : () -> ()
          %rem3A_264 = arith.constant 2 : i32
          %rem3A_265 = arith.remui %scan3A_124, %rem3A_264 : i32
          %mul3A_266 = arith.constant 128 : i32
          %mul3A_267 = arith.muli %mul3A_266, %add3A_131 : i32
          %dma_start3A_268 = arith.constant 0 : i32
          %dma_start3A_269 = arith.constant 0 : i32
          %dma_start3A_270 = tpu.memref_slice %run_scoped3A_8[%rem3A_265, %dma_start3A_268, %dma_start3A_269] : memref<2x128x64xf32, #tpu.memory_space<vmem>> -> memref<1x128x64xf32, #tpu.memory_space<vmem>>
          %dma_start3A_271 = tpu.memref_squeeze %dma_start3A_270 : memref<1x128x64xf32, #tpu.memory_space<vmem>> -> memref<128x64xf32, #tpu.memory_space<vmem>>
          %dma_start3A_272 = arith.constant 0 : i32
          %dma_start3A_273 = tpu.memref_slice %arg4[%mul3A_267, %dma_start3A_272] : memref<147456x64xf32, #tpu.memory_space<hbm>> -> memref<128x64xf32, #tpu.memory_space<hbm>>
          %dma_start3A_274 = tpu.memref_slice %run_scoped3A_9[%rem3A_265] : memref<2x!tpu.dma_semaphore, #tpu.memory_space<semaphore_mem>> -> memref<1x!tpu.dma_semaphore, #tpu.memory_space<semaphore_mem>>
          %dma_start3A_275 = tpu.memref_squeeze %dma_start3A_274 : memref<1x!tpu.dma_semaphore, #tpu.memory_space<semaphore_mem>> -> memref<!tpu.dma_semaphore, #tpu.memory_space<semaphore_mem>>
          %dma_start3A_276 = arith.constant 0 : i32
          %dma_start3A_277 = tpu.memref_slice %arg4[%mul3A_267, %dma_start3A_276] : memref<147456x64xf32, #tpu.memory_space<hbm>> -> memref<128x64xf32, #tpu.memory_space<hbm>>
          %dma_start3A_278 = arith.constant 0 : i32
          %dma_start3A_279 = arith.constant 0 : i32
          %dma_start3A_280 = tpu.memref_slice %run_scoped3A_8[%rem3A_265, %dma_start3A_278, %dma_start3A_279] : memref<2x128x64xf32, #tpu.memory_space<vmem>> -> memref<1x128x64xf32, #tpu.memory_space<vmem>>
          %dma_start3A_281 = tpu.memref_squeeze %dma_start3A_280 : memref<1x128x64xf32, #tpu.memory_space<vmem>> -> memref<128x64xf32, #tpu.memory_space<vmem>>
          tpu.enqueue_dma source(%dma_start3A_281 : memref<128x64xf32, #tpu.memory_space<vmem>>) target(%dma_start3A_277 : memref<128x64xf32, #tpu.memory_space<hbm>>) target_semaphore(%dma_start3A_275 : memref<!tpu.dma_semaphore, #tpu.memory_space<semaphore_mem>>)
          "tpu.trace_stop"() : () -> ()
        } else {
        }
        %and3A_217 = arith.constant true
        %and3A_218 = arith.andi %or3A_213, %and3A_217 : i1
        %add3A_219 = arith.constant 1 : i32
        %add3A_220 = arith.addi %scan3A_124, %add3A_219 : i32
        %select_n3A_221 = arith.select %and3A_218, %add3A_220, %scan3A_124 : i32
        %ne3A_222 = arith.cmpi ne, %add3A_131, %add3A_140 : i32
        %or3A_223 = arith.constant false
        %or3A_224 = arith.ori %or3A_223, %ne3A_222 : i1
        %not3A_225 = arith.constant true
        %not3A_226 = arith.xori %eq3A_128, %not3A_225 : i1
        %and3A_227 = arith.andi %or3A_224, %not3A_226 : i1
        %convert_element_type3A_228 = arith.extui %and3A_227 : i1 to i32
        %cond3A_229 = arith.constant 0 : i32
        %cond3A_230 = arith.cmpi ne, %convert_element_type3A_228, %cond3A_229 : i32
        scf.if %cond3A_230 {
        } else {
        }
        %and3A_231 = arith.constant false
        %and3A_232 = arith.andi %and3A_227, %and3A_231 : i1
        %ne3A_233 = arith.cmpi ne, %add3A_131, %add3A_140 : i32
        %or3A_234 = arith.constant false
        %or3A_235 = arith.ori %or3A_234, %ne3A_233 : i1
        %or3A_236 = arith.constant false
        %or3A_237 = arith.ori %or3A_235, %or3A_236 : i1
        %not3A_238 = arith.constant true
        %not3A_239 = arith.xori %eq3A_128, %not3A_238 : i1
        %and3A_240 = arith.andi %or3A_237, %not3A_239 : i1
        %convert_element_type3A_241 = arith.extui %and3A_240 : i1 to i32
        %cond3A_242 = arith.constant 0 : i32
        %cond3A_243 = arith.cmpi ne, %convert_element_type3A_241, %cond3A_242 : i32
        scf.if %cond3A_243 {
          "tpu.trace_start"() <{level = 10 : i32, message = "ep_wait_out"}> : () -> ()
          %rem3A_264 = arith.constant 2 : i32
          %rem3A_265 = arith.remui %scan3A_125, %rem3A_264 : i32
          %mul3A_266 = arith.constant 128 : i32
          %mul3A_267 = arith.muli %mul3A_266, %add3A_140 : i32
          %dma_wait3A_268 = arith.constant 0 : i32
          %dma_wait3A_269 = arith.constant 0 : i32
          %dma_wait3A_270 = tpu.memref_slice %run_scoped3A_8[%rem3A_265, %dma_wait3A_268, %dma_wait3A_269] : memref<2x128x64xf32, #tpu.memory_space<vmem>> -> memref<1x128x64xf32, #tpu.memory_space<vmem>>
          %dma_wait3A_271 = tpu.memref_squeeze %dma_wait3A_270 : memref<1x128x64xf32, #tpu.memory_space<vmem>> -> memref<128x64xf32, #tpu.memory_space<vmem>>
          %dma_wait3A_272 = arith.constant 0 : i32
          %dma_wait3A_273 = tpu.memref_slice %arg4[%mul3A_267, %dma_wait3A_272] : memref<147456x64xf32, #tpu.memory_space<hbm>> -> memref<128x64xf32, #tpu.memory_space<hbm>>
          %dma_wait3A_274 = tpu.memref_slice %run_scoped3A_9[%rem3A_265] : memref<2x!tpu.dma_semaphore, #tpu.memory_space<semaphore_mem>> -> memref<1x!tpu.dma_semaphore, #tpu.memory_space<semaphore_mem>>
          %dma_wait3A_275 = tpu.memref_squeeze %dma_wait3A_274 : memref<1x!tpu.dma_semaphore, #tpu.memory_space<semaphore_mem>> -> memref<!tpu.dma_semaphore, #tpu.memory_space<semaphore_mem>>
          %dma_wait3A_276 = arith.constant 0 : i32
          %dma_wait3A_277 = tpu.memref_slice %arg4[%mul3A_267, %dma_wait3A_276] : memref<147456x64xf32, #tpu.memory_space<hbm>> -> memref<128x64xf32, #tpu.memory_space<hbm>>
          %dma_wait3A_278 = arith.constant 0 : i32
          %dma_wait3A_279 = arith.constant 0 : i32
          %dma_wait3A_280 = tpu.memref_slice %run_scoped3A_8[%rem3A_265, %dma_wait3A_278, %dma_wait3A_279] : memref<2x128x64xf32, #tpu.memory_space<vmem>> -> memref<1x128x64xf32, #tpu.memory_space<vmem>>
          %dma_wait3A_281 = tpu.memref_squeeze %dma_wait3A_280 : memref<1x128x64xf32, #tpu.memory_space<vmem>> -> memref<128x64xf32, #tpu.memory_space<vmem>>
          tpu.wait_dma2 semaphore(%dma_wait3A_275 : memref<!tpu.dma_semaphore, #tpu.memory_space<semaphore_mem>>) src(%dma_wait3A_281 : memref<128x64xf32, #tpu.memory_space<vmem>>) dst(%dma_wait3A_277 : memref<128x64xf32, #tpu.memory_space<hbm>>)
          "tpu.trace_stop"() : () -> ()
        } else {
        }
        %and3A_244 = arith.constant true
        %and3A_245 = arith.andi %and3A_240, %and3A_244 : i1
        %add3A_246 = arith.constant 1 : i32
        %add3A_247 = arith.addi %scan3A_125, %add3A_246 : i32
        %select_n3A_248 = arith.select %and3A_245, %add3A_247, %scan3A_125 : i32
        %ne3A_249 = arith.cmpi ne, %add3A_131, %add3A_149 : i32
        %or3A_250 = arith.constant false
        %or3A_251 = arith.ori %or3A_250, %ne3A_249 : i1
        %or3A_252 = arith.ori %or3A_251, %eq3A_130 : i1
        %add3A_253 = arith.constant 1 : i32
        %add3A_254 = arith.addi %scan3A_123, %add3A_253 : i32
        %select_n3A_255 = arith.select %or3A_252, %add3A_254, %scan3A_123 : i32
        %add3A_256 = arith.constant 1 : i32
        %add3A_257 = arith.addi %scan3A_126, %add3A_256 : i32
        %select_n3A_258 = arith.constant true
        %select_n3A_259 = arith.select %select_n3A_258, %add3A_257, %scan3A_126 : i32
        %eq3A_260 = arith.constant 36 : i32
        %eq3A_261 = arith.cmpi eq, %select_n3A_259, %eq3A_260 : i32
        %select_n3A_262 = arith.constant 0 : i32
        %select_n3A_263 = arith.select %eq3A_261, %select_n3A_262, %select_n3A_259 : i32
        scf.yield %select_n3A_167, %select_n3A_255, %select_n3A_221, %select_n3A_248, %select_n3A_263 : i32, i32, i32, i32, i32
      }
      %scan3A_68 = arith.constant 36 : i32
      %sub3A = arith.constant 1 : i32
      %sub3A_69 = arith.subi %scan3A_67#4, %sub3A : i32
      %select_n3A_70 = arith.constant true
      %select_n3A_71 = arith.select %select_n3A_70, %sub3A_69, %scan3A_67#4 : i32
      %eq3A_72 = arith.constant -1 : i32
      %eq3A_73 = arith.cmpi eq, %select_n3A_71, %eq3A_72 : i32
      %select_n3A_74 = arith.constant 35 : i32
      %select_n3A_75 = arith.select %eq3A_73, %select_n3A_74, %select_n3A_71 : i32
      %add3A_76 = arith.addi %select_n3A_75, %mul3A_6 : i32
      %sub3A_77 = arith.constant 1 : i32
      %sub3A_78 = arith.subi %select_n3A_75, %sub3A_77 : i32
      %select_n3A_79 = arith.constant true
      %select_n3A_80 = arith.select %select_n3A_79, %sub3A_78, %select_n3A_75 : i32
      %eq3A_81 = arith.constant -1 : i32
      %eq3A_82 = arith.cmpi eq, %select_n3A_80, %eq3A_81 : i32
      %select_n3A_83 = arith.constant 35 : i32
      %select_n3A_84 = arith.select %eq3A_82, %select_n3A_83, %select_n3A_80 : i32
      %add3A_85 = arith.addi %select_n3A_84, %mul3A_6 : i32
      %add3A_86 = arith.constant 1 : i32
      %add3A_87 = arith.addi %select_n3A_75, %add3A_86 : i32
      %select_n3A_88 = arith.constant true
      %select_n3A_89 = arith.select %select_n3A_88, %add3A_87, %select_n3A_75 : i32
      %eq3A_90 = arith.constant 36 : i32
      %eq3A_91 = arith.cmpi eq, %select_n3A_89, %eq3A_90 : i32
      %select_n3A_92 = arith.constant 0 : i32
      %select_n3A_93 = arith.select %eq3A_91, %select_n3A_92, %select_n3A_89 : i32
      %add3A_94 = arith.addi %select_n3A_93, %mul3A_6 : i32
      %add3A_95 = arith.constant 1 : i32
      %add3A_96 = arith.addi %select_n3A_93, %add3A_95 : i32
      %select_n3A_97 = arith.constant true
      %select_n3A_98 = arith.select %select_n3A_97, %add3A_96, %select_n3A_93 : i32
      %eq3A_99 = arith.constant 36 : i32
      %eq3A_100 = arith.cmpi eq, %select_n3A_98, %eq3A_99 : i32
      %select_n3A_101 = arith.constant 0 : i32
      %select_n3A_102 = arith.select %eq3A_100, %select_n3A_101, %select_n3A_98 : i32
      %add3A_103 = arith.addi %select_n3A_102, %mul3A_6 : i32
      "tpu.trace_start"() <{level = 10 : i32, message = "ep_finalize"}> : () -> ()
      %rem3A_104 = arith.constant 2 : i32
      %rem3A_105 = arith.remui %scan3A_67#3, %rem3A_104 : i32
      %mul3A_106 = arith.constant 128 : i32
      %mul3A_107 = arith.muli %mul3A_106, %add3A_76 : i32
      %dma_wait3A = arith.constant 0 : i32
      %dma_wait3A_108 = arith.constant 0 : i32
      %dma_wait3A_109 = tpu.memref_slice %run_scoped3A_8[%rem3A_105, %dma_wait3A, %dma_wait3A_108] : memref<2x128x64xf32, #tpu.memory_space<vmem>> -> memref<1x128x64xf32, #tpu.memory_space<vmem>>
      %dma_wait3A_110 = tpu.memref_squeeze %dma_wait3A_109 : memref<1x128x64xf32, #tpu.memory_space<vmem>> -> memref<128x64xf32, #tpu.memory_space<vmem>>
      %dma_wait3A_111 = arith.constant 0 : i32
      %dma_wait3A_112 = tpu.memref_slice %arg4[%mul3A_107, %dma_wait3A_111] : memref<147456x64xf32, #tpu.memory_space<hbm>> -> memref<128x64xf32, #tpu.memory_space<hbm>>
      %dma_wait3A_113 = tpu.memref_slice %run_scoped3A_9[%rem3A_105] : memref<2x!tpu.dma_semaphore, #tpu.memory_space<semaphore_mem>> -> memref<1x!tpu.dma_semaphore, #tpu.memory_space<semaphore_mem>>
      %dma_wait3A_114 = tpu.memref_squeeze %dma_wait3A_113 : memref<1x!tpu.dma_semaphore, #tpu.memory_space<semaphore_mem>> -> memref<!tpu.dma_semaphore, #tpu.memory_space<semaphore_mem>>
      %dma_wait3A_115 = arith.constant 0 : i32
      %dma_wait3A_116 = tpu.memref_slice %arg4[%mul3A_107, %dma_wait3A_115] : memref<147456x64xf32, #tpu.memory_space<hbm>> -> memref<128x64xf32, #tpu.memory_space<hbm>>
      %dma_wait3A_117 = arith.constant 0 : i32
      %dma_wait3A_118 = arith.constant 0 : i32
      %dma_wait3A_119 = tpu.memref_slice %run_scoped3A_8[%rem3A_105, %dma_wait3A_117, %dma_wait3A_118] : memref<2x128x64xf32, #tpu.memory_space<vmem>> -> memref<1x128x64xf32, #tpu.memory_space<vmem>>
      %dma_wait3A_120 = tpu.memref_squeeze %dma_wait3A_119 : memref<1x128x64xf32, #tpu.memory_space<vmem>> -> memref<128x64xf32, #tpu.memory_space<vmem>>
      tpu.wait_dma2 semaphore(%dma_wait3A_114 : memref<!tpu.dma_semaphore, #tpu.memory_space<semaphore_mem>>) src(%dma_wait3A_120 : memref<128x64xf32, #tpu.memory_space<vmem>>) dst(%dma_wait3A_116 : memref<128x64xf32, #tpu.memory_space<hbm>>)
      "tpu.trace_stop"() : () -> ()
      tpu.yield
    }) : () -> ()
    return
  }
}

module attributes {stable_mosaic.version = 14 : i64} {
  func.func @_prep_body(%arg0: i32, %arg1: memref<1x1024x64xf32, #tpu.memory_space<vmem>>, %arg2: memref<1x1x1024xf32, #tpu.memory_space<vmem>>, %arg3: memref<1x1024x64xf32, #tpu.memory_space<vmem>>) attributes {dimension_semantics = [#tpu.dimension_semantics<arbitrary>], iteration_bounds = array<i64: 8>, scalar_prefetch = 0 : i64, scratch_operands = 0 : i64, tpu.core_type = #tpu.core_type<tc>, window_params = [{transform_indices = @transform_0, window_bounds = array<i64: 1, 1024, 64>}, {transform_indices = @transform_1, window_bounds = array<i64: 1, 1, 1024>}, {transform_indices = @transform_2, window_bounds = array<i64: 1, 1024, 64>}]} {
    %get3A = arith.constant 0 : index
    %get3A_0 = arith.constant 0 : index
    %get3A_1 = arith.constant 0 : index
    %get3A_2 = vector.load %arg1[%get3A, %get3A_0, %get3A_1] : memref<1x1024x64xf32, #tpu.memory_space<vmem>>, vector<1x1024x64xf32>
    %get3A_3 = vector.shape_cast %get3A_2 : vector<1x1024x64xf32> to vector<1024x64xf32>
    %mul3A = arith.mulf %get3A_3, %get3A_3 : vector<1024x64xf32>
    %reduce_sum3A = arith.constant dense<0.000000e+00> : vector<1024xf32>
    %reduce_sum3A_4 = vector.multi_reduction <add>, %mul3A, %reduce_sum3A [1] : vector<1024x64xf32> to vector<1024xf32>
    %broadcast_in_dim3A = vector.shape_cast %reduce_sum3A_4 : vector<1024xf32> to vector<1x1024xf32>
    %swap3A = arith.constant 0 : index
    %swap3A_5 = arith.constant 0 : index
    %swap3A_6 = arith.constant 0 : index
    %swap3A_7 = vector.load %arg2[%swap3A, %swap3A_5, %swap3A_6] : memref<1x1x1024xf32, #tpu.memory_space<vmem>>, vector<1x1x1024xf32>
    %swap3A_8 = vector.shape_cast %swap3A_7 : vector<1x1x1024xf32> to vector<1x1024xf32>
    %swap3A_9 = vector.shape_cast %broadcast_in_dim3A : vector<1x1024xf32> to vector<1x1x1024xf32>
    tpu.vector_store %arg2[%swap3A, %swap3A_5, %swap3A_6], %swap3A_9 {strides = array<i32>} : memref<1x1x1024xf32, #tpu.memory_space<vmem>>, vector<1x1x1024xf32>,
    %add3A = arith.addf %get3A_3, %get3A_3 : vector<1024x64xf32>
    %swap3A_10 = arith.constant 0 : index
    %swap3A_11 = arith.constant 0 : index
    %swap3A_12 = arith.constant 0 : index
    %swap3A_13 = vector.load %arg3[%swap3A_10, %swap3A_11, %swap3A_12] : memref<1x1024x64xf32, #tpu.memory_space<vmem>>, vector<1x1024x64xf32>
    %swap3A_14 = vector.shape_cast %swap3A_13 : vector<1x1024x64xf32> to vector<1024x64xf32>
    %swap3A_15 = vector.shape_cast %add3A : vector<1024x64xf32> to vector<1x1024x64xf32>
    tpu.vector_store %arg3[%swap3A_10, %swap3A_11, %swap3A_12], %swap3A_15 {strides = array<i32>} : memref<1x1024x64xf32, #tpu.memory_space<vmem>>, vector<1x1024x64xf32>,
    return
  }
  func.func @transform_0(%arg0: i32) -> (i32, i32, i32) {
    %c0_i32 = arith.constant 0 : i32
    %c0_i32_0 = arith.constant 0 : i32
    %c0_i32_1 = arith.constant 0 : i32
    return %arg0, %c0_i32, %c0_i32_0 : i32, i32, i32
  }
  func.func @transform_1(%arg0: i32) -> (i32, i32, i32) {
    %c0_i32 = arith.constant 0 : i32
    %c0_i32_0 = arith.constant 0 : i32
    %c0_i32_1 = arith.constant 0 : i32
    return %arg0, %c0_i32, %c0_i32_0 : i32, i32, i32
  }
  func.func @transform_2(%arg0: i32) -> (i32, i32, i32) {
    %c0_i32 = arith.constant 0 : i32
    %c0_i32_0 = arith.constant 0 : i32
    %c0_i32_1 = arith.constant 0 : i32
    return %arg0, %c0_i32, %c0_i32_0 : i32, i32, i32
  }
}

module attributes {stable_mosaic.version = 14 : i64} {
  func.func @_vq_body(%arg0: i32, %arg1: memref<256x768xf32, #tpu.memory_space<vmem>>, %arg2: memref<768x512xf32, #tpu.memory_space<vmem>>, %arg3: memref<8x1024x64xf32, #tpu.memory_space<vmem>>, %arg4: memref<8x1x1024xf32, #tpu.memory_space<vmem>>, %arg5: memref<256x8xi32, #tpu.memory_space<vmem>>) attributes {dimension_semantics = [#tpu.dimension_semantics<arbitrary>], iteration_bounds = array<i64: 72>, scalar_prefetch = 0 : i64, scratch_operands = 0 : i64, tpu.core_type = #tpu.core_type<tc>, window_params = [{transform_indices = @transform_0, window_bounds = array<i64: 256, 768>}, {pipeline_mode = #tpu.pipeline_mode<synchronous>, transform_indices = @transform_1, window_bounds = array<i64: 768, 512>}, {pipeline_mode = #tpu.pipeline_mode<synchronous>, transform_indices = @transform_2, window_bounds = array<i64: 8, 1024, 64>}, {pipeline_mode = #tpu.pipeline_mode<synchronous>, transform_indices = @transform_3, window_bounds = array<i64: 8, 1, 1024>}, {transform_indices = @transform_4, window_bounds = array<i64: 256, 8>}]} {
    %get3A = arith.constant 0 : index
    %get3A_0 = arith.constant 0 : index
    %get3A_1 = vector.load %arg1[%get3A, %get3A_0] : memref<256x768xf32, #tpu.memory_space<vmem>>, vector<256x768xf32>
    %get3A_2 = arith.constant 0 : index
    %get3A_3 = arith.constant 0 : index
    %get3A_4 = vector.load %arg2[%get3A_2, %get3A_3] : memref<768x512xf32, #tpu.memory_space<vmem>>, vector<768x512xf32>
    %dot_general3A = arith.constant dense<0.000000e+00> : vector<256x512xf32>
    %dot_general3A_5 = tpu.matmul %get3A_1, %get3A_4, %dot_general3A {dimension_numbers = #tpu.dot_dimension_numbers<[1], [0], [0], [1], [0, 0, 1, 1], [], []>, transpose_lhs_hint = false} : vector<256x768xf32>, vector<768x512xf32>, vector<256x512xf32> -> vector<256x512xf32>
    %iota3A = tpu.iota {dimensions = array<i32: 1>} : vector<64x128xi32>
    %convert_element_type3A = arith.sitofp %iota3A : vector<64x128xi32> to vector<64x128xf32>
    %slice3A = vector.extract_strided_slice %dot_general3A_5 {offsets = [0, 0], sizes = [256, 64], strides = [1, 1]} : vector<256x512xf32> to vector<256x64xf32>
    %mul3A = arith.mulf %slice3A, %slice3A : vector<256x64xf32>
    %reduce_sum3A = arith.constant dense<0.000000e+00> : vector<256xf32>
    %reduce_sum3A_6 = vector.multi_reduction <add>, %mul3A, %reduce_sum3A [1] : vector<256x64xf32> to vector<256xf32>
    %broadcast_in_dim3A = vector.shape_cast %reduce_sum3A_6 : vector<256xf32> to vector<256x1xf32>
    %get3A_7 = arith.constant 0 : index
    %get3A_8 = arith.constant 0 : index
    %get3A_9 = arith.constant 0 : index
    %get3A_10 = vector.load %arg3[%get3A_7, %get3A_8, %get3A_9] : memref<8x1024x64xf32, #tpu.memory_space<vmem>>, vector<1x1024x64xf32>
    %get3A_11 = vector.shape_cast %get3A_10 : vector<1x1024x64xf32> to vector<1024x64xf32>
    %dot_general3A_12 = arith.constant dense<0.000000e+00> : vector<256x1024xf32>
    %dot_general3A_13 = tpu.matmul %slice3A, %get3A_11, %dot_general3A_12 {dimension_numbers = #tpu.dot_dimension_numbers<[1], [1], [0], [0], [0, 0, 1, 0], [], []>, transpose_lhs_hint = false} : vector<256x64xf32>, vector<1024x64xf32>, vector<256x1024xf32> -> vector<256x1024xf32>
    %get3A_14 = arith.constant 0 : index
    %get3A_15 = arith.constant 0 : index
    %get3A_16 = arith.constant 0 : index
    %get3A_17 = vector.load %arg4[%get3A_14, %get3A_15, %get3A_16] : memref<8x1x1024xf32, #tpu.memory_space<vmem>>, vector<1x1x1024xf32>
    %get3A_18 = vector.shape_cast %get3A_17 : vector<1x1x1024xf32> to vector<1x1024xf32>
    %slice3A_19 = vector.extract_strided_slice %broadcast_in_dim3A {offsets = [0, 0], sizes = [64, 1], strides = [1, 1]} : vector<256x1xf32> to vector<64x1xf32>
    %slice3A_20 = vector.extract_strided_slice %dot_general3A_13 {offsets = [0, 0], sizes = [64, 128], strides = [1, 1]} : vector<256x1024xf32> to vector<64x128xf32>
    %sub3A = vector.broadcast %slice3A_19 : vector<64x1xf32> to vector<64x128xf32>
    %sub3A_21 = arith.subf %sub3A, %slice3A_20 : vector<64x128xf32>
    %slice3A_22 = vector.extract_strided_slice %get3A_18 {offsets = [0, 0], sizes = [1, 128], strides = [1, 1]} : vector<1x1024xf32> to vector<1x128xf32>
    %add3A = vector.broadcast %slice3A_22 : vector<1x128xf32> to vector<64x128xf32>
    %add3A_23 = arith.addf %sub3A_21, %add3A : vector<64x128xf32>
    %broadcast_in_dim3A_24 = arith.constant 0.000000e+00 : f32
    %broadcast_in_dim3A_25 = vector.broadcast %broadcast_in_dim3A_24 : f32 to vector<64x128xf32>
    %slice3A_26 = vector.extract_strided_slice %dot_general3A_13 {offsets = [0, 128], sizes = [64, 128], strides = [1, 1]} : vector<256x1024xf32> to vector<64x128xf32>
    %sub3A_27 = vector.broadcast %slice3A_19 : vector<64x1xf32> to vector<64x128xf32>
    %sub3A_28 = arith.subf %sub3A_27, %slice3A_26 : vector<64x128xf32>
    %slice3A_29 = vector.extract_strided_slice %get3A_18 {offsets = [0, 128], sizes = [1, 128], strides = [1, 1]} : vector<1x1024xf32> to vector<1x128xf32>
    %add3A_30 = vector.broadcast %slice3A_29 : vector<1x128xf32> to vector<64x128xf32>
    %add3A_31 = arith.addf %sub3A_28, %add3A_30 : vector<64x128xf32>
    %lt3A = arith.cmpf olt, %add3A_31, %add3A_23 : vector<64x128xf32>
    %select_n3A = arith.select %lt3A, %add3A_31, %add3A_23 : vector<64x128xi1>, vector<64x128xf32>
    %jit3A = arith.constant 1.000000e+00 : f32
    %broadcast_in_dim3A_32 = vector.broadcast %jit3A : f32 to vector<64x128xf32>
    %select_n3A_33 = arith.select %lt3A, %broadcast_in_dim3A_32, %broadcast_in_dim3A_25 : vector<64x128xi1>, vector<64x128xf32>
    %slice3A_34 = vector.extract_strided_slice %dot_general3A_13 {offsets = [0, 256], sizes = [64, 128], strides = [1, 1]} : vector<256x1024xf32> to vector<64x128xf32>
    %sub3A_35 = vector.broadcast %slice3A_19 : vector<64x1xf32> to vector<64x128xf32>
    %sub3A_36 = arith.subf %sub3A_35, %slice3A_34 : vector<64x128xf32>
    %slice3A_37 = vector.extract_strided_slice %get3A_18 {offsets = [0, 256], sizes = [1, 128], strides = [1, 1]} : vector<1x1024xf32> to vector<1x128xf32>
    %add3A_38 = vector.broadcast %slice3A_37 : vector<1x128xf32> to vector<64x128xf32>
    %add3A_39 = arith.addf %sub3A_36, %add3A_38 : vector<64x128xf32>
    %lt3A_40 = arith.cmpf olt, %add3A_39, %select_n3A : vector<64x128xf32>
    %select_n3A_41 = arith.select %lt3A_40, %add3A_39, %select_n3A : vector<64x128xi1>, vector<64x128xf32>
    %jit3A_42 = arith.constant 2.000000e+00 : f32
    %broadcast_in_dim3A_43 = vector.broadcast %jit3A_42 : f32 to vector<64x128xf32>
    %select_n3A_44 = arith.select %lt3A_40, %broadcast_in_dim3A_43, %select_n3A_33 : vector<64x128xi1>, vector<64x128xf32>
    %slice3A_45 = vector.extract_strided_slice %dot_general3A_13 {offsets = [0, 384], sizes = [64, 128], strides = [1, 1]} : vector<256x1024xf32> to vector<64x128xf32>
    %sub3A_46 = vector.broadcast %slice3A_19 : vector<64x1xf32> to vector<64x128xf32>
    %sub3A_47 = arith.subf %sub3A_46, %slice3A_45 : vector<64x128xf32>
    %slice3A_48 = vector.extract_strided_slice %get3A_18 {offsets = [0, 384], sizes = [1, 128], strides = [1, 1]} : vector<1x1024xf32> to vector<1x128xf32>
    %add3A_49 = vector.broadcast %slice3A_48 : vector<1x128xf32> to vector<64x128xf32>
    %add3A_50 = arith.addf %sub3A_47, %add3A_49 : vector<64x128xf32>
    %lt3A_51 = arith.cmpf olt, %add3A_50, %select_n3A_41 : vector<64x128xf32>
    %select_n3A_52 = arith.select %lt3A_51, %add3A_50, %select_n3A_41 : vector<64x128xi1>, vector<64x128xf32>
    %jit3A_53 = arith.constant 3.000000e+00 : f32
    %broadcast_in_dim3A_54 = vector.broadcast %jit3A_53 : f32 to vector<64x128xf32>
    %select_n3A_55 = arith.select %lt3A_51, %broadcast_in_dim3A_54, %select_n3A_44 : vector<64x128xi1>, vector<64x128xf32>
    %slice3A_56 = vector.extract_strided_slice %dot_general3A_13 {offsets = [0, 512], sizes = [64, 128], strides = [1, 1]} : vector<256x1024xf32> to vector<64x128xf32>
    %sub3A_57 = vector.broadcast %slice3A_19 : vector<64x1xf32> to vector<64x128xf32>
    %sub3A_58 = arith.subf %sub3A_57, %slice3A_56 : vector<64x128xf32>
    %slice3A_59 = vector.extract_strided_slice %get3A_18 {offsets = [0, 512], sizes = [1, 128], strides = [1, 1]} : vector<1x1024xf32> to vector<1x128xf32>
    %add3A_60 = vector.broadcast %slice3A_59 : vector<1x128xf32> to vector<64x128xf32>
    %add3A_61 = arith.addf %sub3A_58, %add3A_60 : vector<64x128xf32>
    %lt3A_62 = arith.cmpf olt, %add3A_61, %select_n3A_52 : vector<64x128xf32>
    %select_n3A_63 = arith.select %lt3A_62, %add3A_61, %select_n3A_52 : vector<64x128xi1>, vector<64x128xf32>
    %jit3A_64 = arith.constant 4.000000e+00 : f32
    %broadcast_in_dim3A_65 = vector.broadcast %jit3A_64 : f32 to vector<64x128xf32>
    %select_n3A_66 = arith.select %lt3A_62, %broadcast_in_dim3A_65, %select_n3A_55 : vector<64x128xi1>, vector<64x128xf32>
    %slice3A_67 = vector.extract_strided_slice %dot_general3A_13 {offsets = [0, 640], sizes = [64, 128], strides = [1, 1]} : vector<256x1024xf32> to vector<64x128xf32>
    %sub3A_68 = vector.broadcast %slice3A_19 : vector<64x1xf32> to vector<64x128xf32>
    %sub3A_69 = arith.subf %sub3A_68, %slice3A_67 : vector<64x128xf32>
    %slice3A_70 = vector.extract_strided_slice %get3A_18 {offsets = [0, 640], sizes = [1, 128], strides = [1, 1]} : vector<1x1024xf32> to vector<1x128xf32>
    %add3A_71 = vector.broadcast %slice3A_70 : vector<1x128xf32> to vector<64x128xf32>
    %add3A_72 = arith.addf %sub3A_69, %add3A_71 : vector<64x128xf32>
    %lt3A_73 = arith.cmpf olt, %add3A_72, %select_n3A_63 : vector<64x128xf32>
    %select_n3A_74 = arith.select %lt3A_73, %add3A_72, %select_n3A_63 : vector<64x128xi1>, vector<64x128xf32>
    %jit3A_75 = arith.constant 5.000000e+00 : f32
    %broadcast_in_dim3A_76 = vector.broadcast %jit3A_75 : f32 to vector<64x128xf32>
    %select_n3A_77 = arith.select %lt3A_73, %broadcast_in_dim3A_76, %select_n3A_66 : vector<64x128xi1>, vector<64x128xf32>
    %slice3A_78 = vector.extract_strided_slice %dot_general3A_13 {offsets = [0, 768], sizes = [64, 128], strides = [1, 1]} : vector<256x1024xf32> to vector<64x128xf32>
    %sub3A_79 = vector.broadcast %slice3A_19 : vector<64x1xf32> to vector<64x128xf32>
    %sub3A_80 = arith.subf %sub3A_79, %slice3A_78 : vector<64x128xf32>
    %slice3A_81 = vector.extract_strided_slice %get3A_18 {offsets = [0, 768], sizes = [1, 128], strides = [1, 1]} : vector<1x1024xf32> to vector<1x128xf32>
    %add3A_82 = vector.broadcast %slice3A_81 : vector<1x128xf32> to vector<64x128xf32>
    %add3A_83 = arith.addf %sub3A_80, %add3A_82 : vector<64x128xf32>
    %lt3A_84 = arith.cmpf olt, %add3A_83, %select_n3A_74 : vector<64x128xf32>
    %select_n3A_85 = arith.select %lt3A_84, %add3A_83, %select_n3A_74 : vector<64x128xi1>, vector<64x128xf32>
    %jit3A_86 = arith.constant 6.000000e+00 : f32
    %broadcast_in_dim3A_87 = vector.broadcast %jit3A_86 : f32 to vector<64x128xf32>
    %select_n3A_88 = arith.select %lt3A_84, %broadcast_in_dim3A_87, %select_n3A_77 : vector<64x128xi1>, vector<64x128xf32>
    %slice3A_89 = vector.extract_strided_slice %dot_general3A_13 {offsets = [0, 896], sizes = [64, 128], strides = [1, 1]} : vector<256x1024xf32> to vector<64x128xf32>
    %sub3A_90 = vector.broadcast %slice3A_19 : vector<64x1xf32> to vector<64x128xf32>
    %sub3A_91 = arith.subf %sub3A_90, %slice3A_89 : vector<64x128xf32>
    %slice3A_92 = vector.extract_strided_slice %get3A_18 {offsets = [0, 896], sizes = [1, 128], strides = [1, 1]} : vector<1x1024xf32> to vector<1x128xf32>
    %add3A_93 = vector.broadcast %slice3A_92 : vector<1x128xf32> to vector<64x128xf32>
    %add3A_94 = arith.addf %sub3A_91, %add3A_93 : vector<64x128xf32>
    %lt3A_95 = arith.cmpf olt, %add3A_94, %select_n3A_85 : vector<64x128xf32>
    %select_n3A_96 = arith.select %lt3A_95, %add3A_94, %select_n3A_85 : vector<64x128xi1>, vector<64x128xf32>
    %jit3A_97 = arith.constant 7.000000e+00 : f32
    %broadcast_in_dim3A_98 = vector.broadcast %jit3A_97 : f32 to vector<64x128xf32>
    %select_n3A_99 = arith.select %lt3A_95, %broadcast_in_dim3A_98, %select_n3A_88 : vector<64x128xi1>, vector<64x128xf32>
    %reduce_min3A = arith.constant dense<0x7F800000> : vector<64xf32>
    %reduce_min3A_100 = vector.multi_reduction <minimumf>, %select_n3A_96, %reduce_min3A [1] : vector<64x128xf32> to vector<64xf32>
    %broadcast_in_dim3A_101 = vector.shape_cast %reduce_min3A_100 : vector<64xf32> to vector<64x1xf32>
    %eq3A = vector.broadcast %broadcast_in_dim3A_101 : vector<64x1xf32> to vector<64x128xf32>
    %eq3A_102 = arith.cmpf oeq, %select_n3A_96, %eq3A : vector<64x128xf32>
    %mul3A_103 = arith.constant 1.280000e+02 : f32
    %mul3A_104 = vector.broadcast %mul3A_103 : f32 to vector<64x128xf32>
    %mul3A_105 = arith.mulf %select_n3A_99, %mul3A_104 : vector<64x128xf32>
    %add3A_106 = arith.addf %mul3A_105, %convert_element_type3A : vector<64x128xf32>
    %jit3A_107 = arith.constant 1.024000e+03 : f32
    %broadcast_in_dim3A_108 = vector.broadcast %jit3A_107 : f32 to vector<64x128xf32>
    %select_n3A_109 = arith.select %eq3A_102, %add3A_106, %broadcast_in_dim3A_108 : vector<64x128xi1>, vector<64x128xf32>
    %reduce_min3A_110 = arith.constant dense<0x7F800000> : vector<64xf32>
    %reduce_min3A_111 = vector.multi_reduction <minimumf>, %select_n3A_109, %reduce_min3A_110 [1] : vector<64x128xf32> to vector<64xf32>
    %broadcast_in_dim3A_112 = vector.shape_cast %reduce_min3A_111 : vector<64xf32> to vector<64x1xf32>
    %convert_element_type3A_113 = arith.fptosi %broadcast_in_dim3A_112 : vector<64x1xf32> to vector<64x1xi32>
    %add3A_114 = arith.constant 0 : i32
    %add3A_115 = vector.broadcast %add3A_114 : i32 to vector<64x1xi32>
    %add3A_116 = arith.addi %convert_element_type3A_113, %add3A_115 : vector<64x1xi32>
    %swap3A = arith.constant 0 : index
    %swap3A_117 = arith.constant 0 : index
    %swap3A_118 = vector.load %arg5[%swap3A, %swap3A_117] : memref<256x8xi32, #tpu.memory_space<vmem>>, vector<64x1xi32>
    tpu.vector_store %arg5[%swap3A, %swap3A_117], %add3A_116 {strides = array<i32>} : memref<256x8xi32, #tpu.memory_space<vmem>>, vector<64x1xi32>,
    %slice3A_119 = vector.extract_strided_slice %broadcast_in_dim3A {offsets = [64, 0], sizes = [64, 1], strides = [1, 1]} : vector<256x1xf32> to vector<64x1xf32>
    %slice3A_120 = vector.extract_strided_slice %dot_general3A_13 {offsets = [64, 0], sizes = [64, 128], strides = [1, 1]} : vector<256x1024xf32> to vector<64x128xf32>
    %sub3A_121 = vector.broadcast %slice3A_119 : vector<64x1xf32> to vector<64x128xf32>
    %sub3A_122 = arith.subf %sub3A_121, %slice3A_120 : vector<64x128xf32>
    %slice3A_123 = vector.extract_strided_slice %get3A_18 {offsets = [0, 0], sizes = [1, 128], strides = [1, 1]} : vector<1x1024xf32> to vector<1x128xf32>
    %add3A_124 = vector.broadcast %slice3A_123 : vector<1x128xf32> to vector<64x128xf32>
    %add3A_125 = arith.addf %sub3A_122, %add3A_124 : vector<64x128xf32>
    %broadcast_in_dim3A_126 = arith.constant 0.000000e+00 : f32
    %broadcast_in_dim3A_127 = vector.broadcast %broadcast_in_dim3A_126 : f32 to vector<64x128xf32>
    %slice3A_128 = vector.extract_strided_slice %dot_general3A_13 {offsets = [64, 128], sizes = [64, 128], strides = [1, 1]} : vector<256x1024xf32> to vector<64x128xf32>
    %sub3A_129 = vector.broadcast %slice3A_119 : vector<64x1xf32> to vector<64x128xf32>
    %sub3A_130 = arith.subf %sub3A_129, %slice3A_128 : vector<64x128xf32>
    %slice3A_131 = vector.extract_strided_slice %get3A_18 {offsets = [0, 128], sizes = [1, 128], strides = [1, 1]} : vector<1x1024xf32> to vector<1x128xf32>
    %add3A_132 = vector.broadcast %slice3A_131 : vector<1x128xf32> to vector<64x128xf32>
    %add3A_133 = arith.addf %sub3A_130, %add3A_132 : vector<64x128xf32>
    %lt3A_134 = arith.cmpf olt, %add3A_133, %add3A_125 : vector<64x128xf32>
    %select_n3A_135 = arith.select %lt3A_134, %add3A_133, %add3A_125 : vector<64x128xi1>, vector<64x128xf32>
    %jit3A_136 = arith.constant 1.000000e+00 : f32
    %broadcast_in_dim3A_137 = vector.broadcast %jit3A_136 : f32 to vector<64x128xf32>
    %select_n3A_138 = arith.select %lt3A_134, %broadcast_in_dim3A_137, %broadcast_in_dim3A_127 : vector<64x128xi1>, vector<64x128xf32>
    %slice3A_139 = vector.extract_strided_slice %dot_general3A_13 {offsets = [64, 256], sizes = [64, 128], strides = [1, 1]} : vector<256x1024xf32> to vector<64x128xf32>
    %sub3A_140 = vector.broadcast %slice3A_119 : vector<64x1xf32> to vector<64x128xf32>
    %sub3A_141 = arith.subf %sub3A_140, %slice3A_139 : vector<64x128xf32>
    %slice3A_142 = vector.extract_strided_slice %get3A_18 {offsets = [0, 256], sizes = [1, 128], strides = [1, 1]} : vector<1x1024xf32> to vector<1x128xf32>
    %add3A_143 = vector.broadcast %slice3A_142 : vector<1x128xf32> to vector<64x128xf32>
    %add3A_144 = arith.addf %sub3A_141, %add3A_143 : vector<64x128xf32>
    %lt3A_145 = arith.cmpf olt, %add3A_144, %select_n3A_135 : vector<64x128xf32>
    %select_n3A_146 = arith.select %lt3A_145, %add3A_144, %select_n3A_135 : vector<64x128xi1>, vector<64x128xf32>
    %jit3A_147 = arith.constant 2.000000e+00 : f32
    %broadcast_in_dim3A_148 = vector.broadcast %jit3A_147 : f32 to vector<64x128xf32>
    %select_n3A_149 = arith.select %lt3A_145, %broadcast_in_dim3A_148, %select_n3A_138 : vector<64x128xi1>, vector<64x128xf32>
    %slice3A_150 = vector.extract_strided_slice %dot_general3A_13 {offsets = [64, 384], sizes = [64, 128], strides = [1, 1]} : vector<256x1024xf32> to vector<64x128xf32>
    %sub3A_151 = vector.broadcast %slice3A_119 : vector<64x1xf32> to vector<64x128xf32>
    %sub3A_152 = arith.subf %sub3A_151, %slice3A_150 : vector<64x128xf32>
    %slice3A_153 = vector.extract_strided_slice %get3A_18 {offsets = [0, 384], sizes = [1, 128], strides = [1, 1]} : vector<1x1024xf32> to vector<1x128xf32>
    %add3A_154 = vector.broadcast %slice3A_153 : vector<1x128xf32> to vector<64x128xf32>
    %add3A_155 = arith.addf %sub3A_152, %add3A_154 : vector<64x128xf32>
    %lt3A_156 = arith.cmpf olt, %add3A_155, %select_n3A_146 : vector<64x128xf32>
    %select_n3A_157 = arith.select %lt3A_156, %add3A_155, %select_n3A_146 : vector<64x128xi1>, vector<64x128xf32>
    %jit3A_158 = arith.constant 3.000000e+00 : f32
    %broadcast_in_dim3A_159 = vector.broadcast %jit3A_158 : f32 to vector<64x128xf32>
    %select_n3A_160 = arith.select %lt3A_156, %broadcast_in_dim3A_159, %select_n3A_149 : vector<64x128xi1>, vector<64x128xf32>
    %slice3A_161 = vector.extract_strided_slice %dot_general3A_13 {offsets = [64, 512], sizes = [64, 128], strides = [1, 1]} : vector<256x1024xf32> to vector<64x128xf32>
    %sub3A_162 = vector.broadcast %slice3A_119 : vector<64x1xf32> to vector<64x128xf32>
    %sub3A_163 = arith.subf %sub3A_162, %slice3A_161 : vector<64x128xf32>
    %slice3A_164 = vector.extract_strided_slice %get3A_18 {offsets = [0, 512], sizes = [1, 128], strides = [1, 1]} : vector<1x1024xf32> to vector<1x128xf32>
    %add3A_165 = vector.broadcast %slice3A_164 : vector<1x128xf32> to vector<64x128xf32>
    %add3A_166 = arith.addf %sub3A_163, %add3A_165 : vector<64x128xf32>
    %lt3A_167 = arith.cmpf olt, %add3A_166, %select_n3A_157 : vector<64x128xf32>
    %select_n3A_168 = arith.select %lt3A_167, %add3A_166, %select_n3A_157 : vector<64x128xi1>, vector<64x128xf32>
    %jit3A_169 = arith.constant 4.000000e+00 : f32
    %broadcast_in_dim3A_170 = vector.broadcast %jit3A_169 : f32 to vector<64x128xf32>
    %select_n3A_171 = arith.select %lt3A_167, %broadcast_in_dim3A_170, %select_n3A_160 : vector<64x128xi1>, vector<64x128xf32>
    %slice3A_172 = vector.extract_strided_slice %dot_general3A_13 {offsets = [64, 640], sizes = [64, 128], strides = [1, 1]} : vector<256x1024xf32> to vector<64x128xf32>
    %sub3A_173 = vector.broadcast %slice3A_119 : vector<64x1xf32> to vector<64x128xf32>
    %sub3A_174 = arith.subf %sub3A_173, %slice3A_172 : vector<64x128xf32>
    %slice3A_175 = vector.extract_strided_slice %get3A_18 {offsets = [0, 640], sizes = [1, 128], strides = [1, 1]} : vector<1x1024xf32> to vector<1x128xf32>
    %add3A_176 = vector.broadcast %slice3A_175 : vector<1x128xf32> to vector<64x128xf32>
    %add3A_177 = arith.addf %sub3A_174, %add3A_176 : vector<64x128xf32>
    %lt3A_178 = arith.cmpf olt, %add3A_177, %select_n3A_168 : vector<64x128xf32>
    %select_n3A_179 = arith.select %lt3A_178, %add3A_177, %select_n3A_168 : vector<64x128xi1>, vector<64x128xf32>
    %jit3A_180 = arith.constant 5.000000e+00 : f32
    %broadcast_in_dim3A_181 = vector.broadcast %jit3A_180 : f32 to vector<64x128xf32>
    %select_n3A_182 = arith.select %lt3A_178, %broadcast_in_dim3A_181, %select_n3A_171 : vector<64x128xi1>, vector<64x128xf32>
    %slice3A_183 = vector.extract_strided_slice %dot_general3A_13 {offsets = [64, 768], sizes = [64, 128], strides = [1, 1]} : vector<256x1024xf32> to vector<64x128xf32>
    %sub3A_184 = vector.broadcast %slice3A_119 : vector<64x1xf32> to vector<64x128xf32>
    %sub3A_185 = arith.subf %sub3A_184, %slice3A_183 : vector<64x128xf32>
    %slice3A_186 = vector.extract_strided_slice %get3A_18 {offsets = [0, 768], sizes = [1, 128], strides = [1, 1]} : vector<1x1024xf32> to vector<1x128xf32>
    %add3A_187 = vector.broadcast %slice3A_186 : vector<1x128xf32> to vector<64x128xf32>
    %add3A_188 = arith.addf %sub3A_185, %add3A_187 : vector<64x128xf32>
    %lt3A_189 = arith.cmpf olt, %add3A_188, %select_n3A_179 : vector<64x128xf32>
    %select_n3A_190 = arith.select %lt3A_189, %add3A_188, %select_n3A_179 : vector<64x128xi1>, vector<64x128xf32>
    %jit3A_191 = arith.constant 6.000000e+00 : f32
    %broadcast_in_dim3A_192 = vector.broadcast %jit3A_191 : f32 to vector<64x128xf32>
    %select_n3A_193 = arith.select %lt3A_189, %broadcast_in_dim3A_192, %select_n3A_182 : vector<64x128xi1>, vector<64x128xf32>
    %slice3A_194 = vector.extract_strided_slice %dot_general3A_13 {offsets = [64, 896], sizes = [64, 128], strides = [1, 1]} : vector<256x1024xf32> to vector<64x128xf32>
    %sub3A_195 = vector.broadcast %slice3A_119 : vector<64x1xf32> to vector<64x128xf32>
    %sub3A_196 = arith.subf %sub3A_195, %slice3A_194 : vector<64x128xf32>
    %slice3A_197 = vector.extract_strided_slice %get3A_18 {offsets = [0, 896], sizes = [1, 128], strides = [1, 1]} : vector<1x1024xf32> to vector<1x128xf32>
    %add3A_198 = vector.broadcast %slice3A_197 : vector<1x128xf32> to vector<64x128xf32>
    %add3A_199 = arith.addf %sub3A_196, %add3A_198 : vector<64x128xf32>
    %lt3A_200 = arith.cmpf olt, %add3A_199, %select_n3A_190 : vector<64x128xf32>
    %select_n3A_201 = arith.select %lt3A_200, %add3A_199, %select_n3A_190 : vector<64x128xi1>, vector<64x128xf32>
    %jit3A_202 = arith.constant 7.000000e+00 : f32
    %broadcast_in_dim3A_203 = vector.broadcast %jit3A_202 : f32 to vector<64x128xf32>
    %select_n3A_204 = arith.select %lt3A_200, %broadcast_in_dim3A_203, %select_n3A_193 : vector<64x128xi1>, vector<64x128xf32>
    %reduce_min3A_205 = arith.constant dense<0x7F800000> : vector<64xf32>
    %reduce_min3A_206 = vector.multi_reduction <minimumf>, %select_n3A_201, %reduce_min3A_205 [1] : vector<64x128xf32> to vector<64xf32>
    %broadcast_in_dim3A_207 = vector.shape_cast %reduce_min3A_206 : vector<64xf32> to vector<64x1xf32>
    %eq3A_208 = vector.broadcast %broadcast_in_dim3A_207 : vector<64x1xf32> to vector<64x128xf32>
    %eq3A_209 = arith.cmpf oeq, %select_n3A_201, %eq3A_208 : vector<64x128xf32>
    %mul3A_210 = arith.constant 1.280000e+02 : f32
    %mul3A_211 = vector.broadcast %mul3A_210 : f32 to vector<64x128xf32>
    %mul3A_212 = arith.mulf %select_n3A_204, %mul3A_211 : vector<64x128xf32>
    %add3A_213 = arith.addf %mul3A_212, %convert_element_type3A : vector<64x128xf32>
    %jit3A_214 = arith.constant 1.024000e+03 : f32
    %broadcast_in_dim3A_215 = vector.broadcast %jit3A_214 : f32 to vector<64x128xf32>
    %select_n3A_216 = arith.select %eq3A_209, %add3A_213, %broadcast_in_dim3A_215 : vector<64x128xi1>, vector<64x128xf32>
    %reduce_min3A_217 = arith.constant dense<0x7F800000> : vector<64xf32>
    %reduce_min3A_218 = vector.multi_reduction <minimumf>, %select_n3A_216, %reduce_min3A_217 [1] : vector<64x128xf32> to vector<64xf32>
    %broadcast_in_dim3A_219 = vector.shape_cast %reduce_min3A_218 : vector<64xf32> to vector<64x1xf32>
    %convert_element_type3A_220 = arith.fptosi %broadcast_in_dim3A_219 : vector<64x1xf32> to vector<64x1xi32>
    %add3A_221 = arith.constant 0 : i32
    %add3A_222 = vector.broadcast %add3A_221 : i32 to vector<64x1xi32>
    %add3A_223 = arith.addi %convert_element_type3A_220, %add3A_222 : vector<64x1xi32>
    %swap3A_224 = arith.constant 64 : index
    %swap3A_225 = arith.constant 0 : index
    %swap3A_226 = vector.load %arg5[%swap3A_224, %swap3A_225] : memref<256x8xi32, #tpu.memory_space<vmem>>, vector<64x1xi32>
    tpu.vector_store %arg5[%swap3A_224, %swap3A_225], %add3A_223 {strides = array<i32>} : memref<256x8xi32, #tpu.memory_space<vmem>>, vector<64x1xi32>,
    %slice3A_227 = vector.extract_strided_slice %broadcast_in_dim3A {offsets = [128, 0], sizes = [64, 1], strides = [1, 1]} : vector<256x1xf32> to vector<64x1xf32>
    %slice3A_228 = vector.extract_strided_slice %dot_general3A_13 {offsets = [128, 0], sizes = [64, 128], strides = [1, 1]} : vector<256x1024xf32> to vector<64x128xf32>
    %sub3A_229 = vector.broadcast %slice3A_227 : vector<64x1xf32> to vector<64x128xf32>
    %sub3A_230 = arith.subf %sub3A_229, %slice3A_228 : vector<64x128xf32>
    %slice3A_231 = vector.extract_strided_slice %get3A_18 {offsets = [0, 0], sizes = [1, 128], strides = [1, 1]} : vector<1x1024xf32> to vector<1x128xf32>
    %add3A_232 = vector.broadcast %slice3A_231 : vector<1x128xf32> to vector<64x128xf32>
    %add3A_233 = arith.addf %sub3A_230, %add3A_232 : vector<64x128xf32>
    %broadcast_in_dim3A_234 = arith.constant 0.000000e+00 : f32
    %broadcast_in_dim3A_235 = vector.broadcast %broadcast_in_dim3A_234 : f32 to vector<64x128xf32>
    %slice3A_236 = vector.extract_strided_slice %dot_general3A_13 {offsets = [128, 128], sizes = [64, 128], strides = [1, 1]} : vector<256x1024xf32> to vector<64x128xf32>
    %sub3A_237 = vector.broadcast %slice3A_227 : vector<64x1xf32> to vector<64x128xf32>
    %sub3A_238 = arith.subf %sub3A_237, %slice3A_236 : vector<64x128xf32>
    %slice3A_239 = vector.extract_strided_slice %get3A_18 {offsets = [0, 128], sizes = [1, 128], strides = [1, 1]} : vector<1x1024xf32> to vector<1x128xf32>
    %add3A_240 = vector.broadcast %slice3A_239 : vector<1x128xf32> to vector<64x128xf32>
    %add3A_241 = arith.addf %sub3A_238, %add3A_240 : vector<64x128xf32>
    %lt3A_242 = arith.cmpf olt, %add3A_241, %add3A_233 : vector<64x128xf32>
    %select_n3A_243 = arith.select %lt3A_242, %add3A_241, %add3A_233 : vector<64x128xi1>, vector<64x128xf32>
    %jit3A_244 = arith.constant 1.000000e+00 : f32
    %broadcast_in_dim3A_245 = vector.broadcast %jit3A_244 : f32 to vector<64x128xf32>
    %select_n3A_246 = arith.select %lt3A_242, %broadcast_in_dim3A_245, %broadcast_in_dim3A_235 : vector<64x128xi1>, vector<64x128xf32>
    %slice3A_247 = vector.extract_strided_slice %dot_general3A_13 {offsets = [128, 256], sizes = [64, 128], strides = [1, 1]} : vector<256x1024xf32> to vector<64x128xf32>
    %sub3A_248 = vector.broadcast %slice3A_227 : vector<64x1xf32> to vector<64x128xf32>
    %sub3A_249 = arith.subf %sub3A_248, %slice3A_247 : vector<64x128xf32>
    %slice3A_250 = vector.extract_strided_slice %get3A_18 {offsets = [0, 256], sizes = [1, 128], strides = [1, 1]} : vector<1x1024xf32> to vector<1x128xf32>
    %add3A_251 = vector.broadcast %slice3A_250 : vector<1x128xf32> to vector<64x128xf32>
    %add3A_252 = arith.addf %sub3A_249, %add3A_251 : vector<64x128xf32>
    %lt3A_253 = arith.cmpf olt, %add3A_252, %select_n3A_243 : vector<64x128xf32>
    %select_n3A_254 = arith.select %lt3A_253, %add3A_252, %select_n3A_243 : vector<64x128xi1>, vector<64x128xf32>
    %jit3A_255 = arith.constant 2.000000e+00 : f32
    %broadcast_in_dim3A_256 = vector.broadcast %jit3A_255 : f32 to vector<64x128xf32>
    %select_n3A_257 = arith.select %lt3A_253, %broadcast_in_dim3A_256, %select_n3A_246 : vector<64x128xi1>, vector<64x128xf32>
    %slice3A_258 = vector.extract_strided_slice %dot_general3A_13 {offsets = [128, 384], sizes = [64, 128], strides = [1, 1]} : vector<256x1024xf32> to vector<64x128xf32>
    %sub3A_259 = vector.broadcast %slice3A_227 : vector<64x1xf32> to vector<64x128xf32>
    %sub3A_260 = arith.subf %sub3A_259, %slice3A_258 : vector<64x128xf32>
    %slice3A_261 = vector.extract_strided_slice %get3A_18 {offsets = [0, 384], sizes = [1, 128], strides = [1, 1]} : vector<1x1024xf32> to vector<1x128xf32>
    %add3A_262 = vector.broadcast %slice3A_261 : vector<1x128xf32> to vector<64x128xf32>
    %add3A_263 = arith.addf %sub3A_260, %add3A_262 : vector<64x128xf32>
    %lt3A_264 = arith.cmpf olt, %add3A_263, %select_n3A_254 : vector<64x128xf32>
    %select_n3A_265 = arith.select %lt3A_264, %add3A_263, %select_n3A_254 : vector<64x128xi1>, vector<64x128xf32>
    %jit3A_266 = arith.constant 3.000000e+00 : f32
    %broadcast_in_dim3A_267 = vector.broadcast %jit3A_266 : f32 to vector<64x128xf32>
    %select_n3A_268 = arith.select %lt3A_264, %broadcast_in_dim3A_267, %select_n3A_257 : vector<64x128xi1>, vector<64x128xf32>
    %slice3A_269 = vector.extract_strided_slice %dot_general3A_13 {offsets = [128, 512], sizes = [64, 128], strides = [1, 1]} : vector<256x1024xf32> to vector<64x128xf32>
    %sub3A_270 = vector.broadcast %slice3A_227 : vector<64x1xf32> to vector<64x128xf32>
    %sub3A_271 = arith.subf %sub3A_270, %slice3A_269 : vector<64x128xf32>
    %slice3A_272 = vector.extract_strided_slice %get3A_18 {offsets = [0, 512], sizes = [1, 128], strides = [1, 1]} : vector<1x1024xf32> to vector<1x128xf32>
    %add3A_273 = vector.broadcast %slice3A_272 : vector<1x128xf32> to vector<64x128xf32>
    %add3A_274 = arith.addf %sub3A_271, %add3A_273 : vector<64x128xf32>
    %lt3A_275 = arith.cmpf olt, %add3A_274, %select_n3A_265 : vector<64x128xf32>
    %select_n3A_276 = arith.select %lt3A_275, %add3A_274, %select_n3A_265 : vector<64x128xi1>, vector<64x128xf32>
    %jit3A_277 = arith.constant 4.000000e+00 : f32
    %broadcast_in_dim3A_278 = vector.broadcast %jit3A_277 : f32 to vector<64x128xf32>
    %select_n3A_279 = arith.select %lt3A_275, %broadcast_in_dim3A_278, %select_n3A_268 : vector<64x128xi1>, vector<64x128xf32>
    %slice3A_280 = vector.extract_strided_slice %dot_general3A_13 {offsets = [128, 640], sizes = [64, 128], strides = [1, 1]} : vector<256x1024xf32> to vector<64x128xf32>
    %sub3A_281 = vector.broadcast %slice3A_227 : vector<64x1xf32> to vector<64x128xf32>
    %sub3A_282 = arith.subf %sub3A_281, %slice3A_280 : vector<64x128xf32>
    %slice3A_283 = vector.extract_strided_slice %get3A_18 {offsets = [0, 640], sizes = [1, 128], strides = [1, 1]} : vector<1x1024xf32> to vector<1x128xf32>
    %add3A_284 = vector.broadcast %slice3A_283 : vector<1x128xf32> to vector<64x128xf32>
    %add3A_285 = arith.addf %sub3A_282, %add3A_284 : vector<64x128xf32>
    %lt3A_286 = arith.cmpf olt, %add3A_285, %select_n3A_276 : vector<64x128xf32>
    %select_n3A_287 = arith.select %lt3A_286, %add3A_285, %select_n3A_276 : vector<64x128xi1>, vector<64x128xf32>
    %jit3A_288 = arith.constant 5.000000e+00 : f32
    %broadcast_in_dim3A_289 = vector.broadcast %jit3A_288 : f32 to vector<64x128xf32>
    %select_n3A_290 = arith.select %lt3A_286, %broadcast_in_dim3A_289, %select_n3A_279 : vector<64x128xi1>, vector<64x128xf32>
    %slice3A_291 = vector.extract_strided_slice %dot_general3A_13 {offsets = [128, 768], sizes = [64, 128], strides = [1, 1]} : vector<256x1024xf32> to vector<64x128xf32>
    %sub3A_292 = vector.broadcast %slice3A_227 : vector<64x1xf32> to vector<64x128xf32>
    %sub3A_293 = arith.subf %sub3A_292, %slice3A_291 : vector<64x128xf32>
    %slice3A_294 = vector.extract_strided_slice %get3A_18 {offsets = [0, 768], sizes = [1, 128], strides = [1, 1]} : vector<1x1024xf32> to vector<1x128xf32>
    %add3A_295 = vector.broadcast %slice3A_294 : vector<1x128xf32> to vector<64x128xf32>
    %add3A_296 = arith.addf %sub3A_293, %add3A_295 : vector<64x128xf32>
    %lt3A_297 = arith.cmpf olt, %add3A_296, %select_n3A_287 : vector<64x128xf32>
    %select_n3A_298 = arith.select %lt3A_297, %add3A_296, %select_n3A_287 : vector<64x128xi1>, vector<64x128xf32>
    %jit3A_299 = arith.constant 6.000000e+00 : f32
    %broadcast_in_dim3A_300 = vector.broadcast %jit3A_299 : f32 to vector<64x128xf32>
    %select_n3A_301 = arith.select %lt3A_297, %broadcast_in_dim3A_300, %select_n3A_290 : vector<64x128xi1>, vector<64x128xf32>
    %slice3A_302 = vector.extract_strided_slice %dot_general3A_13 {offsets = [128, 896], sizes = [64, 128], strides = [1, 1]} : vector<256x1024xf32> to vector<64x128xf32>
    %sub3A_303 = vector.broadcast %slice3A_227 : vector<64x1xf32> to vector<64x128xf32>
    %sub3A_304 = arith.subf %sub3A_303, %slice3A_302 : vector<64x128xf32>
    %slice3A_305 = vector.extract_strided_slice %get3A_18 {offsets = [0, 896], sizes = [1, 128], strides = [1, 1]} : vector<1x1024xf32> to vector<1x128xf32>
    %add3A_306 = vector.broadcast %slice3A_305 : vector<1x128xf32> to vector<64x128xf32>
    %add3A_307 = arith.addf %sub3A_304, %add3A_306 : vector<64x128xf32>
    %lt3A_308 = arith.cmpf olt, %add3A_307, %select_n3A_298 : vector<64x128xf32>
    %select_n3A_309 = arith.select %lt3A_308, %add3A_307, %select_n3A_298 : vector<64x128xi1>, vector<64x128xf32>
    %jit3A_310 = arith.constant 7.000000e+00 : f32
    %broadcast_in_dim3A_311 = vector.broadcast %jit3A_310 : f32 to vector<64x128xf32>
    %select_n3A_312 = arith.select %lt3A_308, %broadcast_in_dim3A_311, %select_n3A_301 : vector<64x128xi1>, vector<64x128xf32>
    %reduce_min3A_313 = arith.constant dense<0x7F800000> : vector<64xf32>
    %reduce_min3A_314 = vector.multi_reduction <minimumf>, %select_n3A_309, %reduce_min3A_313 [1] : vector<64x128xf32> to vector<64xf32>
    %broadcast_in_dim3A_315 = vector.shape_cast %reduce_min3A_314 : vector<64xf32> to vector<64x1xf32>
    %eq3A_316 = vector.broadcast %broadcast_in_dim3A_315 : vector<64x1xf32> to vector<64x128xf32>
    %eq3A_317 = arith.cmpf oeq, %select_n3A_309, %eq3A_316 : vector<64x128xf32>
    %mul3A_318 = arith.constant 1.280000e+02 : f32
    %mul3A_319 = vector.broadcast %mul3A_318 : f32 to vector<64x128xf32>
    %mul3A_320 = arith.mulf %select_n3A_312, %mul3A_319 : vector<64x128xf32>
    %add3A_321 = arith.addf %mul3A_320, %convert_element_type3A : vector<64x128xf32>
    %jit3A_322 = arith.constant 1.024000e+03 : f32
    %broadcast_in_dim3A_323 = vector.broadcast %jit3A_322 : f32 to vector<64x128xf32>
    %select_n3A_324 = arith.select %eq3A_317, %add3A_321, %broadcast_in_dim3A_323 : vector<64x128xi1>, vector<64x128xf32>
    %reduce_min3A_325 = arith.constant dense<0x7F800000> : vector<64xf32>
    %reduce_min3A_326 = vector.multi_reduction <minimumf>, %select_n3A_324, %reduce_min3A_325 [1] : vector<64x128xf32> to vector<64xf32>
    %broadcast_in_dim3A_327 = vector.shape_cast %reduce_min3A_326 : vector<64xf32> to vector<64x1xf32>
    %convert_element_type3A_328 = arith.fptosi %broadcast_in_dim3A_327 : vector<64x1xf32> to vector<64x1xi32>
    %add3A_329 = arith.constant 0 : i32
    %add3A_330 = vector.broadcast %add3A_329 : i32 to vector<64x1xi32>
    %add3A_331 = arith.addi %convert_element_type3A_328, %add3A_330 : vector<64x1xi32>
    %swap3A_332 = arith.constant 128 : index
    %swap3A_333 = arith.constant 0 : index
    %swap3A_334 = vector.load %arg5[%swap3A_332, %swap3A_333] : memref<256x8xi32, #tpu.memory_space<vmem>>, vector<64x1xi32>
    tpu.vector_store %arg5[%swap3A_332, %swap3A_333], %add3A_331 {strides = array<i32>} : memref<256x8xi32, #tpu.memory_space<vmem>>, vector<64x1xi32>,
    %slice3A_335 = vector.extract_strided_slice %broadcast_in_dim3A {offsets = [192, 0], sizes = [64, 1], strides = [1, 1]} : vector<256x1xf32> to vector<64x1xf32>
    %slice3A_336 = vector.extract_strided_slice %dot_general3A_13 {offsets = [192, 0], sizes = [64, 128], strides = [1, 1]} : vector<256x1024xf32> to vector<64x128xf32>
    %sub3A_337 = vector.broadcast %slice3A_335 : vector<64x1xf32> to vector<64x128xf32>
    %sub3A_338 = arith.subf %sub3A_337, %slice3A_336 : vector<64x128xf32>
    %slice3A_339 = vector.extract_strided_slice %get3A_18 {offsets = [0, 0], sizes = [1, 128], strides = [1, 1]} : vector<1x1024xf32> to vector<1x128xf32>
    %add3A_340 = vector.broadcast %slice3A_339 : vector<1x128xf32> to vector<64x128xf32>
    %add3A_341 = arith.addf %sub3A_338, %add3A_340 : vector<64x128xf32>
    %broadcast_in_dim3A_342 = arith.constant 0.000000e+00 : f32
    %broadcast_in_dim3A_343 = vector.broadcast %broadcast_in_dim3A_342 : f32 to vector<64x128xf32>
    %slice3A_344 = vector.extract_strided_slice %dot_general3A_13 {offsets = [192, 128], sizes = [64, 128], strides = [1, 1]} : vector<256x1024xf32> to vector<64x128xf32>
    %sub3A_345 = vector.broadcast %slice3A_335 : vector<64x1xf32> to vector<64x128xf32>
    %sub3A_346 = arith.subf %sub3A_345, %slice3A_344 : vector<64x128xf32>
    %slice3A_347 = vector.extract_strided_slice %get3A_18 {offsets = [0, 128], sizes = [1, 128], strides = [1, 1]} : vector<1x1024xf32> to vector<1x128xf32>
    %add3A_348 = vector.broadcast %slice3A_347 : vector<1x128xf32> to vector<64x128xf32>
    %add3A_349 = arith.addf %sub3A_346, %add3A_348 : vector<64x128xf32>
    %lt3A_350 = arith.cmpf olt, %add3A_349, %add3A_341 : vector<64x128xf32>
    %select_n3A_351 = arith.select %lt3A_350, %add3A_349, %add3A_341 : vector<64x128xi1>, vector<64x128xf32>
    %jit3A_352 = arith.constant 1.000000e+00 : f32
    %broadcast_in_dim3A_353 = vector.broadcast %jit3A_352 : f32 to vector<64x128xf32>
    %select_n3A_354 = arith.select %lt3A_350, %broadcast_in_dim3A_353, %broadcast_in_dim3A_343 : vector<64x128xi1>, vector<64x128xf32>
    %slice3A_355 = vector.extract_strided_slice %dot_general3A_13 {offsets = [192, 256], sizes = [64, 128], strides = [1, 1]} : vector<256x1024xf32> to vector<64x128xf32>
    %sub3A_356 = vector.broadcast %slice3A_335 : vector<64x1xf32> to vector<64x128xf32>
    %sub3A_357 = arith.subf %sub3A_356, %slice3A_355 : vector<64x128xf32>
    %slice3A_358 = vector.extract_strided_slice %get3A_18 {offsets = [0, 256], sizes = [1, 128], strides = [1, 1]} : vector<1x1024xf32> to vector<1x128xf32>
    %add3A_359 = vector.broadcast %slice3A_358 : vector<1x128xf32> to vector<64x128xf32>
    %add3A_360 = arith.addf %sub3A_357, %add3A_359 : vector<64x128xf32>
    %lt3A_361 = arith.cmpf olt, %add3A_360, %select_n3A_351 : vector<64x128xf32>
    %select_n3A_362 = arith.select %lt3A_361, %add3A_360, %select_n3A_351 : vector<64x128xi1>, vector<64x128xf32>
    %jit3A_363 = arith.constant 2.000000e+00 : f32
    %broadcast_in_dim3A_364 = vector.broadcast %jit3A_363 : f32 to vector<64x128xf32>
    %select_n3A_365 = arith.select %lt3A_361, %broadcast_in_dim3A_364, %select_n3A_354 : vector<64x128xi1>, vector<64x128xf32>
    %slice3A_366 = vector.extract_strided_slice %dot_general3A_13 {offsets = [192, 384], sizes = [64, 128], strides = [1, 1]} : vector<256x1024xf32> to vector<64x128xf32>
    %sub3A_367 = vector.broadcast %slice3A_335 : vector<64x1xf32> to vector<64x128xf32>
    %sub3A_368 = arith.subf %sub3A_367, %slice3A_366 : vector<64x128xf32>
    %slice3A_369 = vector.extract_strided_slice %get3A_18 {offsets = [0, 384], sizes = [1, 128], strides = [1, 1]} : vector<1x1024xf32> to vector<1x128xf32>
    %add3A_370 = vector.broadcast %slice3A_369 : vector<1x128xf32> to vector<64x128xf32>
    %add3A_371 = arith.addf %sub3A_368, %add3A_370 : vector<64x128xf32>
    %lt3A_372 = arith.cmpf olt, %add3A_371, %select_n3A_362 : vector<64x128xf32>
    %select_n3A_373 = arith.select %lt3A_372, %add3A_371, %select_n3A_362 : vector<64x128xi1>, vector<64x128xf32>
    %jit3A_374 = arith.constant 3.000000e+00 : f32
    %broadcast_in_dim3A_375 = vector.broadcast %jit3A_374 : f32 to vector<64x128xf32>
    %select_n3A_376 = arith.select %lt3A_372, %broadcast_in_dim3A_375, %select_n3A_365 : vector<64x128xi1>, vector<64x128xf32>
    %slice3A_377 = vector.extract_strided_slice %dot_general3A_13 {offsets = [192, 512], sizes = [64, 128], strides = [1, 1]} : vector<256x1024xf32> to vector<64x128xf32>
    %sub3A_378 = vector.broadcast %slice3A_335 : vector<64x1xf32> to vector<64x128xf32>
    %sub3A_379 = arith.subf %sub3A_378, %slice3A_377 : vector<64x128xf32>
    %slice3A_380 = vector.extract_strided_slice %get3A_18 {offsets = [0, 512], sizes = [1, 128], strides = [1, 1]} : vector<1x1024xf32> to vector<1x128xf32>
    %add3A_381 = vector.broadcast %slice3A_380 : vector<1x128xf32> to vector<64x128xf32>
    %add3A_382 = arith.addf %sub3A_379, %add3A_381 : vector<64x128xf32>
    %lt3A_383 = arith.cmpf olt, %add3A_382, %select_n3A_373 : vector<64x128xf32>
    %select_n3A_384 = arith.select %lt3A_383, %add3A_382, %select_n3A_373 : vector<64x128xi1>, vector<64x128xf32>
    %jit3A_385 = arith.constant 4.000000e+00 : f32
    %broadcast_in_dim3A_386 = vector.broadcast %jit3A_385 : f32 to vector<64x128xf32>
    %select_n3A_387 = arith.select %lt3A_383, %broadcast_in_dim3A_386, %select_n3A_376 : vector<64x128xi1>, vector<64x128xf32>
    %slice3A_388 = vector.extract_strided_slice %dot_general3A_13 {offsets = [192, 640], sizes = [64, 128], strides = [1, 1]} : vector<256x1024xf32> to vector<64x128xf32>
    %sub3A_389 = vector.broadcast %slice3A_335 : vector<64x1xf32> to vector<64x128xf32>
    %sub3A_390 = arith.subf %sub3A_389, %slice3A_388 : vector<64x128xf32>
    %slice3A_391 = vector.extract_strided_slice %get3A_18 {offsets = [0, 640], sizes = [1, 128], strides = [1, 1]} : vector<1x1024xf32> to vector<1x128xf32>
    %add3A_392 = vector.broadcast %slice3A_391 : vector<1x128xf32> to vector<64x128xf32>
    %add3A_393 = arith.addf %sub3A_390, %add3A_392 : vector<64x128xf32>
    %lt3A_394 = arith.cmpf olt, %add3A_393, %select_n3A_384 : vector<64x128xf32>
    %select_n3A_395 = arith.select %lt3A_394, %add3A_393, %select_n3A_384 : vector<64x128xi1>, vector<64x128xf32>
    %jit3A_396 = arith.constant 5.000000e+00 : f32
    %broadcast_in_dim3A_397 = vector.broadcast %jit3A_396 : f32 to vector<64x128xf32>
    %select_n3A_398 = arith.select %lt3A_394, %broadcast_in_dim3A_397, %select_n3A_387 : vector<64x128xi1>, vector<64x128xf32>
    %slice3A_399 = vector.extract_strided_slice %dot_general3A_13 {offsets = [192, 768], sizes = [64, 128], strides = [1, 1]} : vector<256x1024xf32> to vector<64x128xf32>
    %sub3A_400 = vector.broadcast %slice3A_335 : vector<64x1xf32> to vector<64x128xf32>
    %sub3A_401 = arith.subf %sub3A_400, %slice3A_399 : vector<64x128xf32>
    %slice3A_402 = vector.extract_strided_slice %get3A_18 {offsets = [0, 768], sizes = [1, 128], strides = [1, 1]} : vector<1x1024xf32> to vector<1x128xf32>
    %add3A_403 = vector.broadcast %slice3A_402 : vector<1x128xf32> to vector<64x128xf32>
    %add3A_404 = arith.addf %sub3A_401, %add3A_403 : vector<64x128xf32>
    %lt3A_405 = arith.cmpf olt, %add3A_404, %select_n3A_395 : vector<64x128xf32>
    %select_n3A_406 = arith.select %lt3A_405, %add3A_404, %select_n3A_395 : vector<64x128xi1>, vector<64x128xf32>
    %jit3A_407 = arith.constant 6.000000e+00 : f32
    %broadcast_in_dim3A_408 = vector.broadcast %jit3A_407 : f32 to vector<64x128xf32>
    %select_n3A_409 = arith.select %lt3A_405, %broadcast_in_dim3A_408, %select_n3A_398 : vector<64x128xi1>, vector<64x128xf32>
    %slice3A_410 = vector.extract_strided_slice %dot_general3A_13 {offsets = [192, 896], sizes = [64, 128], strides = [1, 1]} : vector<256x1024xf32> to vector<64x128xf32>
    %sub3A_411 = vector.broadcast %slice3A_335 : vector<64x1xf32> to vector<64x128xf32>
    %sub3A_412 = arith.subf %sub3A_411, %slice3A_410 : vector<64x128xf32>
    %slice3A_413 = vector.extract_strided_slice %get3A_18 {offsets = [0, 896], sizes = [1, 128], strides = [1, 1]} : vector<1x1024xf32> to vector<1x128xf32>
    %add3A_414 = vector.broadcast %slice3A_413 : vector<1x128xf32> to vector<64x128xf32>
    %add3A_415 = arith.addf %sub3A_412, %add3A_414 : vector<64x128xf32>
    %lt3A_416 = arith.cmpf olt, %add3A_415, %select_n3A_406 : vector<64x128xf32>
    %select_n3A_417 = arith.select %lt3A_416, %add3A_415, %select_n3A_406 : vector<64x128xi1>, vector<64x128xf32>
    %jit3A_418 = arith.constant 7.000000e+00 : f32
    %broadcast_in_dim3A_419 = vector.broadcast %jit3A_418 : f32 to vector<64x128xf32>
    %select_n3A_420 = arith.select %lt3A_416, %broadcast_in_dim3A_419, %select_n3A_409 : vector<64x128xi1>, vector<64x128xf32>
    %reduce_min3A_421 = arith.constant dense<0x7F800000> : vector<64xf32>
    %reduce_min3A_422 = vector.multi_reduction <minimumf>, %select_n3A_417, %reduce_min3A_421 [1] : vector<64x128xf32> to vector<64xf32>
    %broadcast_in_dim3A_423 = vector.shape_cast %reduce_min3A_422 : vector<64xf32> to vector<64x1xf32>
    %eq3A_424 = vector.broadcast %broadcast_in_dim3A_423 : vector<64x1xf32> to vector<64x128xf32>
    %eq3A_425 = arith.cmpf oeq, %select_n3A_417, %eq3A_424 : vector<64x128xf32>
    %mul3A_426 = arith.constant 1.280000e+02 : f32
    %mul3A_427 = vector.broadcast %mul3A_426 : f32 to vector<64x128xf32>
    %mul3A_428 = arith.mulf %select_n3A_420, %mul3A_427 : vector<64x128xf32>
    %add3A_429 = arith.addf %mul3A_428, %convert_element_type3A : vector<64x128xf32>
    %jit3A_430 = arith.constant 1.024000e+03 : f32
    %broadcast_in_dim3A_431 = vector.broadcast %jit3A_430 : f32 to vector<64x128xf32>
    %select_n3A_432 = arith.select %eq3A_425, %add3A_429, %broadcast_in_dim3A_431 : vector<64x128xi1>, vector<64x128xf32>
    %reduce_min3A_433 = arith.constant dense<0x7F800000> : vector<64xf32>
    %reduce_min3A_434 = vector.multi_reduction <minimumf>, %select_n3A_432, %reduce_min3A_433 [1] : vector<64x128xf32> to vector<64xf32>
    %broadcast_in_dim3A_435 = vector.shape_cast %reduce_min3A_434 : vector<64xf32> to vector<64x1xf32>
    %convert_element_type3A_436 = arith.fptosi %broadcast_in_dim3A_435 : vector<64x1xf32> to vector<64x1xi32>
    %add3A_437 = arith.constant 0 : i32
    %add3A_438 = vector.broadcast %add3A_437 : i32 to vector<64x1xi32>
    %add3A_439 = arith.addi %convert_element_type3A_436, %add3A_438 : vector<64x1xi32>
    %swap3A_440 = arith.constant 192 : index
    %swap3A_441 = arith.constant 0 : index
    %swap3A_442 = vector.load %arg5[%swap3A_440, %swap3A_441] : memref<256x8xi32, #tpu.memory_space<vmem>>, vector<64x1xi32>
    tpu.vector_store %arg5[%swap3A_440, %swap3A_441], %add3A_439 {strides = array<i32>} : memref<256x8xi32, #tpu.memory_space<vmem>>, vector<64x1xi32>,
    %slice3A_443 = vector.extract_strided_slice %dot_general3A_5 {offsets = [0, 64], sizes = [256, 64], strides = [1, 1]} : vector<256x512xf32> to vector<256x64xf32>
    %mul3A_444 = arith.mulf %slice3A_443, %slice3A_443 : vector<256x64xf32>
    %reduce_sum3A_445 = arith.constant dense<0.000000e+00> : vector<256xf32>
    %reduce_sum3A_446 = vector.multi_reduction <add>, %mul3A_444, %reduce_sum3A_445 [1] : vector<256x64xf32> to vector<256xf32>
    %broadcast_in_dim3A_447 = vector.shape_cast %reduce_sum3A_446 : vector<256xf32> to vector<256x1xf32>
    %get3A_448 = arith.constant 1 : index
    %get3A_449 = arith.constant 0 : index
    %get3A_450 = arith.constant 0 : index
    %get3A_451 = vector.load %arg3[%get3A_448, %get3A_449, %get3A_450] : memref<8x1024x64xf32, #tpu.memory_space<vmem>>, vector<1x1024x64xf32>
    %get3A_452 = vector.shape_cast %get3A_451 : vector<1x1024x64xf32> to vector<1024x64xf32>
    %dot_general3A_453 = arith.constant dense<0.000000e+00> : vector<256x1024xf32>
    %dot_general3A_454 = tpu.matmul %slice3A_443, %get3A_452, %dot_general3A_453 {dimension_numbers = #tpu.dot_dimension_numbers<[1], [1], [0], [0], [0, 0, 1, 0], [], []>, transpose_lhs_hint = false} : vector<256x64xf32>, vector<1024x64xf32>, vector<256x1024xf32> -> vector<256x1024xf32>
    %get3A_455 = arith.constant 1 : index
    %get3A_456 = arith.constant 0 : index
    %get3A_457 = arith.constant 0 : index
    %get3A_458 = vector.load %arg4[%get3A_455, %get3A_456, %get3A_457] : memref<8x1x1024xf32, #tpu.memory_space<vmem>>, vector<1x1x1024xf32>
    %get3A_459 = vector.shape_cast %get3A_458 : vector<1x1x1024xf32> to vector<1x1024xf32>
    %slice3A_460 = vector.extract_strided_slice %broadcast_in_dim3A_447 {offsets = [0, 0], sizes = [64, 1], strides = [1, 1]} : vector<256x1xf32> to vector<64x1xf32>
    %slice3A_461 = vector.extract_strided_slice %dot_general3A_454 {offsets = [0, 0], sizes = [64, 128], strides = [1, 1]} : vector<256x1024xf32> to vector<64x128xf32>
    %sub3A_462 = vector.broadcast %slice3A_460 : vector<64x1xf32> to vector<64x128xf32>
    %sub3A_463 = arith.subf %sub3A_462, %slice3A_461 : vector<64x128xf32>
    %slice3A_464 = vector.extract_strided_slice %get3A_459 {offsets = [0, 0], sizes = [1, 128], strides = [1, 1]} : vector<1x1024xf32> to vector<1x128xf32>
    %add3A_465 = vector.broadcast %slice3A_464 : vector<1x128xf32> to vector<64x128xf32>
    %add3A_466 = arith.addf %sub3A_463, %add3A_465 : vector<64x128xf32>
    %broadcast_in_dim3A_467 = arith.constant 0.000000e+00 : f32
    %broadcast_in_dim3A_468 = vector.broadcast %broadcast_in_dim3A_467 : f32 to vector<64x128xf32>
    %slice3A_469 = vector.extract_strided_slice %dot_general3A_454 {offsets = [0, 128], sizes = [64, 128], strides = [1, 1]} : vector<256x1024xf32> to vector<64x128xf32>
    %sub3A_470 = vector.broadcast %slice3A_460 : vector<64x1xf32> to vector<64x128xf32>
    %sub3A_471 = arith.subf %sub3A_470, %slice3A_469 : vector<64x128xf32>
    %slice3A_472 = vector.extract_strided_slice %get3A_459 {offsets = [0, 128], sizes = [1, 128], strides = [1, 1]} : vector<1x1024xf32> to vector<1x128xf32>
    %add3A_473 = vector.broadcast %slice3A_472 : vector<1x128xf32> to vector<64x128xf32>
    %add3A_474 = arith.addf %sub3A_471, %add3A_473 : vector<64x128xf32>
    %lt3A_475 = arith.cmpf olt, %add3A_474, %add3A_466 : vector<64x128xf32>
    %select_n3A_476 = arith.select %lt3A_475, %add3A_474, %add3A_466 : vector<64x128xi1>, vector<64x128xf32>
    %jit3A_477 = arith.constant 1.000000e+00 : f32
    %broadcast_in_dim3A_478 = vector.broadcast %jit3A_477 : f32 to vector<64x128xf32>
    %select_n3A_479 = arith.select %lt3A_475, %broadcast_in_dim3A_478, %broadcast_in_dim3A_468 : vector<64x128xi1>, vector<64x128xf32>
    %slice3A_480 = vector.extract_strided_slice %dot_general3A_454 {offsets = [0, 256], sizes = [64, 128], strides = [1, 1]} : vector<256x1024xf32> to vector<64x128xf32>
    %sub3A_481 = vector.broadcast %slice3A_460 : vector<64x1xf32> to vector<64x128xf32>
    %sub3A_482 = arith.subf %sub3A_481, %slice3A_480 : vector<64x128xf32>
    %slice3A_483 = vector.extract_strided_slice %get3A_459 {offsets = [0, 256], sizes = [1, 128], strides = [1, 1]} : vector<1x1024xf32> to vector<1x128xf32>
    %add3A_484 = vector.broadcast %slice3A_483 : vector<1x128xf32> to vector<64x128xf32>
    %add3A_485 = arith.addf %sub3A_482, %add3A_484 : vector<64x128xf32>
    %lt3A_486 = arith.cmpf olt, %add3A_485, %select_n3A_476 : vector<64x128xf32>
    %select_n3A_487 = arith.select %lt3A_486, %add3A_485, %select_n3A_476 : vector<64x128xi1>, vector<64x128xf32>
    %jit3A_488 = arith.constant 2.000000e+00 : f32
    %broadcast_in_dim3A_489 = vector.broadcast %jit3A_488 : f32 to vector<64x128xf32>
    %select_n3A_490 = arith.select %lt3A_486, %broadcast_in_dim3A_489, %select_n3A_479 : vector<64x128xi1>, vector<64x128xf32>
    %slice3A_491 = vector.extract_strided_slice %dot_general3A_454 {offsets = [0, 384], sizes = [64, 128], strides = [1, 1]} : vector<256x1024xf32> to vector<64x128xf32>
    %sub3A_492 = vector.broadcast %slice3A_460 : vector<64x1xf32> to vector<64x128xf32>
    %sub3A_493 = arith.subf %sub3A_492, %slice3A_491 : vector<64x128xf32>
    %slice3A_494 = vector.extract_strided_slice %get3A_459 {offsets = [0, 384], sizes = [1, 128], strides = [1, 1]} : vector<1x1024xf32> to vector<1x128xf32>
    %add3A_495 = vector.broadcast %slice3A_494 : vector<1x128xf32> to vector<64x128xf32>
    %add3A_496 = arith.addf %sub3A_493, %add3A_495 : vector<64x128xf32>
    %lt3A_497 = arith.cmpf olt, %add3A_496, %select_n3A_487 : vector<64x128xf32>
    %select_n3A_498 = arith.select %lt3A_497, %add3A_496, %select_n3A_487 : vector<64x128xi1>, vector<64x128xf32>
    %jit3A_499 = arith.constant 3.000000e+00 : f32
    %broadcast_in_dim3A_500 = vector.broadcast %jit3A_499 : f32 to vector<64x128xf32>
    %select_n3A_501 = arith.select %lt3A_497, %broadcast_in_dim3A_500, %select_n3A_490 : vector<64x128xi1>, vector<64x128xf32>
    %slice3A_502 = vector.extract_strided_slice %dot_general3A_454 {offsets = [0, 512], sizes = [64, 128], strides = [1, 1]} : vector<256x1024xf32> to vector<64x128xf32>
    %sub3A_503 = vector.broadcast %slice3A_460 : vector<64x1xf32> to vector<64x128xf32>
    %sub3A_504 = arith.subf %sub3A_503, %slice3A_502 : vector<64x128xf32>
    %slice3A_505 = vector.extract_strided_slice %get3A_459 {offsets = [0, 512], sizes = [1, 128], strides = [1, 1]} : vector<1x1024xf32> to vector<1x128xf32>
    %add3A_506 = vector.broadcast %slice3A_505 : vector<1x128xf32> to vector<64x128xf32>
    %add3A_507 = arith.addf %sub3A_504, %add3A_506 : vector<64x128xf32>
    %lt3A_508 = arith.cmpf olt, %add3A_507, %select_n3A_498 : vector<64x128xf32>
    %select_n3A_509 = arith.select %lt3A_508, %add3A_507, %select_n3A_498 : vector<64x128xi1>, vector<64x128xf32>
    %jit3A_510 = arith.constant 4.000000e+00 : f32
    %broadcast_in_dim3A_511 = vector.broadcast %jit3A_510 : f32 to vector<64x128xf32>
    %select_n3A_512 = arith.select %lt3A_508, %broadcast_in_dim3A_511, %select_n3A_501 : vector<64x128xi1>, vector<64x128xf32>
    %slice3A_513 = vector.extract_strided_slice %dot_general3A_454 {offsets = [0, 640], sizes = [64, 128], strides = [1, 1]} : vector<256x1024xf32> to vector<64x128xf32>
    %sub3A_514 = vector.broadcast %slice3A_460 : vector<64x1xf32> to vector<64x128xf32>
    %sub3A_515 = arith.subf %sub3A_514, %slice3A_513 : vector<64x128xf32>
    %slice3A_516 = vector.extract_strided_slice %get3A_459 {offsets = [0, 640], sizes = [1, 128], strides = [1, 1]} : vector<1x1024xf32> to vector<1x128xf32>
    %add3A_517 = vector.broadcast %slice3A_516 : vector<1x128xf32> to vector<64x128xf32>
    %add3A_518 = arith.addf %sub3A_515, %add3A_517 : vector<64x128xf32>
    %lt3A_519 = arith.cmpf olt, %add3A_518, %select_n3A_509 : vector<64x128xf32>
    %select_n3A_520 = arith.select %lt3A_519, %add3A_518, %select_n3A_509 : vector<64x128xi1>, vector<64x128xf32>
    %jit3A_521 = arith.constant 5.000000e+00 : f32
    %broadcast_in_dim3A_522 = vector.broadcast %jit3A_521 : f32 to vector<64x128xf32>
    %select_n3A_523 = arith.select %lt3A_519, %broadcast_in_dim3A_522, %select_n3A_512 : vector<64x128xi1>, vector<64x128xf32>
    %slice3A_524 = vector.extract_strided_slice %dot_general3A_454 {offsets = [0, 768], sizes = [64, 128], strides = [1, 1]} : vector<256x1024xf32> to vector<64x128xf32>
    %sub3A_525 = vector.broadcast %slice3A_460 : vector<64x1xf32> to vector<64x128xf32>
    %sub3A_526 = arith.subf %sub3A_525, %slice3A_524 : vector<64x128xf32>
    %slice3A_527 = vector.extract_strided_slice %get3A_459 {offsets = [0, 768], sizes = [1, 128], strides = [1, 1]} : vector<1x1024xf32> to vector<1x128xf32>
    %add3A_528 = vector.broadcast %slice3A_527 : vector<1x128xf32> to vector<64x128xf32>
    %add3A_529 = arith.addf %sub3A_526, %add3A_528 : vector<64x128xf32>
    %lt3A_530 = arith.cmpf olt, %add3A_529, %select_n3A_520 : vector<64x128xf32>
    %select_n3A_531 = arith.select %lt3A_530, %add3A_529, %select_n3A_520 : vector<64x128xi1>, vector<64x128xf32>
    %jit3A_532 = arith.constant 6.000000e+00 : f32
    %broadcast_in_dim3A_533 = vector.broadcast %jit3A_532 : f32 to vector<64x128xf32>
    %select_n3A_534 = arith.select %lt3A_530, %broadcast_in_dim3A_533, %select_n3A_523 : vector<64x128xi1>, vector<64x128xf32>
    %slice3A_535 = vector.extract_strided_slice %dot_general3A_454 {offsets = [0, 896], sizes = [64, 128], strides = [1, 1]} : vector<256x1024xf32> to vector<64x128xf32>
    %sub3A_536 = vector.broadcast %slice3A_460 : vector<64x1xf32> to vector<64x128xf32>
    %sub3A_537 = arith.subf %sub3A_536, %slice3A_535 : vector<64x128xf32>
    %slice3A_538 = vector.extract_strided_slice %get3A_459 {offsets = [0, 896], sizes = [1, 128], strides = [1, 1]} : vector<1x1024xf32> to vector<1x128xf32>
    %add3A_539 = vector.broadcast %slice3A_538 : vector<1x128xf32> to vector<64x128xf32>
    %add3A_540 = arith.addf %sub3A_537, %add3A_539 : vector<64x128xf32>
    %lt3A_541 = arith.cmpf olt, %add3A_540, %select_n3A_531 : vector<64x128xf32>
    %select_n3A_542 = arith.select %lt3A_541, %add3A_540, %select_n3A_531 : vector<64x128xi1>, vector<64x128xf32>
    %jit3A_543 = arith.constant 7.000000e+00 : f32
    %broadcast_in_dim3A_544 = vector.broadcast %jit3A_543 : f32 to vector<64x128xf32>
    %select_n3A_545 = arith.select %lt3A_541, %broadcast_in_dim3A_544, %select_n3A_534 : vector<64x128xi1>, vector<64x128xf32>
    %reduce_min3A_546 = arith.constant dense<0x7F800000> : vector<64xf32>
    %reduce_min3A_547 = vector.multi_reduction <minimumf>, %select_n3A_542, %reduce_min3A_546 [1] : vector<64x128xf32> to vector<64xf32>
    %broadcast_in_dim3A_548 = vector.shape_cast %reduce_min3A_547 : vector<64xf32> to vector<64x1xf32>
    %eq3A_549 = vector.broadcast %broadcast_in_dim3A_548 : vector<64x1xf32> to vector<64x128xf32>
    %eq3A_550 = arith.cmpf oeq, %select_n3A_542, %eq3A_549 : vector<64x128xf32>
    %mul3A_551 = arith.constant 1.280000e+02 : f32
    %mul3A_552 = vector.broadcast %mul3A_551 : f32 to vector<64x128xf32>
    %mul3A_553 = arith.mulf %select_n3A_545, %mul3A_552 : vector<64x128xf32>
    %add3A_554 = arith.addf %mul3A_553, %convert_element_type3A : vector<64x128xf32>
    %jit3A_555 = arith.constant 1.024000e+03 : f32
    %broadcast_in_dim3A_556 = vector.broadcast %jit3A_555 : f32 to vector<64x128xf32>
    %select_n3A_557 = arith.select %eq3A_550, %add3A_554, %broadcast_in_dim3A_556 : vector<64x128xi1>, vector<64x128xf32>
    %reduce_min3A_558 = arith.constant dense<0x7F800000> : vector<64xf32>
    %reduce_min3A_559 = vector.multi_reduction <minimumf>, %select_n3A_557, %reduce_min3A_558 [1] : vector<64x128xf32> to vector<64xf32>
    %broadcast_in_dim3A_560 = vector.shape_cast %reduce_min3A_559 : vector<64xf32> to vector<64x1xf32>
    %convert_element_type3A_561 = arith.fptosi %broadcast_in_dim3A_560 : vector<64x1xf32> to vector<64x1xi32>
    %add3A_562 = arith.constant 1024 : i32
    %add3A_563 = vector.broadcast %add3A_562 : i32 to vector<64x1xi32>
    %add3A_564 = arith.addi %convert_element_type3A_561, %add3A_563 : vector<64x1xi32>
    %swap3A_565 = arith.constant 0 : index
    %swap3A_566 = arith.constant 1 : index
    %swap3A_567 = vector.load %arg5[%swap3A_565, %swap3A_566] : memref<256x8xi32, #tpu.memory_space<vmem>>, vector<64x1xi32>
    tpu.vector_store %arg5[%swap3A_565, %swap3A_566], %add3A_564 {strides = array<i32>} : memref<256x8xi32, #tpu.memory_space<vmem>>, vector<64x1xi32>,
    %slice3A_568 = vector.extract_strided_slice %broadcast_in_dim3A_447 {offsets = [64, 0], sizes = [64, 1], strides = [1, 1]} : vector<256x1xf32> to vector<64x1xf32>
    %slice3A_569 = vector.extract_strided_slice %dot_general3A_454 {offsets = [64, 0], sizes = [64, 128], strides = [1, 1]} : vector<256x1024xf32> to vector<64x128xf32>
    %sub3A_570 = vector.broadcast %slice3A_568 : vector<64x1xf32> to vector<64x128xf32>
    %sub3A_571 = arith.subf %sub3A_570, %slice3A_569 : vector<64x128xf32>
    %slice3A_572 = vector.extract_strided_slice %get3A_459 {offsets = [0, 0], sizes = [1, 128], strides = [1, 1]} : vector<1x1024xf32> to vector<1x128xf32>
    %add3A_573 = vector.broadcast %slice3A_572 : vector<1x128xf32> to vector<64x128xf32>
    %add3A_574 = arith.addf %sub3A_571, %add3A_573 : vector<64x128xf32>
    %broadcast_in_dim3A_575 = arith.constant 0.000000e+00 : f32
    %broadcast_in_dim3A_576 = vector.broadcast %broadcast_in_dim3A_575 : f32 to vector<64x128xf32>
    %slice3A_577 = vector.extract_strided_slice %dot_general3A_454 {offsets = [64, 128], sizes = [64, 128], strides = [1, 1]} : vector<256x1024xf32> to vector<64x128xf32>
    %sub3A_578 = vector.broadcast %slice3A_568 : vector<64x1xf32> to vector<64x128xf32>
    %sub3A_579 = arith.subf %sub3A_578, %slice3A_577 : vector<64x128xf32>
    %slice3A_580 = vector.extract_strided_slice %get3A_459 {offsets = [0, 128], sizes = [1, 128], strides = [1, 1]} : vector<1x1024xf32> to vector<1x128xf32>
    %add3A_581 = vector.broadcast %slice3A_580 : vector<1x128xf32> to vector<64x128xf32>
    %add3A_582 = arith.addf %sub3A_579, %add3A_581 : vector<64x128xf32>
    %lt3A_583 = arith.cmpf olt, %add3A_582, %add3A_574 : vector<64x128xf32>
    %select_n3A_584 = arith.select %lt3A_583, %add3A_582, %add3A_574 : vector<64x128xi1>, vector<64x128xf32>
    %jit3A_585 = arith.constant 1.000000e+00 : f32
    %broadcast_in_dim3A_586 = vector.broadcast %jit3A_585 : f32 to vector<64x128xf32>
    %select_n3A_587 = arith.select %lt3A_583, %broadcast_in_dim3A_586, %broadcast_in_dim3A_576 : vector<64x128xi1>, vector<64x128xf32>
    %slice3A_588 = vector.extract_strided_slice %dot_general3A_454 {offsets = [64, 256], sizes = [64, 128], strides = [1, 1]} : vector<256x1024xf32> to vector<64x128xf32>
    %sub3A_589 = vector.broadcast %slice3A_568 : vector<64x1xf32> to vector<64x128xf32>
    %sub3A_590 = arith.subf %sub3A_589, %slice3A_588 : vector<64x128xf32>
    %slice3A_591 = vector.extract_strided_slice %get3A_459 {offsets = [0, 256], sizes = [1, 128], strides = [1, 1]} : vector<1x1024xf32> to vector<1x128xf32>
    %add3A_592 = vector.broadcast %slice3A_591 : vector<1x128xf32> to vector<64x128xf32>
    %add3A_593 = arith.addf %sub3A_590, %add3A_592 : vector<64x128xf32>
    %lt3A_594 = arith.cmpf olt, %add3A_593, %select_n3A_584 : vector<64x128xf32>
    %select_n3A_595 = arith.select %lt3A_594, %add3A_593, %select_n3A_584 : vector<64x128xi1>, vector<64x128xf32>
    %jit3A_596 = arith.constant 2.000000e+00 : f32
    %broadcast_in_dim3A_597 = vector.broadcast %jit3A_596 : f32 to vector<64x128xf32>
    %select_n3A_598 = arith.select %lt3A_594, %broadcast_in_dim3A_597, %select_n3A_587 : vector<64x128xi1>, vector<64x128xf32>
    %slice3A_599 = vector.extract_strided_slice %dot_general3A_454 {offsets = [64, 384], sizes = [64, 128], strides = [1, 1]} : vector<256x1024xf32> to vector<64x128xf32>
    %sub3A_600 = vector.broadcast %slice3A_568 : vector<64x1xf32> to vector<64x128xf32>
    %sub3A_601 = arith.subf %sub3A_600, %slice3A_599 : vector<64x128xf32>
    %slice3A_602 = vector.extract_strided_slice %get3A_459 {offsets = [0, 384], sizes = [1, 128], strides = [1, 1]} : vector<1x1024xf32> to vector<1x128xf32>
    %add3A_603 = vector.broadcast %slice3A_602 : vector<1x128xf32> to vector<64x128xf32>
    %add3A_604 = arith.addf %sub3A_601, %add3A_603 : vector<64x128xf32>
    %lt3A_605 = arith.cmpf olt, %add3A_604, %select_n3A_595 : vector<64x128xf32>
    %select_n3A_606 = arith.select %lt3A_605, %add3A_604, %select_n3A_595 : vector<64x128xi1>, vector<64x128xf32>
    %jit3A_607 = arith.constant 3.000000e+00 : f32
    %broadcast_in_dim3A_608 = vector.broadcast %jit3A_607 : f32 to vector<64x128xf32>
    %select_n3A_609 = arith.select %lt3A_605, %broadcast_in_dim3A_608, %select_n3A_598 : vector<64x128xi1>, vector<64x128xf32>
    %slice3A_610 = vector.extract_strided_slice %dot_general3A_454 {offsets = [64, 512], sizes = [64, 128], strides = [1, 1]} : vector<256x1024xf32> to vector<64x128xf32>
    %sub3A_611 = vector.broadcast %slice3A_568 : vector<64x1xf32> to vector<64x128xf32>
    %sub3A_612 = arith.subf %sub3A_611, %slice3A_610 : vector<64x128xf32>
    %slice3A_613 = vector.extract_strided_slice %get3A_459 {offsets = [0, 512], sizes = [1, 128], strides = [1, 1]} : vector<1x1024xf32> to vector<1x128xf32>
    %add3A_614 = vector.broadcast %slice3A_613 : vector<1x128xf32> to vector<64x128xf32>
    %add3A_615 = arith.addf %sub3A_612, %add3A_614 : vector<64x128xf32>
    %lt3A_616 = arith.cmpf olt, %add3A_615, %select_n3A_606 : vector<64x128xf32>
    %select_n3A_617 = arith.select %lt3A_616, %add3A_615, %select_n3A_606 : vector<64x128xi1>, vector<64x128xf32>
    %jit3A_618 = arith.constant 4.000000e+00 : f32
    %broadcast_in_dim3A_619 = vector.broadcast %jit3A_618 : f32 to vector<64x128xf32>
    %select_n3A_620 = arith.select %lt3A_616, %broadcast_in_dim3A_619, %select_n3A_609 : vector<64x128xi1>, vector<64x128xf32>
    %slice3A_621 = vector.extract_strided_slice %dot_general3A_454 {offsets = [64, 640], sizes = [64, 128], strides = [1, 1]} : vector<256x1024xf32> to vector<64x128xf32>
    %sub3A_622 = vector.broadcast %slice3A_568 : vector<64x1xf32> to vector<64x128xf32>
    %sub3A_623 = arith.subf %sub3A_622, %slice3A_621 : vector<64x128xf32>
    %slice3A_624 = vector.extract_strided_slice %get3A_459 {offsets = [0, 640], sizes = [1, 128], strides = [1, 1]} : vector<1x1024xf32> to vector<1x128xf32>
    %add3A_625 = vector.broadcast %slice3A_624 : vector<1x128xf32> to vector<64x128xf32>
    %add3A_626 = arith.addf %sub3A_623, %add3A_625 : vector<64x128xf32>
    %lt3A_627 = arith.cmpf olt, %add3A_626, %select_n3A_617 : vector<64x128xf32>
    %select_n3A_628 = arith.select %lt3A_627, %add3A_626, %select_n3A_617 : vector<64x128xi1>, vector<64x128xf32>
    %jit3A_629 = arith.constant 5.000000e+00 : f32
    %broadcast_in_dim3A_630 = vector.broadcast %jit3A_629 : f32 to vector<64x128xf32>
    %select_n3A_631 = arith.select %lt3A_627, %broadcast_in_dim3A_630, %select_n3A_620 : vector<64x128xi1>, vector<64x128xf32>
    %slice3A_632 = vector.extract_strided_slice %dot_general3A_454 {offsets = [64, 768], sizes = [64, 128], strides = [1, 1]} : vector<256x1024xf32> to vector<64x128xf32>
    %sub3A_633 = vector.broadcast %slice3A_568 : vector<64x1xf32> to vector<64x128xf32>
    %sub3A_634 = arith.subf %sub3A_633, %slice3A_632 : vector<64x128xf32>
    %slice3A_635 = vector.extract_strided_slice %get3A_459 {offsets = [0, 768], sizes = [1, 128], strides = [1, 1]} : vector<1x1024xf32> to vector<1x128xf32>
    %add3A_636 = vector.broadcast %slice3A_635 : vector<1x128xf32> to vector<64x128xf32>
    %add3A_637 = arith.addf %sub3A_634, %add3A_636 : vector<64x128xf32>
    %lt3A_638 = arith.cmpf olt, %add3A_637, %select_n3A_628 : vector<64x128xf32>
    %select_n3A_639 = arith.select %lt3A_638, %add3A_637, %select_n3A_628 : vector<64x128xi1>, vector<64x128xf32>
    %jit3A_640 = arith.constant 6.000000e+00 : f32
    %broadcast_in_dim3A_641 = vector.broadcast %jit3A_640 : f32 to vector<64x128xf32>
    %select_n3A_642 = arith.select %lt3A_638, %broadcast_in_dim3A_641, %select_n3A_631 : vector<64x128xi1>, vector<64x128xf32>
    %slice3A_643 = vector.extract_strided_slice %dot_general3A_454 {offsets = [64, 896], sizes = [64, 128], strides = [1, 1]} : vector<256x1024xf32> to vector<64x128xf32>
    %sub3A_644 = vector.broadcast %slice3A_568 : vector<64x1xf32> to vector<64x128xf32>
    %sub3A_645 = arith.subf %sub3A_644, %slice3A_643 : vector<64x128xf32>
    %slice3A_646 = vector.extract_strided_slice %get3A_459 {offsets = [0, 896], sizes = [1, 128], strides = [1, 1]} : vector<1x1024xf32> to vector<1x128xf32>
    %add3A_647 = vector.broadcast %slice3A_646 : vector<1x128xf32> to vector<64x128xf32>
    %add3A_648 = arith.addf %sub3A_645, %add3A_647 : vector<64x128xf32>
    %lt3A_649 = arith.cmpf olt, %add3A_648, %select_n3A_639 : vector<64x128xf32>
    %select_n3A_650 = arith.select %lt3A_649, %add3A_648, %select_n3A_639 : vector<64x128xi1>, vector<64x128xf32>
    %jit3A_651 = arith.constant 7.000000e+00 : f32
    %broadcast_in_dim3A_652 = vector.broadcast %jit3A_651 : f32 to vector<64x128xf32>
    %select_n3A_653 = arith.select %lt3A_649, %broadcast_in_dim3A_652, %select_n3A_642 : vector<64x128xi1>, vector<64x128xf32>
    %reduce_min3A_654 = arith.constant dense<0x7F800000> : vector<64xf32>
    %reduce_min3A_655 = vector.multi_reduction <minimumf>, %select_n3A_650, %reduce_min3A_654 [1] : vector<64x128xf32> to vector<64xf32>
    %broadcast_in_dim3A_656 = vector.shape_cast %reduce_min3A_655 : vector<64xf32> to vector<64x1xf32>
    %eq3A_657 = vector.broadcast %broadcast_in_dim3A_656 : vector<64x1xf32> to vector<64x128xf32>
    %eq3A_658 = arith.cmpf oeq, %select_n3A_650, %eq3A_657 : vector<64x128xf32>
    %mul3A_659 = arith.constant 1.280000e+02 : f32
    %mul3A_660 = vector.broadcast %mul3A_659 : f32 to vector<64x128xf32>
    %mul3A_661 = arith.mulf %select_n3A_653, %mul3A_660 : vector<64x128xf32>
    %add3A_662 = arith.addf %mul3A_661, %convert_element_type3A : vector<64x128xf32>
    %jit3A_663 = arith.constant 1.024000e+03 : f32
    %broadcast_in_dim3A_664 = vector.broadcast %jit3A_663 : f32 to vector<64x128xf32>
    %select_n3A_665 = arith.select %eq3A_658, %add3A_662, %broadcast_in_dim3A_664 : vector<64x128xi1>, vector<64x128xf32>
    %reduce_min3A_666 = arith.constant dense<0x7F800000> : vector<64xf32>
    %reduce_min3A_667 = vector.multi_reduction <minimumf>, %select_n3A_665, %reduce_min3A_666 [1] : vector<64x128xf32> to vector<64xf32>
    %broadcast_in_dim3A_668 = vector.shape_cast %reduce_min3A_667 : vector<64xf32> to vector<64x1xf32>
    %convert_element_type3A_669 = arith.fptosi %broadcast_in_dim3A_668 : vector<64x1xf32> to vector<64x1xi32>
    %add3A_670 = arith.constant 1024 : i32
    %add3A_671 = vector.broadcast %add3A_670 : i32 to vector<64x1xi32>
    %add3A_672 = arith.addi %convert_element_type3A_669, %add3A_671 : vector<64x1xi32>
    %swap3A_673 = arith.constant 64 : index
    %swap3A_674 = arith.constant 1 : index
    %swap3A_675 = vector.load %arg5[%swap3A_673, %swap3A_674] : memref<256x8xi32, #tpu.memory_space<vmem>>, vector<64x1xi32>
    tpu.vector_store %arg5[%swap3A_673, %swap3A_674], %add3A_672 {strides = array<i32>} : memref<256x8xi32, #tpu.memory_space<vmem>>, vector<64x1xi32>,
    %slice3A_676 = vector.extract_strided_slice %broadcast_in_dim3A_447 {offsets = [128, 0], sizes = [64, 1], strides = [1, 1]} : vector<256x1xf32> to vector<64x1xf32>
    %slice3A_677 = vector.extract_strided_slice %dot_general3A_454 {offsets = [128, 0], sizes = [64, 128], strides = [1, 1]} : vector<256x1024xf32> to vector<64x128xf32>
    %sub3A_678 = vector.broadcast %slice3A_676 : vector<64x1xf32> to vector<64x128xf32>
    %sub3A_679 = arith.subf %sub3A_678, %slice3A_677 : vector<64x128xf32>
    %slice3A_680 = vector.extract_strided_slice %get3A_459 {offsets = [0, 0], sizes = [1, 128], strides = [1, 1]} : vector<1x1024xf32> to vector<1x128xf32>
    %add3A_681 = vector.broadcast %slice3A_680 : vector<1x128xf32> to vector<64x128xf32>
    %add3A_682 = arith.addf %sub3A_679, %add3A_681 : vector<64x128xf32>
    %broadcast_in_dim3A_683 = arith.constant 0.000000e+00 : f32
    %broadcast_in_dim3A_684 = vector.broadcast %broadcast_in_dim3A_683 : f32 to vector<64x128xf32>
    %slice3A_685 = vector.extract_strided_slice %dot_general3A_454 {offsets = [128, 128], sizes = [64, 128], strides = [1, 1]} : vector<256x1024xf32> to vector<64x128xf32>
    %sub3A_686 = vector.broadcast %slice3A_676 : vector<64x1xf32> to vector<64x128xf32>
    %sub3A_687 = arith.subf %sub3A_686, %slice3A_685 : vector<64x128xf32>
    %slice3A_688 = vector.extract_strided_slice %get3A_459 {offsets = [0, 128], sizes = [1, 128], strides = [1, 1]} : vector<1x1024xf32> to vector<1x128xf32>
    %add3A_689 = vector.broadcast %slice3A_688 : vector<1x128xf32> to vector<64x128xf32>
    %add3A_690 = arith.addf %sub3A_687, %add3A_689 : vector<64x128xf32>
    %lt3A_691 = arith.cmpf olt, %add3A_690, %add3A_682 : vector<64x128xf32>
    %select_n3A_692 = arith.select %lt3A_691, %add3A_690, %add3A_682 : vector<64x128xi1>, vector<64x128xf32>
    %jit3A_693 = arith.constant 1.000000e+00 : f32
    %broadcast_in_dim3A_694 = vector.broadcast %jit3A_693 : f32 to vector<64x128xf32>
    %select_n3A_695 = arith.select %lt3A_691, %broadcast_in_dim3A_694, %broadcast_in_dim3A_684 : vector<64x128xi1>, vector<64x128xf32>
    %slice3A_696 = vector.extract_strided_slice %dot_general3A_454 {offsets = [128, 256], sizes = [64, 128], strides = [1, 1]} : vector<256x1024xf32> to vector<64x128xf32>
    %sub3A_697 = vector.broadcast %slice3A_676 : vector<64x1xf32> to vector<64x128xf32>
    %sub3A_698 = arith.subf %sub3A_697, %slice3A_696 : vector<64x128xf32>
    %slice3A_699 = vector.extract_strided_slice %get3A_459 {offsets = [0, 256], sizes = [1, 128], strides = [1, 1]} : vector<1x1024xf32> to vector<1x128xf32>
    %add3A_700 = vector.broadcast %slice3A_699 : vector<1x128xf32> to vector<64x128xf32>
    %add3A_701 = arith.addf %sub3A_698, %add3A_700 : vector<64x128xf32>
    %lt3A_702 = arith.cmpf olt, %add3A_701, %select_n3A_692 : vector<64x128xf32>
    %select_n3A_703 = arith.select %lt3A_702, %add3A_701, %select_n3A_692 : vector<64x128xi1>, vector<64x128xf32>
    %jit3A_704 = arith.constant 2.000000e+00 : f32
    %broadcast_in_dim3A_705 = vector.broadcast %jit3A_704 : f32 to vector<64x128xf32>
    %select_n3A_706 = arith.select %lt3A_702, %broadcast_in_dim3A_705, %select_n3A_695 : vector<64x128xi1>, vector<64x128xf32>
    %slice3A_707 = vector.extract_strided_slice %dot_general3A_454 {offsets = [128, 384], sizes = [64, 128], strides = [1, 1]} : vector<256x1024xf32> to vector<64x128xf32>
    %sub3A_708 = vector.broadcast %slice3A_676 : vector<64x1xf32> to vector<64x128xf32>
    %sub3A_709 = arith.subf %sub3A_708, %slice3A_707 : vector<64x128xf32>
    %slice3A_710 = vector.extract_strided_slice %get3A_459 {offsets = [0, 384], sizes = [1, 128], strides = [1, 1]} : vector<1x1024xf32> to vector<1x128xf32>
    %add3A_711 = vector.broadcast %slice3A_710 : vector<1x128xf32> to vector<64x128xf32>
    %add3A_712 = arith.addf %sub3A_709, %add3A_711 : vector<64x128xf32>
    %lt3A_713 = arith.cmpf olt, %add3A_712, %select_n3A_703 : vector<64x128xf32>
    %select_n3A_714 = arith.select %lt3A_713, %add3A_712, %select_n3A_703 : vector<64x128xi1>, vector<64x128xf32>
    %jit3A_715 = arith.constant 3.000000e+00 : f32
    %broadcast_in_dim3A_716 = vector.broadcast %jit3A_715 : f32 to vector<64x128xf32>
    %select_n3A_717 = arith.select %lt3A_713, %broadcast_in_dim3A_716, %select_n3A_706 : vector<64x128xi1>, vector<64x128xf32>
    %slice3A_718 = vector.extract_strided_slice %dot_general3A_454 {offsets = [128, 512], sizes = [64, 128], strides = [1, 1]} : vector<256x1024xf32> to vector<64x128xf32>
    %sub3A_719 = vector.broadcast %slice3A_676 : vector<64x1xf32> to vector<64x128xf32>
    %sub3A_720 = arith.subf %sub3A_719, %slice3A_718 : vector<64x128xf32>
    %slice3A_721 = vector.extract_strided_slice %get3A_459 {offsets = [0, 512], sizes = [1, 128], strides = [1, 1]} : vector<1x1024xf32> to vector<1x128xf32>
    %add3A_722 = vector.broadcast %slice3A_721 : vector<1x128xf32> to vector<64x128xf32>
    %add3A_723 = arith.addf %sub3A_720, %add3A_722 : vector<64x128xf32>
    %lt3A_724 = arith.cmpf olt, %add3A_723, %select_n3A_714 : vector<64x128xf32>
    %select_n3A_725 = arith.select %lt3A_724, %add3A_723, %select_n3A_714 : vector<64x128xi1>, vector<64x128xf32>
    %jit3A_726 = arith.constant 4.000000e+00 : f32
    %broadcast_in_dim3A_727 = vector.broadcast %jit3A_726 : f32 to vector<64x128xf32>
    %select_n3A_728 = arith.select %lt3A_724, %broadcast_in_dim3A_727, %select_n3A_717 : vector<64x128xi1>, vector<64x128xf32>
    %slice3A_729 = vector.extract_strided_slice %dot_general3A_454 {offsets = [128, 640], sizes = [64, 128], strides = [1, 1]} : vector<256x1024xf32> to vector<64x128xf32>
    %sub3A_730 = vector.broadcast %slice3A_676 : vector<64x1xf32> to vector<64x128xf32>
    %sub3A_731 = arith.subf %sub3A_730, %slice3A_729 : vector<64x128xf32>
    %slice3A_732 = vector.extract_strided_slice %get3A_459 {offsets = [0, 640], sizes = [1, 128], strides = [1, 1]} : vector<1x1024xf32> to vector<1x128xf32>
    %add3A_733 = vector.broadcast %slice3A_732 : vector<1x128xf32> to vector<64x128xf32>
    %add3A_734 = arith.addf %sub3A_731, %add3A_733 : vector<64x128xf32>
    %lt3A_735 = arith.cmpf olt, %add3A_734, %select_n3A_725 : vector<64x128xf32>
    %select_n3A_736 = arith.select %lt3A_735, %add3A_734, %select_n3A_725 : vector<64x128xi1>, vector<64x128xf32>
    %jit3A_737 = arith.constant 5.000000e+00 : f32
    %broadcast_in_dim3A_738 = vector.broadcast %jit3A_737 : f32 to vector<64x128xf32>
    %select_n3A_739 = arith.select %lt3A_735, %broadcast_in_dim3A_738, %select_n3A_728 : vector<64x128xi1>, vector<64x128xf32>
    %slice3A_740 = vector.extract_strided_slice %dot_general3A_454 {offsets = [128, 768], sizes = [64, 128], strides = [1, 1]} : vector<256x1024xf32> to vector<64x128xf32>
    %sub3A_741 = vector.broadcast %slice3A_676 : vector<64x1xf32> to vector<64x128xf32>
    %sub3A_742 = arith.subf %sub3A_741, %slice3A_740 : vector<64x128xf32>
    %slice3A_743 = vector.extract_strided_slice %get3A_459 {offsets = [0, 768], sizes = [1, 128], strides = [1, 1]} : vector<1x1024xf32> to vector<1x128xf32>
    %add3A_744 = vector.broadcast %slice3A_743 : vector<1x128xf32> to vector<64x128xf32>
    %add3A_745 = arith.addf %sub3A_742, %add3A_744 : vector<64x128xf32>
    %lt3A_746 = arith.cmpf olt, %add3A_745, %select_n3A_736 : vector<64x128xf32>
    %select_n3A_747 = arith.select %lt3A_746, %add3A_745, %select_n3A_736 : vector<64x128xi1>, vector<64x128xf32>
    %jit3A_748 = arith.constant 6.000000e+00 : f32
    %broadcast_in_dim3A_749 = vector.broadcast %jit3A_748 : f32 to vector<64x128xf32>
    %select_n3A_750 = arith.select %lt3A_746, %broadcast_in_dim3A_749, %select_n3A_739 : vector<64x128xi1>, vector<64x128xf32>
    %slice3A_751 = vector.extract_strided_slice %dot_general3A_454 {offsets = [128, 896], sizes = [64, 128], strides = [1, 1]} : vector<256x1024xf32> to vector<64x128xf32>
    %sub3A_752 = vector.broadcast %slice3A_676 : vector<64x1xf32> to vector<64x128xf32>
    %sub3A_753 = arith.subf %sub3A_752, %slice3A_751 : vector<64x128xf32>
    %slice3A_754 = vector.extract_strided_slice %get3A_459 {offsets = [0, 896], sizes = [1, 128], strides = [1, 1]} : vector<1x1024xf32> to vector<1x128xf32>
    %add3A_755 = vector.broadcast %slice3A_754 : vector<1x128xf32> to vector<64x128xf32>
    %add3A_756 = arith.addf %sub3A_753, %add3A_755 : vector<64x128xf32>
    %lt3A_757 = arith.cmpf olt, %add3A_756, %select_n3A_747 : vector<64x128xf32>
    %select_n3A_758 = arith.select %lt3A_757, %add3A_756, %select_n3A_747 : vector<64x128xi1>, vector<64x128xf32>
    %jit3A_759 = arith.constant 7.000000e+00 : f32
    %broadcast_in_dim3A_760 = vector.broadcast %jit3A_759 : f32 to vector<64x128xf32>
    %select_n3A_761 = arith.select %lt3A_757, %broadcast_in_dim3A_760, %select_n3A_750 : vector<64x128xi1>, vector<64x128xf32>
    %reduce_min3A_762 = arith.constant dense<0x7F800000> : vector<64xf32>
    %reduce_min3A_763 = vector.multi_reduction <minimumf>, %select_n3A_758, %reduce_min3A_762 [1] : vector<64x128xf32> to vector<64xf32>
    %broadcast_in_dim3A_764 = vector.shape_cast %reduce_min3A_763 : vector<64xf32> to vector<64x1xf32>
    %eq3A_765 = vector.broadcast %broadcast_in_dim3A_764 : vector<64x1xf32> to vector<64x128xf32>
    %eq3A_766 = arith.cmpf oeq, %select_n3A_758, %eq3A_765 : vector<64x128xf32>
    %mul3A_767 = arith.constant 1.280000e+02 : f32
    %mul3A_768 = vector.broadcast %mul3A_767 : f32 to vector<64x128xf32>
    %mul3A_769 = arith.mulf %select_n3A_761, %mul3A_768 : vector<64x128xf32>
    %add3A_770 = arith.addf %mul3A_769, %convert_element_type3A : vector<64x128xf32>
    %jit3A_771 = arith.constant 1.024000e+03 : f32
    %broadcast_in_dim3A_772 = vector.broadcast %jit3A_771 : f32 to vector<64x128xf32>
    %select_n3A_773 = arith.select %eq3A_766, %add3A_770, %broadcast_in_dim3A_772 : vector<64x128xi1>, vector<64x128xf32>
    %reduce_min3A_774 = arith.constant dense<0x7F800000> : vector<64xf32>
    %reduce_min3A_775 = vector.multi_reduction <minimumf>, %select_n3A_773, %reduce_min3A_774 [1] : vector<64x128xf32> to vector<64xf32>
    %broadcast_in_dim3A_776 = vector.shape_cast %reduce_min3A_775 : vector<64xf32> to vector<64x1xf32>
    %convert_element_type3A_777 = arith.fptosi %broadcast_in_dim3A_776 : vector<64x1xf32> to vector<64x1xi32>
    %add3A_778 = arith.constant 1024 : i32
    %add3A_779 = vector.broadcast %add3A_778 : i32 to vector<64x1xi32>
    %add3A_780 = arith.addi %convert_element_type3A_777, %add3A_779 : vector<64x1xi32>
    %swap3A_781 = arith.constant 128 : index
    %swap3A_782 = arith.constant 1 : index
    %swap3A_783 = vector.load %arg5[%swap3A_781, %swap3A_782] : memref<256x8xi32, #tpu.memory_space<vmem>>, vector<64x1xi32>
    tpu.vector_store %arg5[%swap3A_781, %swap3A_782], %add3A_780 {strides = array<i32>} : memref<256x8xi32, #tpu.memory_space<vmem>>, vector<64x1xi32>,
    %slice3A_784 = vector.extract_strided_slice %broadcast_in_dim3A_447 {offsets = [192, 0], sizes = [64, 1], strides = [1, 1]} : vector<256x1xf32> to vector<64x1xf32>
    %slice3A_785 = vector.extract_strided_slice %dot_general3A_454 {offsets = [192, 0], sizes = [64, 128], strides = [1, 1]} : vector<256x1024xf32> to vector<64x128xf32>
    %sub3A_786 = vector.broadcast %slice3A_784 : vector<64x1xf32> to vector<64x128xf32>
    %sub3A_787 = arith.subf %sub3A_786, %slice3A_785 : vector<64x128xf32>
    %slice3A_788 = vector.extract_strided_slice %get3A_459 {offsets = [0, 0], sizes = [1, 128], strides = [1, 1]} : vector<1x1024xf32> to vector<1x128xf32>
    %add3A_789 = vector.broadcast %slice3A_788 : vector<1x128xf32> to vector<64x128xf32>
    %add3A_790 = arith.addf %sub3A_787, %add3A_789 : vector<64x128xf32>
    %broadcast_in_dim3A_791 = arith.constant 0.000000e+00 : f32
    %broadcast_in_dim3A_792 = vector.broadcast %broadcast_in_dim3A_791 : f32 to vector<64x128xf32>
    %slice3A_793 = vector.extract_strided_slice %dot_general3A_454 {offsets = [192, 128], sizes = [64, 128], strides = [1, 1]} : vector<256x1024xf32> to vector<64x128xf32>
    %sub3A_794 = vector.broadcast %slice3A_784 : vector<64x1xf32> to vector<64x128xf32>
    %sub3A_795 = arith.subf %sub3A_794, %slice3A_793 : vector<64x128xf32>
    %slice3A_796 = vector.extract_strided_slice %get3A_459 {offsets = [0, 128], sizes = [1, 128], strides = [1, 1]} : vector<1x1024xf32> to vector<1x128xf32>
    %add3A_797 = vector.broadcast %slice3A_796 : vector<1x128xf32> to vector<64x128xf32>
    %add3A_798 = arith.addf %sub3A_795, %add3A_797 : vector<64x128xf32>
    %lt3A_799 = arith.cmpf olt, %add3A_798, %add3A_790 : vector<64x128xf32>
    %select_n3A_800 = arith.select %lt3A_799, %add3A_798, %add3A_790 : vector<64x128xi1>, vector<64x128xf32>
    %jit3A_801 = arith.constant 1.000000e+00 : f32
    %broadcast_in_dim3A_802 = vector.broadcast %jit3A_801 : f32 to vector<64x128xf32>
    %select_n3A_803 = arith.select %lt3A_799, %broadcast_in_dim3A_802, %broadcast_in_dim3A_792 : vector<64x128xi1>, vector<64x128xf32>
    %slice3A_804 = vector.extract_strided_slice %dot_general3A_454 {offsets = [192, 256], sizes = [64, 128], strides = [1, 1]} : vector<256x1024xf32> to vector<64x128xf32>
    %sub3A_805 = vector.broadcast %slice3A_784 : vector<64x1xf32> to vector<64x128xf32>
    %sub3A_806 = arith.subf %sub3A_805, %slice3A_804 : vector<64x128xf32>
    %slice3A_807 = vector.extract_strided_slice %get3A_459 {offsets = [0, 256], sizes = [1, 128], strides = [1, 1]} : vector<1x1024xf32> to vector<1x128xf32>
    %add3A_808 = vector.broadcast %slice3A_807 : vector<1x128xf32> to vector<64x128xf32>
    %add3A_809 = arith.addf %sub3A_806, %add3A_808 : vector<64x128xf32>
    %lt3A_810 = arith.cmpf olt, %add3A_809, %select_n3A_800 : vector<64x128xf32>
    %select_n3A_811 = arith.select %lt3A_810, %add3A_809, %select_n3A_800 : vector<64x128xi1>, vector<64x128xf32>
    %jit3A_812 = arith.constant 2.000000e+00 : f32
    %broadcast_in_dim3A_813 = vector.broadcast %jit3A_812 : f32 to vector<64x128xf32>
    %select_n3A_814 = arith.select %lt3A_810, %broadcast_in_dim3A_813, %select_n3A_803 : vector<64x128xi1>, vector<64x128xf32>
    %slice3A_815 = vector.extract_strided_slice %dot_general3A_454 {offsets = [192, 384], sizes = [64, 128], strides = [1, 1]} : vector<256x1024xf32> to vector<64x128xf32>
    %sub3A_816 = vector.broadcast %slice3A_784 : vector<64x1xf32> to vector<64x128xf32>
    %sub3A_817 = arith.subf %sub3A_816, %slice3A_815 : vector<64x128xf32>
    %slice3A_818 = vector.extract_strided_slice %get3A_459 {offsets = [0, 384], sizes = [1, 128], strides = [1, 1]} : vector<1x1024xf32> to vector<1x128xf32>
    %add3A_819 = vector.broadcast %slice3A_818 : vector<1x128xf32> to vector<64x128xf32>
    %add3A_820 = arith.addf %sub3A_817, %add3A_819 : vector<64x128xf32>
    %lt3A_821 = arith.cmpf olt, %add3A_820, %select_n3A_811 : vector<64x128xf32>
    %select_n3A_822 = arith.select %lt3A_821, %add3A_820, %select_n3A_811 : vector<64x128xi1>, vector<64x128xf32>
    %jit3A_823 = arith.constant 3.000000e+00 : f32
    %broadcast_in_dim3A_824 = vector.broadcast %jit3A_823 : f32 to vector<64x128xf32>
    %select_n3A_825 = arith.select %lt3A_821, %broadcast_in_dim3A_824, %select_n3A_814 : vector<64x128xi1>, vector<64x128xf32>
    %slice3A_826 = vector.extract_strided_slice %dot_general3A_454 {offsets = [192, 512], sizes = [64, 128], strides = [1, 1]} : vector<256x1024xf32> to vector<64x128xf32>
    %sub3A_827 = vector.broadcast %slice3A_784 : vector<64x1xf32> to vector<64x128xf32>
    %sub3A_828 = arith.subf %sub3A_827, %slice3A_826 : vector<64x128xf32>
    %slice3A_829 = vector.extract_strided_slice %get3A_459 {offsets = [0, 512], sizes = [1, 128], strides = [1, 1]} : vector<1x1024xf32> to vector<1x128xf32>
    %add3A_830 = vector.broadcast %slice3A_829 : vector<1x128xf32> to vector<64x128xf32>
    %add3A_831 = arith.addf %sub3A_828, %add3A_830 : vector<64x128xf32>
    %lt3A_832 = arith.cmpf olt, %add3A_831, %select_n3A_822 : vector<64x128xf32>
    %select_n3A_833 = arith.select %lt3A_832, %add3A_831, %select_n3A_822 : vector<64x128xi1>, vector<64x128xf32>
    %jit3A_834 = arith.constant 4.000000e+00 : f32
    %broadcast_in_dim3A_835 = vector.broadcast %jit3A_834 : f32 to vector<64x128xf32>
    %select_n3A_836 = arith.select %lt3A_832, %broadcast_in_dim3A_835, %select_n3A_825 : vector<64x128xi1>, vector<64x128xf32>
    %slice3A_837 = vector.extract_strided_slice %dot_general3A_454 {offsets = [192, 640], sizes = [64, 128], strides = [1, 1]} : vector<256x1024xf32> to vector<64x128xf32>
    %sub3A_838 = vector.broadcast %slice3A_784 : vector<64x1xf32> to vector<64x128xf32>
    %sub3A_839 = arith.subf %sub3A_838, %slice3A_837 : vector<64x128xf32>
    %slice3A_840 = vector.extract_strided_slice %get3A_459 {offsets = [0, 640], sizes = [1, 128], strides = [1, 1]} : vector<1x1024xf32> to vector<1x128xf32>
    %add3A_841 = vector.broadcast %slice3A_840 : vector<1x128xf32> to vector<64x128xf32>
    %add3A_842 = arith.addf %sub3A_839, %add3A_841 : vector<64x128xf32>
    %lt3A_843 = arith.cmpf olt, %add3A_842, %select_n3A_833 : vector<64x128xf32>
    %select_n3A_844 = arith.select %lt3A_843, %add3A_842, %select_n3A_833 : vector<64x128xi1>, vector<64x128xf32>
    %jit3A_845 = arith.constant 5.000000e+00 : f32
    %broadcast_in_dim3A_846 = vector.broadcast %jit3A_845 : f32 to vector<64x128xf32>
    %select_n3A_847 = arith.select %lt3A_843, %broadcast_in_dim3A_846, %select_n3A_836 : vector<64x128xi1>, vector<64x128xf32>
    %slice3A_848 = vector.extract_strided_slice %dot_general3A_454 {offsets = [192, 768], sizes = [64, 128], strides = [1, 1]} : vector<256x1024xf32> to vector<64x128xf32>
    %sub3A_849 = vector.broadcast %slice3A_784 : vector<64x1xf32> to vector<64x128xf32>
    %sub3A_850 = arith.subf %sub3A_849, %slice3A_848 : vector<64x128xf32>
    %slice3A_851 = vector.extract_strided_slice %get3A_459 {offsets = [0, 768], sizes = [1, 128], strides = [1, 1]} : vector<1x1024xf32> to vector<1x128xf32>
    %add3A_852 = vector.broadcast %slice3A_851 : vector<1x128xf32> to vector<64x128xf32>
    %add3A_853 = arith.addf %sub3A_850, %add3A_852 : vector<64x128xf32>
    %lt3A_854 = arith.cmpf olt, %add3A_853, %select_n3A_844 : vector<64x128xf32>
    %select_n3A_855 = arith.select %lt3A_854, %add3A_853, %select_n3A_844 : vector<64x128xi1>, vector<64x128xf32>
    %jit3A_856 = arith.constant 6.000000e+00 : f32
    %broadcast_in_dim3A_857 = vector.broadcast %jit3A_856 : f32 to vector<64x128xf32>
    %select_n3A_858 = arith.select %lt3A_854, %broadcast_in_dim3A_857, %select_n3A_847 : vector<64x128xi1>, vector<64x128xf32>
    %slice3A_859 = vector.extract_strided_slice %dot_general3A_454 {offsets = [192, 896], sizes = [64, 128], strides = [1, 1]} : vector<256x1024xf32> to vector<64x128xf32>
    %sub3A_860 = vector.broadcast %slice3A_784 : vector<64x1xf32> to vector<64x128xf32>
    %sub3A_861 = arith.subf %sub3A_860, %slice3A_859 : vector<64x128xf32>
    %slice3A_862 = vector.extract_strided_slice %get3A_459 {offsets = [0, 896], sizes = [1, 128], strides = [1, 1]} : vector<1x1024xf32> to vector<1x128xf32>
    %add3A_863 = vector.broadcast %slice3A_862 : vector<1x128xf32> to vector<64x128xf32>
    %add3A_864 = arith.addf %sub3A_861, %add3A_863 : vector<64x128xf32>
    %lt3A_865 = arith.cmpf olt, %add3A_864, %select_n3A_855 : vector<64x128xf32>
    %select_n3A_866 = arith.select %lt3A_865, %add3A_864, %select_n3A_855 : vector<64x128xi1>, vector<64x128xf32>
    %jit3A_867 = arith.constant 7.000000e+00 : f32
    %broadcast_in_dim3A_868 = vector.broadcast %jit3A_867 : f32 to vector<64x128xf32>
    %select_n3A_869 = arith.select %lt3A_865, %broadcast_in_dim3A_868, %select_n3A_858 : vector<64x128xi1>, vector<64x128xf32>
    %reduce_min3A_870 = arith.constant dense<0x7F800000> : vector<64xf32>
    %reduce_min3A_871 = vector.multi_reduction <minimumf>, %select_n3A_866, %reduce_min3A_870 [1] : vector<64x128xf32> to vector<64xf32>
    %broadcast_in_dim3A_872 = vector.shape_cast %reduce_min3A_871 : vector<64xf32> to vector<64x1xf32>
    %eq3A_873 = vector.broadcast %broadcast_in_dim3A_872 : vector<64x1xf32> to vector<64x128xf32>
    %eq3A_874 = arith.cmpf oeq, %select_n3A_866, %eq3A_873 : vector<64x128xf32>
    %mul3A_875 = arith.constant 1.280000e+02 : f32
    %mul3A_876 = vector.broadcast %mul3A_875 : f32 to vector<64x128xf32>
    %mul3A_877 = arith.mulf %select_n3A_869, %mul3A_876 : vector<64x128xf32>
    %add3A_878 = arith.addf %mul3A_877, %convert_element_type3A : vector<64x128xf32>
    %jit3A_879 = arith.constant 1.024000e+03 : f32
    %broadcast_in_dim3A_880 = vector.broadcast %jit3A_879 : f32 to vector<64x128xf32>
    %select_n3A_881 = arith.select %eq3A_874, %add3A_878, %broadcast_in_dim3A_880 : vector<64x128xi1>, vector<64x128xf32>
    %reduce_min3A_882 = arith.constant dense<0x7F800000> : vector<64xf32>
    %reduce_min3A_883 = vector.multi_reduction <minimumf>, %select_n3A_881, %reduce_min3A_882 [1] : vector<64x128xf32> to vector<64xf32>
    %broadcast_in_dim3A_884 = vector.shape_cast %reduce_min3A_883 : vector<64xf32> to vector<64x1xf32>
    %convert_element_type3A_885 = arith.fptosi %broadcast_in_dim3A_884 : vector<64x1xf32> to vector<64x1xi32>
    %add3A_886 = arith.constant 1024 : i32
    %add3A_887 = vector.broadcast %add3A_886 : i32 to vector<64x1xi32>
    %add3A_888 = arith.addi %convert_element_type3A_885, %add3A_887 : vector<64x1xi32>
    %swap3A_889 = arith.constant 192 : index
    %swap3A_890 = arith.constant 1 : index
    %swap3A_891 = vector.load %arg5[%swap3A_889, %swap3A_890] : memref<256x8xi32, #tpu.memory_space<vmem>>, vector<64x1xi32>
    tpu.vector_store %arg5[%swap3A_889, %swap3A_890], %add3A_888 {strides = array<i32>} : memref<256x8xi32, #tpu.memory_space<vmem>>, vector<64x1xi32>,
    %slice3A_892 = vector.extract_strided_slice %dot_general3A_5 {offsets = [0, 128], sizes = [256, 64], strides = [1, 1]} : vector<256x512xf32> to vector<256x64xf32>
    %mul3A_893 = arith.mulf %slice3A_892, %slice3A_892 : vector<256x64xf32>
    %reduce_sum3A_894 = arith.constant dense<0.000000e+00> : vector<256xf32>
    %reduce_sum3A_895 = vector.multi_reduction <add>, %mul3A_893, %reduce_sum3A_894 [1] : vector<256x64xf32> to vector<256xf32>
    %broadcast_in_dim3A_896 = vector.shape_cast %reduce_sum3A_895 : vector<256xf32> to vector<256x1xf32>
    %get3A_897 = arith.constant 2 : index
    %get3A_898 = arith.constant 0 : index
    %get3A_899 = arith.constant 0 : index
    %get3A_900 = vector.load %arg3[%get3A_897, %get3A_898, %get3A_899] : memref<8x1024x64xf32, #tpu.memory_space<vmem>>, vector<1x1024x64xf32>
    %get3A_901 = vector.shape_cast %get3A_900 : vector<1x1024x64xf32> to vector<1024x64xf32>
    %dot_general3A_902 = arith.constant dense<0.000000e+00> : vector<256x1024xf32>
    %dot_general3A_903 = tpu.matmul %slice3A_892, %get3A_901, %dot_general3A_902 {dimension_numbers = #tpu.dot_dimension_numbers<[1], [1], [0], [0], [0, 0, 1, 0], [], []>, transpose_lhs_hint = false} : vector<256x64xf32>, vector<1024x64xf32>, vector<256x1024xf32> -> vector<256x1024xf32>
    %get3A_904 = arith.constant 2 : index
    %get3A_905 = arith.constant 0 : index
    %get3A_906 = arith.constant 0 : index
    %get3A_907 = vector.load %arg4[%get3A_904, %get3A_905, %get3A_906] : memref<8x1x1024xf32, #tpu.memory_space<vmem>>, vector<1x1x1024xf32>
    %get3A_908 = vector.shape_cast %get3A_907 : vector<1x1x1024xf32> to vector<1x1024xf32>
    %slice3A_909 = vector.extract_strided_slice %broadcast_in_dim3A_896 {offsets = [0, 0], sizes = [64, 1], strides = [1, 1]} : vector<256x1xf32> to vector<64x1xf32>
    %slice3A_910 = vector.extract_strided_slice %dot_general3A_903 {offsets = [0, 0], sizes = [64, 128], strides = [1, 1]} : vector<256x1024xf32> to vector<64x128xf32>
    %sub3A_911 = vector.broadcast %slice3A_909 : vector<64x1xf32> to vector<64x128xf32>
    %sub3A_912 = arith.subf %sub3A_911, %slice3A_910 : vector<64x128xf32>
    %slice3A_913 = vector.extract_strided_slice %get3A_908 {offsets = [0, 0], sizes = [1, 128], strides = [1, 1]} : vector<1x1024xf32> to vector<1x128xf32>
    %add3A_914 = vector.broadcast %slice3A_913 : vector<1x128xf32> to vector<64x128xf32>
    %add3A_915 = arith.addf %sub3A_912, %add3A_914 : vector<64x128xf32>
    %broadcast_in_dim3A_916 = arith.constant 0.000000e+00 : f32
    %broadcast_in_dim3A_917 = vector.broadcast %broadcast_in_dim3A_916 : f32 to vector<64x128xf32>
    %slice3A_918 = vector.extract_strided_slice %dot_general3A_903 {offsets = [0, 128], sizes = [64, 128], strides = [1, 1]} : vector<256x1024xf32> to vector<64x128xf32>
    %sub3A_919 = vector.broadcast %slice3A_909 : vector<64x1xf32> to vector<64x128xf32>
    %sub3A_920 = arith.subf %sub3A_919, %slice3A_918 : vector<64x128xf32>
    %slice3A_921 = vector.extract_strided_slice %get3A_908 {offsets = [0, 128], sizes = [1, 128], strides = [1, 1]} : vector<1x1024xf32> to vector<1x128xf32>
    %add3A_922 = vector.broadcast %slice3A_921 : vector<1x128xf32> to vector<64x128xf32>
    %add3A_923 = arith.addf %sub3A_920, %add3A_922 : vector<64x128xf32>
    %lt3A_924 = arith.cmpf olt, %add3A_923, %add3A_915 : vector<64x128xf32>
    %select_n3A_925 = arith.select %lt3A_924, %add3A_923, %add3A_915 : vector<64x128xi1>, vector<64x128xf32>
    %jit3A_926 = arith.constant 1.000000e+00 : f32
    %broadcast_in_dim3A_927 = vector.broadcast %jit3A_926 : f32 to vector<64x128xf32>
    %select_n3A_928 = arith.select %lt3A_924, %broadcast_in_dim3A_927, %broadcast_in_dim3A_917 : vector<64x128xi1>, vector<64x128xf32>
    %slice3A_929 = vector.extract_strided_slice %dot_general3A_903 {offsets = [0, 256], sizes = [64, 128], strides = [1, 1]} : vector<256x1024xf32> to vector<64x128xf32>
    %sub3A_930 = vector.broadcast %slice3A_909 : vector<64x1xf32> to vector<64x128xf32>
    %sub3A_931 = arith.subf %sub3A_930, %slice3A_929 : vector<64x128xf32>
    %slice3A_932 = vector.extract_strided_slice %get3A_908 {offsets = [0, 256], sizes = [1, 128], strides = [1, 1]} : vector<1x1024xf32> to vector<1x128xf32>
    %add3A_933 = vector.broadcast %slice3A_932 : vector<1x128xf32> to vector<64x128xf32>
    %add3A_934 = arith.addf %sub3A_931, %add3A_933 : vector<64x128xf32>
    %lt3A_935 = arith.cmpf olt, %add3A_934, %select_n3A_925 : vector<64x128xf32>
    %select_n3A_936 = arith.select %lt3A_935, %add3A_934, %select_n3A_925 : vector<64x128xi1>, vector<64x128xf32>
    %jit3A_937 = arith.constant 2.000000e+00 : f32
    %broadcast_in_dim3A_938 = vector.broadcast %jit3A_937 : f32 to vector<64x128xf32>
    %select_n3A_939 = arith.select %lt3A_935, %broadcast_in_dim3A_938, %select_n3A_928 : vector<64x128xi1>, vector<64x128xf32>
    %slice3A_940 = vector.extract_strided_slice %dot_general3A_903 {offsets = [0, 384], sizes = [64, 128], strides = [1, 1]} : vector<256x1024xf32> to vector<64x128xf32>
    %sub3A_941 = vector.broadcast %slice3A_909 : vector<64x1xf32> to vector<64x128xf32>
    %sub3A_942 = arith.subf %sub3A_941, %slice3A_940 : vector<64x128xf32>
    %slice3A_943 = vector.extract_strided_slice %get3A_908 {offsets = [0, 384], sizes = [1, 128], strides = [1, 1]} : vector<1x1024xf32> to vector<1x128xf32>
    %add3A_944 = vector.broadcast %slice3A_943 : vector<1x128xf32> to vector<64x128xf32>
    %add3A_945 = arith.addf %sub3A_942, %add3A_944 : vector<64x128xf32>
    %lt3A_946 = arith.cmpf olt, %add3A_945, %select_n3A_936 : vector<64x128xf32>
    %select_n3A_947 = arith.select %lt3A_946, %add3A_945, %select_n3A_936 : vector<64x128xi1>, vector<64x128xf32>
    %jit3A_948 = arith.constant 3.000000e+00 : f32
    %broadcast_in_dim3A_949 = vector.broadcast %jit3A_948 : f32 to vector<64x128xf32>
    %select_n3A_950 = arith.select %lt3A_946, %broadcast_in_dim3A_949, %select_n3A_939 : vector<64x128xi1>, vector<64x128xf32>
    %slice3A_951 = vector.extract_strided_slice %dot_general3A_903 {offsets = [0, 512], sizes = [64, 128], strides = [1, 1]} : vector<256x1024xf32> to vector<64x128xf32>
    %sub3A_952 = vector.broadcast %slice3A_909 : vector<64x1xf32> to vector<64x128xf32>
    %sub3A_953 = arith.subf %sub3A_952, %slice3A_951 : vector<64x128xf32>
    %slice3A_954 = vector.extract_strided_slice %get3A_908 {offsets = [0, 512], sizes = [1, 128], strides = [1, 1]} : vector<1x1024xf32> to vector<1x128xf32>
    %add3A_955 = vector.broadcast %slice3A_954 : vector<1x128xf32> to vector<64x128xf32>
    %add3A_956 = arith.addf %sub3A_953, %add3A_955 : vector<64x128xf32>
    %lt3A_957 = arith.cmpf olt, %add3A_956, %select_n3A_947 : vector<64x128xf32>
    %select_n3A_958 = arith.select %lt3A_957, %add3A_956, %select_n3A_947 : vector<64x128xi1>, vector<64x128xf32>
    %jit3A_959 = arith.constant 4.000000e+00 : f32
    %broadcast_in_dim3A_960 = vector.broadcast %jit3A_959 : f32 to vector<64x128xf32>
    %select_n3A_961 = arith.select %lt3A_957, %broadcast_in_dim3A_960, %select_n3A_950 : vector<64x128xi1>, vector<64x128xf32>
    %slice3A_962 = vector.extract_strided_slice %dot_general3A_903 {offsets = [0, 640], sizes = [64, 128], strides = [1, 1]} : vector<256x1024xf32> to vector<64x128xf32>
    %sub3A_963 = vector.broadcast %slice3A_909 : vector<64x1xf32> to vector<64x128xf32>
    %sub3A_964 = arith.subf %sub3A_963, %slice3A_962 : vector<64x128xf32>
    %slice3A_965 = vector.extract_strided_slice %get3A_908 {offsets = [0, 640], sizes = [1, 128], strides = [1, 1]} : vector<1x1024xf32> to vector<1x128xf32>
    %add3A_966 = vector.broadcast %slice3A_965 : vector<1x128xf32> to vector<64x128xf32>
    %add3A_967 = arith.addf %sub3A_964, %add3A_966 : vector<64x128xf32>
    %lt3A_968 = arith.cmpf olt, %add3A_967, %select_n3A_958 : vector<64x128xf32>
    %select_n3A_969 = arith.select %lt3A_968, %add3A_967, %select_n3A_958 : vector<64x128xi1>, vector<64x128xf32>
    %jit3A_970 = arith.constant 5.000000e+00 : f32
    %broadcast_in_dim3A_971 = vector.broadcast %jit3A_970 : f32 to vector<64x128xf32>
    %select_n3A_972 = arith.select %lt3A_968, %broadcast_in_dim3A_971, %select_n3A_961 : vector<64x128xi1>, vector<64x128xf32>
    %slice3A_973 = vector.extract_strided_slice %dot_general3A_903 {offsets = [0, 768], sizes = [64, 128], strides = [1, 1]} : vector<256x1024xf32> to vector<64x128xf32>
    %sub3A_974 = vector.broadcast %slice3A_909 : vector<64x1xf32> to vector<64x128xf32>
    %sub3A_975 = arith.subf %sub3A_974, %slice3A_973 : vector<64x128xf32>
    %slice3A_976 = vector.extract_strided_slice %get3A_908 {offsets = [0, 768], sizes = [1, 128], strides = [1, 1]} : vector<1x1024xf32> to vector<1x128xf32>
    %add3A_977 = vector.broadcast %slice3A_976 : vector<1x128xf32> to vector<64x128xf32>
    %add3A_978 = arith.addf %sub3A_975, %add3A_977 : vector<64x128xf32>
    %lt3A_979 = arith.cmpf olt, %add3A_978, %select_n3A_969 : vector<64x128xf32>
    %select_n3A_980 = arith.select %lt3A_979, %add3A_978, %select_n3A_969 : vector<64x128xi1>, vector<64x128xf32>
    %jit3A_981 = arith.constant 6.000000e+00 : f32
    %broadcast_in_dim3A_982 = vector.broadcast %jit3A_981 : f32 to vector<64x128xf32>
    %select_n3A_983 = arith.select %lt3A_979, %broadcast_in_dim3A_982, %select_n3A_972 : vector<64x128xi1>, vector<64x128xf32>
    %slice3A_984 = vector.extract_strided_slice %dot_general3A_903 {offsets = [0, 896], sizes = [64, 128], strides = [1, 1]} : vector<256x1024xf32> to vector<64x128xf32>
    %sub3A_985 = vector.broadcast %slice3A_909 : vector<64x1xf32> to vector<64x128xf32>
    %sub3A_986 = arith.subf %sub3A_985, %slice3A_984 : vector<64x128xf32>
    %slice3A_987 = vector.extract_strided_slice %get3A_908 {offsets = [0, 896], sizes = [1, 128], strides = [1, 1]} : vector<1x1024xf32> to vector<1x128xf32>
    %add3A_988 = vector.broadcast %slice3A_987 : vector<1x128xf32> to vector<64x128xf32>
    %add3A_989 = arith.addf %sub3A_986, %add3A_988 : vector<64x128xf32>
    %lt3A_990 = arith.cmpf olt, %add3A_989, %select_n3A_980 : vector<64x128xf32>
    %select_n3A_991 = arith.select %lt3A_990, %add3A_989, %select_n3A_980 : vector<64x128xi1>, vector<64x128xf32>
    %jit3A_992 = arith.constant 7.000000e+00 : f32
    %broadcast_in_dim3A_993 = vector.broadcast %jit3A_992 : f32 to vector<64x128xf32>
    %select_n3A_994 = arith.select %lt3A_990, %broadcast_in_dim3A_993, %select_n3A_983 : vector<64x128xi1>, vector<64x128xf32>
    %reduce_min3A_995 = arith.constant dense<0x7F800000> : vector<64xf32>
    %reduce_min3A_996 = vector.multi_reduction <minimumf>, %select_n3A_991, %reduce_min3A_995 [1] : vector<64x128xf32> to vector<64xf32>
    %broadcast_in_dim3A_997 = vector.shape_cast %reduce_min3A_996 : vector<64xf32> to vector<64x1xf32>
    %eq3A_998 = vector.broadcast %broadcast_in_dim3A_997 : vector<64x1xf32> to vector<64x128xf32>
    %eq3A_999 = arith.cmpf oeq, %select_n3A_991, %eq3A_998 : vector<64x128xf32>
    %mul3A_1000 = arith.constant 1.280000e+02 : f32
    %mul3A_1001 = vector.broadcast %mul3A_1000 : f32 to vector<64x128xf32>
    %mul3A_1002 = arith.mulf %select_n3A_994, %mul3A_1001 : vector<64x128xf32>
    %add3A_1003 = arith.addf %mul3A_1002, %convert_element_type3A : vector<64x128xf32>
    %jit3A_1004 = arith.constant 1.024000e+03 : f32
    %broadcast_in_dim3A_1005 = vector.broadcast %jit3A_1004 : f32 to vector<64x128xf32>
    %select_n3A_1006 = arith.select %eq3A_999, %add3A_1003, %broadcast_in_dim3A_1005 : vector<64x128xi1>, vector<64x128xf32>
    %reduce_min3A_1007 = arith.constant dense<0x7F800000> : vector<64xf32>
    %reduce_min3A_1008 = vector.multi_reduction <minimumf>, %select_n3A_1006, %reduce_min3A_1007 [1] : vector<64x128xf32> to vector<64xf32>
    %broadcast_in_dim3A_1009 = vector.shape_cast %reduce_min3A_1008 : vector<64xf32> to vector<64x1xf32>
    %convert_element_type3A_1010 = arith.fptosi %broadcast_in_dim3A_1009 : vector<64x1xf32> to vector<64x1xi32>
    %add3A_1011 = arith.constant 2048 : i32
    %add3A_1012 = vector.broadcast %add3A_1011 : i32 to vector<64x1xi32>
    %add3A_1013 = arith.addi %convert_element_type3A_1010, %add3A_1012 : vector<64x1xi32>
    %swap3A_1014 = arith.constant 0 : index
    %swap3A_1015 = arith.constant 2 : index
    %swap3A_1016 = vector.load %arg5[%swap3A_1014, %swap3A_1015] : memref<256x8xi32, #tpu.memory_space<vmem>>, vector<64x1xi32>
    tpu.vector_store %arg5[%swap3A_1014, %swap3A_1015], %add3A_1013 {strides = array<i32>} : memref<256x8xi32, #tpu.memory_space<vmem>>, vector<64x1xi32>,
    %slice3A_1017 = vector.extract_strided_slice %broadcast_in_dim3A_896 {offsets = [64, 0], sizes = [64, 1], strides = [1, 1]} : vector<256x1xf32> to vector<64x1xf32>
    %slice3A_1018 = vector.extract_strided_slice %dot_general3A_903 {offsets = [64, 0], sizes = [64, 128], strides = [1, 1]} : vector<256x1024xf32> to vector<64x128xf32>
    %sub3A_1019 = vector.broadcast %slice3A_1017 : vector<64x1xf32> to vector<64x128xf32>
    %sub3A_1020 = arith.subf %sub3A_1019, %slice3A_1018 : vector<64x128xf32>
    %slice3A_1021 = vector.extract_strided_slice %get3A_908 {offsets = [0, 0], sizes = [1, 128], strides = [1, 1]} : vector<1x1024xf32> to vector<1x128xf32>
    %add3A_1022 = vector.broadcast %slice3A_1021 : vector<1x128xf32> to vector<64x128xf32>
    %add3A_1023 = arith.addf %sub3A_1020, %add3A_1022 : vector<64x128xf32>
    %broadcast_in_dim3A_1024 = arith.constant 0.000000e+00 : f32
    %broadcast_in_dim3A_1025 = vector.broadcast %broadcast_in_dim3A_1024 : f32 to vector<64x128xf32>
    %slice3A_1026 = vector.extract_strided_slice %dot_general3A_903 {offsets = [64, 128], sizes = [64, 128], strides = [1, 1]} : vector<256x1024xf32> to vector<64x128xf32>
    %sub3A_1027 = vector.broadcast %slice3A_1017 : vector<64x1xf32> to vector<64x128xf32>
    %sub3A_1028 = arith.subf %sub3A_1027, %slice3A_1026 : vector<64x128xf32>
    %slice3A_1029 = vector.extract_strided_slice %get3A_908 {offsets = [0, 128], sizes = [1, 128], strides = [1, 1]} : vector<1x1024xf32> to vector<1x128xf32>
    %add3A_1030 = vector.broadcast %slice3A_1029 : vector<1x128xf32> to vector<64x128xf32>
    %add3A_1031 = arith.addf %sub3A_1028, %add3A_1030 : vector<64x128xf32>
    %lt3A_1032 = arith.cmpf olt, %add3A_1031, %add3A_1023 : vector<64x128xf32>
    %select_n3A_1033 = arith.select %lt3A_1032, %add3A_1031, %add3A_1023 : vector<64x128xi1>, vector<64x128xf32>
    %jit3A_1034 = arith.constant 1.000000e+00 : f32
    %broadcast_in_dim3A_1035 = vector.broadcast %jit3A_1034 : f32 to vector<64x128xf32>
    %select_n3A_1036 = arith.select %lt3A_1032, %broadcast_in_dim3A_1035, %broadcast_in_dim3A_1025 : vector<64x128xi1>, vector<64x128xf32>
    %slice3A_1037 = vector.extract_strided_slice %dot_general3A_903 {offsets = [64, 256], sizes = [64, 128], strides = [1, 1]} : vector<256x1024xf32> to vector<64x128xf32>
    %sub3A_1038 = vector.broadcast %slice3A_1017 : vector<64x1xf32> to vector<64x128xf32>
    %sub3A_1039 = arith.subf %sub3A_1038, %slice3A_1037 : vector<64x128xf32>
    %slice3A_1040 = vector.extract_strided_slice %get3A_908 {offsets = [0, 256], sizes = [1, 128], strides = [1, 1]} : vector<1x1024xf32> to vector<1x128xf32>
    %add3A_1041 = vector.broadcast %slice3A_1040 : vector<1x128xf32> to vector<64x128xf32>
    %add3A_1042 = arith.addf %sub3A_1039, %add3A_1041 : vector<64x128xf32>
    %lt3A_1043 = arith.cmpf olt, %add3A_1042, %select_n3A_1033 : vector<64x128xf32>
    %select_n3A_1044 = arith.select %lt3A_1043, %add3A_1042, %select_n3A_1033 : vector<64x128xi1>, vector<64x128xf32>
    %jit3A_1045 = arith.constant 2.000000e+00 : f32
    %broadcast_in_dim3A_1046 = vector.broadcast %jit3A_1045 : f32 to vector<64x128xf32>
    %select_n3A_1047 = arith.select %lt3A_1043, %broadcast_in_dim3A_1046, %select_n3A_1036 : vector<64x128xi1>, vector<64x128xf32>
    %slice3A_1048 = vector.extract_strided_slice %dot_general3A_903 {offsets = [64, 384], sizes = [64, 128], strides = [1, 1]} : vector<256x1024xf32> to vector<64x128xf32>
    %sub3A_1049 = vector.broadcast %slice3A_1017 : vector<64x1xf32> to vector<64x128xf32>
    %sub3A_1050 = arith.subf %sub3A_1049, %slice3A_1048 : vector<64x128xf32>
    %slice3A_1051 = vector.extract_strided_slice %get3A_908 {offsets = [0, 384], sizes = [1, 128], strides = [1, 1]} : vector<1x1024xf32> to vector<1x128xf32>
    %add3A_1052 = vector.broadcast %slice3A_1051 : vector<1x128xf32> to vector<64x128xf32>
    %add3A_1053 = arith.addf %sub3A_1050, %add3A_1052 : vector<64x128xf32>
    %lt3A_1054 = arith.cmpf olt, %add3A_1053, %select_n3A_1044 : vector<64x128xf32>
    %select_n3A_1055 = arith.select %lt3A_1054, %add3A_1053, %select_n3A_1044 : vector<64x128xi1>, vector<64x128xf32>
    %jit3A_1056 = arith.constant 3.000000e+00 : f32
    %broadcast_in_dim3A_1057 = vector.broadcast %jit3A_1056 : f32 to vector<64x128xf32>
    %select_n3A_1058 = arith.select %lt3A_1054, %broadcast_in_dim3A_1057, %select_n3A_1047 : vector<64x128xi1>, vector<64x128xf32>
    %slice3A_1059 = vector.extract_strided_slice %dot_general3A_903 {offsets = [64, 512], sizes = [64, 128], strides = [1, 1]} : vector<256x1024xf32> to vector<64x128xf32>
    %sub3A_1060 = vector.broadcast %slice3A_1017 : vector<64x1xf32> to vector<64x128xf32>
    %sub3A_1061 = arith.subf %sub3A_1060, %slice3A_1059 : vector<64x128xf32>
    %slice3A_1062 = vector.extract_strided_slice %get3A_908 {offsets = [0, 512], sizes = [1, 128], strides = [1, 1]} : vector<1x1024xf32> to vector<1x128xf32>
    %add3A_1063 = vector.broadcast %slice3A_1062 : vector<1x128xf32> to vector<64x128xf32>
    %add3A_1064 = arith.addf %sub3A_1061, %add3A_1063 : vector<64x128xf32>
    %lt3A_1065 = arith.cmpf olt, %add3A_1064, %select_n3A_1055 : vector<64x128xf32>
    %select_n3A_1066 = arith.select %lt3A_1065, %add3A_1064, %select_n3A_1055 : vector<64x128xi1>, vector<64x128xf32>
    %jit3A_1067 = arith.constant 4.000000e+00 : f32
    %broadcast_in_dim3A_1068 = vector.broadcast %jit3A_1067 : f32 to vector<64x128xf32>
    %select_n3A_1069 = arith.select %lt3A_1065, %broadcast_in_dim3A_1068, %select_n3A_1058 : vector<64x128xi1>, vector<64x128xf32>
    %slice3A_1070 = vector.extract_strided_slice %dot_general3A_903 {offsets = [64, 640], sizes = [64, 128], strides = [1, 1]} : vector<256x1024xf32> to vector<64x128xf32>
    %sub3A_1071 = vector.broadcast %slice3A_1017 : vector<64x1xf32> to vector<64x128xf32>
    %sub3A_1072 = arith.subf %sub3A_1071, %slice3A_1070 : vector<64x128xf32>
    %slice3A_1073 = vector.extract_strided_slice %get3A_908 {offsets = [0, 640], sizes = [1, 128], strides = [1, 1]} : vector<1x1024xf32> to vector<1x128xf32>
    %add3A_1074 = vector.broadcast %slice3A_1073 : vector<1x128xf32> to vector<64x128xf32>
    %add3A_1075 = arith.addf %sub3A_1072, %add3A_1074 : vector<64x128xf32>
    %lt3A_1076 = arith.cmpf olt, %add3A_1075, %select_n3A_1066 : vector<64x128xf32>
    %select_n3A_1077 = arith.select %lt3A_1076, %add3A_1075, %select_n3A_1066 : vector<64x128xi1>, vector<64x128xf32>
    %jit3A_1078 = arith.constant 5.000000e+00 : f32
    %broadcast_in_dim3A_1079 = vector.broadcast %jit3A_1078 : f32 to vector<64x128xf32>
    %select_n3A_1080 = arith.select %lt3A_1076, %broadcast_in_dim3A_1079, %select_n3A_1069 : vector<64x128xi1>, vector<64x128xf32>
    %slice3A_1081 = vector.extract_strided_slice %dot_general3A_903 {offsets = [64, 768], sizes = [64, 128], strides = [1, 1]} : vector<256x1024xf32> to vector<64x128xf32>
    %sub3A_1082 = vector.broadcast %slice3A_1017 : vector<64x1xf32> to vector<64x128xf32>
    %sub3A_1083 = arith.subf %sub3A_1082, %slice3A_1081 : vector<64x128xf32>
    %slice3A_1084 = vector.extract_strided_slice %get3A_908 {offsets = [0, 768], sizes = [1, 128], strides = [1, 1]} : vector<1x1024xf32> to vector<1x128xf32>
    %add3A_1085 = vector.broadcast %slice3A_1084 : vector<1x128xf32> to vector<64x128xf32>
    %add3A_1086 = arith.addf %sub3A_1083, %add3A_1085 : vector<64x128xf32>
    %lt3A_1087 = arith.cmpf olt, %add3A_1086, %select_n3A_1077 : vector<64x128xf32>
    %select_n3A_1088 = arith.select %lt3A_1087, %add3A_1086, %select_n3A_1077 : vector<64x128xi1>, vector<64x128xf32>
    %jit3A_1089 = arith.constant 6.000000e+00 : f32
    %broadcast_in_dim3A_1090 = vector.broadcast %jit3A_1089 : f32 to vector<64x128xf32>
    %select_n3A_1091 = arith.select %lt3A_1087, %broadcast_in_dim3A_1090, %select_n3A_1080 : vector<64x128xi1>, vector<64x128xf32>
    %slice3A_1092 = vector.extract_strided_slice %dot_general3A_903 {offsets = [64, 896], sizes = [64, 128], strides = [1, 1]} : vector<256x1024xf32> to vector<64x128xf32>
    %sub3A_1093 = vector.broadcast %slice3A_1017 : vector<64x1xf32> to vector<64x128xf32>
    %sub3A_1094 = arith.subf %sub3A_1093, %slice3A_1092 : vector<64x128xf32>
    %slice3A_1095 = vector.extract_strided_slice %get3A_908 {offsets = [0, 896], sizes = [1, 128], strides = [1, 1]} : vector<1x1024xf32> to vector<1x128xf32>
    %add3A_1096 = vector.broadcast %slice3A_1095 : vector<1x128xf32> to vector<64x128xf32>
    %add3A_1097 = arith.addf %sub3A_1094, %add3A_1096 : vector<64x128xf32>
    %lt3A_1098 = arith.cmpf olt, %add3A_1097, %select_n3A_1088 : vector<64x128xf32>
    %select_n3A_1099 = arith.select %lt3A_1098, %add3A_1097, %select_n3A_1088 : vector<64x128xi1>, vector<64x128xf32>
    %jit3A_1100 = arith.constant 7.000000e+00 : f32
    %broadcast_in_dim3A_1101 = vector.broadcast %jit3A_1100 : f32 to vector<64x128xf32>
    %select_n3A_1102 = arith.select %lt3A_1098, %broadcast_in_dim3A_1101, %select_n3A_1091 : vector<64x128xi1>, vector<64x128xf32>
    %reduce_min3A_1103 = arith.constant dense<0x7F800000> : vector<64xf32>
    %reduce_min3A_1104 = vector.multi_reduction <minimumf>, %select_n3A_1099, %reduce_min3A_1103 [1] : vector<64x128xf32> to vector<64xf32>
    %broadcast_in_dim3A_1105 = vector.shape_cast %reduce_min3A_1104 : vector<64xf32> to vector<64x1xf32>
    %eq3A_1106 = vector.broadcast %broadcast_in_dim3A_1105 : vector<64x1xf32> to vector<64x128xf32>
    %eq3A_1107 = arith.cmpf oeq, %select_n3A_1099, %eq3A_1106 : vector<64x128xf32>
    %mul3A_1108 = arith.constant 1.280000e+02 : f32
    %mul3A_1109 = vector.broadcast %mul3A_1108 : f32 to vector<64x128xf32>
    %mul3A_1110 = arith.mulf %select_n3A_1102, %mul3A_1109 : vector<64x128xf32>
    %add3A_1111 = arith.addf %mul3A_1110, %convert_element_type3A : vector<64x128xf32>
    %jit3A_1112 = arith.constant 1.024000e+03 : f32
    %broadcast_in_dim3A_1113 = vector.broadcast %jit3A_1112 : f32 to vector<64x128xf32>
    %select_n3A_1114 = arith.select %eq3A_1107, %add3A_1111, %broadcast_in_dim3A_1113 : vector<64x128xi1>, vector<64x128xf32>
    %reduce_min3A_1115 = arith.constant dense<0x7F800000> : vector<64xf32>
    %reduce_min3A_1116 = vector.multi_reduction <minimumf>, %select_n3A_1114, %reduce_min3A_1115 [1] : vector<64x128xf32> to vector<64xf32>
    %broadcast_in_dim3A_1117 = vector.shape_cast %reduce_min3A_1116 : vector<64xf32> to vector<64x1xf32>
    %convert_element_type3A_1118 = arith.fptosi %broadcast_in_dim3A_1117 : vector<64x1xf32> to vector<64x1xi32>
    %add3A_1119 = arith.constant 2048 : i32
    %add3A_1120 = vector.broadcast %add3A_1119 : i32 to vector<64x1xi32>
    %add3A_1121 = arith.addi %convert_element_type3A_1118, %add3A_1120 : vector<64x1xi32>
    %swap3A_1122 = arith.constant 64 : index
    %swap3A_1123 = arith.constant 2 : index
    %swap3A_1124 = vector.load %arg5[%swap3A_1122, %swap3A_1123] : memref<256x8xi32, #tpu.memory_space<vmem>>, vector<64x1xi32>
    tpu.vector_store %arg5[%swap3A_1122, %swap3A_1123], %add3A_1121 {strides = array<i32>} : memref<256x8xi32, #tpu.memory_space<vmem>>, vector<64x1xi32>,
    %slice3A_1125 = vector.extract_strided_slice %broadcast_in_dim3A_896 {offsets = [128, 0], sizes = [64, 1], strides = [1, 1]} : vector<256x1xf32> to vector<64x1xf32>
    %slice3A_1126 = vector.extract_strided_slice %dot_general3A_903 {offsets = [128, 0], sizes = [64, 128], strides = [1, 1]} : vector<256x1024xf32> to vector<64x128xf32>
    %sub3A_1127 = vector.broadcast %slice3A_1125 : vector<64x1xf32> to vector<64x128xf32>
    %sub3A_1128 = arith.subf %sub3A_1127, %slice3A_1126 : vector<64x128xf32>
    %slice3A_1129 = vector.extract_strided_slice %get3A_908 {offsets = [0, 0], sizes = [1, 128], strides = [1, 1]} : vector<1x1024xf32> to vector<1x128xf32>
    %add3A_1130 = vector.broadcast %slice3A_1129 : vector<1x128xf32> to vector<64x128xf32>
    %add3A_1131 = arith.addf %sub3A_1128, %add3A_1130 : vector<64x128xf32>
    %broadcast_in_dim3A_1132 = arith.constant 0.000000e+00 : f32
    %broadcast_in_dim3A_1133 = vector.broadcast %broadcast_in_dim3A_1132 : f32 to vector<64x128xf32>
    %slice3A_1134 = vector.extract_strided_slice %dot_general3A_903 {offsets = [128, 128], sizes = [64, 128], strides = [1, 1]} : vector<256x1024xf32> to vector<64x128xf32>
    %sub3A_1135 = vector.broadcast %slice3A_1125 : vector<64x1xf32> to vector<64x128xf32>
    %sub3A_1136 = arith.subf %sub3A_1135, %slice3A_1134 : vector<64x128xf32>
    %slice3A_1137 = vector.extract_strided_slice %get3A_908 {offsets = [0, 128], sizes = [1, 128], strides = [1, 1]} : vector<1x1024xf32> to vector<1x128xf32>
    %add3A_1138 = vector.broadcast %slice3A_1137 : vector<1x128xf32> to vector<64x128xf32>
    %add3A_1139 = arith.addf %sub3A_1136, %add3A_1138 : vector<64x128xf32>
    %lt3A_1140 = arith.cmpf olt, %add3A_1139, %add3A_1131 : vector<64x128xf32>
    %select_n3A_1141 = arith.select %lt3A_1140, %add3A_1139, %add3A_1131 : vector<64x128xi1>, vector<64x128xf32>
    %jit3A_1142 = arith.constant 1.000000e+00 : f32
    %broadcast_in_dim3A_1143 = vector.broadcast %jit3A_1142 : f32 to vector<64x128xf32>
    %select_n3A_1144 = arith.select %lt3A_1140, %broadcast_in_dim3A_1143, %broadcast_in_dim3A_1133 : vector<64x128xi1>, vector<64x128xf32>
    %slice3A_1145 = vector.extract_strided_slice %dot_general3A_903 {offsets = [128, 256], sizes = [64, 128], strides = [1, 1]} : vector<256x1024xf32> to vector<64x128xf32>
    %sub3A_1146 = vector.broadcast %slice3A_1125 : vector<64x1xf32> to vector<64x128xf32>
    %sub3A_1147 = arith.subf %sub3A_1146, %slice3A_1145 : vector<64x128xf32>
    %slice3A_1148 = vector.extract_strided_slice %get3A_908 {offsets = [0, 256], sizes = [1, 128], strides = [1, 1]} : vector<1x1024xf32> to vector<1x128xf32>
    %add3A_1149 = vector.broadcast %slice3A_1148 : vector<1x128xf32> to vector<64x128xf32>
    %add3A_1150 = arith.addf %sub3A_1147, %add3A_1149 : vector<64x128xf32>
    %lt3A_1151 = arith.cmpf olt, %add3A_1150, %select_n3A_1141 : vector<64x128xf32>
    %select_n3A_1152 = arith.select %lt3A_1151, %add3A_1150, %select_n3A_1141 : vector<64x128xi1>, vector<64x128xf32>
    %jit3A_1153 = arith.constant 2.000000e+00 : f32
    %broadcast_in_dim3A_1154 = vector.broadcast %jit3A_1153 : f32 to vector<64x128xf32>
    %select_n3A_1155 = arith.select %lt3A_1151, %broadcast_in_dim3A_1154, %select_n3A_1144 : vector<64x128xi1>, vector<64x128xf32>
    %slice3A_1156 = vector.extract_strided_slice %dot_general3A_903 {offsets = [128, 384], sizes = [64, 128], strides = [1, 1]} : vector<256x1024xf32> to vector<64x128xf32>
    %sub3A_1157 = vector.broadcast %slice3A_1125 : vector<64x1xf32> to vector<64x128xf32>
    %sub3A_1158 = arith.subf %sub3A_1157, %slice3A_1156 : vector<64x128xf32>
    %slice3A_1159 = vector.extract_strided_slice %get3A_908 {offsets = [0, 384], sizes = [1, 128], strides = [1, 1]} : vector<1x1024xf32> to vector<1x128xf32>
    %add3A_1160 = vector.broadcast %slice3A_1159 : vector<1x128xf32> to vector<64x128xf32>
    %add3A_1161 = arith.addf %sub3A_1158, %add3A_1160 : vector<64x128xf32>
    %lt3A_1162 = arith.cmpf olt, %add3A_1161, %select_n3A_1152 : vector<64x128xf32>
    %select_n3A_1163 = arith.select %lt3A_1162, %add3A_1161, %select_n3A_1152 : vector<64x128xi1>, vector<64x128xf32>
    %jit3A_1164 = arith.constant 3.000000e+00 : f32
    %broadcast_in_dim3A_1165 = vector.broadcast %jit3A_1164 : f32 to vector<64x128xf32>
    %select_n3A_1166 = arith.select %lt3A_1162, %broadcast_in_dim3A_1165, %select_n3A_1155 : vector<64x128xi1>, vector<64x128xf32>
    %slice3A_1167 = vector.extract_strided_slice %dot_general3A_903 {offsets = [128, 512], sizes = [64, 128], strides = [1, 1]} : vector<256x1024xf32> to vector<64x128xf32>
    %sub3A_1168 = vector.broadcast %slice3A_1125 : vector<64x1xf32> to vector<64x128xf32>
    %sub3A_1169 = arith.subf %sub3A_1168, %slice3A_1167 : vector<64x128xf32>
    %slice3A_1170 = vector.extract_strided_slice %get3A_908 {offsets = [0, 512], sizes = [1, 128], strides = [1, 1]} : vector<1x1024xf32> to vector<1x128xf32>
    %add3A_1171 = vector.broadcast %slice3A_1170 : vector<1x128xf32> to vector<64x128xf32>
    %add3A_1172 = arith.addf %sub3A_1169, %add3A_1171 : vector<64x128xf32>
    %lt3A_1173 = arith.cmpf olt, %add3A_1172, %select_n3A_1163 : vector<64x128xf32>
    %select_n3A_1174 = arith.select %lt3A_1173, %add3A_1172, %select_n3A_1163 : vector<64x128xi1>, vector<64x128xf32>
    %jit3A_1175 = arith.constant 4.000000e+00 : f32
    %broadcast_in_dim3A_1176 = vector.broadcast %jit3A_1175 : f32 to vector<64x128xf32>
    %select_n3A_1177 = arith.select %lt3A_1173, %broadcast_in_dim3A_1176, %select_n3A_1166 : vector<64x128xi1>, vector<64x128xf32>
    %slice3A_1178 = vector.extract_strided_slice %dot_general3A_903 {offsets = [128, 640], sizes = [64, 128], strides = [1, 1]} : vector<256x1024xf32> to vector<64x128xf32>
    %sub3A_1179 = vector.broadcast %slice3A_1125 : vector<64x1xf32> to vector<64x128xf32>
    %sub3A_1180 = arith.subf %sub3A_1179, %slice3A_1178 : vector<64x128xf32>
    %slice3A_1181 = vector.extract_strided_slice %get3A_908 {offsets = [0, 640], sizes = [1, 128], strides = [1, 1]} : vector<1x1024xf32> to vector<1x128xf32>
    %add3A_1182 = vector.broadcast %slice3A_1181 : vector<1x128xf32> to vector<64x128xf32>
    %add3A_1183 = arith.addf %sub3A_1180, %add3A_1182 : vector<64x128xf32>
    %lt3A_1184 = arith.cmpf olt, %add3A_1183, %select_n3A_1174 : vector<64x128xf32>
    %select_n3A_1185 = arith.select %lt3A_1184, %add3A_1183, %select_n3A_1174 : vector<64x128xi1>, vector<64x128xf32>
    %jit3A_1186 = arith.constant 5.000000e+00 : f32
    %broadcast_in_dim3A_1187 = vector.broadcast %jit3A_1186 : f32 to vector<64x128xf32>
    %select_n3A_1188 = arith.select %lt3A_1184, %broadcast_in_dim3A_1187, %select_n3A_1177 : vector<64x128xi1>, vector<64x128xf32>
    %slice3A_1189 = vector.extract_strided_slice %dot_general3A_903 {offsets = [128, 768], sizes = [64, 128], strides = [1, 1]} : vector<256x1024xf32> to vector<64x128xf32>
    %sub3A_1190 = vector.broadcast %slice3A_1125 : vector<64x1xf32> to vector<64x128xf32>
    %sub3A_1191 = arith.subf %sub3A_1190, %slice3A_1189 : vector<64x128xf32>
    %slice3A_1192 = vector.extract_strided_slice %get3A_908 {offsets = [0, 768], sizes = [1, 128], strides = [1, 1]} : vector<1x1024xf32> to vector<1x128xf32>
    %add3A_1193 = vector.broadcast %slice3A_1192 : vector<1x128xf32> to vector<64x128xf32>
    %add3A_1194 = arith.addf %sub3A_1191, %add3A_1193 : vector<64x128xf32>
    %lt3A_1195 = arith.cmpf olt, %add3A_1194, %select_n3A_1185 : vector<64x128xf32>
    %select_n3A_1196 = arith.select %lt3A_1195, %add3A_1194, %select_n3A_1185 : vector<64x128xi1>, vector<64x128xf32>
    %jit3A_1197 = arith.constant 6.000000e+00 : f32
    %broadcast_in_dim3A_1198 = vector.broadcast %jit3A_1197 : f32 to vector<64x128xf32>
    %select_n3A_1199 = arith.select %lt3A_1195, %broadcast_in_dim3A_1198, %select_n3A_1188 : vector<64x128xi1>, vector<64x128xf32>
    %slice3A_1200 = vector.extract_strided_slice %dot_general3A_903 {offsets = [128, 896], sizes = [64, 128], strides = [1, 1]} : vector<256x1024xf32> to vector<64x128xf32>
    %sub3A_1201 = vector.broadcast %slice3A_1125 : vector<64x1xf32> to vector<64x128xf32>
    %sub3A_1202 = arith.subf %sub3A_1201, %slice3A_1200 : vector<64x128xf32>
    %slice3A_1203 = vector.extract_strided_slice %get3A_908 {offsets = [0, 896], sizes = [1, 128], strides = [1, 1]} : vector<1x1024xf32> to vector<1x128xf32>
    %add3A_1204 = vector.broadcast %slice3A_1203 : vector<1x128xf32> to vector<64x128xf32>
    %add3A_1205 = arith.addf %sub3A_1202, %add3A_1204 : vector<64x128xf32>
    %lt3A_1206 = arith.cmpf olt, %add3A_1205, %select_n3A_1196 : vector<64x128xf32>
    %select_n3A_1207 = arith.select %lt3A_1206, %add3A_1205, %select_n3A_1196 : vector<64x128xi1>, vector<64x128xf32>
    %jit3A_1208 = arith.constant 7.000000e+00 : f32
    %broadcast_in_dim3A_1209 = vector.broadcast %jit3A_1208 : f32 to vector<64x128xf32>
    %select_n3A_1210 = arith.select %lt3A_1206, %broadcast_in_dim3A_1209, %select_n3A_1199 : vector<64x128xi1>, vector<64x128xf32>
    %reduce_min3A_1211 = arith.constant dense<0x7F800000> : vector<64xf32>
    %reduce_min3A_1212 = vector.multi_reduction <minimumf>, %select_n3A_1207, %reduce_min3A_1211 [1] : vector<64x128xf32> to vector<64xf32>
    %broadcast_in_dim3A_1213 = vector.shape_cast %reduce_min3A_1212 : vector<64xf32> to vector<64x1xf32>
    %eq3A_1214 = vector.broadcast %broadcast_in_dim3A_1213 : vector<64x1xf32> to vector<64x128xf32>
    %eq3A_1215 = arith.cmpf oeq, %select_n3A_1207, %eq3A_1214 : vector<64x128xf32>
    %mul3A_1216 = arith.constant 1.280000e+02 : f32
    %mul3A_1217 = vector.broadcast %mul3A_1216 : f32 to vector<64x128xf32>
    %mul3A_1218 = arith.mulf %select_n3A_1210, %mul3A_1217 : vector<64x128xf32>
    %add3A_1219 = arith.addf %mul3A_1218, %convert_element_type3A : vector<64x128xf32>
    %jit3A_1220 = arith.constant 1.024000e+03 : f32
    %broadcast_in_dim3A_1221 = vector.broadcast %jit3A_1220 : f32 to vector<64x128xf32>
    %select_n3A_1222 = arith.select %eq3A_1215, %add3A_1219, %broadcast_in_dim3A_1221 : vector<64x128xi1>, vector<64x128xf32>
    %reduce_min3A_1223 = arith.constant dense<0x7F800000> : vector<64xf32>
    %reduce_min3A_1224 = vector.multi_reduction <minimumf>, %select_n3A_1222, %reduce_min3A_1223 [1] : vector<64x128xf32> to vector<64xf32>
    %broadcast_in_dim3A_1225 = vector.shape_cast %reduce_min3A_1224 : vector<64xf32> to vector<64x1xf32>
    %convert_element_type3A_1226 = arith.fptosi %broadcast_in_dim3A_1225 : vector<64x1xf32> to vector<64x1xi32>
    %add3A_1227 = arith.constant 2048 : i32
    %add3A_1228 = vector.broadcast %add3A_1227 : i32 to vector<64x1xi32>
    %add3A_1229 = arith.addi %convert_element_type3A_1226, %add3A_1228 : vector<64x1xi32>
    %swap3A_1230 = arith.constant 128 : index
    %swap3A_1231 = arith.constant 2 : index
    %swap3A_1232 = vector.load %arg5[%swap3A_1230, %swap3A_1231] : memref<256x8xi32, #tpu.memory_space<vmem>>, vector<64x1xi32>
    tpu.vector_store %arg5[%swap3A_1230, %swap3A_1231], %add3A_1229 {strides = array<i32>} : memref<256x8xi32, #tpu.memory_space<vmem>>, vector<64x1xi32>,
    %slice3A_1233 = vector.extract_strided_slice %broadcast_in_dim3A_896 {offsets = [192, 0], sizes = [64, 1], strides = [1, 1]} : vector<256x1xf32> to vector<64x1xf32>
    %slice3A_1234 = vector.extract_strided_slice %dot_general3A_903 {offsets = [192, 0], sizes = [64, 128], strides = [1, 1]} : vector<256x1024xf32> to vector<64x128xf32>
    %sub3A_1235 = vector.broadcast %slice3A_1233 : vector<64x1xf32> to vector<64x128xf32>
    %sub3A_1236 = arith.subf %sub3A_1235, %slice3A_1234 : vector<64x128xf32>
    %slice3A_1237 = vector.extract_strided_slice %get3A_908 {offsets = [0, 0], sizes = [1, 128], strides = [1, 1]} : vector<1x1024xf32> to vector<1x128xf32>
    %add3A_1238 = vector.broadcast %slice3A_1237 : vector<1x128xf32> to vector<64x128xf32>
    %add3A_1239 = arith.addf %sub3A_1236, %add3A_1238 : vector<64x128xf32>
    %broadcast_in_dim3A_1240 = arith.constant 0.000000e+00 : f32
    %broadcast_in_dim3A_1241 = vector.broadcast %broadcast_in_dim3A_1240 : f32 to vector<64x128xf32>
    %slice3A_1242 = vector.extract_strided_slice %dot_general3A_903 {offsets = [192, 128], sizes = [64, 128], strides = [1, 1]} : vector<256x1024xf32> to vector<64x128xf32>
    %sub3A_1243 = vector.broadcast %slice3A_1233 : vector<64x1xf32> to vector<64x128xf32>
    %sub3A_1244 = arith.subf %sub3A_1243, %slice3A_1242 : vector<64x128xf32>
    %slice3A_1245 = vector.extract_strided_slice %get3A_908 {offsets = [0, 128], sizes = [1, 128], strides = [1, 1]} : vector<1x1024xf32> to vector<1x128xf32>
    %add3A_1246 = vector.broadcast %slice3A_1245 : vector<1x128xf32> to vector<64x128xf32>
    %add3A_1247 = arith.addf %sub3A_1244, %add3A_1246 : vector<64x128xf32>
    %lt3A_1248 = arith.cmpf olt, %add3A_1247, %add3A_1239 : vector<64x128xf32>
    %select_n3A_1249 = arith.select %lt3A_1248, %add3A_1247, %add3A_1239 : vector<64x128xi1>, vector<64x128xf32>
    %jit3A_1250 = arith.constant 1.000000e+00 : f32
    %broadcast_in_dim3A_1251 = vector.broadcast %jit3A_1250 : f32 to vector<64x128xf32>
    %select_n3A_1252 = arith.select %lt3A_1248, %broadcast_in_dim3A_1251, %broadcast_in_dim3A_1241 : vector<64x128xi1>, vector<64x128xf32>
    %slice3A_1253 = vector.extract_strided_slice %dot_general3A_903 {offsets = [192, 256], sizes = [64, 128], strides = [1, 1]} : vector<256x1024xf32> to vector<64x128xf32>
    %sub3A_1254 = vector.broadcast %slice3A_1233 : vector<64x1xf32> to vector<64x128xf32>
    %sub3A_1255 = arith.subf %sub3A_1254, %slice3A_1253 : vector<64x128xf32>
    %slice3A_1256 = vector.extract_strided_slice %get3A_908 {offsets = [0, 256], sizes = [1, 128], strides = [1, 1]} : vector<1x1024xf32> to vector<1x128xf32>
    %add3A_1257 = vector.broadcast %slice3A_1256 : vector<1x128xf32> to vector<64x128xf32>
    %add3A_1258 = arith.addf %sub3A_1255, %add3A_1257 : vector<64x128xf32>
    %lt3A_1259 = arith.cmpf olt, %add3A_1258, %select_n3A_1249 : vector<64x128xf32>
    %select_n3A_1260 = arith.select %lt3A_1259, %add3A_1258, %select_n3A_1249 : vector<64x128xi1>, vector<64x128xf32>
    %jit3A_1261 = arith.constant 2.000000e+00 : f32
    %broadcast_in_dim3A_1262 = vector.broadcast %jit3A_1261 : f32 to vector<64x128xf32>
    %select_n3A_1263 = arith.select %lt3A_1259, %broadcast_in_dim3A_1262, %select_n3A_1252 : vector<64x128xi1>, vector<64x128xf32>
    %slice3A_1264 = vector.extract_strided_slice %dot_general3A_903 {offsets = [192, 384], sizes = [64, 128], strides = [1, 1]} : vector<256x1024xf32> to vector<64x128xf32>
    %sub3A_1265 = vector.broadcast %slice3A_1233 : vector<64x1xf32> to vector<64x128xf32>
    %sub3A_1266 = arith.subf %sub3A_1265, %slice3A_1264 : vector<64x128xf32>
    %slice3A_1267 = vector.extract_strided_slice %get3A_908 {offsets = [0, 384], sizes = [1, 128], strides = [1, 1]} : vector<1x1024xf32> to vector<1x128xf32>
    %add3A_1268 = vector.broadcast %slice3A_1267 : vector<1x128xf32> to vector<64x128xf32>
    %add3A_1269 = arith.addf %sub3A_1266, %add3A_1268 : vector<64x128xf32>
    %lt3A_1270 = arith.cmpf olt, %add3A_1269, %select_n3A_1260 : vector<64x128xf32>
    %select_n3A_1271 = arith.select %lt3A_1270, %add3A_1269, %select_n3A_1260 : vector<64x128xi1>, vector<64x128xf32>
    %jit3A_1272 = arith.constant 3.000000e+00 : f32
    %broadcast_in_dim3A_1273 = vector.broadcast %jit3A_1272 : f32 to vector<64x128xf32>
    %select_n3A_1274 = arith.select %lt3A_1270, %broadcast_in_dim3A_1273, %select_n3A_1263 : vector<64x128xi1>, vector<64x128xf32>
    %slice3A_1275 = vector.extract_strided_slice %dot_general3A_903 {offsets = [192, 512], sizes = [64, 128], strides = [1, 1]} : vector<256x1024xf32> to vector<64x128xf32>
    %sub3A_1276 = vector.broadcast %slice3A_1233 : vector<64x1xf32> to vector<64x128xf32>
    %sub3A_1277 = arith.subf %sub3A_1276, %slice3A_1275 : vector<64x128xf32>
    %slice3A_1278 = vector.extract_strided_slice %get3A_908 {offsets = [0, 512], sizes = [1, 128], strides = [1, 1]} : vector<1x1024xf32> to vector<1x128xf32>
    %add3A_1279 = vector.broadcast %slice3A_1278 : vector<1x128xf32> to vector<64x128xf32>
    %add3A_1280 = arith.addf %sub3A_1277, %add3A_1279 : vector<64x128xf32>
    %lt3A_1281 = arith.cmpf olt, %add3A_1280, %select_n3A_1271 : vector<64x128xf32>
    %select_n3A_1282 = arith.select %lt3A_1281, %add3A_1280, %select_n3A_1271 : vector<64x128xi1>, vector<64x128xf32>
    %jit3A_1283 = arith.constant 4.000000e+00 : f32
    %broadcast_in_dim3A_1284 = vector.broadcast %jit3A_1283 : f32 to vector<64x128xf32>
    %select_n3A_1285 = arith.select %lt3A_1281, %broadcast_in_dim3A_1284, %select_n3A_1274 : vector<64x128xi1>, vector<64x128xf32>
    %slice3A_1286 = vector.extract_strided_slice %dot_general3A_903 {offsets = [192, 640], sizes = [64, 128], strides = [1, 1]} : vector<256x1024xf32> to vector<64x128xf32>
    %sub3A_1287 = vector.broadcast %slice3A_1233 : vector<64x1xf32> to vector<64x128xf32>
    %sub3A_1288 = arith.subf %sub3A_1287, %slice3A_1286 : vector<64x128xf32>
    %slice3A_1289 = vector.extract_strided_slice %get3A_908 {offsets = [0, 640], sizes = [1, 128], strides = [1, 1]} : vector<1x1024xf32> to vector<1x128xf32>
    %add3A_1290 = vector.broadcast %slice3A_1289 : vector<1x128xf32> to vector<64x128xf32>
    %add3A_1291 = arith.addf %sub3A_1288, %add3A_1290 : vector<64x128xf32>
    %lt3A_1292 = arith.cmpf olt, %add3A_1291, %select_n3A_1282 : vector<64x128xf32>
    %select_n3A_1293 = arith.select %lt3A_1292, %add3A_1291, %select_n3A_1282 : vector<64x128xi1>, vector<64x128xf32>
    %jit3A_1294 = arith.constant 5.000000e+00 : f32
    %broadcast_in_dim3A_1295 = vector.broadcast %jit3A_1294 : f32 to vector<64x128xf32>
    %select_n3A_1296 = arith.select %lt3A_1292, %broadcast_in_dim3A_1295, %select_n3A_1285 : vector<64x128xi1>, vector<64x128xf32>
    %slice3A_1297 = vector.extract_strided_slice %dot_general3A_903 {offsets = [192, 768], sizes = [64, 128], strides = [1, 1]} : vector<256x1024xf32> to vector<64x128xf32>
    %sub3A_1298 = vector.broadcast %slice3A_1233 : vector<64x1xf32> to vector<64x128xf32>
    %sub3A_1299 = arith.subf %sub3A_1298, %slice3A_1297 : vector<64x128xf32>
    %slice3A_1300 = vector.extract_strided_slice %get3A_908 {offsets = [0, 768], sizes = [1, 128], strides = [1, 1]} : vector<1x1024xf32> to vector<1x128xf32>
    %add3A_1301 = vector.broadcast %slice3A_1300 : vector<1x128xf32> to vector<64x128xf32>
    %add3A_1302 = arith.addf %sub3A_1299, %add3A_1301 : vector<64x128xf32>
    %lt3A_1303 = arith.cmpf olt, %add3A_1302, %select_n3A_1293 : vector<64x128xf32>
    %select_n3A_1304 = arith.select %lt3A_1303, %add3A_1302, %select_n3A_1293 : vector<64x128xi1>, vector<64x128xf32>
    %jit3A_1305 = arith.constant 6.000000e+00 : f32
    %broadcast_in_dim3A_1306 = vector.broadcast %jit3A_1305 : f32 to vector<64x128xf32>
    %select_n3A_1307 = arith.select %lt3A_1303, %broadcast_in_dim3A_1306, %select_n3A_1296 : vector<64x128xi1>, vector<64x128xf32>
    %slice3A_1308 = vector.extract_strided_slice %dot_general3A_903 {offsets = [192, 896], sizes = [64, 128], strides = [1, 1]} : vector<256x1024xf32> to vector<64x128xf32>
    %sub3A_1309 = vector.broadcast %slice3A_1233 : vector<64x1xf32> to vector<64x128xf32>
    %sub3A_1310 = arith.subf %sub3A_1309, %slice3A_1308 : vector<64x128xf32>
    %slice3A_1311 = vector.extract_strided_slice %get3A_908 {offsets = [0, 896], sizes = [1, 128], strides = [1, 1]} : vector<1x1024xf32> to vector<1x128xf32>
    %add3A_1312 = vector.broadcast %slice3A_1311 : vector<1x128xf32> to vector<64x128xf32>
    %add3A_1313 = arith.addf %sub3A_1310, %add3A_1312 : vector<64x128xf32>
    %lt3A_1314 = arith.cmpf olt, %add3A_1313, %select_n3A_1304 : vector<64x128xf32>
    %select_n3A_1315 = arith.select %lt3A_1314, %add3A_1313, %select_n3A_1304 : vector<64x128xi1>, vector<64x128xf32>
    %jit3A_1316 = arith.constant 7.000000e+00 : f32
    %broadcast_in_dim3A_1317 = vector.broadcast %jit3A_1316 : f32 to vector<64x128xf32>
    %select_n3A_1318 = arith.select %lt3A_1314, %broadcast_in_dim3A_1317, %select_n3A_1307 : vector<64x128xi1>, vector<64x128xf32>
    %reduce_min3A_1319 = arith.constant dense<0x7F800000> : vector<64xf32>
    %reduce_min3A_1320 = vector.multi_reduction <minimumf>, %select_n3A_1315, %reduce_min3A_1319 [1] : vector<64x128xf32> to vector<64xf32>
    %broadcast_in_dim3A_1321 = vector.shape_cast %reduce_min3A_1320 : vector<64xf32> to vector<64x1xf32>
    %eq3A_1322 = vector.broadcast %broadcast_in_dim3A_1321 : vector<64x1xf32> to vector<64x128xf32>
    %eq3A_1323 = arith.cmpf oeq, %select_n3A_1315, %eq3A_1322 : vector<64x128xf32>
    %mul3A_1324 = arith.constant 1.280000e+02 : f32
    %mul3A_1325 = vector.broadcast %mul3A_1324 : f32 to vector<64x128xf32>
    %mul3A_1326 = arith.mulf %select_n3A_1318, %mul3A_1325 : vector<64x128xf32>
    %add3A_1327 = arith.addf %mul3A_1326, %convert_element_type3A : vector<64x128xf32>
    %jit3A_1328 = arith.constant 1.024000e+03 : f32
    %broadcast_in_dim3A_1329 = vector.broadcast %jit3A_1328 : f32 to vector<64x128xf32>
    %select_n3A_1330 = arith.select %eq3A_1323, %add3A_1327, %broadcast_in_dim3A_1329 : vector<64x128xi1>, vector<64x128xf32>
    %reduce_min3A_1331 = arith.constant dense<0x7F800000> : vector<64xf32>
    %reduce_min3A_1332 = vector.multi_reduction <minimumf>, %select_n3A_1330, %reduce_min3A_1331 [1] : vector<64x128xf32> to vector<64xf32>
    %broadcast_in_dim3A_1333 = vector.shape_cast %reduce_min3A_1332 : vector<64xf32> to vector<64x1xf32>
    %convert_element_type3A_1334 = arith.fptosi %broadcast_in_dim3A_1333 : vector<64x1xf32> to vector<64x1xi32>
    %add3A_1335 = arith.constant 2048 : i32
    %add3A_1336 = vector.broadcast %add3A_1335 : i32 to vector<64x1xi32>
    %add3A_1337 = arith.addi %convert_element_type3A_1334, %add3A_1336 : vector<64x1xi32>
    %swap3A_1338 = arith.constant 192 : index
    %swap3A_1339 = arith.constant 2 : index
    %swap3A_1340 = vector.load %arg5[%swap3A_1338, %swap3A_1339] : memref<256x8xi32, #tpu.memory_space<vmem>>, vector<64x1xi32>
    tpu.vector_store %arg5[%swap3A_1338, %swap3A_1339], %add3A_1337 {strides = array<i32>} : memref<256x8xi32, #tpu.memory_space<vmem>>, vector<64x1xi32>,
    %slice3A_1341 = vector.extract_strided_slice %dot_general3A_5 {offsets = [0, 192], sizes = [256, 64], strides = [1, 1]} : vector<256x512xf32> to vector<256x64xf32>
    %mul3A_1342 = arith.mulf %slice3A_1341, %slice3A_1341 : vector<256x64xf32>
    %reduce_sum3A_1343 = arith.constant dense<0.000000e+00> : vector<256xf32>
    %reduce_sum3A_1344 = vector.multi_reduction <add>, %mul3A_1342, %reduce_sum3A_1343 [1] : vector<256x64xf32> to vector<256xf32>
    %broadcast_in_dim3A_1345 = vector.shape_cast %reduce_sum3A_1344 : vector<256xf32> to vector<256x1xf32>
    %get3A_1346 = arith.constant 3 : index
    %get3A_1347 = arith.constant 0 : index
    %get3A_1348 = arith.constant 0 : index
    %get3A_1349 = vector.load %arg3[%get3A_1346, %get3A_1347, %get3A_1348] : memref<8x1024x64xf32, #tpu.memory_space<vmem>>, vector<1x1024x64xf32>
    %get3A_1350 = vector.shape_cast %get3A_1349 : vector<1x1024x64xf32> to vector<1024x64xf32>
    %dot_general3A_1351 = arith.constant dense<0.000000e+00> : vector<256x1024xf32>
    %dot_general3A_1352 = tpu.matmul %slice3A_1341, %get3A_1350, %dot_general3A_1351 {dimension_numbers = #tpu.dot_dimension_numbers<[1], [1], [0], [0], [0, 0, 1, 0], [], []>, transpose_lhs_hint = false} : vector<256x64xf32>, vector<1024x64xf32>, vector<256x1024xf32> -> vector<256x1024xf32>
    %get3A_1353 = arith.constant 3 : index
    %get3A_1354 = arith.constant 0 : index
    %get3A_1355 = arith.constant 0 : index
    %get3A_1356 = vector.load %arg4[%get3A_1353, %get3A_1354, %get3A_1355] : memref<8x1x1024xf32, #tpu.memory_space<vmem>>, vector<1x1x1024xf32>
    %get3A_1357 = vector.shape_cast %get3A_1356 : vector<1x1x1024xf32> to vector<1x1024xf32>
    %slice3A_1358 = vector.extract_strided_slice %broadcast_in_dim3A_1345 {offsets = [0, 0], sizes = [64, 1], strides = [1, 1]} : vector<256x1xf32> to vector<64x1xf32>
    %slice3A_1359 = vector.extract_strided_slice %dot_general3A_1352 {offsets = [0, 0], sizes = [64, 128], strides = [1, 1]} : vector<256x1024xf32> to vector<64x128xf32>
    %sub3A_1360 = vector.broadcast %slice3A_1358 : vector<64x1xf32> to vector<64x128xf32>
    %sub3A_1361 = arith.subf %sub3A_1360, %slice3A_1359 : vector<64x128xf32>
    %slice3A_1362 = vector.extract_strided_slice %get3A_1357 {offsets = [0, 0], sizes = [1, 128], strides = [1, 1]} : vector<1x1024xf32> to vector<1x128xf32>
    %add3A_1363 = vector.broadcast %slice3A_1362 : vector<1x128xf32> to vector<64x128xf32>
    %add3A_1364 = arith.addf %sub3A_1361, %add3A_1363 : vector<64x128xf32>
    %broadcast_in_dim3A_1365 = arith.constant 0.000000e+00 : f32
    %broadcast_in_dim3A_1366 = vector.broadcast %broadcast_in_dim3A_1365 : f32 to vector<64x128xf32>
    %slice3A_1367 = vector.extract_strided_slice %dot_general3A_1352 {offsets = [0, 128], sizes = [64, 128], strides = [1, 1]} : vector<256x1024xf32> to vector<64x128xf32>
    %sub3A_1368 = vector.broadcast %slice3A_1358 : vector<64x1xf32> to vector<64x128xf32>
    %sub3A_1369 = arith.subf %sub3A_1368, %slice3A_1367 : vector<64x128xf32>
    %slice3A_1370 = vector.extract_strided_slice %get3A_1357 {offsets = [0, 128], sizes = [1, 128], strides = [1, 1]} : vector<1x1024xf32> to vector<1x128xf32>
    %add3A_1371 = vector.broadcast %slice3A_1370 : vector<1x128xf32> to vector<64x128xf32>
    %add3A_1372 = arith.addf %sub3A_1369, %add3A_1371 : vector<64x128xf32>
    %lt3A_1373 = arith.cmpf olt, %add3A_1372, %add3A_1364 : vector<64x128xf32>
    %select_n3A_1374 = arith.select %lt3A_1373, %add3A_1372, %add3A_1364 : vector<64x128xi1>, vector<64x128xf32>
    %jit3A_1375 = arith.constant 1.000000e+00 : f32
    %broadcast_in_dim3A_1376 = vector.broadcast %jit3A_1375 : f32 to vector<64x128xf32>
    %select_n3A_1377 = arith.select %lt3A_1373, %broadcast_in_dim3A_1376, %broadcast_in_dim3A_1366 : vector<64x128xi1>, vector<64x128xf32>
    %slice3A_1378 = vector.extract_strided_slice %dot_general3A_1352 {offsets = [0, 256], sizes = [64, 128], strides = [1, 1]} : vector<256x1024xf32> to vector<64x128xf32>
    %sub3A_1379 = vector.broadcast %slice3A_1358 : vector<64x1xf32> to vector<64x128xf32>
    %sub3A_1380 = arith.subf %sub3A_1379, %slice3A_1378 : vector<64x128xf32>
    %slice3A_1381 = vector.extract_strided_slice %get3A_1357 {offsets = [0, 256], sizes = [1, 128], strides = [1, 1]} : vector<1x1024xf32> to vector<1x128xf32>
    %add3A_1382 = vector.broadcast %slice3A_1381 : vector<1x128xf32> to vector<64x128xf32>
    %add3A_1383 = arith.addf %sub3A_1380, %add3A_1382 : vector<64x128xf32>
    %lt3A_1384 = arith.cmpf olt, %add3A_1383, %select_n3A_1374 : vector<64x128xf32>
    %select_n3A_1385 = arith.select %lt3A_1384, %add3A_1383, %select_n3A_1374 : vector<64x128xi1>, vector<64x128xf32>
    %jit3A_1386 = arith.constant 2.000000e+00 : f32
    %broadcast_in_dim3A_1387 = vector.broadcast %jit3A_1386 : f32 to vector<64x128xf32>
    %select_n3A_1388 = arith.select %lt3A_1384, %broadcast_in_dim3A_1387, %select_n3A_1377 : vector<64x128xi1>, vector<64x128xf32>
    %slice3A_1389 = vector.extract_strided_slice %dot_general3A_1352 {offsets = [0, 384], sizes = [64, 128], strides = [1, 1]} : vector<256x1024xf32> to vector<64x128xf32>
    %sub3A_1390 = vector.broadcast %slice3A_1358 : vector<64x1xf32> to vector<64x128xf32>
    %sub3A_1391 = arith.subf %sub3A_1390, %slice3A_1389 : vector<64x128xf32>
    %slice3A_1392 = vector.extract_strided_slice %get3A_1357 {offsets = [0, 384], sizes = [1, 128], strides = [1, 1]} : vector<1x1024xf32> to vector<1x128xf32>
    %add3A_1393 = vector.broadcast %slice3A_1392 : vector<1x128xf32> to vector<64x128xf32>
    %add3A_1394 = arith.addf %sub3A_1391, %add3A_1393 : vector<64x128xf32>
    %lt3A_1395 = arith.cmpf olt, %add3A_1394, %select_n3A_1385 : vector<64x128xf32>
    %select_n3A_1396 = arith.select %lt3A_1395, %add3A_1394, %select_n3A_1385 : vector<64x128xi1>, vector<64x128xf32>
    %jit3A_1397 = arith.constant 3.000000e+00 : f32
    %broadcast_in_dim3A_1398 = vector.broadcast %jit3A_1397 : f32 to vector<64x128xf32>
    %select_n3A_1399 = arith.select %lt3A_1395, %broadcast_in_dim3A_1398, %select_n3A_1388 : vector<64x128xi1>, vector<64x128xf32>
    %slice3A_1400 = vector.extract_strided_slice %dot_general3A_1352 {offsets = [0, 512], sizes = [64, 128], strides = [1, 1]} : vector<256x1024xf32> to vector<64x128xf32>
    %sub3A_1401 = vector.broadcast %slice3A_1358 : vector<64x1xf32> to vector<64x128xf32>
    %sub3A_1402 = arith.subf %sub3A_1401, %slice3A_1400 : vector<64x128xf32>
    %slice3A_1403 = vector.extract_strided_slice %get3A_1357 {offsets = [0, 512], sizes = [1, 128], strides = [1, 1]} : vector<1x1024xf32> to vector<1x128xf32>
    %add3A_1404 = vector.broadcast %slice3A_1403 : vector<1x128xf32> to vector<64x128xf32>
    %add3A_1405 = arith.addf %sub3A_1402, %add3A_1404 : vector<64x128xf32>
    %lt3A_1406 = arith.cmpf olt, %add3A_1405, %select_n3A_1396 : vector<64x128xf32>
    %select_n3A_1407 = arith.select %lt3A_1406, %add3A_1405, %select_n3A_1396 : vector<64x128xi1>, vector<64x128xf32>
    %jit3A_1408 = arith.constant 4.000000e+00 : f32
    %broadcast_in_dim3A_1409 = vector.broadcast %jit3A_1408 : f32 to vector<64x128xf32>
    %select_n3A_1410 = arith.select %lt3A_1406, %broadcast_in_dim3A_1409, %select_n3A_1399 : vector<64x128xi1>, vector<64x128xf32>
    %slice3A_1411 = vector.extract_strided_slice %dot_general3A_1352 {offsets = [0, 640], sizes = [64, 128], strides = [1, 1]} : vector<256x1024xf32> to vector<64x128xf32>
    %sub3A_1412 = vector.broadcast %slice3A_1358 : vector<64x1xf32> to vector<64x128xf32>
    %sub3A_1413 = arith.subf %sub3A_1412, %slice3A_1411 : vector<64x128xf32>
    %slice3A_1414 = vector.extract_strided_slice %get3A_1357 {offsets = [0, 640], sizes = [1, 128], strides = [1, 1]} : vector<1x1024xf32> to vector<1x128xf32>
    %add3A_1415 = vector.broadcast %slice3A_1414 : vector<1x128xf32> to vector<64x128xf32>
    %add3A_1416 = arith.addf %sub3A_1413, %add3A_1415 : vector<64x128xf32>
    %lt3A_1417 = arith.cmpf olt, %add3A_1416, %select_n3A_1407 : vector<64x128xf32>
    %select_n3A_1418 = arith.select %lt3A_1417, %add3A_1416, %select_n3A_1407 : vector<64x128xi1>, vector<64x128xf32>
    %jit3A_1419 = arith.constant 5.000000e+00 : f32
    %broadcast_in_dim3A_1420 = vector.broadcast %jit3A_1419 : f32 to vector<64x128xf32>
    %select_n3A_1421 = arith.select %lt3A_1417, %broadcast_in_dim3A_1420, %select_n3A_1410 : vector<64x128xi1>, vector<64x128xf32>
    %slice3A_1422 = vector.extract_strided_slice %dot_general3A_1352 {offsets = [0, 768], sizes = [64, 128], strides = [1, 1]} : vector<256x1024xf32> to vector<64x128xf32>
    %sub3A_1423 = vector.broadcast %slice3A_1358 : vector<64x1xf32> to vector<64x128xf32>
    %sub3A_1424 = arith.subf %sub3A_1423, %slice3A_1422 : vector<64x128xf32>
    %slice3A_1425 = vector.extract_strided_slice %get3A_1357 {offsets = [0, 768], sizes = [1, 128], strides = [1, 1]} : vector<1x1024xf32> to vector<1x128xf32>
    %add3A_1426 = vector.broadcast %slice3A_1425 : vector<1x128xf32> to vector<64x128xf32>
    %add3A_1427 = arith.addf %sub3A_1424, %add3A_1426 : vector<64x128xf32>
    %lt3A_1428 = arith.cmpf olt, %add3A_1427, %select_n3A_1418 : vector<64x128xf32>
    %select_n3A_1429 = arith.select %lt3A_1428, %add3A_1427, %select_n3A_1418 : vector<64x128xi1>, vector<64x128xf32>
    %jit3A_1430 = arith.constant 6.000000e+00 : f32
    %broadcast_in_dim3A_1431 = vector.broadcast %jit3A_1430 : f32 to vector<64x128xf32>
    %select_n3A_1432 = arith.select %lt3A_1428, %broadcast_in_dim3A_1431, %select_n3A_1421 : vector<64x128xi1>, vector<64x128xf32>
    %slice3A_1433 = vector.extract_strided_slice %dot_general3A_1352 {offsets = [0, 896], sizes = [64, 128], strides = [1, 1]} : vector<256x1024xf32> to vector<64x128xf32>
    %sub3A_1434 = vector.broadcast %slice3A_1358 : vector<64x1xf32> to vector<64x128xf32>
    %sub3A_1435 = arith.subf %sub3A_1434, %slice3A_1433 : vector<64x128xf32>
    %slice3A_1436 = vector.extract_strided_slice %get3A_1357 {offsets = [0, 896], sizes = [1, 128], strides = [1, 1]} : vector<1x1024xf32> to vector<1x128xf32>
    %add3A_1437 = vector.broadcast %slice3A_1436 : vector<1x128xf32> to vector<64x128xf32>
    %add3A_1438 = arith.addf %sub3A_1435, %add3A_1437 : vector<64x128xf32>
    %lt3A_1439 = arith.cmpf olt, %add3A_1438, %select_n3A_1429 : vector<64x128xf32>
    %select_n3A_1440 = arith.select %lt3A_1439, %add3A_1438, %select_n3A_1429 : vector<64x128xi1>, vector<64x128xf32>
    %jit3A_1441 = arith.constant 7.000000e+00 : f32
    %broadcast_in_dim3A_1442 = vector.broadcast %jit3A_1441 : f32 to vector<64x128xf32>
    %select_n3A_1443 = arith.select %lt3A_1439, %broadcast_in_dim3A_1442, %select_n3A_1432 : vector<64x128xi1>, vector<64x128xf32>
    %reduce_min3A_1444 = arith.constant dense<0x7F800000> : vector<64xf32>
    %reduce_min3A_1445 = vector.multi_reduction <minimumf>, %select_n3A_1440, %reduce_min3A_1444 [1] : vector<64x128xf32> to vector<64xf32>
    %broadcast_in_dim3A_1446 = vector.shape_cast %reduce_min3A_1445 : vector<64xf32> to vector<64x1xf32>
    %eq3A_1447 = vector.broadcast %broadcast_in_dim3A_1446 : vector<64x1xf32> to vector<64x128xf32>
    %eq3A_1448 = arith.cmpf oeq, %select_n3A_1440, %eq3A_1447 : vector<64x128xf32>
    %mul3A_1449 = arith.constant 1.280000e+02 : f32
    %mul3A_1450 = vector.broadcast %mul3A_1449 : f32 to vector<64x128xf32>
    %mul3A_1451 = arith.mulf %select_n3A_1443, %mul3A_1450 : vector<64x128xf32>
    %add3A_1452 = arith.addf %mul3A_1451, %convert_element_type3A : vector<64x128xf32>
    %jit3A_1453 = arith.constant 1.024000e+03 : f32
    %broadcast_in_dim3A_1454 = vector.broadcast %jit3A_1453 : f32 to vector<64x128xf32>
    %select_n3A_1455 = arith.select %eq3A_1448, %add3A_1452, %broadcast_in_dim3A_1454 : vector<64x128xi1>, vector<64x128xf32>
    %reduce_min3A_1456 = arith.constant dense<0x7F800000> : vector<64xf32>
    %reduce_min3A_1457 = vector.multi_reduction <minimumf>, %select_n3A_1455, %reduce_min3A_1456 [1] : vector<64x128xf32> to vector<64xf32>
    %broadcast_in_dim3A_1458 = vector.shape_cast %reduce_min3A_1457 : vector<64xf32> to vector<64x1xf32>
    %convert_element_type3A_1459 = arith.fptosi %broadcast_in_dim3A_1458 : vector<64x1xf32> to vector<64x1xi32>
    %add3A_1460 = arith.constant 3072 : i32
    %add3A_1461 = vector.broadcast %add3A_1460 : i32 to vector<64x1xi32>
    %add3A_1462 = arith.addi %convert_element_type3A_1459, %add3A_1461 : vector<64x1xi32>
    %swap3A_1463 = arith.constant 0 : index
    %swap3A_1464 = arith.constant 3 : index
    %swap3A_1465 = vector.load %arg5[%swap3A_1463, %swap3A_1464] : memref<256x8xi32, #tpu.memory_space<vmem>>, vector<64x1xi32>
    tpu.vector_store %arg5[%swap3A_1463, %swap3A_1464], %add3A_1462 {strides = array<i32>} : memref<256x8xi32, #tpu.memory_space<vmem>>, vector<64x1xi32>,
    %slice3A_1466 = vector.extract_strided_slice %broadcast_in_dim3A_1345 {offsets = [64, 0], sizes = [64, 1], strides = [1, 1]} : vector<256x1xf32> to vector<64x1xf32>
    %slice3A_1467 = vector.extract_strided_slice %dot_general3A_1352 {offsets = [64, 0], sizes = [64, 128], strides = [1, 1]} : vector<256x1024xf32> to vector<64x128xf32>
    %sub3A_1468 = vector.broadcast %slice3A_1466 : vector<64x1xf32> to vector<64x128xf32>
    %sub3A_1469 = arith.subf %sub3A_1468, %slice3A_1467 : vector<64x128xf32>
    %slice3A_1470 = vector.extract_strided_slice %get3A_1357 {offsets = [0, 0], sizes = [1, 128], strides = [1, 1]} : vector<1x1024xf32> to vector<1x128xf32>
    %add3A_1471 = vector.broadcast %slice3A_1470 : vector<1x128xf32> to vector<64x128xf32>
    %add3A_1472 = arith.addf %sub3A_1469, %add3A_1471 : vector<64x128xf32>
    %broadcast_in_dim3A_1473 = arith.constant 0.000000e+00 : f32
    %broadcast_in_dim3A_1474 = vector.broadcast %broadcast_in_dim3A_1473 : f32 to vector<64x128xf32>
    %slice3A_1475 = vector.extract_strided_slice %dot_general3A_1352 {offsets = [64, 128], sizes = [64, 128], strides = [1, 1]} : vector<256x1024xf32> to vector<64x128xf32>
    %sub3A_1476 = vector.broadcast %slice3A_1466 : vector<64x1xf32> to vector<64x128xf32>
    %sub3A_1477 = arith.subf %sub3A_1476, %slice3A_1475 : vector<64x128xf32>
    %slice3A_1478 = vector.extract_strided_slice %get3A_1357 {offsets = [0, 128], sizes = [1, 128], strides = [1, 1]} : vector<1x1024xf32> to vector<1x128xf32>
    %add3A_1479 = vector.broadcast %slice3A_1478 : vector<1x128xf32> to vector<64x128xf32>
    %add3A_1480 = arith.addf %sub3A_1477, %add3A_1479 : vector<64x128xf32>
    %lt3A_1481 = arith.cmpf olt, %add3A_1480, %add3A_1472 : vector<64x128xf32>
    %select_n3A_1482 = arith.select %lt3A_1481, %add3A_1480, %add3A_1472 : vector<64x128xi1>, vector<64x128xf32>
    %jit3A_1483 = arith.constant 1.000000e+00 : f32
    %broadcast_in_dim3A_1484 = vector.broadcast %jit3A_1483 : f32 to vector<64x128xf32>
    %select_n3A_1485 = arith.select %lt3A_1481, %broadcast_in_dim3A_1484, %broadcast_in_dim3A_1474 : vector<64x128xi1>, vector<64x128xf32>
    %slice3A_1486 = vector.extract_strided_slice %dot_general3A_1352 {offsets = [64, 256], sizes = [64, 128], strides = [1, 1]} : vector<256x1024xf32> to vector<64x128xf32>
    %sub3A_1487 = vector.broadcast %slice3A_1466 : vector<64x1xf32> to vector<64x128xf32>
    %sub3A_1488 = arith.subf %sub3A_1487, %slice3A_1486 : vector<64x128xf32>
    %slice3A_1489 = vector.extract_strided_slice %get3A_1357 {offsets = [0, 256], sizes = [1, 128], strides = [1, 1]} : vector<1x1024xf32> to vector<1x128xf32>
    %add3A_1490 = vector.broadcast %slice3A_1489 : vector<1x128xf32> to vector<64x128xf32>
    %add3A_1491 = arith.addf %sub3A_1488, %add3A_1490 : vector<64x128xf32>
    %lt3A_1492 = arith.cmpf olt, %add3A_1491, %select_n3A_1482 : vector<64x128xf32>
    %select_n3A_1493 = arith.select %lt3A_1492, %add3A_1491, %select_n3A_1482 : vector<64x128xi1>, vector<64x128xf32>
    %jit3A_1494 = arith.constant 2.000000e+00 : f32
    %broadcast_in_dim3A_1495 = vector.broadcast %jit3A_1494 : f32 to vector<64x128xf32>
    %select_n3A_1496 = arith.select %lt3A_1492, %broadcast_in_dim3A_1495, %select_n3A_1485 : vector<64x128xi1>, vector<64x128xf32>
    %slice3A_1497 = vector.extract_strided_slice %dot_general3A_1352 {offsets = [64, 384], sizes = [64, 128], strides = [1, 1]} : vector<256x1024xf32> to vector<64x128xf32>
    %sub3A_1498 = vector.broadcast %slice3A_1466 : vector<64x1xf32> to vector<64x128xf32>
    %sub3A_1499 = arith.subf %sub3A_1498, %slice3A_1497 : vector<64x128xf32>
    %slice3A_1500 = vector.extract_strided_slice %get3A_1357 {offsets = [0, 384], sizes = [1, 128], strides = [1, 1]} : vector<1x1024xf32> to vector<1x128xf32>
    %add3A_1501 = vector.broadcast %slice3A_1500 : vector<1x128xf32> to vector<64x128xf32>
    %add3A_1502 = arith.addf %sub3A_1499, %add3A_1501 : vector<64x128xf32>
    %lt3A_1503 = arith.cmpf olt, %add3A_1502, %select_n3A_1493 : vector<64x128xf32>
    %select_n3A_1504 = arith.select %lt3A_1503, %add3A_1502, %select_n3A_1493 : vector<64x128xi1>, vector<64x128xf32>
    %jit3A_1505 = arith.constant 3.000000e+00 : f32
    %broadcast_in_dim3A_1506 = vector.broadcast %jit3A_1505 : f32 to vector<64x128xf32>
    %select_n3A_1507 = arith.select %lt3A_1503, %broadcast_in_dim3A_1506, %select_n3A_1496 : vector<64x128xi1>, vector<64x128xf32>
    %slice3A_1508 = vector.extract_strided_slice %dot_general3A_1352 {offsets = [64, 512], sizes = [64, 128], strides = [1, 1]} : vector<256x1024xf32> to vector<64x128xf32>
    %sub3A_1509 = vector.broadcast %slice3A_1466 : vector<64x1xf32> to vector<64x128xf32>
    %sub3A_1510 = arith.subf %sub3A_1509, %slice3A_1508 : vector<64x128xf32>
    %slice3A_1511 = vector.extract_strided_slice %get3A_1357 {offsets = [0, 512], sizes = [1, 128], strides = [1, 1]} : vector<1x1024xf32> to vector<1x128xf32>
    %add3A_1512 = vector.broadcast %slice3A_1511 : vector<1x128xf32> to vector<64x128xf32>
    %add3A_1513 = arith.addf %sub3A_1510, %add3A_1512 : vector<64x128xf32>
    %lt3A_1514 = arith.cmpf olt, %add3A_1513, %select_n3A_1504 : vector<64x128xf32>
    %select_n3A_1515 = arith.select %lt3A_1514, %add3A_1513, %select_n3A_1504 : vector<64x128xi1>, vector<64x128xf32>
    %jit3A_1516 = arith.constant 4.000000e+00 : f32
    %broadcast_in_dim3A_1517 = vector.broadcast %jit3A_1516 : f32 to vector<64x128xf32>
    %select_n3A_1518 = arith.select %lt3A_1514, %broadcast_in_dim3A_1517, %select_n3A_1507 : vector<64x128xi1>, vector<64x128xf32>
    %slice3A_1519 = vector.extract_strided_slice %dot_general3A_1352 {offsets = [64, 640], sizes = [64, 128], strides = [1, 1]} : vector<256x1024xf32> to vector<64x128xf32>
    %sub3A_1520 = vector.broadcast %slice3A_1466 : vector<64x1xf32> to vector<64x128xf32>
    %sub3A_1521 = arith.subf %sub3A_1520, %slice3A_1519 : vector<64x128xf32>
    %slice3A_1522 = vector.extract_strided_slice %get3A_1357 {offsets = [0, 640], sizes = [1, 128], strides = [1, 1]} : vector<1x1024xf32> to vector<1x128xf32>
    %add3A_1523 = vector.broadcast %slice3A_1522 : vector<1x128xf32> to vector<64x128xf32>
    %add3A_1524 = arith.addf %sub3A_1521, %add3A_1523 : vector<64x128xf32>
    %lt3A_1525 = arith.cmpf olt, %add3A_1524, %select_n3A_1515 : vector<64x128xf32>
    %select_n3A_1526 = arith.select %lt3A_1525, %add3A_1524, %select_n3A_1515 : vector<64x128xi1>, vector<64x128xf32>
    %jit3A_1527 = arith.constant 5.000000e+00 : f32
    %broadcast_in_dim3A_1528 = vector.broadcast %jit3A_1527 : f32 to vector<64x128xf32>
    %select_n3A_1529 = arith.select %lt3A_1525, %broadcast_in_dim3A_1528, %select_n3A_1518 : vector<64x128xi1>, vector<64x128xf32>
    %slice3A_1530 = vector.extract_strided_slice %dot_general3A_1352 {offsets = [64, 768], sizes = [64, 128], strides = [1, 1]} : vector<256x1024xf32> to vector<64x128xf32>
    %sub3A_1531 = vector.broadcast %slice3A_1466 : vector<64x1xf32> to vector<64x128xf32>
    %sub3A_1532 = arith.subf %sub3A_1531, %slice3A_1530 : vector<64x128xf32>
    %slice3A_1533 = vector.extract_strided_slice %get3A_1357 {offsets = [0, 768], sizes = [1, 128], strides = [1, 1]} : vector<1x1024xf32> to vector<1x128xf32>
    %add3A_1534 = vector.broadcast %slice3A_1533 : vector<1x128xf32> to vector<64x128xf32>
    %add3A_1535 = arith.addf %sub3A_1532, %add3A_1534 : vector<64x128xf32>
    %lt3A_1536 = arith.cmpf olt, %add3A_1535, %select_n3A_1526 : vector<64x128xf32>
    %select_n3A_1537 = arith.select %lt3A_1536, %add3A_1535, %select_n3A_1526 : vector<64x128xi1>, vector<64x128xf32>
    %jit3A_1538 = arith.constant 6.000000e+00 : f32
    %broadcast_in_dim3A_1539 = vector.broadcast %jit3A_1538 : f32 to vector<64x128xf32>
    %select_n3A_1540 = arith.select %lt3A_1536, %broadcast_in_dim3A_1539, %select_n3A_1529 : vector<64x128xi1>, vector<64x128xf32>
    %slice3A_1541 = vector.extract_strided_slice %dot_general3A_1352 {offsets = [64, 896], sizes = [64, 128], strides = [1, 1]} : vector<256x1024xf32> to vector<64x128xf32>
    %sub3A_1542 = vector.broadcast %slice3A_1466 : vector<64x1xf32> to vector<64x128xf32>
    %sub3A_1543 = arith.subf %sub3A_1542, %slice3A_1541 : vector<64x128xf32>
    %slice3A_1544 = vector.extract_strided_slice %get3A_1357 {offsets = [0, 896], sizes = [1, 128], strides = [1, 1]} : vector<1x1024xf32> to vector<1x128xf32>
    %add3A_1545 = vector.broadcast %slice3A_1544 : vector<1x128xf32> to vector<64x128xf32>
    %add3A_1546 = arith.addf %sub3A_1543, %add3A_1545 : vector<64x128xf32>
    %lt3A_1547 = arith.cmpf olt, %add3A_1546, %select_n3A_1537 : vector<64x128xf32>
    %select_n3A_1548 = arith.select %lt3A_1547, %add3A_1546, %select_n3A_1537 : vector<64x128xi1>, vector<64x128xf32>
    %jit3A_1549 = arith.constant 7.000000e+00 : f32
    %broadcast_in_dim3A_1550 = vector.broadcast %jit3A_1549 : f32 to vector<64x128xf32>
    %select_n3A_1551 = arith.select %lt3A_1547, %broadcast_in_dim3A_1550, %select_n3A_1540 : vector<64x128xi1>, vector<64x128xf32>
    %reduce_min3A_1552 = arith.constant dense<0x7F800000> : vector<64xf32>
    %reduce_min3A_1553 = vector.multi_reduction <minimumf>, %select_n3A_1548, %reduce_min3A_1552 [1] : vector<64x128xf32> to vector<64xf32>
    %broadcast_in_dim3A_1554 = vector.shape_cast %reduce_min3A_1553 : vector<64xf32> to vector<64x1xf32>
    %eq3A_1555 = vector.broadcast %broadcast_in_dim3A_1554 : vector<64x1xf32> to vector<64x128xf32>
    %eq3A_1556 = arith.cmpf oeq, %select_n3A_1548, %eq3A_1555 : vector<64x128xf32>
    %mul3A_1557 = arith.constant 1.280000e+02 : f32
    %mul3A_1558 = vector.broadcast %mul3A_1557 : f32 to vector<64x128xf32>
    %mul3A_1559 = arith.mulf %select_n3A_1551, %mul3A_1558 : vector<64x128xf32>
    %add3A_1560 = arith.addf %mul3A_1559, %convert_element_type3A : vector<64x128xf32>
    %jit3A_1561 = arith.constant 1.024000e+03 : f32
    %broadcast_in_dim3A_1562 = vector.broadcast %jit3A_1561 : f32 to vector<64x128xf32>
    %select_n3A_1563 = arith.select %eq3A_1556, %add3A_1560, %broadcast_in_dim3A_1562 : vector<64x128xi1>, vector<64x128xf32>
    %reduce_min3A_1564 = arith.constant dense<0x7F800000> : vector<64xf32>
    %reduce_min3A_1565 = vector.multi_reduction <minimumf>, %select_n3A_1563, %reduce_min3A_1564 [1] : vector<64x128xf32> to vector<64xf32>
    %broadcast_in_dim3A_1566 = vector.shape_cast %reduce_min3A_1565 : vector<64xf32> to vector<64x1xf32>
    %convert_element_type3A_1567 = arith.fptosi %broadcast_in_dim3A_1566 : vector<64x1xf32> to vector<64x1xi32>
    %add3A_1568 = arith.constant 3072 : i32
    %add3A_1569 = vector.broadcast %add3A_1568 : i32 to vector<64x1xi32>
    %add3A_1570 = arith.addi %convert_element_type3A_1567, %add3A_1569 : vector<64x1xi32>
    %swap3A_1571 = arith.constant 64 : index
    %swap3A_1572 = arith.constant 3 : index
    %swap3A_1573 = vector.load %arg5[%swap3A_1571, %swap3A_1572] : memref<256x8xi32, #tpu.memory_space<vmem>>, vector<64x1xi32>
    tpu.vector_store %arg5[%swap3A_1571, %swap3A_1572], %add3A_1570 {strides = array<i32>} : memref<256x8xi32, #tpu.memory_space<vmem>>, vector<64x1xi32>,
    %slice3A_1574 = vector.extract_strided_slice %broadcast_in_dim3A_1345 {offsets = [128, 0], sizes = [64, 1], strides = [1, 1]} : vector<256x1xf32> to vector<64x1xf32>
    %slice3A_1575 = vector.extract_strided_slice %dot_general3A_1352 {offsets = [128, 0], sizes = [64, 128], strides = [1, 1]} : vector<256x1024xf32> to vector<64x128xf32>
    %sub3A_1576 = vector.broadcast %slice3A_1574 : vector<64x1xf32> to vector<64x128xf32>
    %sub3A_1577 = arith.subf %sub3A_1576, %slice3A_1575 : vector<64x128xf32>
    %slice3A_1578 = vector.extract_strided_slice %get3A_1357 {offsets = [0, 0], sizes = [1, 128], strides = [1, 1]} : vector<1x1024xf32> to vector<1x128xf32>
    %add3A_1579 = vector.broadcast %slice3A_1578 : vector<1x128xf32> to vector<64x128xf32>
    %add3A_1580 = arith.addf %sub3A_1577, %add3A_1579 : vector<64x128xf32>
    %broadcast_in_dim3A_1581 = arith.constant 0.000000e+00 : f32
    %broadcast_in_dim3A_1582 = vector.broadcast %broadcast_in_dim3A_1581 : f32 to vector<64x128xf32>
    %slice3A_1583 = vector.extract_strided_slice %dot_general3A_1352 {offsets = [128, 128], sizes = [64, 128], strides = [1, 1]} : vector<256x1024xf32> to vector<64x128xf32>
    %sub3A_1584 = vector.broadcast %slice3A_1574 : vector<64x1xf32> to vector<64x128xf32>
    %sub3A_1585 = arith.subf %sub3A_1584, %slice3A_1583 : vector<64x128xf32>
    %slice3A_1586 = vector.extract_strided_slice %get3A_1357 {offsets = [0, 128], sizes = [1, 128], strides = [1, 1]} : vector<1x1024xf32> to vector<1x128xf32>
    %add3A_1587 = vector.broadcast %slice3A_1586 : vector<1x128xf32> to vector<64x128xf32>
    %add3A_1588 = arith.addf %sub3A_1585, %add3A_1587 : vector<64x128xf32>
    %lt3A_1589 = arith.cmpf olt, %add3A_1588, %add3A_1580 : vector<64x128xf32>
    %select_n3A_1590 = arith.select %lt3A_1589, %add3A_1588, %add3A_1580 : vector<64x128xi1>, vector<64x128xf32>
    %jit3A_1591 = arith.constant 1.000000e+00 : f32
    %broadcast_in_dim3A_1592 = vector.broadcast %jit3A_1591 : f32 to vector<64x128xf32>
    %select_n3A_1593 = arith.select %lt3A_1589, %broadcast_in_dim3A_1592, %broadcast_in_dim3A_1582 : vector<64x128xi1>, vector<64x128xf32>
    %slice3A_1594 = vector.extract_strided_slice %dot_general3A_1352 {offsets = [128, 256], sizes = [64, 128], strides = [1, 1]} : vector<256x1024xf32> to vector<64x128xf32>
    %sub3A_1595 = vector.broadcast %slice3A_1574 : vector<64x1xf32> to vector<64x128xf32>
    %sub3A_1596 = arith.subf %sub3A_1595, %slice3A_1594 : vector<64x128xf32>
    %slice3A_1597 = vector.extract_strided_slice %get3A_1357 {offsets = [0, 256], sizes = [1, 128], strides = [1, 1]} : vector<1x1024xf32> to vector<1x128xf32>
    %add3A_1598 = vector.broadcast %slice3A_1597 : vector<1x128xf32> to vector<64x128xf32>
    %add3A_1599 = arith.addf %sub3A_1596, %add3A_1598 : vector<64x128xf32>
    %lt3A_1600 = arith.cmpf olt, %add3A_1599, %select_n3A_1590 : vector<64x128xf32>
    %select_n3A_1601 = arith.select %lt3A_1600, %add3A_1599, %select_n3A_1590 : vector<64x128xi1>, vector<64x128xf32>
    %jit3A_1602 = arith.constant 2.000000e+00 : f32
    %broadcast_in_dim3A_1603 = vector.broadcast %jit3A_1602 : f32 to vector<64x128xf32>
    %select_n3A_1604 = arith.select %lt3A_1600, %broadcast_in_dim3A_1603, %select_n3A_1593 : vector<64x128xi1>, vector<64x128xf32>
    %slice3A_1605 = vector.extract_strided_slice %dot_general3A_1352 {offsets = [128, 384], sizes = [64, 128], strides = [1, 1]} : vector<256x1024xf32> to vector<64x128xf32>
    %sub3A_1606 = vector.broadcast %slice3A_1574 : vector<64x1xf32> to vector<64x128xf32>
    %sub3A_1607 = arith.subf %sub3A_1606, %slice3A_1605 : vector<64x128xf32>
    %slice3A_1608 = vector.extract_strided_slice %get3A_1357 {offsets = [0, 384], sizes = [1, 128], strides = [1, 1]} : vector<1x1024xf32> to vector<1x128xf32>
    %add3A_1609 = vector.broadcast %slice3A_1608 : vector<1x128xf32> to vector<64x128xf32>
    %add3A_1610 = arith.addf %sub3A_1607, %add3A_1609 : vector<64x128xf32>
    %lt3A_1611 = arith.cmpf olt, %add3A_1610, %select_n3A_1601 : vector<64x128xf32>
    %select_n3A_1612 = arith.select %lt3A_1611, %add3A_1610, %select_n3A_1601 : vector<64x128xi1>, vector<64x128xf32>
    %jit3A_1613 = arith.constant 3.000000e+00 : f32
    %broadcast_in_dim3A_1614 = vector.broadcast %jit3A_1613 : f32 to vector<64x128xf32>
    %select_n3A_1615 = arith.select %lt3A_1611, %broadcast_in_dim3A_1614, %select_n3A_1604 : vector<64x128xi1>, vector<64x128xf32>
    %slice3A_1616 = vector.extract_strided_slice %dot_general3A_1352 {offsets = [128, 512], sizes = [64, 128], strides = [1, 1]} : vector<256x1024xf32> to vector<64x128xf32>
    %sub3A_1617 = vector.broadcast %slice3A_1574 : vector<64x1xf32> to vector<64x128xf32>
    %sub3A_1618 = arith.subf %sub3A_1617, %slice3A_1616 : vector<64x128xf32>
    %slice3A_1619 = vector.extract_strided_slice %get3A_1357 {offsets = [0, 512], sizes = [1, 128], strides = [1, 1]} : vector<1x1024xf32> to vector<1x128xf32>
    %add3A_1620 = vector.broadcast %slice3A_1619 : vector<1x128xf32> to vector<64x128xf32>
    %add3A_1621 = arith.addf %sub3A_1618, %add3A_1620 : vector<64x128xf32>
    %lt3A_1622 = arith.cmpf olt, %add3A_1621, %select_n3A_1612 : vector<64x128xf32>
    %select_n3A_1623 = arith.select %lt3A_1622, %add3A_1621, %select_n3A_1612 : vector<64x128xi1>, vector<64x128xf32>
    %jit3A_1624 = arith.constant 4.000000e+00 : f32
    %broadcast_in_dim3A_1625 = vector.broadcast %jit3A_1624 : f32 to vector<64x128xf32>
    %select_n3A_1626 = arith.select %lt3A_1622, %broadcast_in_dim3A_1625, %select_n3A_1615 : vector<64x128xi1>, vector<64x128xf32>
    %slice3A_1627 = vector.extract_strided_slice %dot_general3A_1352 {offsets = [128, 640], sizes = [64, 128], strides = [1, 1]} : vector<256x1024xf32> to vector<64x128xf32>
    %sub3A_1628 = vector.broadcast %slice3A_1574 : vector<64x1xf32> to vector<64x128xf32>
    %sub3A_1629 = arith.subf %sub3A_1628, %slice3A_1627 : vector<64x128xf32>
    %slice3A_1630 = vector.extract_strided_slice %get3A_1357 {offsets = [0, 640], sizes = [1, 128], strides = [1, 1]} : vector<1x1024xf32> to vector<1x128xf32>
    %add3A_1631 = vector.broadcast %slice3A_1630 : vector<1x128xf32> to vector<64x128xf32>
    %add3A_1632 = arith.addf %sub3A_1629, %add3A_1631 : vector<64x128xf32>
    %lt3A_1633 = arith.cmpf olt, %add3A_1632, %select_n3A_1623 : vector<64x128xf32>
    %select_n3A_1634 = arith.select %lt3A_1633, %add3A_1632, %select_n3A_1623 : vector<64x128xi1>, vector<64x128xf32>
    %jit3A_1635 = arith.constant 5.000000e+00 : f32
    %broadcast_in_dim3A_1636 = vector.broadcast %jit3A_1635 : f32 to vector<64x128xf32>
    %select_n3A_1637 = arith.select %lt3A_1633, %broadcast_in_dim3A_1636, %select_n3A_1626 : vector<64x128xi1>, vector<64x128xf32>
    %slice3A_1638 = vector.extract_strided_slice %dot_general3A_1352 {offsets = [128, 768], sizes = [64, 128], strides = [1, 1]} : vector<256x1024xf32> to vector<64x128xf32>
    %sub3A_1639 = vector.broadcast %slice3A_1574 : vector<64x1xf32> to vector<64x128xf32>
    %sub3A_1640 = arith.subf %sub3A_1639, %slice3A_1638 : vector<64x128xf32>
    %slice3A_1641 = vector.extract_strided_slice %get3A_1357 {offsets = [0, 768], sizes = [1, 128], strides = [1, 1]} : vector<1x1024xf32> to vector<1x128xf32>
    %add3A_1642 = vector.broadcast %slice3A_1641 : vector<1x128xf32> to vector<64x128xf32>
    %add3A_1643 = arith.addf %sub3A_1640, %add3A_1642 : vector<64x128xf32>
    %lt3A_1644 = arith.cmpf olt, %add3A_1643, %select_n3A_1634 : vector<64x128xf32>
    %select_n3A_1645 = arith.select %lt3A_1644, %add3A_1643, %select_n3A_1634 : vector<64x128xi1>, vector<64x128xf32>
    %jit3A_1646 = arith.constant 6.000000e+00 : f32
    %broadcast_in_dim3A_1647 = vector.broadcast %jit3A_1646 : f32 to vector<64x128xf32>
    %select_n3A_1648 = arith.select %lt3A_1644, %broadcast_in_dim3A_1647, %select_n3A_1637 : vector<64x128xi1>, vector<64x128xf32>
    %slice3A_1649 = vector.extract_strided_slice %dot_general3A_1352 {offsets = [128, 896], sizes = [64, 128], strides = [1, 1]} : vector<256x1024xf32> to vector<64x128xf32>
    %sub3A_1650 = vector.broadcast %slice3A_1574 : vector<64x1xf32> to vector<64x128xf32>
    %sub3A_1651 = arith.subf %sub3A_1650, %slice3A_1649 : vector<64x128xf32>
    %slice3A_1652 = vector.extract_strided_slice %get3A_1357 {offsets = [0, 896], sizes = [1, 128], strides = [1, 1]} : vector<1x1024xf32> to vector<1x128xf32>
    %add3A_1653 = vector.broadcast %slice3A_1652 : vector<1x128xf32> to vector<64x128xf32>
    %add3A_1654 = arith.addf %sub3A_1651, %add3A_1653 : vector<64x128xf32>
    %lt3A_1655 = arith.cmpf olt, %add3A_1654, %select_n3A_1645 : vector<64x128xf32>
    %select_n3A_1656 = arith.select %lt3A_1655, %add3A_1654, %select_n3A_1645 : vector<64x128xi1>, vector<64x128xf32>
    %jit3A_1657 = arith.constant 7.000000e+00 : f32
    %broadcast_in_dim3A_1658 = vector.broadcast %jit3A_1657 : f32 to vector<64x128xf32>
    %select_n3A_1659 = arith.select %lt3A_1655, %broadcast_in_dim3A_1658, %select_n3A_1648 : vector<64x128xi1>, vector<64x128xf32>
    %reduce_min3A_1660 = arith.constant dense<0x7F800000> : vector<64xf32>
    %reduce_min3A_1661 = vector.multi_reduction <minimumf>, %select_n3A_1656, %reduce_min3A_1660 [1] : vector<64x128xf32> to vector<64xf32>
    %broadcast_in_dim3A_1662 = vector.shape_cast %reduce_min3A_1661 : vector<64xf32> to vector<64x1xf32>
    %eq3A_1663 = vector.broadcast %broadcast_in_dim3A_1662 : vector<64x1xf32> to vector<64x128xf32>
    %eq3A_1664 = arith.cmpf oeq, %select_n3A_1656, %eq3A_1663 : vector<64x128xf32>
    %mul3A_1665 = arith.constant 1.280000e+02 : f32
    %mul3A_1666 = vector.broadcast %mul3A_1665 : f32 to vector<64x128xf32>
    %mul3A_1667 = arith.mulf %select_n3A_1659, %mul3A_1666 : vector<64x128xf32>
    %add3A_1668 = arith.addf %mul3A_1667, %convert_element_type3A : vector<64x128xf32>
    %jit3A_1669 = arith.constant 1.024000e+03 : f32
    %broadcast_in_dim3A_1670 = vector.broadcast %jit3A_1669 : f32 to vector<64x128xf32>
    %select_n3A_1671 = arith.select %eq3A_1664, %add3A_1668, %broadcast_in_dim3A_1670 : vector<64x128xi1>, vector<64x128xf32>
    %reduce_min3A_1672 = arith.constant dense<0x7F800000> : vector<64xf32>
    %reduce_min3A_1673 = vector.multi_reduction <minimumf>, %select_n3A_1671, %reduce_min3A_1672 [1] : vector<64x128xf32> to vector<64xf32>
    %broadcast_in_dim3A_1674 = vector.shape_cast %reduce_min3A_1673 : vector<64xf32> to vector<64x1xf32>
    %convert_element_type3A_1675 = arith.fptosi %broadcast_in_dim3A_1674 : vector<64x1xf32> to vector<64x1xi32>
    %add3A_1676 = arith.constant 3072 : i32
    %add3A_1677 = vector.broadcast %add3A_1676 : i32 to vector<64x1xi32>
    %add3A_1678 = arith.addi %convert_element_type3A_1675, %add3A_1677 : vector<64x1xi32>
    %swap3A_1679 = arith.constant 128 : index
    %swap3A_1680 = arith.constant 3 : index
    %swap3A_1681 = vector.load %arg5[%swap3A_1679, %swap3A_1680] : memref<256x8xi32, #tpu.memory_space<vmem>>, vector<64x1xi32>
    tpu.vector_store %arg5[%swap3A_1679, %swap3A_1680], %add3A_1678 {strides = array<i32>} : memref<256x8xi32, #tpu.memory_space<vmem>>, vector<64x1xi32>,
    %slice3A_1682 = vector.extract_strided_slice %broadcast_in_dim3A_1345 {offsets = [192, 0], sizes = [64, 1], strides = [1, 1]} : vector<256x1xf32> to vector<64x1xf32>
    %slice3A_1683 = vector.extract_strided_slice %dot_general3A_1352 {offsets = [192, 0], sizes = [64, 128], strides = [1, 1]} : vector<256x1024xf32> to vector<64x128xf32>
    %sub3A_1684 = vector.broadcast %slice3A_1682 : vector<64x1xf32> to vector<64x128xf32>
    %sub3A_1685 = arith.subf %sub3A_1684, %slice3A_1683 : vector<64x128xf32>
    %slice3A_1686 = vector.extract_strided_slice %get3A_1357 {offsets = [0, 0], sizes = [1, 128], strides = [1, 1]} : vector<1x1024xf32> to vector<1x128xf32>
    %add3A_1687 = vector.broadcast %slice3A_1686 : vector<1x128xf32> to vector<64x128xf32>
    %add3A_1688 = arith.addf %sub3A_1685, %add3A_1687 : vector<64x128xf32>
    %broadcast_in_dim3A_1689 = arith.constant 0.000000e+00 : f32
    %broadcast_in_dim3A_1690 = vector.broadcast %broadcast_in_dim3A_1689 : f32 to vector<64x128xf32>
    %slice3A_1691 = vector.extract_strided_slice %dot_general3A_1352 {offsets = [192, 128], sizes = [64, 128], strides = [1, 1]} : vector<256x1024xf32> to vector<64x128xf32>
    %sub3A_1692 = vector.broadcast %slice3A_1682 : vector<64x1xf32> to vector<64x128xf32>
    %sub3A_1693 = arith.subf %sub3A_1692, %slice3A_1691 : vector<64x128xf32>
    %slice3A_1694 = vector.extract_strided_slice %get3A_1357 {offsets = [0, 128], sizes = [1, 128], strides = [1, 1]} : vector<1x1024xf32> to vector<1x128xf32>
    %add3A_1695 = vector.broadcast %slice3A_1694 : vector<1x128xf32> to vector<64x128xf32>
    %add3A_1696 = arith.addf %sub3A_1693, %add3A_1695 : vector<64x128xf32>
    %lt3A_1697 = arith.cmpf olt, %add3A_1696, %add3A_1688 : vector<64x128xf32>
    %select_n3A_1698 = arith.select %lt3A_1697, %add3A_1696, %add3A_1688 : vector<64x128xi1>, vector<64x128xf32>
    %jit3A_1699 = arith.constant 1.000000e+00 : f32
    %broadcast_in_dim3A_1700 = vector.broadcast %jit3A_1699 : f32 to vector<64x128xf32>
    %select_n3A_1701 = arith.select %lt3A_1697, %broadcast_in_dim3A_1700, %broadcast_in_dim3A_1690 : vector<64x128xi1>, vector<64x128xf32>
    %slice3A_1702 = vector.extract_strided_slice %dot_general3A_1352 {offsets = [192, 256], sizes = [64, 128], strides = [1, 1]} : vector<256x1024xf32> to vector<64x128xf32>
    %sub3A_1703 = vector.broadcast %slice3A_1682 : vector<64x1xf32> to vector<64x128xf32>
    %sub3A_1704 = arith.subf %sub3A_1703, %slice3A_1702 : vector<64x128xf32>
    %slice3A_1705 = vector.extract_strided_slice %get3A_1357 {offsets = [0, 256], sizes = [1, 128], strides = [1, 1]} : vector<1x1024xf32> to vector<1x128xf32>
    %add3A_1706 = vector.broadcast %slice3A_1705 : vector<1x128xf32> to vector<64x128xf32>
    %add3A_1707 = arith.addf %sub3A_1704, %add3A_1706 : vector<64x128xf32>
    %lt3A_1708 = arith.cmpf olt, %add3A_1707, %select_n3A_1698 : vector<64x128xf32>
    %select_n3A_1709 = arith.select %lt3A_1708, %add3A_1707, %select_n3A_1698 : vector<64x128xi1>, vector<64x128xf32>
    %jit3A_1710 = arith.constant 2.000000e+00 : f32
    %broadcast_in_dim3A_1711 = vector.broadcast %jit3A_1710 : f32 to vector<64x128xf32>
    %select_n3A_1712 = arith.select %lt3A_1708, %broadcast_in_dim3A_1711, %select_n3A_1701 : vector<64x128xi1>, vector<64x128xf32>
    %slice3A_1713 = vector.extract_strided_slice %dot_general3A_1352 {offsets = [192, 384], sizes = [64, 128], strides = [1, 1]} : vector<256x1024xf32> to vector<64x128xf32>
    %sub3A_1714 = vector.broadcast %slice3A_1682 : vector<64x1xf32> to vector<64x128xf32>
    %sub3A_1715 = arith.subf %sub3A_1714, %slice3A_1713 : vector<64x128xf32>
    %slice3A_1716 = vector.extract_strided_slice %get3A_1357 {offsets = [0, 384], sizes = [1, 128], strides = [1, 1]} : vector<1x1024xf32> to vector<1x128xf32>
    %add3A_1717 = vector.broadcast %slice3A_1716 : vector<1x128xf32> to vector<64x128xf32>
    %add3A_1718 = arith.addf %sub3A_1715, %add3A_1717 : vector<64x128xf32>
    %lt3A_1719 = arith.cmpf olt, %add3A_1718, %select_n3A_1709 : vector<64x128xf32>
    %select_n3A_1720 = arith.select %lt3A_1719, %add3A_1718, %select_n3A_1709 : vector<64x128xi1>, vector<64x128xf32>
    %jit3A_1721 = arith.constant 3.000000e+00 : f32
    %broadcast_in_dim3A_1722 = vector.broadcast %jit3A_1721 : f32 to vector<64x128xf32>
    %select_n3A_1723 = arith.select %lt3A_1719, %broadcast_in_dim3A_1722, %select_n3A_1712 : vector<64x128xi1>, vector<64x128xf32>
    %slice3A_1724 = vector.extract_strided_slice %dot_general3A_1352 {offsets = [192, 512], sizes = [64, 128], strides = [1, 1]} : vector<256x1024xf32> to vector<64x128xf32>
    %sub3A_1725 = vector.broadcast %slice3A_1682 : vector<64x1xf32> to vector<64x128xf32>
    %sub3A_1726 = arith.subf %sub3A_1725, %slice3A_1724 : vector<64x128xf32>
    %slice3A_1727 = vector.extract_strided_slice %get3A_1357 {offsets = [0, 512], sizes = [1, 128], strides = [1, 1]} : vector<1x1024xf32> to vector<1x128xf32>
    %add3A_1728 = vector.broadcast %slice3A_1727 : vector<1x128xf32> to vector<64x128xf32>
    %add3A_1729 = arith.addf %sub3A_1726, %add3A_1728 : vector<64x128xf32>
    %lt3A_1730 = arith.cmpf olt, %add3A_1729, %select_n3A_1720 : vector<64x128xf32>
    %select_n3A_1731 = arith.select %lt3A_1730, %add3A_1729, %select_n3A_1720 : vector<64x128xi1>, vector<64x128xf32>
    %jit3A_1732 = arith.constant 4.000000e+00 : f32
    %broadcast_in_dim3A_1733 = vector.broadcast %jit3A_1732 : f32 to vector<64x128xf32>
    %select_n3A_1734 = arith.select %lt3A_1730, %broadcast_in_dim3A_1733, %select_n3A_1723 : vector<64x128xi1>, vector<64x128xf32>
    %slice3A_1735 = vector.extract_strided_slice %dot_general3A_1352 {offsets = [192, 640], sizes = [64, 128], strides = [1, 1]} : vector<256x1024xf32> to vector<64x128xf32>
    %sub3A_1736 = vector.broadcast %slice3A_1682 : vector<64x1xf32> to vector<64x128xf32>
    %sub3A_1737 = arith.subf %sub3A_1736, %slice3A_1735 : vector<64x128xf32>
    %slice3A_1738 = vector.extract_strided_slice %get3A_1357 {offsets = [0, 640], sizes = [1, 128], strides = [1, 1]} : vector<1x1024xf32> to vector<1x128xf32>
    %add3A_1739 = vector.broadcast %slice3A_1738 : vector<1x128xf32> to vector<64x128xf32>
    %add3A_1740 = arith.addf %sub3A_1737, %add3A_1739 : vector<64x128xf32>
    %lt3A_1741 = arith.cmpf olt, %add3A_1740, %select_n3A_1731 : vector<64x128xf32>
    %select_n3A_1742 = arith.select %lt3A_1741, %add3A_1740, %select_n3A_1731 : vector<64x128xi1>, vector<64x128xf32>
    %jit3A_1743 = arith.constant 5.000000e+00 : f32
    %broadcast_in_dim3A_1744 = vector.broadcast %jit3A_1743 : f32 to vector<64x128xf32>
    %select_n3A_1745 = arith.select %lt3A_1741, %broadcast_in_dim3A_1744, %select_n3A_1734 : vector<64x128xi1>, vector<64x128xf32>
    %slice3A_1746 = vector.extract_strided_slice %dot_general3A_1352 {offsets = [192, 768], sizes = [64, 128], strides = [1, 1]} : vector<256x1024xf32> to vector<64x128xf32>
    %sub3A_1747 = vector.broadcast %slice3A_1682 : vector<64x1xf32> to vector<64x128xf32>
    %sub3A_1748 = arith.subf %sub3A_1747, %slice3A_1746 : vector<64x128xf32>
    %slice3A_1749 = vector.extract_strided_slice %get3A_1357 {offsets = [0, 768], sizes = [1, 128], strides = [1, 1]} : vector<1x1024xf32> to vector<1x128xf32>
    %add3A_1750 = vector.broadcast %slice3A_1749 : vector<1x128xf32> to vector<64x128xf32>
    %add3A_1751 = arith.addf %sub3A_1748, %add3A_1750 : vector<64x128xf32>
    %lt3A_1752 = arith.cmpf olt, %add3A_1751, %select_n3A_1742 : vector<64x128xf32>
    %select_n3A_1753 = arith.select %lt3A_1752, %add3A_1751, %select_n3A_1742 : vector<64x128xi1>, vector<64x128xf32>
    %jit3A_1754 = arith.constant 6.000000e+00 : f32
    %broadcast_in_dim3A_1755 = vector.broadcast %jit3A_1754 : f32 to vector<64x128xf32>
    %select_n3A_1756 = arith.select %lt3A_1752, %broadcast_in_dim3A_1755, %select_n3A_1745 : vector<64x128xi1>, vector<64x128xf32>
    %slice3A_1757 = vector.extract_strided_slice %dot_general3A_1352 {offsets = [192, 896], sizes = [64, 128], strides = [1, 1]} : vector<256x1024xf32> to vector<64x128xf32>
    %sub3A_1758 = vector.broadcast %slice3A_1682 : vector<64x1xf32> to vector<64x128xf32>
    %sub3A_1759 = arith.subf %sub3A_1758, %slice3A_1757 : vector<64x128xf32>
    %slice3A_1760 = vector.extract_strided_slice %get3A_1357 {offsets = [0, 896], sizes = [1, 128], strides = [1, 1]} : vector<1x1024xf32> to vector<1x128xf32>
    %add3A_1761 = vector.broadcast %slice3A_1760 : vector<1x128xf32> to vector<64x128xf32>
    %add3A_1762 = arith.addf %sub3A_1759, %add3A_1761 : vector<64x128xf32>
    %lt3A_1763 = arith.cmpf olt, %add3A_1762, %select_n3A_1753 : vector<64x128xf32>
    %select_n3A_1764 = arith.select %lt3A_1763, %add3A_1762, %select_n3A_1753 : vector<64x128xi1>, vector<64x128xf32>
    %jit3A_1765 = arith.constant 7.000000e+00 : f32
    %broadcast_in_dim3A_1766 = vector.broadcast %jit3A_1765 : f32 to vector<64x128xf32>
    %select_n3A_1767 = arith.select %lt3A_1763, %broadcast_in_dim3A_1766, %select_n3A_1756 : vector<64x128xi1>, vector<64x128xf32>
    %reduce_min3A_1768 = arith.constant dense<0x7F800000> : vector<64xf32>
    %reduce_min3A_1769 = vector.multi_reduction <minimumf>, %select_n3A_1764, %reduce_min3A_1768 [1] : vector<64x128xf32> to vector<64xf32>
    %broadcast_in_dim3A_1770 = vector.shape_cast %reduce_min3A_1769 : vector<64xf32> to vector<64x1xf32>
    %eq3A_1771 = vector.broadcast %broadcast_in_dim3A_1770 : vector<64x1xf32> to vector<64x128xf32>
    %eq3A_1772 = arith.cmpf oeq, %select_n3A_1764, %eq3A_1771 : vector<64x128xf32>
    %mul3A_1773 = arith.constant 1.280000e+02 : f32
    %mul3A_1774 = vector.broadcast %mul3A_1773 : f32 to vector<64x128xf32>
    %mul3A_1775 = arith.mulf %select_n3A_1767, %mul3A_1774 : vector<64x128xf32>
    %add3A_1776 = arith.addf %mul3A_1775, %convert_element_type3A : vector<64x128xf32>
    %jit3A_1777 = arith.constant 1.024000e+03 : f32
    %broadcast_in_dim3A_1778 = vector.broadcast %jit3A_1777 : f32 to vector<64x128xf32>
    %select_n3A_1779 = arith.select %eq3A_1772, %add3A_1776, %broadcast_in_dim3A_1778 : vector<64x128xi1>, vector<64x128xf32>
    %reduce_min3A_1780 = arith.constant dense<0x7F800000> : vector<64xf32>
    %reduce_min3A_1781 = vector.multi_reduction <minimumf>, %select_n3A_1779, %reduce_min3A_1780 [1] : vector<64x128xf32> to vector<64xf32>
    %broadcast_in_dim3A_1782 = vector.shape_cast %reduce_min3A_1781 : vector<64xf32> to vector<64x1xf32>
    %convert_element_type3A_1783 = arith.fptosi %broadcast_in_dim3A_1782 : vector<64x1xf32> to vector<64x1xi32>
    %add3A_1784 = arith.constant 3072 : i32
    %add3A_1785 = vector.broadcast %add3A_1784 : i32 to vector<64x1xi32>
    %add3A_1786 = arith.addi %convert_element_type3A_1783, %add3A_1785 : vector<64x1xi32>
    %swap3A_1787 = arith.constant 192 : index
    %swap3A_1788 = arith.constant 3 : index
    %swap3A_1789 = vector.load %arg5[%swap3A_1787, %swap3A_1788] : memref<256x8xi32, #tpu.memory_space<vmem>>, vector<64x1xi32>
    tpu.vector_store %arg5[%swap3A_1787, %swap3A_1788], %add3A_1786 {strides = array<i32>} : memref<256x8xi32, #tpu.memory_space<vmem>>, vector<64x1xi32>,
    %slice3A_1790 = vector.extract_strided_slice %dot_general3A_5 {offsets = [0, 256], sizes = [256, 64], strides = [1, 1]} : vector<256x512xf32> to vector<256x64xf32>
    %mul3A_1791 = arith.mulf %slice3A_1790, %slice3A_1790 : vector<256x64xf32>
    %reduce_sum3A_1792 = arith.constant dense<0.000000e+00> : vector<256xf32>
    %reduce_sum3A_1793 = vector.multi_reduction <add>, %mul3A_1791, %reduce_sum3A_1792 [1] : vector<256x64xf32> to vector<256xf32>
    %broadcast_in_dim3A_1794 = vector.shape_cast %reduce_sum3A_1793 : vector<256xf32> to vector<256x1xf32>
    %get3A_1795 = arith.constant 4 : index
    %get3A_1796 = arith.constant 0 : index
    %get3A_1797 = arith.constant 0 : index
    %get3A_1798 = vector.load %arg3[%get3A_1795, %get3A_1796, %get3A_1797] : memref<8x1024x64xf32, #tpu.memory_space<vmem>>, vector<1x1024x64xf32>
    %get3A_1799 = vector.shape_cast %get3A_1798 : vector<1x1024x64xf32> to vector<1024x64xf32>
    %dot_general3A_1800 = arith.constant dense<0.000000e+00> : vector<256x1024xf32>
    %dot_general3A_1801 = tpu.matmul %slice3A_1790, %get3A_1799, %dot_general3A_1800 {dimension_numbers = #tpu.dot_dimension_numbers<[1], [1], [0], [0], [0, 0, 1, 0], [], []>, transpose_lhs_hint = false} : vector<256x64xf32>, vector<1024x64xf32>, vector<256x1024xf32> -> vector<256x1024xf32>
    %get3A_1802 = arith.constant 4 : index
    %get3A_1803 = arith.constant 0 : index
    %get3A_1804 = arith.constant 0 : index
    %get3A_1805 = vector.load %arg4[%get3A_1802, %get3A_1803, %get3A_1804] : memref<8x1x1024xf32, #tpu.memory_space<vmem>>, vector<1x1x1024xf32>
    %get3A_1806 = vector.shape_cast %get3A_1805 : vector<1x1x1024xf32> to vector<1x1024xf32>
    %slice3A_1807 = vector.extract_strided_slice %broadcast_in_dim3A_1794 {offsets = [0, 0], sizes = [64, 1], strides = [1, 1]} : vector<256x1xf32> to vector<64x1xf32>
    %slice3A_1808 = vector.extract_strided_slice %dot_general3A_1801 {offsets = [0, 0], sizes = [64, 128], strides = [1, 1]} : vector<256x1024xf32> to vector<64x128xf32>
    %sub3A_1809 = vector.broadcast %slice3A_1807 : vector<64x1xf32> to vector<64x128xf32>
    %sub3A_1810 = arith.subf %sub3A_1809, %slice3A_1808 : vector<64x128xf32>
    %slice3A_1811 = vector.extract_strided_slice %get3A_1806 {offsets = [0, 0], sizes = [1, 128], strides = [1, 1]} : vector<1x1024xf32> to vector<1x128xf32>
    %add3A_1812 = vector.broadcast %slice3A_1811 : vector<1x128xf32> to vector<64x128xf32>
    %add3A_1813 = arith.addf %sub3A_1810, %add3A_1812 : vector<64x128xf32>
    %broadcast_in_dim3A_1814 = arith.constant 0.000000e+00 : f32
    %broadcast_in_dim3A_1815 = vector.broadcast %broadcast_in_dim3A_1814 : f32 to vector<64x128xf32>
    %slice3A_1816 = vector.extract_strided_slice %dot_general3A_1801 {offsets = [0, 128], sizes = [64, 128], strides = [1, 1]} : vector<256x1024xf32> to vector<64x128xf32>
    %sub3A_1817 = vector.broadcast %slice3A_1807 : vector<64x1xf32> to vector<64x128xf32>
    %sub3A_1818 = arith.subf %sub3A_1817, %slice3A_1816 : vector<64x128xf32>
    %slice3A_1819 = vector.extract_strided_slice %get3A_1806 {offsets = [0, 128], sizes = [1, 128], strides = [1, 1]} : vector<1x1024xf32> to vector<1x128xf32>
    %add3A_1820 = vector.broadcast %slice3A_1819 : vector<1x128xf32> to vector<64x128xf32>
    %add3A_1821 = arith.addf %sub3A_1818, %add3A_1820 : vector<64x128xf32>
    %lt3A_1822 = arith.cmpf olt, %add3A_1821, %add3A_1813 : vector<64x128xf32>
    %select_n3A_1823 = arith.select %lt3A_1822, %add3A_1821, %add3A_1813 : vector<64x128xi1>, vector<64x128xf32>
    %jit3A_1824 = arith.constant 1.000000e+00 : f32
    %broadcast_in_dim3A_1825 = vector.broadcast %jit3A_1824 : f32 to vector<64x128xf32>
    %select_n3A_1826 = arith.select %lt3A_1822, %broadcast_in_dim3A_1825, %broadcast_in_dim3A_1815 : vector<64x128xi1>, vector<64x128xf32>
    %slice3A_1827 = vector.extract_strided_slice %dot_general3A_1801 {offsets = [0, 256], sizes = [64, 128], strides = [1, 1]} : vector<256x1024xf32> to vector<64x128xf32>
    %sub3A_1828 = vector.broadcast %slice3A_1807 : vector<64x1xf32> to vector<64x128xf32>
    %sub3A_1829 = arith.subf %sub3A_1828, %slice3A_1827 : vector<64x128xf32>
    %slice3A_1830 = vector.extract_strided_slice %get3A_1806 {offsets = [0, 256], sizes = [1, 128], strides = [1, 1]} : vector<1x1024xf32> to vector<1x128xf32>
    %add3A_1831 = vector.broadcast %slice3A_1830 : vector<1x128xf32> to vector<64x128xf32>
    %add3A_1832 = arith.addf %sub3A_1829, %add3A_1831 : vector<64x128xf32>
    %lt3A_1833 = arith.cmpf olt, %add3A_1832, %select_n3A_1823 : vector<64x128xf32>
    %select_n3A_1834 = arith.select %lt3A_1833, %add3A_1832, %select_n3A_1823 : vector<64x128xi1>, vector<64x128xf32>
    %jit3A_1835 = arith.constant 2.000000e+00 : f32
    %broadcast_in_dim3A_1836 = vector.broadcast %jit3A_1835 : f32 to vector<64x128xf32>
    %select_n3A_1837 = arith.select %lt3A_1833, %broadcast_in_dim3A_1836, %select_n3A_1826 : vector<64x128xi1>, vector<64x128xf32>
    %slice3A_1838 = vector.extract_strided_slice %dot_general3A_1801 {offsets = [0, 384], sizes = [64, 128], strides = [1, 1]} : vector<256x1024xf32> to vector<64x128xf32>
    %sub3A_1839 = vector.broadcast %slice3A_1807 : vector<64x1xf32> to vector<64x128xf32>
    %sub3A_1840 = arith.subf %sub3A_1839, %slice3A_1838 : vector<64x128xf32>
    %slice3A_1841 = vector.extract_strided_slice %get3A_1806 {offsets = [0, 384], sizes = [1, 128], strides = [1, 1]} : vector<1x1024xf32> to vector<1x128xf32>
    %add3A_1842 = vector.broadcast %slice3A_1841 : vector<1x128xf32> to vector<64x128xf32>
    %add3A_1843 = arith.addf %sub3A_1840, %add3A_1842 : vector<64x128xf32>
    %lt3A_1844 = arith.cmpf olt, %add3A_1843, %select_n3A_1834 : vector<64x128xf32>
    %select_n3A_1845 = arith.select %lt3A_1844, %add3A_1843, %select_n3A_1834 : vector<64x128xi1>, vector<64x128xf32>
    %jit3A_1846 = arith.constant 3.000000e+00 : f32
    %broadcast_in_dim3A_1847 = vector.broadcast %jit3A_1846 : f32 to vector<64x128xf32>
    %select_n3A_1848 = arith.select %lt3A_1844, %broadcast_in_dim3A_1847, %select_n3A_1837 : vector<64x128xi1>, vector<64x128xf32>
    %slice3A_1849 = vector.extract_strided_slice %dot_general3A_1801 {offsets = [0, 512], sizes = [64, 128], strides = [1, 1]} : vector<256x1024xf32> to vector<64x128xf32>
    %sub3A_1850 = vector.broadcast %slice3A_1807 : vector<64x1xf32> to vector<64x128xf32>
    %sub3A_1851 = arith.subf %sub3A_1850, %slice3A_1849 : vector<64x128xf32>
    %slice3A_1852 = vector.extract_strided_slice %get3A_1806 {offsets = [0, 512], sizes = [1, 128], strides = [1, 1]} : vector<1x1024xf32> to vector<1x128xf32>
    %add3A_1853 = vector.broadcast %slice3A_1852 : vector<1x128xf32> to vector<64x128xf32>
    %add3A_1854 = arith.addf %sub3A_1851, %add3A_1853 : vector<64x128xf32>
    %lt3A_1855 = arith.cmpf olt, %add3A_1854, %select_n3A_1845 : vector<64x128xf32>
    %select_n3A_1856 = arith.select %lt3A_1855, %add3A_1854, %select_n3A_1845 : vector<64x128xi1>, vector<64x128xf32>
    %jit3A_1857 = arith.constant 4.000000e+00 : f32
    %broadcast_in_dim3A_1858 = vector.broadcast %jit3A_1857 : f32 to vector<64x128xf32>
    %select_n3A_1859 = arith.select %lt3A_1855, %broadcast_in_dim3A_1858, %select_n3A_1848 : vector<64x128xi1>, vector<64x128xf32>
    %slice3A_1860 = vector.extract_strided_slice %dot_general3A_1801 {offsets = [0, 640], sizes = [64, 128], strides = [1, 1]} : vector<256x1024xf32> to vector<64x128xf32>
    %sub3A_1861 = vector.broadcast %slice3A_1807 : vector<64x1xf32> to vector<64x128xf32>
    %sub3A_1862 = arith.subf %sub3A_1861, %slice3A_1860 : vector<64x128xf32>
    %slice3A_1863 = vector.extract_strided_slice %get3A_1806 {offsets = [0, 640], sizes = [1, 128], strides = [1, 1]} : vector<1x1024xf32> to vector<1x128xf32>
    %add3A_1864 = vector.broadcast %slice3A_1863 : vector<1x128xf32> to vector<64x128xf32>
    %add3A_1865 = arith.addf %sub3A_1862, %add3A_1864 : vector<64x128xf32>
    %lt3A_1866 = arith.cmpf olt, %add3A_1865, %select_n3A_1856 : vector<64x128xf32>
    %select_n3A_1867 = arith.select %lt3A_1866, %add3A_1865, %select_n3A_1856 : vector<64x128xi1>, vector<64x128xf32>
    %jit3A_1868 = arith.constant 5.000000e+00 : f32
    %broadcast_in_dim3A_1869 = vector.broadcast %jit3A_1868 : f32 to vector<64x128xf32>
    %select_n3A_1870 = arith.select %lt3A_1866, %broadcast_in_dim3A_1869, %select_n3A_1859 : vector<64x128xi1>, vector<64x128xf32>
    %slice3A_1871 = vector.extract_strided_slice %dot_general3A_1801 {offsets = [0, 768], sizes = [64, 128], strides = [1, 1]} : vector<256x1024xf32> to vector<64x128xf32>
    %sub3A_1872 = vector.broadcast %slice3A_1807 : vector<64x1xf32> to vector<64x128xf32>
    %sub3A_1873 = arith.subf %sub3A_1872, %slice3A_1871 : vector<64x128xf32>
    %slice3A_1874 = vector.extract_strided_slice %get3A_1806 {offsets = [0, 768], sizes = [1, 128], strides = [1, 1]} : vector<1x1024xf32> to vector<1x128xf32>
    %add3A_1875 = vector.broadcast %slice3A_1874 : vector<1x128xf32> to vector<64x128xf32>
    %add3A_1876 = arith.addf %sub3A_1873, %add3A_1875 : vector<64x128xf32>
    %lt3A_1877 = arith.cmpf olt, %add3A_1876, %select_n3A_1867 : vector<64x128xf32>
    %select_n3A_1878 = arith.select %lt3A_1877, %add3A_1876, %select_n3A_1867 : vector<64x128xi1>, vector<64x128xf32>
    %jit3A_1879 = arith.constant 6.000000e+00 : f32
    %broadcast_in_dim3A_1880 = vector.broadcast %jit3A_1879 : f32 to vector<64x128xf32>
    %select_n3A_1881 = arith.select %lt3A_1877, %broadcast_in_dim3A_1880, %select_n3A_1870 : vector<64x128xi1>, vector<64x128xf32>
    %slice3A_1882 = vector.extract_strided_slice %dot_general3A_1801 {offsets = [0, 896], sizes = [64, 128], strides = [1, 1]} : vector<256x1024xf32> to vector<64x128xf32>
    %sub3A_1883 = vector.broadcast %slice3A_1807 : vector<64x1xf32> to vector<64x128xf32>
    %sub3A_1884 = arith.subf %sub3A_1883, %slice3A_1882 : vector<64x128xf32>
    %slice3A_1885 = vector.extract_strided_slice %get3A_1806 {offsets = [0, 896], sizes = [1, 128], strides = [1, 1]} : vector<1x1024xf32> to vector<1x128xf32>
    %add3A_1886 = vector.broadcast %slice3A_1885 : vector<1x128xf32> to vector<64x128xf32>
    %add3A_1887 = arith.addf %sub3A_1884, %add3A_1886 : vector<64x128xf32>
    %lt3A_1888 = arith.cmpf olt, %add3A_1887, %select_n3A_1878 : vector<64x128xf32>
    %select_n3A_1889 = arith.select %lt3A_1888, %add3A_1887, %select_n3A_1878 : vector<64x128xi1>, vector<64x128xf32>
    %jit3A_1890 = arith.constant 7.000000e+00 : f32
    %broadcast_in_dim3A_1891 = vector.broadcast %jit3A_1890 : f32 to vector<64x128xf32>
    %select_n3A_1892 = arith.select %lt3A_1888, %broadcast_in_dim3A_1891, %select_n3A_1881 : vector<64x128xi1>, vector<64x128xf32>
    %reduce_min3A_1893 = arith.constant dense<0x7F800000> : vector<64xf32>
    %reduce_min3A_1894 = vector.multi_reduction <minimumf>, %select_n3A_1889, %reduce_min3A_1893 [1] : vector<64x128xf32> to vector<64xf32>
    %broadcast_in_dim3A_1895 = vector.shape_cast %reduce_min3A_1894 : vector<64xf32> to vector<64x1xf32>
    %eq3A_1896 = vector.broadcast %broadcast_in_dim3A_1895 : vector<64x1xf32> to vector<64x128xf32>
    %eq3A_1897 = arith.cmpf oeq, %select_n3A_1889, %eq3A_1896 : vector<64x128xf32>
    %mul3A_1898 = arith.constant 1.280000e+02 : f32
    %mul3A_1899 = vector.broadcast %mul3A_1898 : f32 to vector<64x128xf32>
    %mul3A_1900 = arith.mulf %select_n3A_1892, %mul3A_1899 : vector<64x128xf32>
    %add3A_1901 = arith.addf %mul3A_1900, %convert_element_type3A : vector<64x128xf32>
    %jit3A_1902 = arith.constant 1.024000e+03 : f32
    %broadcast_in_dim3A_1903 = vector.broadcast %jit3A_1902 : f32 to vector<64x128xf32>
    %select_n3A_1904 = arith.select %eq3A_1897, %add3A_1901, %broadcast_in_dim3A_1903 : vector<64x128xi1>, vector<64x128xf32>
    %reduce_min3A_1905 = arith.constant dense<0x7F800000> : vector<64xf32>
    %reduce_min3A_1906 = vector.multi_reduction <minimumf>, %select_n3A_1904, %reduce_min3A_1905 [1] : vector<64x128xf32> to vector<64xf32>
    %broadcast_in_dim3A_1907 = vector.shape_cast %reduce_min3A_1906 : vector<64xf32> to vector<64x1xf32>
    %convert_element_type3A_1908 = arith.fptosi %broadcast_in_dim3A_1907 : vector<64x1xf32> to vector<64x1xi32>
    %add3A_1909 = arith.constant 4096 : i32
    %add3A_1910 = vector.broadcast %add3A_1909 : i32 to vector<64x1xi32>
    %add3A_1911 = arith.addi %convert_element_type3A_1908, %add3A_1910 : vector<64x1xi32>
    %swap3A_1912 = arith.constant 0 : index
    %swap3A_1913 = arith.constant 4 : index
    %swap3A_1914 = vector.load %arg5[%swap3A_1912, %swap3A_1913] : memref<256x8xi32, #tpu.memory_space<vmem>>, vector<64x1xi32>
    tpu.vector_store %arg5[%swap3A_1912, %swap3A_1913], %add3A_1911 {strides = array<i32>} : memref<256x8xi32, #tpu.memory_space<vmem>>, vector<64x1xi32>,
    %slice3A_1915 = vector.extract_strided_slice %broadcast_in_dim3A_1794 {offsets = [64, 0], sizes = [64, 1], strides = [1, 1]} : vector<256x1xf32> to vector<64x1xf32>
    %slice3A_1916 = vector.extract_strided_slice %dot_general3A_1801 {offsets = [64, 0], sizes = [64, 128], strides = [1, 1]} : vector<256x1024xf32> to vector<64x128xf32>
    %sub3A_1917 = vector.broadcast %slice3A_1915 : vector<64x1xf32> to vector<64x128xf32>
    %sub3A_1918 = arith.subf %sub3A_1917, %slice3A_1916 : vector<64x128xf32>
    %slice3A_1919 = vector.extract_strided_slice %get3A_1806 {offsets = [0, 0], sizes = [1, 128], strides = [1, 1]} : vector<1x1024xf32> to vector<1x128xf32>
    %add3A_1920 = vector.broadcast %slice3A_1919 : vector<1x128xf32> to vector<64x128xf32>
    %add3A_1921 = arith.addf %sub3A_1918, %add3A_1920 : vector<64x128xf32>
    %broadcast_in_dim3A_1922 = arith.constant 0.000000e+00 : f32
    %broadcast_in_dim3A_1923 = vector.broadcast %broadcast_in_dim3A_1922 : f32 to vector<64x128xf32>
    %slice3A_1924 = vector.extract_strided_slice %dot_general3A_1801 {offsets = [64, 128], sizes = [64, 128], strides = [1, 1]} : vector<256x1024xf32> to vector<64x128xf32>
    %sub3A_1925 = vector.broadcast %slice3A_1915 : vector<64x1xf32> to vector<64x128xf32>
    %sub3A_1926 = arith.subf %sub3A_1925, %slice3A_1924 : vector<64x128xf32>
    %slice3A_1927 = vector.extract_strided_slice %get3A_1806 {offsets = [0, 128], sizes = [1, 128], strides = [1, 1]} : vector<1x1024xf32> to vector<1x128xf32>
    %add3A_1928 = vector.broadcast %slice3A_1927 : vector<1x128xf32> to vector<64x128xf32>
    %add3A_1929 = arith.addf %sub3A_1926, %add3A_1928 : vector<64x128xf32>
    %lt3A_1930 = arith.cmpf olt, %add3A_1929, %add3A_1921 : vector<64x128xf32>
    %select_n3A_1931 = arith.select %lt3A_1930, %add3A_1929, %add3A_1921 : vector<64x128xi1>, vector<64x128xf32>
    %jit3A_1932 = arith.constant 1.000000e+00 : f32
    %broadcast_in_dim3A_1933 = vector.broadcast %jit3A_1932 : f32 to vector<64x128xf32>
    %select_n3A_1934 = arith.select %lt3A_1930, %broadcast_in_dim3A_1933, %broadcast_in_dim3A_1923 : vector<64x128xi1>, vector<64x128xf32>
    %slice3A_1935 = vector.extract_strided_slice %dot_general3A_1801 {offsets = [64, 256], sizes = [64, 128], strides = [1, 1]} : vector<256x1024xf32> to vector<64x128xf32>
    %sub3A_1936 = vector.broadcast %slice3A_1915 : vector<64x1xf32> to vector<64x128xf32>
    %sub3A_1937 = arith.subf %sub3A_1936, %slice3A_1935 : vector<64x128xf32>
    %slice3A_1938 = vector.extract_strided_slice %get3A_1806 {offsets = [0, 256], sizes = [1, 128], strides = [1, 1]} : vector<1x1024xf32> to vector<1x128xf32>
    %add3A_1939 = vector.broadcast %slice3A_1938 : vector<1x128xf32> to vector<64x128xf32>
    %add3A_1940 = arith.addf %sub3A_1937, %add3A_1939 : vector<64x128xf32>
    %lt3A_1941 = arith.cmpf olt, %add3A_1940, %select_n3A_1931 : vector<64x128xf32>
    %select_n3A_1942 = arith.select %lt3A_1941, %add3A_1940, %select_n3A_1931 : vector<64x128xi1>, vector<64x128xf32>
    %jit3A_1943 = arith.constant 2.000000e+00 : f32
    %broadcast_in_dim3A_1944 = vector.broadcast %jit3A_1943 : f32 to vector<64x128xf32>
    %select_n3A_1945 = arith.select %lt3A_1941, %broadcast_in_dim3A_1944, %select_n3A_1934 : vector<64x128xi1>, vector<64x128xf32>
    %slice3A_1946 = vector.extract_strided_slice %dot_general3A_1801 {offsets = [64, 384], sizes = [64, 128], strides = [1, 1]} : vector<256x1024xf32> to vector<64x128xf32>
    %sub3A_1947 = vector.broadcast %slice3A_1915 : vector<64x1xf32> to vector<64x128xf32>
    %sub3A_1948 = arith.subf %sub3A_1947, %slice3A_1946 : vector<64x128xf32>
    %slice3A_1949 = vector.extract_strided_slice %get3A_1806 {offsets = [0, 384], sizes = [1, 128], strides = [1, 1]} : vector<1x1024xf32> to vector<1x128xf32>
    %add3A_1950 = vector.broadcast %slice3A_1949 : vector<1x128xf32> to vector<64x128xf32>
    %add3A_1951 = arith.addf %sub3A_1948, %add3A_1950 : vector<64x128xf32>
    %lt3A_1952 = arith.cmpf olt, %add3A_1951, %select_n3A_1942 : vector<64x128xf32>
    %select_n3A_1953 = arith.select %lt3A_1952, %add3A_1951, %select_n3A_1942 : vector<64x128xi1>, vector<64x128xf32>
    %jit3A_1954 = arith.constant 3.000000e+00 : f32
    %broadcast_in_dim3A_1955 = vector.broadcast %jit3A_1954 : f32 to vector<64x128xf32>
    %select_n3A_1956 = arith.select %lt3A_1952, %broadcast_in_dim3A_1955, %select_n3A_1945 : vector<64x128xi1>, vector<64x128xf32>
    %slice3A_1957 = vector.extract_strided_slice %dot_general3A_1801 {offsets = [64, 512], sizes = [64, 128], strides = [1, 1]} : vector<256x1024xf32> to vector<64x128xf32>
    %sub3A_1958 = vector.broadcast %slice3A_1915 : vector<64x1xf32> to vector<64x128xf32>
    %sub3A_1959 = arith.subf %sub3A_1958, %slice3A_1957 : vector<64x128xf32>
    %slice3A_1960 = vector.extract_strided_slice %get3A_1806 {offsets = [0, 512], sizes = [1, 128], strides = [1, 1]} : vector<1x1024xf32> to vector<1x128xf32>
    %add3A_1961 = vector.broadcast %slice3A_1960 : vector<1x128xf32> to vector<64x128xf32>
    %add3A_1962 = arith.addf %sub3A_1959, %add3A_1961 : vector<64x128xf32>
    %lt3A_1963 = arith.cmpf olt, %add3A_1962, %select_n3A_1953 : vector<64x128xf32>
    %select_n3A_1964 = arith.select %lt3A_1963, %add3A_1962, %select_n3A_1953 : vector<64x128xi1>, vector<64x128xf32>
    %jit3A_1965 = arith.constant 4.000000e+00 : f32
    %broadcast_in_dim3A_1966 = vector.broadcast %jit3A_1965 : f32 to vector<64x128xf32>
    %select_n3A_1967 = arith.select %lt3A_1963, %broadcast_in_dim3A_1966, %select_n3A_1956 : vector<64x128xi1>, vector<64x128xf32>
    %slice3A_1968 = vector.extract_strided_slice %dot_general3A_1801 {offsets = [64, 640], sizes = [64, 128], strides = [1, 1]} : vector<256x1024xf32> to vector<64x128xf32>
    %sub3A_1969 = vector.broadcast %slice3A_1915 : vector<64x1xf32> to vector<64x128xf32>
    %sub3A_1970 = arith.subf %sub3A_1969, %slice3A_1968 : vector<64x128xf32>
    %slice3A_1971 = vector.extract_strided_slice %get3A_1806 {offsets = [0, 640], sizes = [1, 128], strides = [1, 1]} : vector<1x1024xf32> to vector<1x128xf32>
    %add3A_1972 = vector.broadcast %slice3A_1971 : vector<1x128xf32> to vector<64x128xf32>
    %add3A_1973 = arith.addf %sub3A_1970, %add3A_1972 : vector<64x128xf32>
    %lt3A_1974 = arith.cmpf olt, %add3A_1973, %select_n3A_1964 : vector<64x128xf32>
    %select_n3A_1975 = arith.select %lt3A_1974, %add3A_1973, %select_n3A_1964 : vector<64x128xi1>, vector<64x128xf32>
    %jit3A_1976 = arith.constant 5.000000e+00 : f32
    %broadcast_in_dim3A_1977 = vector.broadcast %jit3A_1976 : f32 to vector<64x128xf32>
    %select_n3A_1978 = arith.select %lt3A_1974, %broadcast_in_dim3A_1977, %select_n3A_1967 : vector<64x128xi1>, vector<64x128xf32>
    %slice3A_1979 = vector.extract_strided_slice %dot_general3A_1801 {offsets = [64, 768], sizes = [64, 128], strides = [1, 1]} : vector<256x1024xf32> to vector<64x128xf32>
    %sub3A_1980 = vector.broadcast %slice3A_1915 : vector<64x1xf32> to vector<64x128xf32>
    %sub3A_1981 = arith.subf %sub3A_1980, %slice3A_1979 : vector<64x128xf32>
    %slice3A_1982 = vector.extract_strided_slice %get3A_1806 {offsets = [0, 768], sizes = [1, 128], strides = [1, 1]} : vector<1x1024xf32> to vector<1x128xf32>
    %add3A_1983 = vector.broadcast %slice3A_1982 : vector<1x128xf32> to vector<64x128xf32>
    %add3A_1984 = arith.addf %sub3A_1981, %add3A_1983 : vector<64x128xf32>
    %lt3A_1985 = arith.cmpf olt, %add3A_1984, %select_n3A_1975 : vector<64x128xf32>
    %select_n3A_1986 = arith.select %lt3A_1985, %add3A_1984, %select_n3A_1975 : vector<64x128xi1>, vector<64x128xf32>
    %jit3A_1987 = arith.constant 6.000000e+00 : f32
    %broadcast_in_dim3A_1988 = vector.broadcast %jit3A_1987 : f32 to vector<64x128xf32>
    %select_n3A_1989 = arith.select %lt3A_1985, %broadcast_in_dim3A_1988, %select_n3A_1978 : vector<64x128xi1>, vector<64x128xf32>
    %slice3A_1990 = vector.extract_strided_slice %dot_general3A_1801 {offsets = [64, 896], sizes = [64, 128], strides = [1, 1]} : vector<256x1024xf32> to vector<64x128xf32>
    %sub3A_1991 = vector.broadcast %slice3A_1915 : vector<64x1xf32> to vector<64x128xf32>
    %sub3A_1992 = arith.subf %sub3A_1991, %slice3A_1990 : vector<64x128xf32>
    %slice3A_1993 = vector.extract_strided_slice %get3A_1806 {offsets = [0, 896], sizes = [1, 128], strides = [1, 1]} : vector<1x1024xf32> to vector<1x128xf32>
    %add3A_1994 = vector.broadcast %slice3A_1993 : vector<1x128xf32> to vector<64x128xf32>
    %add3A_1995 = arith.addf %sub3A_1992, %add3A_1994 : vector<64x128xf32>
    %lt3A_1996 = arith.cmpf olt, %add3A_1995, %select_n3A_1986 : vector<64x128xf32>
    %select_n3A_1997 = arith.select %lt3A_1996, %add3A_1995, %select_n3A_1986 : vector<64x128xi1>, vector<64x128xf32>
    %jit3A_1998 = arith.constant 7.000000e+00 : f32
    %broadcast_in_dim3A_1999 = vector.broadcast %jit3A_1998 : f32 to vector<64x128xf32>
    %select_n3A_2000 = arith.select %lt3A_1996, %broadcast_in_dim3A_1999, %select_n3A_1989 : vector<64x128xi1>, vector<64x128xf32>
    %reduce_min3A_2001 = arith.constant dense<0x7F800000> : vector<64xf32>
    %reduce_min3A_2002 = vector.multi_reduction <minimumf>, %select_n3A_1997, %reduce_min3A_2001 [1] : vector<64x128xf32> to vector<64xf32>
    %broadcast_in_dim3A_2003 = vector.shape_cast %reduce_min3A_2002 : vector<64xf32> to vector<64x1xf32>
    %eq3A_2004 = vector.broadcast %broadcast_in_dim3A_2003 : vector<64x1xf32> to vector<64x128xf32>
    %eq3A_2005 = arith.cmpf oeq, %select_n3A_1997, %eq3A_2004 : vector<64x128xf32>
    %mul3A_2006 = arith.constant 1.280000e+02 : f32
    %mul3A_2007 = vector.broadcast %mul3A_2006 : f32 to vector<64x128xf32>
    %mul3A_2008 = arith.mulf %select_n3A_2000, %mul3A_2007 : vector<64x128xf32>
    %add3A_2009 = arith.addf %mul3A_2008, %convert_element_type3A : vector<64x128xf32>
    %jit3A_2010 = arith.constant 1.024000e+03 : f32
    %broadcast_in_dim3A_2011 = vector.broadcast %jit3A_2010 : f32 to vector<64x128xf32>
    %select_n3A_2012 = arith.select %eq3A_2005, %add3A_2009, %broadcast_in_dim3A_2011 : vector<64x128xi1>, vector<64x128xf32>
    %reduce_min3A_2013 = arith.constant dense<0x7F800000> : vector<64xf32>
    %reduce_min3A_2014 = vector.multi_reduction <minimumf>, %select_n3A_2012, %reduce_min3A_2013 [1] : vector<64x128xf32> to vector<64xf32>
    %broadcast_in_dim3A_2015 = vector.shape_cast %reduce_min3A_2014 : vector<64xf32> to vector<64x1xf32>
    %convert_element_type3A_2016 = arith.fptosi %broadcast_in_dim3A_2015 : vector<64x1xf32> to vector<64x1xi32>
    %add3A_2017 = arith.constant 4096 : i32
    %add3A_2018 = vector.broadcast %add3A_2017 : i32 to vector<64x1xi32>
    %add3A_2019 = arith.addi %convert_element_type3A_2016, %add3A_2018 : vector<64x1xi32>
    %swap3A_2020 = arith.constant 64 : index
    %swap3A_2021 = arith.constant 4 : index
    %swap3A_2022 = vector.load %arg5[%swap3A_2020, %swap3A_2021] : memref<256x8xi32, #tpu.memory_space<vmem>>, vector<64x1xi32>
    tpu.vector_store %arg5[%swap3A_2020, %swap3A_2021], %add3A_2019 {strides = array<i32>} : memref<256x8xi32, #tpu.memory_space<vmem>>, vector<64x1xi32>,
    %slice3A_2023 = vector.extract_strided_slice %broadcast_in_dim3A_1794 {offsets = [128, 0], sizes = [64, 1], strides = [1, 1]} : vector<256x1xf32> to vector<64x1xf32>
    %slice3A_2024 = vector.extract_strided_slice %dot_general3A_1801 {offsets = [128, 0], sizes = [64, 128], strides = [1, 1]} : vector<256x1024xf32> to vector<64x128xf32>
    %sub3A_2025 = vector.broadcast %slice3A_2023 : vector<64x1xf32> to vector<64x128xf32>
    %sub3A_2026 = arith.subf %sub3A_2025, %slice3A_2024 : vector<64x128xf32>
    %slice3A_2027 = vector.extract_strided_slice %get3A_1806 {offsets = [0, 0], sizes = [1, 128], strides = [1, 1]} : vector<1x1024xf32> to vector<1x128xf32>
    %add3A_2028 = vector.broadcast %slice3A_2027 : vector<1x128xf32> to vector<64x128xf32>
    %add3A_2029 = arith.addf %sub3A_2026, %add3A_2028 : vector<64x128xf32>
    %broadcast_in_dim3A_2030 = arith.constant 0.000000e+00 : f32
    %broadcast_in_dim3A_2031 = vector.broadcast %broadcast_in_dim3A_2030 : f32 to vector<64x128xf32>
    %slice3A_2032 = vector.extract_strided_slice %dot_general3A_1801 {offsets = [128, 128], sizes = [64, 128], strides = [1, 1]} : vector<256x1024xf32> to vector<64x128xf32>
    %sub3A_2033 = vector.broadcast %slice3A_2023 : vector<64x1xf32> to vector<64x128xf32>
    %sub3A_2034 = arith.subf %sub3A_2033, %slice3A_2032 : vector<64x128xf32>
    %slice3A_2035 = vector.extract_strided_slice %get3A_1806 {offsets = [0, 128], sizes = [1, 128], strides = [1, 1]} : vector<1x1024xf32> to vector<1x128xf32>
    %add3A_2036 = vector.broadcast %slice3A_2035 : vector<1x128xf32> to vector<64x128xf32>
    %add3A_2037 = arith.addf %sub3A_2034, %add3A_2036 : vector<64x128xf32>
    %lt3A_2038 = arith.cmpf olt, %add3A_2037, %add3A_2029 : vector<64x128xf32>
    %select_n3A_2039 = arith.select %lt3A_2038, %add3A_2037, %add3A_2029 : vector<64x128xi1>, vector<64x128xf32>
    %jit3A_2040 = arith.constant 1.000000e+00 : f32
    %broadcast_in_dim3A_2041 = vector.broadcast %jit3A_2040 : f32 to vector<64x128xf32>
    %select_n3A_2042 = arith.select %lt3A_2038, %broadcast_in_dim3A_2041, %broadcast_in_dim3A_2031 : vector<64x128xi1>, vector<64x128xf32>
    %slice3A_2043 = vector.extract_strided_slice %dot_general3A_1801 {offsets = [128, 256], sizes = [64, 128], strides = [1, 1]} : vector<256x1024xf32> to vector<64x128xf32>
    %sub3A_2044 = vector.broadcast %slice3A_2023 : vector<64x1xf32> to vector<64x128xf32>
    %sub3A_2045 = arith.subf %sub3A_2044, %slice3A_2043 : vector<64x128xf32>
    %slice3A_2046 = vector.extract_strided_slice %get3A_1806 {offsets = [0, 256], sizes = [1, 128], strides = [1, 1]} : vector<1x1024xf32> to vector<1x128xf32>
    %add3A_2047 = vector.broadcast %slice3A_2046 : vector<1x128xf32> to vector<64x128xf32>
    %add3A_2048 = arith.addf %sub3A_2045, %add3A_2047 : vector<64x128xf32>
    %lt3A_2049 = arith.cmpf olt, %add3A_2048, %select_n3A_2039 : vector<64x128xf32>
    %select_n3A_2050 = arith.select %lt3A_2049, %add3A_2048, %select_n3A_2039 : vector<64x128xi1>, vector<64x128xf32>
    %jit3A_2051 = arith.constant 2.000000e+00 : f32
    %broadcast_in_dim3A_2052 = vector.broadcast %jit3A_2051 : f32 to vector<64x128xf32>
    %select_n3A_2053 = arith.select %lt3A_2049, %broadcast_in_dim3A_2052, %select_n3A_2042 : vector<64x128xi1>, vector<64x128xf32>
    %slice3A_2054 = vector.extract_strided_slice %dot_general3A_1801 {offsets = [128, 384], sizes = [64, 128], strides = [1, 1]} : vector<256x1024xf32> to vector<64x128xf32>
    %sub3A_2055 = vector.broadcast %slice3A_2023 : vector<64x1xf32> to vector<64x128xf32>
    %sub3A_2056 = arith.subf %sub3A_2055, %slice3A_2054 : vector<64x128xf32>
    %slice3A_2057 = vector.extract_strided_slice %get3A_1806 {offsets = [0, 384], sizes = [1, 128], strides = [1, 1]} : vector<1x1024xf32> to vector<1x128xf32>
    %add3A_2058 = vector.broadcast %slice3A_2057 : vector<1x128xf32> to vector<64x128xf32>
    %add3A_2059 = arith.addf %sub3A_2056, %add3A_2058 : vector<64x128xf32>
    %lt3A_2060 = arith.cmpf olt, %add3A_2059, %select_n3A_2050 : vector<64x128xf32>
    %select_n3A_2061 = arith.select %lt3A_2060, %add3A_2059, %select_n3A_2050 : vector<64x128xi1>, vector<64x128xf32>
    %jit3A_2062 = arith.constant 3.000000e+00 : f32
    %broadcast_in_dim3A_2063 = vector.broadcast %jit3A_2062 : f32 to vector<64x128xf32>
    %select_n3A_2064 = arith.select %lt3A_2060, %broadcast_in_dim3A_2063, %select_n3A_2053 : vector<64x128xi1>, vector<64x128xf32>
    %slice3A_2065 = vector.extract_strided_slice %dot_general3A_1801 {offsets = [128, 512], sizes = [64, 128], strides = [1, 1]} : vector<256x1024xf32> to vector<64x128xf32>
    %sub3A_2066 = vector.broadcast %slice3A_2023 : vector<64x1xf32> to vector<64x128xf32>
    %sub3A_2067 = arith.subf %sub3A_2066, %slice3A_2065 : vector<64x128xf32>
    %slice3A_2068 = vector.extract_strided_slice %get3A_1806 {offsets = [0, 512], sizes = [1, 128], strides = [1, 1]} : vector<1x1024xf32> to vector<1x128xf32>
    %add3A_2069 = vector.broadcast %slice3A_2068 : vector<1x128xf32> to vector<64x128xf32>
    %add3A_2070 = arith.addf %sub3A_2067, %add3A_2069 : vector<64x128xf32>
    %lt3A_2071 = arith.cmpf olt, %add3A_2070, %select_n3A_2061 : vector<64x128xf32>
    %select_n3A_2072 = arith.select %lt3A_2071, %add3A_2070, %select_n3A_2061 : vector<64x128xi1>, vector<64x128xf32>
    %jit3A_2073 = arith.constant 4.000000e+00 : f32
    %broadcast_in_dim3A_2074 = vector.broadcast %jit3A_2073 : f32 to vector<64x128xf32>
    %select_n3A_2075 = arith.select %lt3A_2071, %broadcast_in_dim3A_2074, %select_n3A_2064 : vector<64x128xi1>, vector<64x128xf32>
    %slice3A_2076 = vector.extract_strided_slice %dot_general3A_1801 {offsets = [128, 640], sizes = [64, 128], strides = [1, 1]} : vector<256x1024xf32> to vector<64x128xf32>
    %sub3A_2077 = vector.broadcast %slice3A_2023 : vector<64x1xf32> to vector<64x128xf32>
    %sub3A_2078 = arith.subf %sub3A_2077, %slice3A_2076 : vector<64x128xf32>
    %slice3A_2079 = vector.extract_strided_slice %get3A_1806 {offsets = [0, 640], sizes = [1, 128], strides = [1, 1]} : vector<1x1024xf32> to vector<1x128xf32>
    %add3A_2080 = vector.broadcast %slice3A_2079 : vector<1x128xf32> to vector<64x128xf32>
    %add3A_2081 = arith.addf %sub3A_2078, %add3A_2080 : vector<64x128xf32>
    %lt3A_2082 = arith.cmpf olt, %add3A_2081, %select_n3A_2072 : vector<64x128xf32>
    %select_n3A_2083 = arith.select %lt3A_2082, %add3A_2081, %select_n3A_2072 : vector<64x128xi1>, vector<64x128xf32>
    %jit3A_2084 = arith.constant 5.000000e+00 : f32
    %broadcast_in_dim3A_2085 = vector.broadcast %jit3A_2084 : f32 to vector<64x128xf32>
    %select_n3A_2086 = arith.select %lt3A_2082, %broadcast_in_dim3A_2085, %select_n3A_2075 : vector<64x128xi1>, vector<64x128xf32>
    %slice3A_2087 = vector.extract_strided_slice %dot_general3A_1801 {offsets = [128, 768], sizes = [64, 128], strides = [1, 1]} : vector<256x1024xf32> to vector<64x128xf32>
    %sub3A_2088 = vector.broadcast %slice3A_2023 : vector<64x1xf32> to vector<64x128xf32>
    %sub3A_2089 = arith.subf %sub3A_2088, %slice3A_2087 : vector<64x128xf32>
    %slice3A_2090 = vector.extract_strided_slice %get3A_1806 {offsets = [0, 768], sizes = [1, 128], strides = [1, 1]} : vector<1x1024xf32> to vector<1x128xf32>
    %add3A_2091 = vector.broadcast %slice3A_2090 : vector<1x128xf32> to vector<64x128xf32>
    %add3A_2092 = arith.addf %sub3A_2089, %add3A_2091 : vector<64x128xf32>
    %lt3A_2093 = arith.cmpf olt, %add3A_2092, %select_n3A_2083 : vector<64x128xf32>
    %select_n3A_2094 = arith.select %lt3A_2093, %add3A_2092, %select_n3A_2083 : vector<64x128xi1>, vector<64x128xf32>
    %jit3A_2095 = arith.constant 6.000000e+00 : f32
    %broadcast_in_dim3A_2096 = vector.broadcast %jit3A_2095 : f32 to vector<64x128xf32>
    %select_n3A_2097 = arith.select %lt3A_2093, %broadcast_in_dim3A_2096, %select_n3A_2086 : vector<64x128xi1>, vector<64x128xf32>
    %slice3A_2098 = vector.extract_strided_slice %dot_general3A_1801 {offsets = [128, 896], sizes = [64, 128], strides = [1, 1]} : vector<256x1024xf32> to vector<64x128xf32>
    %sub3A_2099 = vector.broadcast %slice3A_2023 : vector<64x1xf32> to vector<64x128xf32>
    %sub3A_2100 = arith.subf %sub3A_2099, %slice3A_2098 : vector<64x128xf32>
    %slice3A_2101 = vector.extract_strided_slice %get3A_1806 {offsets = [0, 896], sizes = [1, 128], strides = [1, 1]} : vector<1x1024xf32> to vector<1x128xf32>
    %add3A_2102 = vector.broadcast %slice3A_2101 : vector<1x128xf32> to vector<64x128xf32>
    %add3A_2103 = arith.addf %sub3A_2100, %add3A_2102 : vector<64x128xf32>
    %lt3A_2104 = arith.cmpf olt, %add3A_2103, %select_n3A_2094 : vector<64x128xf32>
    %select_n3A_2105 = arith.select %lt3A_2104, %add3A_2103, %select_n3A_2094 : vector<64x128xi1>, vector<64x128xf32>
    %jit3A_2106 = arith.constant 7.000000e+00 : f32
    %broadcast_in_dim3A_2107 = vector.broadcast %jit3A_2106 : f32 to vector<64x128xf32>
    %select_n3A_2108 = arith.select %lt3A_2104, %broadcast_in_dim3A_2107, %select_n3A_2097 : vector<64x128xi1>, vector<64x128xf32>
    %reduce_min3A_2109 = arith.constant dense<0x7F800000> : vector<64xf32>
    %reduce_min3A_2110 = vector.multi_reduction <minimumf>, %select_n3A_2105, %reduce_min3A_2109 [1] : vector<64x128xf32> to vector<64xf32>
    %broadcast_in_dim3A_2111 = vector.shape_cast %reduce_min3A_2110 : vector<64xf32> to vector<64x1xf32>
    %eq3A_2112 = vector.broadcast %broadcast_in_dim3A_2111 : vector<64x1xf32> to vector<64x128xf32>
    %eq3A_2113 = arith.cmpf oeq, %select_n3A_2105, %eq3A_2112 : vector<64x128xf32>
    %mul3A_2114 = arith.constant 1.280000e+02 : f32
    %mul3A_2115 = vector.broadcast %mul3A_2114 : f32 to vector<64x128xf32>
    %mul3A_2116 = arith.mulf %select_n3A_2108, %mul3A_2115 : vector<64x128xf32>
    %add3A_2117 = arith.addf %mul3A_2116, %convert_element_type3A : vector<64x128xf32>
    %jit3A_2118 = arith.constant 1.024000e+03 : f32
    %broadcast_in_dim3A_2119 = vector.broadcast %jit3A_2118 : f32 to vector<64x128xf32>
    %select_n3A_2120 = arith.select %eq3A_2113, %add3A_2117, %broadcast_in_dim3A_2119 : vector<64x128xi1>, vector<64x128xf32>
    %reduce_min3A_2121 = arith.constant dense<0x7F800000> : vector<64xf32>
    %reduce_min3A_2122 = vector.multi_reduction <minimumf>, %select_n3A_2120, %reduce_min3A_2121 [1] : vector<64x128xf32> to vector<64xf32>
    %broadcast_in_dim3A_2123 = vector.shape_cast %reduce_min3A_2122 : vector<64xf32> to vector<64x1xf32>
    %convert_element_type3A_2124 = arith.fptosi %broadcast_in_dim3A_2123 : vector<64x1xf32> to vector<64x1xi32>
    %add3A_2125 = arith.constant 4096 : i32
    %add3A_2126 = vector.broadcast %add3A_2125 : i32 to vector<64x1xi32>
    %add3A_2127 = arith.addi %convert_element_type3A_2124, %add3A_2126 : vector<64x1xi32>
    %swap3A_2128 = arith.constant 128 : index
    %swap3A_2129 = arith.constant 4 : index
    %swap3A_2130 = vector.load %arg5[%swap3A_2128, %swap3A_2129] : memref<256x8xi32, #tpu.memory_space<vmem>>, vector<64x1xi32>
    tpu.vector_store %arg5[%swap3A_2128, %swap3A_2129], %add3A_2127 {strides = array<i32>} : memref<256x8xi32, #tpu.memory_space<vmem>>, vector<64x1xi32>,
    %slice3A_2131 = vector.extract_strided_slice %broadcast_in_dim3A_1794 {offsets = [192, 0], sizes = [64, 1], strides = [1, 1]} : vector<256x1xf32> to vector<64x1xf32>
    %slice3A_2132 = vector.extract_strided_slice %dot_general3A_1801 {offsets = [192, 0], sizes = [64, 128], strides = [1, 1]} : vector<256x1024xf32> to vector<64x128xf32>
    %sub3A_2133 = vector.broadcast %slice3A_2131 : vector<64x1xf32> to vector<64x128xf32>
    %sub3A_2134 = arith.subf %sub3A_2133, %slice3A_2132 : vector<64x128xf32>
    %slice3A_2135 = vector.extract_strided_slice %get3A_1806 {offsets = [0, 0], sizes = [1, 128], strides = [1, 1]} : vector<1x1024xf32> to vector<1x128xf32>
    %add3A_2136 = vector.broadcast %slice3A_2135 : vector<1x128xf32> to vector<64x128xf32>
    %add3A_2137 = arith.addf %sub3A_2134, %add3A_2136 : vector<64x128xf32>
    %broadcast_in_dim3A_2138 = arith.constant 0.000000e+00 : f32
    %broadcast_in_dim3A_2139 = vector.broadcast %broadcast_in_dim3A_2138 : f32 to vector<64x128xf32>
    %slice3A_2140 = vector.extract_strided_slice %dot_general3A_1801 {offsets = [192, 128], sizes = [64, 128], strides = [1, 1]} : vector<256x1024xf32> to vector<64x128xf32>
    %sub3A_2141 = vector.broadcast %slice3A_2131 : vector<64x1xf32> to vector<64x128xf32>
    %sub3A_2142 = arith.subf %sub3A_2141, %slice3A_2140 : vector<64x128xf32>
    %slice3A_2143 = vector.extract_strided_slice %get3A_1806 {offsets = [0, 128], sizes = [1, 128], strides = [1, 1]} : vector<1x1024xf32> to vector<1x128xf32>
    %add3A_2144 = vector.broadcast %slice3A_2143 : vector<1x128xf32> to vector<64x128xf32>
    %add3A_2145 = arith.addf %sub3A_2142, %add3A_2144 : vector<64x128xf32>
    %lt3A_2146 = arith.cmpf olt, %add3A_2145, %add3A_2137 : vector<64x128xf32>
    %select_n3A_2147 = arith.select %lt3A_2146, %add3A_2145, %add3A_2137 : vector<64x128xi1>, vector<64x128xf32>
    %jit3A_2148 = arith.constant 1.000000e+00 : f32
    %broadcast_in_dim3A_2149 = vector.broadcast %jit3A_2148 : f32 to vector<64x128xf32>
    %select_n3A_2150 = arith.select %lt3A_2146, %broadcast_in_dim3A_2149, %broadcast_in_dim3A_2139 : vector<64x128xi1>, vector<64x128xf32>
    %slice3A_2151 = vector.extract_strided_slice %dot_general3A_1801 {offsets = [192, 256], sizes = [64, 128], strides = [1, 1]} : vector<256x1024xf32> to vector<64x128xf32>
    %sub3A_2152 = vector.broadcast %slice3A_2131 : vector<64x1xf32> to vector<64x128xf32>
    %sub3A_2153 = arith.subf %sub3A_2152, %slice3A_2151 : vector<64x128xf32>
    %slice3A_2154 = vector.extract_strided_slice %get3A_1806 {offsets = [0, 256], sizes = [1, 128], strides = [1, 1]} : vector<1x1024xf32> to vector<1x128xf32>
    %add3A_2155 = vector.broadcast %slice3A_2154 : vector<1x128xf32> to vector<64x128xf32>
    %add3A_2156 = arith.addf %sub3A_2153, %add3A_2155 : vector<64x128xf32>
    %lt3A_2157 = arith.cmpf olt, %add3A_2156, %select_n3A_2147 : vector<64x128xf32>
    %select_n3A_2158 = arith.select %lt3A_2157, %add3A_2156, %select_n3A_2147 : vector<64x128xi1>, vector<64x128xf32>
    %jit3A_2159 = arith.constant 2.000000e+00 : f32
    %broadcast_in_dim3A_2160 = vector.broadcast %jit3A_2159 : f32 to vector<64x128xf32>
    %select_n3A_2161 = arith.select %lt3A_2157, %broadcast_in_dim3A_2160, %select_n3A_2150 : vector<64x128xi1>, vector<64x128xf32>
    %slice3A_2162 = vector.extract_strided_slice %dot_general3A_1801 {offsets = [192, 384], sizes = [64, 128], strides = [1, 1]} : vector<256x1024xf32> to vector<64x128xf32>
    %sub3A_2163 = vector.broadcast %slice3A_2131 : vector<64x1xf32> to vector<64x128xf32>
    %sub3A_2164 = arith.subf %sub3A_2163, %slice3A_2162 : vector<64x128xf32>
    %slice3A_2165 = vector.extract_strided_slice %get3A_1806 {offsets = [0, 384], sizes = [1, 128], strides = [1, 1]} : vector<1x1024xf32> to vector<1x128xf32>
    %add3A_2166 = vector.broadcast %slice3A_2165 : vector<1x128xf32> to vector<64x128xf32>
    %add3A_2167 = arith.addf %sub3A_2164, %add3A_2166 : vector<64x128xf32>
    %lt3A_2168 = arith.cmpf olt, %add3A_2167, %select_n3A_2158 : vector<64x128xf32>
    %select_n3A_2169 = arith.select %lt3A_2168, %add3A_2167, %select_n3A_2158 : vector<64x128xi1>, vector<64x128xf32>
    %jit3A_2170 = arith.constant 3.000000e+00 : f32
    %broadcast_in_dim3A_2171 = vector.broadcast %jit3A_2170 : f32 to vector<64x128xf32>
    %select_n3A_2172 = arith.select %lt3A_2168, %broadcast_in_dim3A_2171, %select_n3A_2161 : vector<64x128xi1>, vector<64x128xf32>
    %slice3A_2173 = vector.extract_strided_slice %dot_general3A_1801 {offsets = [192, 512], sizes = [64, 128], strides = [1, 1]} : vector<256x1024xf32> to vector<64x128xf32>
    %sub3A_2174 = vector.broadcast %slice3A_2131 : vector<64x1xf32> to vector<64x128xf32>
    %sub3A_2175 = arith.subf %sub3A_2174, %slice3A_2173 : vector<64x128xf32>
    %slice3A_2176 = vector.extract_strided_slice %get3A_1806 {offsets = [0, 512], sizes = [1, 128], strides = [1, 1]} : vector<1x1024xf32> to vector<1x128xf32>
    %add3A_2177 = vector.broadcast %slice3A_2176 : vector<1x128xf32> to vector<64x128xf32>
    %add3A_2178 = arith.addf %sub3A_2175, %add3A_2177 : vector<64x128xf32>
    %lt3A_2179 = arith.cmpf olt, %add3A_2178, %select_n3A_2169 : vector<64x128xf32>
    %select_n3A_2180 = arith.select %lt3A_2179, %add3A_2178, %select_n3A_2169 : vector<64x128xi1>, vector<64x128xf32>
    %jit3A_2181 = arith.constant 4.000000e+00 : f32
    %broadcast_in_dim3A_2182 = vector.broadcast %jit3A_2181 : f32 to vector<64x128xf32>
    %select_n3A_2183 = arith.select %lt3A_2179, %broadcast_in_dim3A_2182, %select_n3A_2172 : vector<64x128xi1>, vector<64x128xf32>
    %slice3A_2184 = vector.extract_strided_slice %dot_general3A_1801 {offsets = [192, 640], sizes = [64, 128], strides = [1, 1]} : vector<256x1024xf32> to vector<64x128xf32>
    %sub3A_2185 = vector.broadcast %slice3A_2131 : vector<64x1xf32> to vector<64x128xf32>
    %sub3A_2186 = arith.subf %sub3A_2185, %slice3A_2184 : vector<64x128xf32>
    %slice3A_2187 = vector.extract_strided_slice %get3A_1806 {offsets = [0, 640], sizes = [1, 128], strides = [1, 1]} : vector<1x1024xf32> to vector<1x128xf32>
    %add3A_2188 = vector.broadcast %slice3A_2187 : vector<1x128xf32> to vector<64x128xf32>
    %add3A_2189 = arith.addf %sub3A_2186, %add3A_2188 : vector<64x128xf32>
    %lt3A_2190 = arith.cmpf olt, %add3A_2189, %select_n3A_2180 : vector<64x128xf32>
    %select_n3A_2191 = arith.select %lt3A_2190, %add3A_2189, %select_n3A_2180 : vector<64x128xi1>, vector<64x128xf32>
    %jit3A_2192 = arith.constant 5.000000e+00 : f32
    %broadcast_in_dim3A_2193 = vector.broadcast %jit3A_2192 : f32 to vector<64x128xf32>
    %select_n3A_2194 = arith.select %lt3A_2190, %broadcast_in_dim3A_2193, %select_n3A_2183 : vector<64x128xi1>, vector<64x128xf32>
    %slice3A_2195 = vector.extract_strided_slice %dot_general3A_1801 {offsets = [192, 768], sizes = [64, 128], strides = [1, 1]} : vector<256x1024xf32> to vector<64x128xf32>
    %sub3A_2196 = vector.broadcast %slice3A_2131 : vector<64x1xf32> to vector<64x128xf32>
    %sub3A_2197 = arith.subf %sub3A_2196, %slice3A_2195 : vector<64x128xf32>
    %slice3A_2198 = vector.extract_strided_slice %get3A_1806 {offsets = [0, 768], sizes = [1, 128], strides = [1, 1]} : vector<1x1024xf32> to vector<1x128xf32>
    %add3A_2199 = vector.broadcast %slice3A_2198 : vector<1x128xf32> to vector<64x128xf32>
    %add3A_2200 = arith.addf %sub3A_2197, %add3A_2199 : vector<64x128xf32>
    %lt3A_2201 = arith.cmpf olt, %add3A_2200, %select_n3A_2191 : vector<64x128xf32>
    %select_n3A_2202 = arith.select %lt3A_2201, %add3A_2200, %select_n3A_2191 : vector<64x128xi1>, vector<64x128xf32>
    %jit3A_2203 = arith.constant 6.000000e+00 : f32
    %broadcast_in_dim3A_2204 = vector.broadcast %jit3A_2203 : f32 to vector<64x128xf32>
    %select_n3A_2205 = arith.select %lt3A_2201, %broadcast_in_dim3A_2204, %select_n3A_2194 : vector<64x128xi1>, vector<64x128xf32>
    %slice3A_2206 = vector.extract_strided_slice %dot_general3A_1801 {offsets = [192, 896], sizes = [64, 128], strides = [1, 1]} : vector<256x1024xf32> to vector<64x128xf32>
    %sub3A_2207 = vector.broadcast %slice3A_2131 : vector<64x1xf32> to vector<64x128xf32>
    %sub3A_2208 = arith.subf %sub3A_2207, %slice3A_2206 : vector<64x128xf32>
    %slice3A_2209 = vector.extract_strided_slice %get3A_1806 {offsets = [0, 896], sizes = [1, 128], strides = [1, 1]} : vector<1x1024xf32> to vector<1x128xf32>
    %add3A_2210 = vector.broadcast %slice3A_2209 : vector<1x128xf32> to vector<64x128xf32>
    %add3A_2211 = arith.addf %sub3A_2208, %add3A_2210 : vector<64x128xf32>
    %lt3A_2212 = arith.cmpf olt, %add3A_2211, %select_n3A_2202 : vector<64x128xf32>
    %select_n3A_2213 = arith.select %lt3A_2212, %add3A_2211, %select_n3A_2202 : vector<64x128xi1>, vector<64x128xf32>
    %jit3A_2214 = arith.constant 7.000000e+00 : f32
    %broadcast_in_dim3A_2215 = vector.broadcast %jit3A_2214 : f32 to vector<64x128xf32>
    %select_n3A_2216 = arith.select %lt3A_2212, %broadcast_in_dim3A_2215, %select_n3A_2205 : vector<64x128xi1>, vector<64x128xf32>
    %reduce_min3A_2217 = arith.constant dense<0x7F800000> : vector<64xf32>
    %reduce_min3A_2218 = vector.multi_reduction <minimumf>, %select_n3A_2213, %reduce_min3A_2217 [1] : vector<64x128xf32> to vector<64xf32>
    %broadcast_in_dim3A_2219 = vector.shape_cast %reduce_min3A_2218 : vector<64xf32> to vector<64x1xf32>
    %eq3A_2220 = vector.broadcast %broadcast_in_dim3A_2219 : vector<64x1xf32> to vector<64x128xf32>
    %eq3A_2221 = arith.cmpf oeq, %select_n3A_2213, %eq3A_2220 : vector<64x128xf32>
    %mul3A_2222 = arith.constant 1.280000e+02 : f32
    %mul3A_2223 = vector.broadcast %mul3A_2222 : f32 to vector<64x128xf32>
    %mul3A_2224 = arith.mulf %select_n3A_2216, %mul3A_2223 : vector<64x128xf32>
    %add3A_2225 = arith.addf %mul3A_2224, %convert_element_type3A : vector<64x128xf32>
    %jit3A_2226 = arith.constant 1.024000e+03 : f32
    %broadcast_in_dim3A_2227 = vector.broadcast %jit3A_2226 : f32 to vector<64x128xf32>
    %select_n3A_2228 = arith.select %eq3A_2221, %add3A_2225, %broadcast_in_dim3A_2227 : vector<64x128xi1>, vector<64x128xf32>
    %reduce_min3A_2229 = arith.constant dense<0x7F800000> : vector<64xf32>
    %reduce_min3A_2230 = vector.multi_reduction <minimumf>, %select_n3A_2228, %reduce_min3A_2229 [1] : vector<64x128xf32> to vector<64xf32>
    %broadcast_in_dim3A_2231 = vector.shape_cast %reduce_min3A_2230 : vector<64xf32> to vector<64x1xf32>
    %convert_element_type3A_2232 = arith.fptosi %broadcast_in_dim3A_2231 : vector<64x1xf32> to vector<64x1xi32>
    %add3A_2233 = arith.constant 4096 : i32
    %add3A_2234 = vector.broadcast %add3A_2233 : i32 to vector<64x1xi32>
    %add3A_2235 = arith.addi %convert_element_type3A_2232, %add3A_2234 : vector<64x1xi32>
    %swap3A_2236 = arith.constant 192 : index
    %swap3A_2237 = arith.constant 4 : index
    %swap3A_2238 = vector.load %arg5[%swap3A_2236, %swap3A_2237] : memref<256x8xi32, #tpu.memory_space<vmem>>, vector<64x1xi32>
    tpu.vector_store %arg5[%swap3A_2236, %swap3A_2237], %add3A_2235 {strides = array<i32>} : memref<256x8xi32, #tpu.memory_space<vmem>>, vector<64x1xi32>,
    %slice3A_2239 = vector.extract_strided_slice %dot_general3A_5 {offsets = [0, 320], sizes = [256, 64], strides = [1, 1]} : vector<256x512xf32> to vector<256x64xf32>
    %mul3A_2240 = arith.mulf %slice3A_2239, %slice3A_2239 : vector<256x64xf32>
    %reduce_sum3A_2241 = arith.constant dense<0.000000e+00> : vector<256xf32>
    %reduce_sum3A_2242 = vector.multi_reduction <add>, %mul3A_2240, %reduce_sum3A_2241 [1] : vector<256x64xf32> to vector<256xf32>
    %broadcast_in_dim3A_2243 = vector.shape_cast %reduce_sum3A_2242 : vector<256xf32> to vector<256x1xf32>
    %get3A_2244 = arith.constant 5 : index
    %get3A_2245 = arith.constant 0 : index
    %get3A_2246 = arith.constant 0 : index
    %get3A_2247 = vector.load %arg3[%get3A_2244, %get3A_2245, %get3A_2246] : memref<8x1024x64xf32, #tpu.memory_space<vmem>>, vector<1x1024x64xf32>
    %get3A_2248 = vector.shape_cast %get3A_2247 : vector<1x1024x64xf32> to vector<1024x64xf32>
    %dot_general3A_2249 = arith.constant dense<0.000000e+00> : vector<256x1024xf32>
    %dot_general3A_2250 = tpu.matmul %slice3A_2239, %get3A_2248, %dot_general3A_2249 {dimension_numbers = #tpu.dot_dimension_numbers<[1], [1], [0], [0], [0, 0, 1, 0], [], []>, transpose_lhs_hint = false} : vector<256x64xf32>, vector<1024x64xf32>, vector<256x1024xf32> -> vector<256x1024xf32>
    %get3A_2251 = arith.constant 5 : index
    %get3A_2252 = arith.constant 0 : index
    %get3A_2253 = arith.constant 0 : index
    %get3A_2254 = vector.load %arg4[%get3A_2251, %get3A_2252, %get3A_2253] : memref<8x1x1024xf32, #tpu.memory_space<vmem>>, vector<1x1x1024xf32>
    %get3A_2255 = vector.shape_cast %get3A_2254 : vector<1x1x1024xf32> to vector<1x1024xf32>
    %slice3A_2256 = vector.extract_strided_slice %broadcast_in_dim3A_2243 {offsets = [0, 0], sizes = [64, 1], strides = [1, 1]} : vector<256x1xf32> to vector<64x1xf32>
    %slice3A_2257 = vector.extract_strided_slice %dot_general3A_2250 {offsets = [0, 0], sizes = [64, 128], strides = [1, 1]} : vector<256x1024xf32> to vector<64x128xf32>
    %sub3A_2258 = vector.broadcast %slice3A_2256 : vector<64x1xf32> to vector<64x128xf32>
    %sub3A_2259 = arith.subf %sub3A_2258, %slice3A_2257 : vector<64x128xf32>
    %slice3A_2260 = vector.extract_strided_slice %get3A_2255 {offsets = [0, 0], sizes = [1, 128], strides = [1, 1]} : vector<1x1024xf32> to vector<1x128xf32>
    %add3A_2261 = vector.broadcast %slice3A_2260 : vector<1x128xf32> to vector<64x128xf32>
    %add3A_2262 = arith.addf %sub3A_2259, %add3A_2261 : vector<64x128xf32>
    %broadcast_in_dim3A_2263 = arith.constant 0.000000e+00 : f32
    %broadcast_in_dim3A_2264 = vector.broadcast %broadcast_in_dim3A_2263 : f32 to vector<64x128xf32>
    %slice3A_2265 = vector.extract_strided_slice %dot_general3A_2250 {offsets = [0, 128], sizes = [64, 128], strides = [1, 1]} : vector<256x1024xf32> to vector<64x128xf32>
    %sub3A_2266 = vector.broadcast %slice3A_2256 : vector<64x1xf32> to vector<64x128xf32>
    %sub3A_2267 = arith.subf %sub3A_2266, %slice3A_2265 : vector<64x128xf32>
    %slice3A_2268 = vector.extract_strided_slice %get3A_2255 {offsets = [0, 128], sizes = [1, 128], strides = [1, 1]} : vector<1x1024xf32> to vector<1x128xf32>
    %add3A_2269 = vector.broadcast %slice3A_2268 : vector<1x128xf32> to vector<64x128xf32>
    %add3A_2270 = arith.addf %sub3A_2267, %add3A_2269 : vector<64x128xf32>
    %lt3A_2271 = arith.cmpf olt, %add3A_2270, %add3A_2262 : vector<64x128xf32>
    %select_n3A_2272 = arith.select %lt3A_2271, %add3A_2270, %add3A_2262 : vector<64x128xi1>, vector<64x128xf32>
    %jit3A_2273 = arith.constant 1.000000e+00 : f32
    %broadcast_in_dim3A_2274 = vector.broadcast %jit3A_2273 : f32 to vector<64x128xf32>
    %select_n3A_2275 = arith.select %lt3A_2271, %broadcast_in_dim3A_2274, %broadcast_in_dim3A_2264 : vector<64x128xi1>, vector<64x128xf32>
    %slice3A_2276 = vector.extract_strided_slice %dot_general3A_2250 {offsets = [0, 256], sizes = [64, 128], strides = [1, 1]} : vector<256x1024xf32> to vector<64x128xf32>
    %sub3A_2277 = vector.broadcast %slice3A_2256 : vector<64x1xf32> to vector<64x128xf32>
    %sub3A_2278 = arith.subf %sub3A_2277, %slice3A_2276 : vector<64x128xf32>
    %slice3A_2279 = vector.extract_strided_slice %get3A_2255 {offsets = [0, 256], sizes = [1, 128], strides = [1, 1]} : vector<1x1024xf32> to vector<1x128xf32>
    %add3A_2280 = vector.broadcast %slice3A_2279 : vector<1x128xf32> to vector<64x128xf32>
    %add3A_2281 = arith.addf %sub3A_2278, %add3A_2280 : vector<64x128xf32>
    %lt3A_2282 = arith.cmpf olt, %add3A_2281, %select_n3A_2272 : vector<64x128xf32>
    %select_n3A_2283 = arith.select %lt3A_2282, %add3A_2281, %select_n3A_2272 : vector<64x128xi1>, vector<64x128xf32>
    %jit3A_2284 = arith.constant 2.000000e+00 : f32
    %broadcast_in_dim3A_2285 = vector.broadcast %jit3A_2284 : f32 to vector<64x128xf32>
    %select_n3A_2286 = arith.select %lt3A_2282, %broadcast_in_dim3A_2285, %select_n3A_2275 : vector<64x128xi1>, vector<64x128xf32>
    %slice3A_2287 = vector.extract_strided_slice %dot_general3A_2250 {offsets = [0, 384], sizes = [64, 128], strides = [1, 1]} : vector<256x1024xf32> to vector<64x128xf32>
    %sub3A_2288 = vector.broadcast %slice3A_2256 : vector<64x1xf32> to vector<64x128xf32>
    %sub3A_2289 = arith.subf %sub3A_2288, %slice3A_2287 : vector<64x128xf32>
    %slice3A_2290 = vector.extract_strided_slice %get3A_2255 {offsets = [0, 384], sizes = [1, 128], strides = [1, 1]} : vector<1x1024xf32> to vector<1x128xf32>
    %add3A_2291 = vector.broadcast %slice3A_2290 : vector<1x128xf32> to vector<64x128xf32>
    %add3A_2292 = arith.addf %sub3A_2289, %add3A_2291 : vector<64x128xf32>
    %lt3A_2293 = arith.cmpf olt, %add3A_2292, %select_n3A_2283 : vector<64x128xf32>
    %select_n3A_2294 = arith.select %lt3A_2293, %add3A_2292, %select_n3A_2283 : vector<64x128xi1>, vector<64x128xf32>
    %jit3A_2295 = arith.constant 3.000000e+00 : f32
    %broadcast_in_dim3A_2296 = vector.broadcast %jit3A_2295 : f32 to vector<64x128xf32>
    %select_n3A_2297 = arith.select %lt3A_2293, %broadcast_in_dim3A_2296, %select_n3A_2286 : vector<64x128xi1>, vector<64x128xf32>
    %slice3A_2298 = vector.extract_strided_slice %dot_general3A_2250 {offsets = [0, 512], sizes = [64, 128], strides = [1, 1]} : vector<256x1024xf32> to vector<64x128xf32>
    %sub3A_2299 = vector.broadcast %slice3A_2256 : vector<64x1xf32> to vector<64x128xf32>
    %sub3A_2300 = arith.subf %sub3A_2299, %slice3A_2298 : vector<64x128xf32>
    %slice3A_2301 = vector.extract_strided_slice %get3A_2255 {offsets = [0, 512], sizes = [1, 128], strides = [1, 1]} : vector<1x1024xf32> to vector<1x128xf32>
    %add3A_2302 = vector.broadcast %slice3A_2301 : vector<1x128xf32> to vector<64x128xf32>
    %add3A_2303 = arith.addf %sub3A_2300, %add3A_2302 : vector<64x128xf32>
    %lt3A_2304 = arith.cmpf olt, %add3A_2303, %select_n3A_2294 : vector<64x128xf32>
    %select_n3A_2305 = arith.select %lt3A_2304, %add3A_2303, %select_n3A_2294 : vector<64x128xi1>, vector<64x128xf32>
    %jit3A_2306 = arith.constant 4.000000e+00 : f32
    %broadcast_in_dim3A_2307 = vector.broadcast %jit3A_2306 : f32 to vector<64x128xf32>
    %select_n3A_2308 = arith.select %lt3A_2304, %broadcast_in_dim3A_2307, %select_n3A_2297 : vector<64x128xi1>, vector<64x128xf32>
    %slice3A_2309 = vector.extract_strided_slice %dot_general3A_2250 {offsets = [0, 640], sizes = [64, 128], strides = [1, 1]} : vector<256x1024xf32> to vector<64x128xf32>
    %sub3A_2310 = vector.broadcast %slice3A_2256 : vector<64x1xf32> to vector<64x128xf32>
    %sub3A_2311 = arith.subf %sub3A_2310, %slice3A_2309 : vector<64x128xf32>
    %slice3A_2312 = vector.extract_strided_slice %get3A_2255 {offsets = [0, 640], sizes = [1, 128], strides = [1, 1]} : vector<1x1024xf32> to vector<1x128xf32>
    %add3A_2313 = vector.broadcast %slice3A_2312 : vector<1x128xf32> to vector<64x128xf32>
    %add3A_2314 = arith.addf %sub3A_2311, %add3A_2313 : vector<64x128xf32>
    %lt3A_2315 = arith.cmpf olt, %add3A_2314, %select_n3A_2305 : vector<64x128xf32>
    %select_n3A_2316 = arith.select %lt3A_2315, %add3A_2314, %select_n3A_2305 : vector<64x128xi1>, vector<64x128xf32>
    %jit3A_2317 = arith.constant 5.000000e+00 : f32
    %broadcast_in_dim3A_2318 = vector.broadcast %jit3A_2317 : f32 to vector<64x128xf32>
    %select_n3A_2319 = arith.select %lt3A_2315, %broadcast_in_dim3A_2318, %select_n3A_2308 : vector<64x128xi1>, vector<64x128xf32>
    %slice3A_2320 = vector.extract_strided_slice %dot_general3A_2250 {offsets = [0, 768], sizes = [64, 128], strides = [1, 1]} : vector<256x1024xf32> to vector<64x128xf32>
    %sub3A_2321 = vector.broadcast %slice3A_2256 : vector<64x1xf32> to vector<64x128xf32>
    %sub3A_2322 = arith.subf %sub3A_2321, %slice3A_2320 : vector<64x128xf32>
    %slice3A_2323 = vector.extract_strided_slice %get3A_2255 {offsets = [0, 768], sizes = [1, 128], strides = [1, 1]} : vector<1x1024xf32> to vector<1x128xf32>
    %add3A_2324 = vector.broadcast %slice3A_2323 : vector<1x128xf32> to vector<64x128xf32>
    %add3A_2325 = arith.addf %sub3A_2322, %add3A_2324 : vector<64x128xf32>
    %lt3A_2326 = arith.cmpf olt, %add3A_2325, %select_n3A_2316 : vector<64x128xf32>
    %select_n3A_2327 = arith.select %lt3A_2326, %add3A_2325, %select_n3A_2316 : vector<64x128xi1>, vector<64x128xf32>
    %jit3A_2328 = arith.constant 6.000000e+00 : f32
    %broadcast_in_dim3A_2329 = vector.broadcast %jit3A_2328 : f32 to vector<64x128xf32>
    %select_n3A_2330 = arith.select %lt3A_2326, %broadcast_in_dim3A_2329, %select_n3A_2319 : vector<64x128xi1>, vector<64x128xf32>
    %slice3A_2331 = vector.extract_strided_slice %dot_general3A_2250 {offsets = [0, 896], sizes = [64, 128], strides = [1, 1]} : vector<256x1024xf32> to vector<64x128xf32>
    %sub3A_2332 = vector.broadcast %slice3A_2256 : vector<64x1xf32> to vector<64x128xf32>
    %sub3A_2333 = arith.subf %sub3A_2332, %slice3A_2331 : vector<64x128xf32>
    %slice3A_2334 = vector.extract_strided_slice %get3A_2255 {offsets = [0, 896], sizes = [1, 128], strides = [1, 1]} : vector<1x1024xf32> to vector<1x128xf32>
    %add3A_2335 = vector.broadcast %slice3A_2334 : vector<1x128xf32> to vector<64x128xf32>
    %add3A_2336 = arith.addf %sub3A_2333, %add3A_2335 : vector<64x128xf32>
    %lt3A_2337 = arith.cmpf olt, %add3A_2336, %select_n3A_2327 : vector<64x128xf32>
    %select_n3A_2338 = arith.select %lt3A_2337, %add3A_2336, %select_n3A_2327 : vector<64x128xi1>, vector<64x128xf32>
    %jit3A_2339 = arith.constant 7.000000e+00 : f32
    %broadcast_in_dim3A_2340 = vector.broadcast %jit3A_2339 : f32 to vector<64x128xf32>
    %select_n3A_2341 = arith.select %lt3A_2337, %broadcast_in_dim3A_2340, %select_n3A_2330 : vector<64x128xi1>, vector<64x128xf32>
    %reduce_min3A_2342 = arith.constant dense<0x7F800000> : vector<64xf32>
    %reduce_min3A_2343 = vector.multi_reduction <minimumf>, %select_n3A_2338, %reduce_min3A_2342 [1] : vector<64x128xf32> to vector<64xf32>
    %broadcast_in_dim3A_2344 = vector.shape_cast %reduce_min3A_2343 : vector<64xf32> to vector<64x1xf32>
    %eq3A_2345 = vector.broadcast %broadcast_in_dim3A_2344 : vector<64x1xf32> to vector<64x128xf32>
    %eq3A_2346 = arith.cmpf oeq, %select_n3A_2338, %eq3A_2345 : vector<64x128xf32>
    %mul3A_2347 = arith.constant 1.280000e+02 : f32
    %mul3A_2348 = vector.broadcast %mul3A_2347 : f32 to vector<64x128xf32>
    %mul3A_2349 = arith.mulf %select_n3A_2341, %mul3A_2348 : vector<64x128xf32>
    %add3A_2350 = arith.addf %mul3A_2349, %convert_element_type3A : vector<64x128xf32>
    %jit3A_2351 = arith.constant 1.024000e+03 : f32
    %broadcast_in_dim3A_2352 = vector.broadcast %jit3A_2351 : f32 to vector<64x128xf32>
    %select_n3A_2353 = arith.select %eq3A_2346, %add3A_2350, %broadcast_in_dim3A_2352 : vector<64x128xi1>, vector<64x128xf32>
    %reduce_min3A_2354 = arith.constant dense<0x7F800000> : vector<64xf32>
    %reduce_min3A_2355 = vector.multi_reduction <minimumf>, %select_n3A_2353, %reduce_min3A_2354 [1] : vector<64x128xf32> to vector<64xf32>
    %broadcast_in_dim3A_2356 = vector.shape_cast %reduce_min3A_2355 : vector<64xf32> to vector<64x1xf32>
    %convert_element_type3A_2357 = arith.fptosi %broadcast_in_dim3A_2356 : vector<64x1xf32> to vector<64x1xi32>
    %add3A_2358 = arith.constant 5120 : i32
    %add3A_2359 = vector.broadcast %add3A_2358 : i32 to vector<64x1xi32>
    %add3A_2360 = arith.addi %convert_element_type3A_2357, %add3A_2359 : vector<64x1xi32>
    %swap3A_2361 = arith.constant 0 : index
    %swap3A_2362 = arith.constant 5 : index
    %swap3A_2363 = vector.load %arg5[%swap3A_2361, %swap3A_2362] : memref<256x8xi32, #tpu.memory_space<vmem>>, vector<64x1xi32>
    tpu.vector_store %arg5[%swap3A_2361, %swap3A_2362], %add3A_2360 {strides = array<i32>} : memref<256x8xi32, #tpu.memory_space<vmem>>, vector<64x1xi32>,
    %slice3A_2364 = vector.extract_strided_slice %broadcast_in_dim3A_2243 {offsets = [64, 0], sizes = [64, 1], strides = [1, 1]} : vector<256x1xf32> to vector<64x1xf32>
    %slice3A_2365 = vector.extract_strided_slice %dot_general3A_2250 {offsets = [64, 0], sizes = [64, 128], strides = [1, 1]} : vector<256x1024xf32> to vector<64x128xf32>
    %sub3A_2366 = vector.broadcast %slice3A_2364 : vector<64x1xf32> to vector<64x128xf32>
    %sub3A_2367 = arith.subf %sub3A_2366, %slice3A_2365 : vector<64x128xf32>
    %slice3A_2368 = vector.extract_strided_slice %get3A_2255 {offsets = [0, 0], sizes = [1, 128], strides = [1, 1]} : vector<1x1024xf32> to vector<1x128xf32>
    %add3A_2369 = vector.broadcast %slice3A_2368 : vector<1x128xf32> to vector<64x128xf32>
    %add3A_2370 = arith.addf %sub3A_2367, %add3A_2369 : vector<64x128xf32>
    %broadcast_in_dim3A_2371 = arith.constant 0.000000e+00 : f32
    %broadcast_in_dim3A_2372 = vector.broadcast %broadcast_in_dim3A_2371 : f32 to vector<64x128xf32>
    %slice3A_2373 = vector.extract_strided_slice %dot_general3A_2250 {offsets = [64, 128], sizes = [64, 128], strides = [1, 1]} : vector<256x1024xf32> to vector<64x128xf32>
    %sub3A_2374 = vector.broadcast %slice3A_2364 : vector<64x1xf32> to vector<64x128xf32>
    %sub3A_2375 = arith.subf %sub3A_2374, %slice3A_2373 : vector<64x128xf32>
    %slice3A_2376 = vector.extract_strided_slice %get3A_2255 {offsets = [0, 128], sizes = [1, 128], strides = [1, 1]} : vector<1x1024xf32> to vector<1x128xf32>
    %add3A_2377 = vector.broadcast %slice3A_2376 : vector<1x128xf32> to vector<64x128xf32>
    %add3A_2378 = arith.addf %sub3A_2375, %add3A_2377 : vector<64x128xf32>
    %lt3A_2379 = arith.cmpf olt, %add3A_2378, %add3A_2370 : vector<64x128xf32>
    %select_n3A_2380 = arith.select %lt3A_2379, %add3A_2378, %add3A_2370 : vector<64x128xi1>, vector<64x128xf32>
    %jit3A_2381 = arith.constant 1.000000e+00 : f32
    %broadcast_in_dim3A_2382 = vector.broadcast %jit3A_2381 : f32 to vector<64x128xf32>
    %select_n3A_2383 = arith.select %lt3A_2379, %broadcast_in_dim3A_2382, %broadcast_in_dim3A_2372 : vector<64x128xi1>, vector<64x128xf32>
    %slice3A_2384 = vector.extract_strided_slice %dot_general3A_2250 {offsets = [64, 256], sizes = [64, 128], strides = [1, 1]} : vector<256x1024xf32> to vector<64x128xf32>
    %sub3A_2385 = vector.broadcast %slice3A_2364 : vector<64x1xf32> to vector<64x128xf32>
    %sub3A_2386 = arith.subf %sub3A_2385, %slice3A_2384 : vector<64x128xf32>
    %slice3A_2387 = vector.extract_strided_slice %get3A_2255 {offsets = [0, 256], sizes = [1, 128], strides = [1, 1]} : vector<1x1024xf32> to vector<1x128xf32>
    %add3A_2388 = vector.broadcast %slice3A_2387 : vector<1x128xf32> to vector<64x128xf32>
    %add3A_2389 = arith.addf %sub3A_2386, %add3A_2388 : vector<64x128xf32>
    %lt3A_2390 = arith.cmpf olt, %add3A_2389, %select_n3A_2380 : vector<64x128xf32>
    %select_n3A_2391 = arith.select %lt3A_2390, %add3A_2389, %select_n3A_2380 : vector<64x128xi1>, vector<64x128xf32>
    %jit3A_2392 = arith.constant 2.000000e+00 : f32
    %broadcast_in_dim3A_2393 = vector.broadcast %jit3A_2392 : f32 to vector<64x128xf32>
    %select_n3A_2394 = arith.select %lt3A_2390, %broadcast_in_dim3A_2393, %select_n3A_2383 : vector<64x128xi1>, vector<64x128xf32>
    %slice3A_2395 = vector.extract_strided_slice %dot_general3A_2250 {offsets = [64, 384], sizes = [64, 128], strides = [1, 1]} : vector<256x1024xf32> to vector<64x128xf32>
    %sub3A_2396 = vector.broadcast %slice3A_2364 : vector<64x1xf32> to vector<64x128xf32>
    %sub3A_2397 = arith.subf %sub3A_2396, %slice3A_2395 : vector<64x128xf32>
    %slice3A_2398 = vector.extract_strided_slice %get3A_2255 {offsets = [0, 384], sizes = [1, 128], strides = [1, 1]} : vector<1x1024xf32> to vector<1x128xf32>
    %add3A_2399 = vector.broadcast %slice3A_2398 : vector<1x128xf32> to vector<64x128xf32>
    %add3A_2400 = arith.addf %sub3A_2397, %add3A_2399 : vector<64x128xf32>
    %lt3A_2401 = arith.cmpf olt, %add3A_2400, %select_n3A_2391 : vector<64x128xf32>
    %select_n3A_2402 = arith.select %lt3A_2401, %add3A_2400, %select_n3A_2391 : vector<64x128xi1>, vector<64x128xf32>
    %jit3A_2403 = arith.constant 3.000000e+00 : f32
    %broadcast_in_dim3A_2404 = vector.broadcast %jit3A_2403 : f32 to vector<64x128xf32>
    %select_n3A_2405 = arith.select %lt3A_2401, %broadcast_in_dim3A_2404, %select_n3A_2394 : vector<64x128xi1>, vector<64x128xf32>
    %slice3A_2406 = vector.extract_strided_slice %dot_general3A_2250 {offsets = [64, 512], sizes = [64, 128], strides = [1, 1]} : vector<256x1024xf32> to vector<64x128xf32>
    %sub3A_2407 = vector.broadcast %slice3A_2364 : vector<64x1xf32> to vector<64x128xf32>
    %sub3A_2408 = arith.subf %sub3A_2407, %slice3A_2406 : vector<64x128xf32>
    %slice3A_2409 = vector.extract_strided_slice %get3A_2255 {offsets = [0, 512], sizes = [1, 128], strides = [1, 1]} : vector<1x1024xf32> to vector<1x128xf32>
    %add3A_2410 = vector.broadcast %slice3A_2409 : vector<1x128xf32> to vector<64x128xf32>
    %add3A_2411 = arith.addf %sub3A_2408, %add3A_2410 : vector<64x128xf32>
    %lt3A_2412 = arith.cmpf olt, %add3A_2411, %select_n3A_2402 : vector<64x128xf32>
    %select_n3A_2413 = arith.select %lt3A_2412, %add3A_2411, %select_n3A_2402 : vector<64x128xi1>, vector<64x128xf32>
    %jit3A_2414 = arith.constant 4.000000e+00 : f32
    %broadcast_in_dim3A_2415 = vector.broadcast %jit3A_2414 : f32 to vector<64x128xf32>
    %select_n3A_2416 = arith.select %lt3A_2412, %broadcast_in_dim3A_2415, %select_n3A_2405 : vector<64x128xi1>, vector<64x128xf32>
    %slice3A_2417 = vector.extract_strided_slice %dot_general3A_2250 {offsets = [64, 640], sizes = [64, 128], strides = [1, 1]} : vector<256x1024xf32> to vector<64x128xf32>
    %sub3A_2418 = vector.broadcast %slice3A_2364 : vector<64x1xf32> to vector<64x128xf32>
    %sub3A_2419 = arith.subf %sub3A_2418, %slice3A_2417 : vector<64x128xf32>
    %slice3A_2420 = vector.extract_strided_slice %get3A_2255 {offsets = [0, 640], sizes = [1, 128], strides = [1, 1]} : vector<1x1024xf32> to vector<1x128xf32>
    %add3A_2421 = vector.broadcast %slice3A_2420 : vector<1x128xf32> to vector<64x128xf32>
    %add3A_2422 = arith.addf %sub3A_2419, %add3A_2421 : vector<64x128xf32>
    %lt3A_2423 = arith.cmpf olt, %add3A_2422, %select_n3A_2413 : vector<64x128xf32>
    %select_n3A_2424 = arith.select %lt3A_2423, %add3A_2422, %select_n3A_2413 : vector<64x128xi1>, vector<64x128xf32>
    %jit3A_2425 = arith.constant 5.000000e+00 : f32
    %broadcast_in_dim3A_2426 = vector.broadcast %jit3A_2425 : f32 to vector<64x128xf32>
    %select_n3A_2427 = arith.select %lt3A_2423, %broadcast_in_dim3A_2426, %select_n3A_2416 : vector<64x128xi1>, vector<64x128xf32>
    %slice3A_2428 = vector.extract_strided_slice %dot_general3A_2250 {offsets = [64, 768], sizes = [64, 128], strides = [1, 1]} : vector<256x1024xf32> to vector<64x128xf32>
    %sub3A_2429 = vector.broadcast %slice3A_2364 : vector<64x1xf32> to vector<64x128xf32>
    %sub3A_2430 = arith.subf %sub3A_2429, %slice3A_2428 : vector<64x128xf32>
    %slice3A_2431 = vector.extract_strided_slice %get3A_2255 {offsets = [0, 768], sizes = [1, 128], strides = [1, 1]} : vector<1x1024xf32> to vector<1x128xf32>
    %add3A_2432 = vector.broadcast %slice3A_2431 : vector<1x128xf32> to vector<64x128xf32>
    %add3A_2433 = arith.addf %sub3A_2430, %add3A_2432 : vector<64x128xf32>
    %lt3A_2434 = arith.cmpf olt, %add3A_2433, %select_n3A_2424 : vector<64x128xf32>
    %select_n3A_2435 = arith.select %lt3A_2434, %add3A_2433, %select_n3A_2424 : vector<64x128xi1>, vector<64x128xf32>
    %jit3A_2436 = arith.constant 6.000000e+00 : f32
    %broadcast_in_dim3A_2437 = vector.broadcast %jit3A_2436 : f32 to vector<64x128xf32>
    %select_n3A_2438 = arith.select %lt3A_2434, %broadcast_in_dim3A_2437, %select_n3A_2427 : vector<64x128xi1>, vector<64x128xf32>
    %slice3A_2439 = vector.extract_strided_slice %dot_general3A_2250 {offsets = [64, 896], sizes = [64, 128], strides = [1, 1]} : vector<256x1024xf32> to vector<64x128xf32>
    %sub3A_2440 = vector.broadcast %slice3A_2364 : vector<64x1xf32> to vector<64x128xf32>
    %sub3A_2441 = arith.subf %sub3A_2440, %slice3A_2439 : vector<64x128xf32>
    %slice3A_2442 = vector.extract_strided_slice %get3A_2255 {offsets = [0, 896], sizes = [1, 128], strides = [1, 1]} : vector<1x1024xf32> to vector<1x128xf32>
    %add3A_2443 = vector.broadcast %slice3A_2442 : vector<1x128xf32> to vector<64x128xf32>
    %add3A_2444 = arith.addf %sub3A_2441, %add3A_2443 : vector<64x128xf32>
    %lt3A_2445 = arith.cmpf olt, %add3A_2444, %select_n3A_2435 : vector<64x128xf32>
    %select_n3A_2446 = arith.select %lt3A_2445, %add3A_2444, %select_n3A_2435 : vector<64x128xi1>, vector<64x128xf32>
    %jit3A_2447 = arith.constant 7.000000e+00 : f32
    %broadcast_in_dim3A_2448 = vector.broadcast %jit3A_2447 : f32 to vector<64x128xf32>
    %select_n3A_2449 = arith.select %lt3A_2445, %broadcast_in_dim3A_2448, %select_n3A_2438 : vector<64x128xi1>, vector<64x128xf32>
    %reduce_min3A_2450 = arith.constant dense<0x7F800000> : vector<64xf32>
    %reduce_min3A_2451 = vector.multi_reduction <minimumf>, %select_n3A_2446, %reduce_min3A_2450 [1] : vector<64x128xf32> to vector<64xf32>
    %broadcast_in_dim3A_2452 = vector.shape_cast %reduce_min3A_2451 : vector<64xf32> to vector<64x1xf32>
    %eq3A_2453 = vector.broadcast %broadcast_in_dim3A_2452 : vector<64x1xf32> to vector<64x128xf32>
    %eq3A_2454 = arith.cmpf oeq, %select_n3A_2446, %eq3A_2453 : vector<64x128xf32>
    %mul3A_2455 = arith.constant 1.280000e+02 : f32
    %mul3A_2456 = vector.broadcast %mul3A_2455 : f32 to vector<64x128xf32>
    %mul3A_2457 = arith.mulf %select_n3A_2449, %mul3A_2456 : vector<64x128xf32>
    %add3A_2458 = arith.addf %mul3A_2457, %convert_element_type3A : vector<64x128xf32>
    %jit3A_2459 = arith.constant 1.024000e+03 : f32
    %broadcast_in_dim3A_2460 = vector.broadcast %jit3A_2459 : f32 to vector<64x128xf32>
    %select_n3A_2461 = arith.select %eq3A_2454, %add3A_2458, %broadcast_in_dim3A_2460 : vector<64x128xi1>, vector<64x128xf32>
    %reduce_min3A_2462 = arith.constant dense<0x7F800000> : vector<64xf32>
    %reduce_min3A_2463 = vector.multi_reduction <minimumf>, %select_n3A_2461, %reduce_min3A_2462 [1] : vector<64x128xf32> to vector<64xf32>
    %broadcast_in_dim3A_2464 = vector.shape_cast %reduce_min3A_2463 : vector<64xf32> to vector<64x1xf32>
    %convert_element_type3A_2465 = arith.fptosi %broadcast_in_dim3A_2464 : vector<64x1xf32> to vector<64x1xi32>
    %add3A_2466 = arith.constant 5120 : i32
    %add3A_2467 = vector.broadcast %add3A_2466 : i32 to vector<64x1xi32>
    %add3A_2468 = arith.addi %convert_element_type3A_2465, %add3A_2467 : vector<64x1xi32>
    %swap3A_2469 = arith.constant 64 : index
    %swap3A_2470 = arith.constant 5 : index
    %swap3A_2471 = vector.load %arg5[%swap3A_2469, %swap3A_2470] : memref<256x8xi32, #tpu.memory_space<vmem>>, vector<64x1xi32>
    tpu.vector_store %arg5[%swap3A_2469, %swap3A_2470], %add3A_2468 {strides = array<i32>} : memref<256x8xi32, #tpu.memory_space<vmem>>, vector<64x1xi32>,
    %slice3A_2472 = vector.extract_strided_slice %broadcast_in_dim3A_2243 {offsets = [128, 0], sizes = [64, 1], strides = [1, 1]} : vector<256x1xf32> to vector<64x1xf32>
    %slice3A_2473 = vector.extract_strided_slice %dot_general3A_2250 {offsets = [128, 0], sizes = [64, 128], strides = [1, 1]} : vector<256x1024xf32> to vector<64x128xf32>
    %sub3A_2474 = vector.broadcast %slice3A_2472 : vector<64x1xf32> to vector<64x128xf32>
    %sub3A_2475 = arith.subf %sub3A_2474, %slice3A_2473 : vector<64x128xf32>
    %slice3A_2476 = vector.extract_strided_slice %get3A_2255 {offsets = [0, 0], sizes = [1, 128], strides = [1, 1]} : vector<1x1024xf32> to vector<1x128xf32>
    %add3A_2477 = vector.broadcast %slice3A_2476 : vector<1x128xf32> to vector<64x128xf32>
    %add3A_2478 = arith.addf %sub3A_2475, %add3A_2477 : vector<64x128xf32>
    %broadcast_in_dim3A_2479 = arith.constant 0.000000e+00 : f32
    %broadcast_in_dim3A_2480 = vector.broadcast %broadcast_in_dim3A_2479 : f32 to vector<64x128xf32>
    %slice3A_2481 = vector.extract_strided_slice %dot_general3A_2250 {offsets = [128, 128], sizes = [64, 128], strides = [1, 1]} : vector<256x1024xf32> to vector<64x128xf32>
    %sub3A_2482 = vector.broadcast %slice3A_2472 : vector<64x1xf32> to vector<64x128xf32>
    %sub3A_2483 = arith.subf %sub3A_2482, %slice3A_2481 : vector<64x128xf32>
    %slice3A_2484 = vector.extract_strided_slice %get3A_2255 {offsets = [0, 128], sizes = [1, 128], strides = [1, 1]} : vector<1x1024xf32> to vector<1x128xf32>
    %add3A_2485 = vector.broadcast %slice3A_2484 : vector<1x128xf32> to vector<64x128xf32>
    %add3A_2486 = arith.addf %sub3A_2483, %add3A_2485 : vector<64x128xf32>
    %lt3A_2487 = arith.cmpf olt, %add3A_2486, %add3A_2478 : vector<64x128xf32>
    %select_n3A_2488 = arith.select %lt3A_2487, %add3A_2486, %add3A_2478 : vector<64x128xi1>, vector<64x128xf32>
    %jit3A_2489 = arith.constant 1.000000e+00 : f32
    %broadcast_in_dim3A_2490 = vector.broadcast %jit3A_2489 : f32 to vector<64x128xf32>
    %select_n3A_2491 = arith.select %lt3A_2487, %broadcast_in_dim3A_2490, %broadcast_in_dim3A_2480 : vector<64x128xi1>, vector<64x128xf32>
    %slice3A_2492 = vector.extract_strided_slice %dot_general3A_2250 {offsets = [128, 256], sizes = [64, 128], strides = [1, 1]} : vector<256x1024xf32> to vector<64x128xf32>
    %sub3A_2493 = vector.broadcast %slice3A_2472 : vector<64x1xf32> to vector<64x128xf32>
    %sub3A_2494 = arith.subf %sub3A_2493, %slice3A_2492 : vector<64x128xf32>
    %slice3A_2495 = vector.extract_strided_slice %get3A_2255 {offsets = [0, 256], sizes = [1, 128], strides = [1, 1]} : vector<1x1024xf32> to vector<1x128xf32>
    %add3A_2496 = vector.broadcast %slice3A_2495 : vector<1x128xf32> to vector<64x128xf32>
    %add3A_2497 = arith.addf %sub3A_2494, %add3A_2496 : vector<64x128xf32>
    %lt3A_2498 = arith.cmpf olt, %add3A_2497, %select_n3A_2488 : vector<64x128xf32>
    %select_n3A_2499 = arith.select %lt3A_2498, %add3A_2497, %select_n3A_2488 : vector<64x128xi1>, vector<64x128xf32>
    %jit3A_2500 = arith.constant 2.000000e+00 : f32
    %broadcast_in_dim3A_2501 = vector.broadcast %jit3A_2500 : f32 to vector<64x128xf32>
    %select_n3A_2502 = arith.select %lt3A_2498, %broadcast_in_dim3A_2501, %select_n3A_2491 : vector<64x128xi1>, vector<64x128xf32>
    %slice3A_2503 = vector.extract_strided_slice %dot_general3A_2250 {offsets = [128, 384], sizes = [64, 128], strides = [1, 1]} : vector<256x1024xf32> to vector<64x128xf32>
    %sub3A_2504 = vector.broadcast %slice3A_2472 : vector<64x1xf32> to vector<64x128xf32>
    %sub3A_2505 = arith.subf %sub3A_2504, %slice3A_2503 : vector<64x128xf32>
    %slice3A_2506 = vector.extract_strided_slice %get3A_2255 {offsets = [0, 384], sizes = [1, 128], strides = [1, 1]} : vector<1x1024xf32> to vector<1x128xf32>
    %add3A_2507 = vector.broadcast %slice3A_2506 : vector<1x128xf32> to vector<64x128xf32>
    %add3A_2508 = arith.addf %sub3A_2505, %add3A_2507 : vector<64x128xf32>
    %lt3A_2509 = arith.cmpf olt, %add3A_2508, %select_n3A_2499 : vector<64x128xf32>
    %select_n3A_2510 = arith.select %lt3A_2509, %add3A_2508, %select_n3A_2499 : vector<64x128xi1>, vector<64x128xf32>
    %jit3A_2511 = arith.constant 3.000000e+00 : f32
    %broadcast_in_dim3A_2512 = vector.broadcast %jit3A_2511 : f32 to vector<64x128xf32>
    %select_n3A_2513 = arith.select %lt3A_2509, %broadcast_in_dim3A_2512, %select_n3A_2502 : vector<64x128xi1>, vector<64x128xf32>
    %slice3A_2514 = vector.extract_strided_slice %dot_general3A_2250 {offsets = [128, 512], sizes = [64, 128], strides = [1, 1]} : vector<256x1024xf32> to vector<64x128xf32>
    %sub3A_2515 = vector.broadcast %slice3A_2472 : vector<64x1xf32> to vector<64x128xf32>
    %sub3A_2516 = arith.subf %sub3A_2515, %slice3A_2514 : vector<64x128xf32>
    %slice3A_2517 = vector.extract_strided_slice %get3A_2255 {offsets = [0, 512], sizes = [1, 128], strides = [1, 1]} : vector<1x1024xf32> to vector<1x128xf32>
    %add3A_2518 = vector.broadcast %slice3A_2517 : vector<1x128xf32> to vector<64x128xf32>
    %add3A_2519 = arith.addf %sub3A_2516, %add3A_2518 : vector<64x128xf32>
    %lt3A_2520 = arith.cmpf olt, %add3A_2519, %select_n3A_2510 : vector<64x128xf32>
    %select_n3A_2521 = arith.select %lt3A_2520, %add3A_2519, %select_n3A_2510 : vector<64x128xi1>, vector<64x128xf32>
    %jit3A_2522 = arith.constant 4.000000e+00 : f32
    %broadcast_in_dim3A_2523 = vector.broadcast %jit3A_2522 : f32 to vector<64x128xf32>
    %select_n3A_2524 = arith.select %lt3A_2520, %broadcast_in_dim3A_2523, %select_n3A_2513 : vector<64x128xi1>, vector<64x128xf32>
    %slice3A_2525 = vector.extract_strided_slice %dot_general3A_2250 {offsets = [128, 640], sizes = [64, 128], strides = [1, 1]} : vector<256x1024xf32> to vector<64x128xf32>
    %sub3A_2526 = vector.broadcast %slice3A_2472 : vector<64x1xf32> to vector<64x128xf32>
    %sub3A_2527 = arith.subf %sub3A_2526, %slice3A_2525 : vector<64x128xf32>
    %slice3A_2528 = vector.extract_strided_slice %get3A_2255 {offsets = [0, 640], sizes = [1, 128], strides = [1, 1]} : vector<1x1024xf32> to vector<1x128xf32>
    %add3A_2529 = vector.broadcast %slice3A_2528 : vector<1x128xf32> to vector<64x128xf32>
    %add3A_2530 = arith.addf %sub3A_2527, %add3A_2529 : vector<64x128xf32>
    %lt3A_2531 = arith.cmpf olt, %add3A_2530, %select_n3A_2521 : vector<64x128xf32>
    %select_n3A_2532 = arith.select %lt3A_2531, %add3A_2530, %select_n3A_2521 : vector<64x128xi1>, vector<64x128xf32>
    %jit3A_2533 = arith.constant 5.000000e+00 : f32
    %broadcast_in_dim3A_2534 = vector.broadcast %jit3A_2533 : f32 to vector<64x128xf32>
    %select_n3A_2535 = arith.select %lt3A_2531, %broadcast_in_dim3A_2534, %select_n3A_2524 : vector<64x128xi1>, vector<64x128xf32>
    %slice3A_2536 = vector.extract_strided_slice %dot_general3A_2250 {offsets = [128, 768], sizes = [64, 128], strides = [1, 1]} : vector<256x1024xf32> to vector<64x128xf32>
    %sub3A_2537 = vector.broadcast %slice3A_2472 : vector<64x1xf32> to vector<64x128xf32>
    %sub3A_2538 = arith.subf %sub3A_2537, %slice3A_2536 : vector<64x128xf32>
    %slice3A_2539 = vector.extract_strided_slice %get3A_2255 {offsets = [0, 768], sizes = [1, 128], strides = [1, 1]} : vector<1x1024xf32> to vector<1x128xf32>
    %add3A_2540 = vector.broadcast %slice3A_2539 : vector<1x128xf32> to vector<64x128xf32>
    %add3A_2541 = arith.addf %sub3A_2538, %add3A_2540 : vector<64x128xf32>
    %lt3A_2542 = arith.cmpf olt, %add3A_2541, %select_n3A_2532 : vector<64x128xf32>
    %select_n3A_2543 = arith.select %lt3A_2542, %add3A_2541, %select_n3A_2532 : vector<64x128xi1>, vector<64x128xf32>
    %jit3A_2544 = arith.constant 6.000000e+00 : f32
    %broadcast_in_dim3A_2545 = vector.broadcast %jit3A_2544 : f32 to vector<64x128xf32>
    %select_n3A_2546 = arith.select %lt3A_2542, %broadcast_in_dim3A_2545, %select_n3A_2535 : vector<64x128xi1>, vector<64x128xf32>
    %slice3A_2547 = vector.extract_strided_slice %dot_general3A_2250 {offsets = [128, 896], sizes = [64, 128], strides = [1, 1]} : vector<256x1024xf32> to vector<64x128xf32>
    %sub3A_2548 = vector.broadcast %slice3A_2472 : vector<64x1xf32> to vector<64x128xf32>
    %sub3A_2549 = arith.subf %sub3A_2548, %slice3A_2547 : vector<64x128xf32>
    %slice3A_2550 = vector.extract_strided_slice %get3A_2255 {offsets = [0, 896], sizes = [1, 128], strides = [1, 1]} : vector<1x1024xf32> to vector<1x128xf32>
    %add3A_2551 = vector.broadcast %slice3A_2550 : vector<1x128xf32> to vector<64x128xf32>
    %add3A_2552 = arith.addf %sub3A_2549, %add3A_2551 : vector<64x128xf32>
    %lt3A_2553 = arith.cmpf olt, %add3A_2552, %select_n3A_2543 : vector<64x128xf32>
    %select_n3A_2554 = arith.select %lt3A_2553, %add3A_2552, %select_n3A_2543 : vector<64x128xi1>, vector<64x128xf32>
    %jit3A_2555 = arith.constant 7.000000e+00 : f32
    %broadcast_in_dim3A_2556 = vector.broadcast %jit3A_2555 : f32 to vector<64x128xf32>
    %select_n3A_2557 = arith.select %lt3A_2553, %broadcast_in_dim3A_2556, %select_n3A_2546 : vector<64x128xi1>, vector<64x128xf32>
    %reduce_min3A_2558 = arith.constant dense<0x7F800000> : vector<64xf32>
    %reduce_min3A_2559 = vector.multi_reduction <minimumf>, %select_n3A_2554, %reduce_min3A_2558 [1] : vector<64x128xf32> to vector<64xf32>
    %broadcast_in_dim3A_2560 = vector.shape_cast %reduce_min3A_2559 : vector<64xf32> to vector<64x1xf32>
    %eq3A_2561 = vector.broadcast %broadcast_in_dim3A_2560 : vector<64x1xf32> to vector<64x128xf32>
    %eq3A_2562 = arith.cmpf oeq, %select_n3A_2554, %eq3A_2561 : vector<64x128xf32>
    %mul3A_2563 = arith.constant 1.280000e+02 : f32
    %mul3A_2564 = vector.broadcast %mul3A_2563 : f32 to vector<64x128xf32>
    %mul3A_2565 = arith.mulf %select_n3A_2557, %mul3A_2564 : vector<64x128xf32>
    %add3A_2566 = arith.addf %mul3A_2565, %convert_element_type3A : vector<64x128xf32>
    %jit3A_2567 = arith.constant 1.024000e+03 : f32
    %broadcast_in_dim3A_2568 = vector.broadcast %jit3A_2567 : f32 to vector<64x128xf32>
    %select_n3A_2569 = arith.select %eq3A_2562, %add3A_2566, %broadcast_in_dim3A_2568 : vector<64x128xi1>, vector<64x128xf32>
    %reduce_min3A_2570 = arith.constant dense<0x7F800000> : vector<64xf32>
    %reduce_min3A_2571 = vector.multi_reduction <minimumf>, %select_n3A_2569, %reduce_min3A_2570 [1] : vector<64x128xf32> to vector<64xf32>
    %broadcast_in_dim3A_2572 = vector.shape_cast %reduce_min3A_2571 : vector<64xf32> to vector<64x1xf32>
    %convert_element_type3A_2573 = arith.fptosi %broadcast_in_dim3A_2572 : vector<64x1xf32> to vector<64x1xi32>
    %add3A_2574 = arith.constant 5120 : i32
    %add3A_2575 = vector.broadcast %add3A_2574 : i32 to vector<64x1xi32>
    %add3A_2576 = arith.addi %convert_element_type3A_2573, %add3A_2575 : vector<64x1xi32>
    %swap3A_2577 = arith.constant 128 : index
    %swap3A_2578 = arith.constant 5 : index
    %swap3A_2579 = vector.load %arg5[%swap3A_2577, %swap3A_2578] : memref<256x8xi32, #tpu.memory_space<vmem>>, vector<64x1xi32>
    tpu.vector_store %arg5[%swap3A_2577, %swap3A_2578], %add3A_2576 {strides = array<i32>} : memref<256x8xi32, #tpu.memory_space<vmem>>, vector<64x1xi32>,
    %slice3A_2580 = vector.extract_strided_slice %broadcast_in_dim3A_2243 {offsets = [192, 0], sizes = [64, 1], strides = [1, 1]} : vector<256x1xf32> to vector<64x1xf32>
    %slice3A_2581 = vector.extract_strided_slice %dot_general3A_2250 {offsets = [192, 0], sizes = [64, 128], strides = [1, 1]} : vector<256x1024xf32> to vector<64x128xf32>
    %sub3A_2582 = vector.broadcast %slice3A_2580 : vector<64x1xf32> to vector<64x128xf32>
    %sub3A_2583 = arith.subf %sub3A_2582, %slice3A_2581 : vector<64x128xf32>
    %slice3A_2584 = vector.extract_strided_slice %get3A_2255 {offsets = [0, 0], sizes = [1, 128], strides = [1, 1]} : vector<1x1024xf32> to vector<1x128xf32>
    %add3A_2585 = vector.broadcast %slice3A_2584 : vector<1x128xf32> to vector<64x128xf32>
    %add3A_2586 = arith.addf %sub3A_2583, %add3A_2585 : vector<64x128xf32>
    %broadcast_in_dim3A_2587 = arith.constant 0.000000e+00 : f32
    %broadcast_in_dim3A_2588 = vector.broadcast %broadcast_in_dim3A_2587 : f32 to vector<64x128xf32>
    %slice3A_2589 = vector.extract_strided_slice %dot_general3A_2250 {offsets = [192, 128], sizes = [64, 128], strides = [1, 1]} : vector<256x1024xf32> to vector<64x128xf32>
    %sub3A_2590 = vector.broadcast %slice3A_2580 : vector<64x1xf32> to vector<64x128xf32>
    %sub3A_2591 = arith.subf %sub3A_2590, %slice3A_2589 : vector<64x128xf32>
    %slice3A_2592 = vector.extract_strided_slice %get3A_2255 {offsets = [0, 128], sizes = [1, 128], strides = [1, 1]} : vector<1x1024xf32> to vector<1x128xf32>
    %add3A_2593 = vector.broadcast %slice3A_2592 : vector<1x128xf32> to vector<64x128xf32>
    %add3A_2594 = arith.addf %sub3A_2591, %add3A_2593 : vector<64x128xf32>
    %lt3A_2595 = arith.cmpf olt, %add3A_2594, %add3A_2586 : vector<64x128xf32>
    %select_n3A_2596 = arith.select %lt3A_2595, %add3A_2594, %add3A_2586 : vector<64x128xi1>, vector<64x128xf32>
    %jit3A_2597 = arith.constant 1.000000e+00 : f32
    %broadcast_in_dim3A_2598 = vector.broadcast %jit3A_2597 : f32 to vector<64x128xf32>
    %select_n3A_2599 = arith.select %lt3A_2595, %broadcast_in_dim3A_2598, %broadcast_in_dim3A_2588 : vector<64x128xi1>, vector<64x128xf32>
    %slice3A_2600 = vector.extract_strided_slice %dot_general3A_2250 {offsets = [192, 256], sizes = [64, 128], strides = [1, 1]} : vector<256x1024xf32> to vector<64x128xf32>
    %sub3A_2601 = vector.broadcast %slice3A_2580 : vector<64x1xf32> to vector<64x128xf32>
    %sub3A_2602 = arith.subf %sub3A_2601, %slice3A_2600 : vector<64x128xf32>
    %slice3A_2603 = vector.extract_strided_slice %get3A_2255 {offsets = [0, 256], sizes = [1, 128], strides = [1, 1]} : vector<1x1024xf32> to vector<1x128xf32>
    %add3A_2604 = vector.broadcast %slice3A_2603 : vector<1x128xf32> to vector<64x128xf32>
    %add3A_2605 = arith.addf %sub3A_2602, %add3A_2604 : vector<64x128xf32>
    %lt3A_2606 = arith.cmpf olt, %add3A_2605, %select_n3A_2596 : vector<64x128xf32>
    %select_n3A_2607 = arith.select %lt3A_2606, %add3A_2605, %select_n3A_2596 : vector<64x128xi1>, vector<64x128xf32>
    %jit3A_2608 = arith.constant 2.000000e+00 : f32
    %broadcast_in_dim3A_2609 = vector.broadcast %jit3A_2608 : f32 to vector<64x128xf32>
    %select_n3A_2610 = arith.select %lt3A_2606, %broadcast_in_dim3A_2609, %select_n3A_2599 : vector<64x128xi1>, vector<64x128xf32>
    %slice3A_2611 = vector.extract_strided_slice %dot_general3A_2250 {offsets = [192, 384], sizes = [64, 128], strides = [1, 1]} : vector<256x1024xf32> to vector<64x128xf32>
    %sub3A_2612 = vector.broadcast %slice3A_2580 : vector<64x1xf32> to vector<64x128xf32>
    %sub3A_2613 = arith.subf %sub3A_2612, %slice3A_2611 : vector<64x128xf32>
    %slice3A_2614 = vector.extract_strided_slice %get3A_2255 {offsets = [0, 384], sizes = [1, 128], strides = [1, 1]} : vector<1x1024xf32> to vector<1x128xf32>
    %add3A_2615 = vector.broadcast %slice3A_2614 : vector<1x128xf32> to vector<64x128xf32>
    %add3A_2616 = arith.addf %sub3A_2613, %add3A_2615 : vector<64x128xf32>
    %lt3A_2617 = arith.cmpf olt, %add3A_2616, %select_n3A_2607 : vector<64x128xf32>
    %select_n3A_2618 = arith.select %lt3A_2617, %add3A_2616, %select_n3A_2607 : vector<64x128xi1>, vector<64x128xf32>
    %jit3A_2619 = arith.constant 3.000000e+00 : f32
    %broadcast_in_dim3A_2620 = vector.broadcast %jit3A_2619 : f32 to vector<64x128xf32>
    %select_n3A_2621 = arith.select %lt3A_2617, %broadcast_in_dim3A_2620, %select_n3A_2610 : vector<64x128xi1>, vector<64x128xf32>
    %slice3A_2622 = vector.extract_strided_slice %dot_general3A_2250 {offsets = [192, 512], sizes = [64, 128], strides = [1, 1]} : vector<256x1024xf32> to vector<64x128xf32>
    %sub3A_2623 = vector.broadcast %slice3A_2580 : vector<64x1xf32> to vector<64x128xf32>
    %sub3A_2624 = arith.subf %sub3A_2623, %slice3A_2622 : vector<64x128xf32>
    %slice3A_2625 = vector.extract_strided_slice %get3A_2255 {offsets = [0, 512], sizes = [1, 128], strides = [1, 1]} : vector<1x1024xf32> to vector<1x128xf32>
    %add3A_2626 = vector.broadcast %slice3A_2625 : vector<1x128xf32> to vector<64x128xf32>
    %add3A_2627 = arith.addf %sub3A_2624, %add3A_2626 : vector<64x128xf32>
    %lt3A_2628 = arith.cmpf olt, %add3A_2627, %select_n3A_2618 : vector<64x128xf32>
    %select_n3A_2629 = arith.select %lt3A_2628, %add3A_2627, %select_n3A_2618 : vector<64x128xi1>, vector<64x128xf32>
    %jit3A_2630 = arith.constant 4.000000e+00 : f32
    %broadcast_in_dim3A_2631 = vector.broadcast %jit3A_2630 : f32 to vector<64x128xf32>
    %select_n3A_2632 = arith.select %lt3A_2628, %broadcast_in_dim3A_2631, %select_n3A_2621 : vector<64x128xi1>, vector<64x128xf32>
    %slice3A_2633 = vector.extract_strided_slice %dot_general3A_2250 {offsets = [192, 640], sizes = [64, 128], strides = [1, 1]} : vector<256x1024xf32> to vector<64x128xf32>
    %sub3A_2634 = vector.broadcast %slice3A_2580 : vector<64x1xf32> to vector<64x128xf32>
    %sub3A_2635 = arith.subf %sub3A_2634, %slice3A_2633 : vector<64x128xf32>
    %slice3A_2636 = vector.extract_strided_slice %get3A_2255 {offsets = [0, 640], sizes = [1, 128], strides = [1, 1]} : vector<1x1024xf32> to vector<1x128xf32>
    %add3A_2637 = vector.broadcast %slice3A_2636 : vector<1x128xf32> to vector<64x128xf32>
    %add3A_2638 = arith.addf %sub3A_2635, %add3A_2637 : vector<64x128xf32>
    %lt3A_2639 = arith.cmpf olt, %add3A_2638, %select_n3A_2629 : vector<64x128xf32>
    %select_n3A_2640 = arith.select %lt3A_2639, %add3A_2638, %select_n3A_2629 : vector<64x128xi1>, vector<64x128xf32>
    %jit3A_2641 = arith.constant 5.000000e+00 : f32
    %broadcast_in_dim3A_2642 = vector.broadcast %jit3A_2641 : f32 to vector<64x128xf32>
    %select_n3A_2643 = arith.select %lt3A_2639, %broadcast_in_dim3A_2642, %select_n3A_2632 : vector<64x128xi1>, vector<64x128xf32>
    %slice3A_2644 = vector.extract_strided_slice %dot_general3A_2250 {offsets = [192, 768], sizes = [64, 128], strides = [1, 1]} : vector<256x1024xf32> to vector<64x128xf32>
    %sub3A_2645 = vector.broadcast %slice3A_2580 : vector<64x1xf32> to vector<64x128xf32>
    %sub3A_2646 = arith.subf %sub3A_2645, %slice3A_2644 : vector<64x128xf32>
    %slice3A_2647 = vector.extract_strided_slice %get3A_2255 {offsets = [0, 768], sizes = [1, 128], strides = [1, 1]} : vector<1x1024xf32> to vector<1x128xf32>
    %add3A_2648 = vector.broadcast %slice3A_2647 : vector<1x128xf32> to vector<64x128xf32>
    %add3A_2649 = arith.addf %sub3A_2646, %add3A_2648 : vector<64x128xf32>
    %lt3A_2650 = arith.cmpf olt, %add3A_2649, %select_n3A_2640 : vector<64x128xf32>
    %select_n3A_2651 = arith.select %lt3A_2650, %add3A_2649, %select_n3A_2640 : vector<64x128xi1>, vector<64x128xf32>
    %jit3A_2652 = arith.constant 6.000000e+00 : f32
    %broadcast_in_dim3A_2653 = vector.broadcast %jit3A_2652 : f32 to vector<64x128xf32>
    %select_n3A_2654 = arith.select %lt3A_2650, %broadcast_in_dim3A_2653, %select_n3A_2643 : vector<64x128xi1>, vector<64x128xf32>
    %slice3A_2655 = vector.extract_strided_slice %dot_general3A_2250 {offsets = [192, 896], sizes = [64, 128], strides = [1, 1]} : vector<256x1024xf32> to vector<64x128xf32>
    %sub3A_2656 = vector.broadcast %slice3A_2580 : vector<64x1xf32> to vector<64x128xf32>
    %sub3A_2657 = arith.subf %sub3A_2656, %slice3A_2655 : vector<64x128xf32>
    %slice3A_2658 = vector.extract_strided_slice %get3A_2255 {offsets = [0, 896], sizes = [1, 128], strides = [1, 1]} : vector<1x1024xf32> to vector<1x128xf32>
    %add3A_2659 = vector.broadcast %slice3A_2658 : vector<1x128xf32> to vector<64x128xf32>
    %add3A_2660 = arith.addf %sub3A_2657, %add3A_2659 : vector<64x128xf32>
    %lt3A_2661 = arith.cmpf olt, %add3A_2660, %select_n3A_2651 : vector<64x128xf32>
    %select_n3A_2662 = arith.select %lt3A_2661, %add3A_2660, %select_n3A_2651 : vector<64x128xi1>, vector<64x128xf32>
    %jit3A_2663 = arith.constant 7.000000e+00 : f32
    %broadcast_in_dim3A_2664 = vector.broadcast %jit3A_2663 : f32 to vector<64x128xf32>
    %select_n3A_2665 = arith.select %lt3A_2661, %broadcast_in_dim3A_2664, %select_n3A_2654 : vector<64x128xi1>, vector<64x128xf32>
    %reduce_min3A_2666 = arith.constant dense<0x7F800000> : vector<64xf32>
    %reduce_min3A_2667 = vector.multi_reduction <minimumf>, %select_n3A_2662, %reduce_min3A_2666 [1] : vector<64x128xf32> to vector<64xf32>
    %broadcast_in_dim3A_2668 = vector.shape_cast %reduce_min3A_2667 : vector<64xf32> to vector<64x1xf32>
    %eq3A_2669 = vector.broadcast %broadcast_in_dim3A_2668 : vector<64x1xf32> to vector<64x128xf32>
    %eq3A_2670 = arith.cmpf oeq, %select_n3A_2662, %eq3A_2669 : vector<64x128xf32>
    %mul3A_2671 = arith.constant 1.280000e+02 : f32
    %mul3A_2672 = vector.broadcast %mul3A_2671 : f32 to vector<64x128xf32>
    %mul3A_2673 = arith.mulf %select_n3A_2665, %mul3A_2672 : vector<64x128xf32>
    %add3A_2674 = arith.addf %mul3A_2673, %convert_element_type3A : vector<64x128xf32>
    %jit3A_2675 = arith.constant 1.024000e+03 : f32
    %broadcast_in_dim3A_2676 = vector.broadcast %jit3A_2675 : f32 to vector<64x128xf32>
    %select_n3A_2677 = arith.select %eq3A_2670, %add3A_2674, %broadcast_in_dim3A_2676 : vector<64x128xi1>, vector<64x128xf32>
    %reduce_min3A_2678 = arith.constant dense<0x7F800000> : vector<64xf32>
    %reduce_min3A_2679 = vector.multi_reduction <minimumf>, %select_n3A_2677, %reduce_min3A_2678 [1] : vector<64x128xf32> to vector<64xf32>
    %broadcast_in_dim3A_2680 = vector.shape_cast %reduce_min3A_2679 : vector<64xf32> to vector<64x1xf32>
    %convert_element_type3A_2681 = arith.fptosi %broadcast_in_dim3A_2680 : vector<64x1xf32> to vector<64x1xi32>
    %add3A_2682 = arith.constant 5120 : i32
    %add3A_2683 = vector.broadcast %add3A_2682 : i32 to vector<64x1xi32>
    %add3A_2684 = arith.addi %convert_element_type3A_2681, %add3A_2683 : vector<64x1xi32>
    %swap3A_2685 = arith.constant 192 : index
    %swap3A_2686 = arith.constant 5 : index
    %swap3A_2687 = vector.load %arg5[%swap3A_2685, %swap3A_2686] : memref<256x8xi32, #tpu.memory_space<vmem>>, vector<64x1xi32>
    tpu.vector_store %arg5[%swap3A_2685, %swap3A_2686], %add3A_2684 {strides = array<i32>} : memref<256x8xi32, #tpu.memory_space<vmem>>, vector<64x1xi32>,
    %slice3A_2688 = vector.extract_strided_slice %dot_general3A_5 {offsets = [0, 384], sizes = [256, 64], strides = [1, 1]} : vector<256x512xf32> to vector<256x64xf32>
    %mul3A_2689 = arith.mulf %slice3A_2688, %slice3A_2688 : vector<256x64xf32>
    %reduce_sum3A_2690 = arith.constant dense<0.000000e+00> : vector<256xf32>
    %reduce_sum3A_2691 = vector.multi_reduction <add>, %mul3A_2689, %reduce_sum3A_2690 [1] : vector<256x64xf32> to vector<256xf32>
    %broadcast_in_dim3A_2692 = vector.shape_cast %reduce_sum3A_2691 : vector<256xf32> to vector<256x1xf32>
    %get3A_2693 = arith.constant 6 : index
    %get3A_2694 = arith.constant 0 : index
    %get3A_2695 = arith.constant 0 : index
    %get3A_2696 = vector.load %arg3[%get3A_2693, %get3A_2694, %get3A_2695] : memref<8x1024x64xf32, #tpu.memory_space<vmem>>, vector<1x1024x64xf32>
    %get3A_2697 = vector.shape_cast %get3A_2696 : vector<1x1024x64xf32> to vector<1024x64xf32>
    %dot_general3A_2698 = arith.constant dense<0.000000e+00> : vector<256x1024xf32>
    %dot_general3A_2699 = tpu.matmul %slice3A_2688, %get3A_2697, %dot_general3A_2698 {dimension_numbers = #tpu.dot_dimension_numbers<[1], [1], [0], [0], [0, 0, 1, 0], [], []>, transpose_lhs_hint = false} : vector<256x64xf32>, vector<1024x64xf32>, vector<256x1024xf32> -> vector<256x1024xf32>
    %get3A_2700 = arith.constant 6 : index
    %get3A_2701 = arith.constant 0 : index
    %get3A_2702 = arith.constant 0 : index
    %get3A_2703 = vector.load %arg4[%get3A_2700, %get3A_2701, %get3A_2702] : memref<8x1x1024xf32, #tpu.memory_space<vmem>>, vector<1x1x1024xf32>
    %get3A_2704 = vector.shape_cast %get3A_2703 : vector<1x1x1024xf32> to vector<1x1024xf32>
    %slice3A_2705 = vector.extract_strided_slice %broadcast_in_dim3A_2692 {offsets = [0, 0], sizes = [64, 1], strides = [1, 1]} : vector<256x1xf32> to vector<64x1xf32>
    %slice3A_2706 = vector.extract_strided_slice %dot_general3A_2699 {offsets = [0, 0], sizes = [64, 128], strides = [1, 1]} : vector<256x1024xf32> to vector<64x128xf32>
    %sub3A_2707 = vector.broadcast %slice3A_2705 : vector<64x1xf32> to vector<64x128xf32>
    %sub3A_2708 = arith.subf %sub3A_2707, %slice3A_2706 : vector<64x128xf32>
    %slice3A_2709 = vector.extract_strided_slice %get3A_2704 {offsets = [0, 0], sizes = [1, 128], strides = [1, 1]} : vector<1x1024xf32> to vector<1x128xf32>
    %add3A_2710 = vector.broadcast %slice3A_2709 : vector<1x128xf32> to vector<64x128xf32>
    %add3A_2711 = arith.addf %sub3A_2708, %add3A_2710 : vector<64x128xf32>
    %broadcast_in_dim3A_2712 = arith.constant 0.000000e+00 : f32
    %broadcast_in_dim3A_2713 = vector.broadcast %broadcast_in_dim3A_2712 : f32 to vector<64x128xf32>
    %slice3A_2714 = vector.extract_strided_slice %dot_general3A_2699 {offsets = [0, 128], sizes = [64, 128], strides = [1, 1]} : vector<256x1024xf32> to vector<64x128xf32>
    %sub3A_2715 = vector.broadcast %slice3A_2705 : vector<64x1xf32> to vector<64x128xf32>
    %sub3A_2716 = arith.subf %sub3A_2715, %slice3A_2714 : vector<64x128xf32>
    %slice3A_2717 = vector.extract_strided_slice %get3A_2704 {offsets = [0, 128], sizes = [1, 128], strides = [1, 1]} : vector<1x1024xf32> to vector<1x128xf32>
    %add3A_2718 = vector.broadcast %slice3A_2717 : vector<1x128xf32> to vector<64x128xf32>
    %add3A_2719 = arith.addf %sub3A_2716, %add3A_2718 : vector<64x128xf32>
    %lt3A_2720 = arith.cmpf olt, %add3A_2719, %add3A_2711 : vector<64x128xf32>
    %select_n3A_2721 = arith.select %lt3A_2720, %add3A_2719, %add3A_2711 : vector<64x128xi1>, vector<64x128xf32>
    %jit3A_2722 = arith.constant 1.000000e+00 : f32
    %broadcast_in_dim3A_2723 = vector.broadcast %jit3A_2722 : f32 to vector<64x128xf32>
    %select_n3A_2724 = arith.select %lt3A_2720, %broadcast_in_dim3A_2723, %broadcast_in_dim3A_2713 : vector<64x128xi1>, vector<64x128xf32>
    %slice3A_2725 = vector.extract_strided_slice %dot_general3A_2699 {offsets = [0, 256], sizes = [64, 128], strides = [1, 1]} : vector<256x1024xf32> to vector<64x128xf32>
    %sub3A_2726 = vector.broadcast %slice3A_2705 : vector<64x1xf32> to vector<64x128xf32>
    %sub3A_2727 = arith.subf %sub3A_2726, %slice3A_2725 : vector<64x128xf32>
    %slice3A_2728 = vector.extract_strided_slice %get3A_2704 {offsets = [0, 256], sizes = [1, 128], strides = [1, 1]} : vector<1x1024xf32> to vector<1x128xf32>
    %add3A_2729 = vector.broadcast %slice3A_2728 : vector<1x128xf32> to vector<64x128xf32>
    %add3A_2730 = arith.addf %sub3A_2727, %add3A_2729 : vector<64x128xf32>
    %lt3A_2731 = arith.cmpf olt, %add3A_2730, %select_n3A_2721 : vector<64x128xf32>
    %select_n3A_2732 = arith.select %lt3A_2731, %add3A_2730, %select_n3A_2721 : vector<64x128xi1>, vector<64x128xf32>
    %jit3A_2733 = arith.constant 2.000000e+00 : f32
    %broadcast_in_dim3A_2734 = vector.broadcast %jit3A_2733 : f32 to vector<64x128xf32>
    %select_n3A_2735 = arith.select %lt3A_2731, %broadcast_in_dim3A_2734, %select_n3A_2724 : vector<64x128xi1>, vector<64x128xf32>
    %slice3A_2736 = vector.extract_strided_slice %dot_general3A_2699 {offsets = [0, 384], sizes = [64, 128], strides = [1, 1]} : vector<256x1024xf32> to vector<64x128xf32>
    %sub3A_2737 = vector.broadcast %slice3A_2705 : vector<64x1xf32> to vector<64x128xf32>
    %sub3A_2738 = arith.subf %sub3A_2737, %slice3A_2736 : vector<64x128xf32>
    %slice3A_2739 = vector.extract_strided_slice %get3A_2704 {offsets = [0, 384], sizes = [1, 128], strides = [1, 1]} : vector<1x1024xf32> to vector<1x128xf32>
    %add3A_2740 = vector.broadcast %slice3A_2739 : vector<1x128xf32> to vector<64x128xf32>
    %add3A_2741 = arith.addf %sub3A_2738, %add3A_2740 : vector<64x128xf32>
    %lt3A_2742 = arith.cmpf olt, %add3A_2741, %select_n3A_2732 : vector<64x128xf32>
    %select_n3A_2743 = arith.select %lt3A_2742, %add3A_2741, %select_n3A_2732 : vector<64x128xi1>, vector<64x128xf32>
    %jit3A_2744 = arith.constant 3.000000e+00 : f32
    %broadcast_in_dim3A_2745 = vector.broadcast %jit3A_2744 : f32 to vector<64x128xf32>
    %select_n3A_2746 = arith.select %lt3A_2742, %broadcast_in_dim3A_2745, %select_n3A_2735 : vector<64x128xi1>, vector<64x128xf32>
    %slice3A_2747 = vector.extract_strided_slice %dot_general3A_2699 {offsets = [0, 512], sizes = [64, 128], strides = [1, 1]} : vector<256x1024xf32> to vector<64x128xf32>
    %sub3A_2748 = vector.broadcast %slice3A_2705 : vector<64x1xf32> to vector<64x128xf32>
    %sub3A_2749 = arith.subf %sub3A_2748, %slice3A_2747 : vector<64x128xf32>
    %slice3A_2750 = vector.extract_strided_slice %get3A_2704 {offsets = [0, 512], sizes = [1, 128], strides = [1, 1]} : vector<1x1024xf32> to vector<1x128xf32>
    %add3A_2751 = vector.broadcast %slice3A_2750 : vector<1x128xf32> to vector<64x128xf32>
    %add3A_2752 = arith.addf %sub3A_2749, %add3A_2751 : vector<64x128xf32>
    %lt3A_2753 = arith.cmpf olt, %add3A_2752, %select_n3A_2743 : vector<64x128xf32>
    %select_n3A_2754 = arith.select %lt3A_2753, %add3A_2752, %select_n3A_2743 : vector<64x128xi1>, vector<64x128xf32>
    %jit3A_2755 = arith.constant 4.000000e+00 : f32
    %broadcast_in_dim3A_2756 = vector.broadcast %jit3A_2755 : f32 to vector<64x128xf32>
    %select_n3A_2757 = arith.select %lt3A_2753, %broadcast_in_dim3A_2756, %select_n3A_2746 : vector<64x128xi1>, vector<64x128xf32>
    %slice3A_2758 = vector.extract_strided_slice %dot_general3A_2699 {offsets = [0, 640], sizes = [64, 128], strides = [1, 1]} : vector<256x1024xf32> to vector<64x128xf32>
    %sub3A_2759 = vector.broadcast %slice3A_2705 : vector<64x1xf32> to vector<64x128xf32>
    %sub3A_2760 = arith.subf %sub3A_2759, %slice3A_2758 : vector<64x128xf32>
    %slice3A_2761 = vector.extract_strided_slice %get3A_2704 {offsets = [0, 640], sizes = [1, 128], strides = [1, 1]} : vector<1x1024xf32> to vector<1x128xf32>
    %add3A_2762 = vector.broadcast %slice3A_2761 : vector<1x128xf32> to vector<64x128xf32>
    %add3A_2763 = arith.addf %sub3A_2760, %add3A_2762 : vector<64x128xf32>
    %lt3A_2764 = arith.cmpf olt, %add3A_2763, %select_n3A_2754 : vector<64x128xf32>
    %select_n3A_2765 = arith.select %lt3A_2764, %add3A_2763, %select_n3A_2754 : vector<64x128xi1>, vector<64x128xf32>
    %jit3A_2766 = arith.constant 5.000000e+00 : f32
    %broadcast_in_dim3A_2767 = vector.broadcast %jit3A_2766 : f32 to vector<64x128xf32>
    %select_n3A_2768 = arith.select %lt3A_2764, %broadcast_in_dim3A_2767, %select_n3A_2757 : vector<64x128xi1>, vector<64x128xf32>
    %slice3A_2769 = vector.extract_strided_slice %dot_general3A_2699 {offsets = [0, 768], sizes = [64, 128], strides = [1, 1]} : vector<256x1024xf32> to vector<64x128xf32>
    %sub3A_2770 = vector.broadcast %slice3A_2705 : vector<64x1xf32> to vector<64x128xf32>
    %sub3A_2771 = arith.subf %sub3A_2770, %slice3A_2769 : vector<64x128xf32>
    %slice3A_2772 = vector.extract_strided_slice %get3A_2704 {offsets = [0, 768], sizes = [1, 128], strides = [1, 1]} : vector<1x1024xf32> to vector<1x128xf32>
    %add3A_2773 = vector.broadcast %slice3A_2772 : vector<1x128xf32> to vector<64x128xf32>
    %add3A_2774 = arith.addf %sub3A_2771, %add3A_2773 : vector<64x128xf32>
    %lt3A_2775 = arith.cmpf olt, %add3A_2774, %select_n3A_2765 : vector<64x128xf32>
    %select_n3A_2776 = arith.select %lt3A_2775, %add3A_2774, %select_n3A_2765 : vector<64x128xi1>, vector<64x128xf32>
    %jit3A_2777 = arith.constant 6.000000e+00 : f32
    %broadcast_in_dim3A_2778 = vector.broadcast %jit3A_2777 : f32 to vector<64x128xf32>
    %select_n3A_2779 = arith.select %lt3A_2775, %broadcast_in_dim3A_2778, %select_n3A_2768 : vector<64x128xi1>, vector<64x128xf32>
    %slice3A_2780 = vector.extract_strided_slice %dot_general3A_2699 {offsets = [0, 896], sizes = [64, 128], strides = [1, 1]} : vector<256x1024xf32> to vector<64x128xf32>
    %sub3A_2781 = vector.broadcast %slice3A_2705 : vector<64x1xf32> to vector<64x128xf32>
    %sub3A_2782 = arith.subf %sub3A_2781, %slice3A_2780 : vector<64x128xf32>
    %slice3A_2783 = vector.extract_strided_slice %get3A_2704 {offsets = [0, 896], sizes = [1, 128], strides = [1, 1]} : vector<1x1024xf32> to vector<1x128xf32>
    %add3A_2784 = vector.broadcast %slice3A_2783 : vector<1x128xf32> to vector<64x128xf32>
    %add3A_2785 = arith.addf %sub3A_2782, %add3A_2784 : vector<64x128xf32>
    %lt3A_2786 = arith.cmpf olt, %add3A_2785, %select_n3A_2776 : vector<64x128xf32>
    %select_n3A_2787 = arith.select %lt3A_2786, %add3A_2785, %select_n3A_2776 : vector<64x128xi1>, vector<64x128xf32>
    %jit3A_2788 = arith.constant 7.000000e+00 : f32
    %broadcast_in_dim3A_2789 = vector.broadcast %jit3A_2788 : f32 to vector<64x128xf32>
    %select_n3A_2790 = arith.select %lt3A_2786, %broadcast_in_dim3A_2789, %select_n3A_2779 : vector<64x128xi1>, vector<64x128xf32>
    %reduce_min3A_2791 = arith.constant dense<0x7F800000> : vector<64xf32>
    %reduce_min3A_2792 = vector.multi_reduction <minimumf>, %select_n3A_2787, %reduce_min3A_2791 [1] : vector<64x128xf32> to vector<64xf32>
    %broadcast_in_dim3A_2793 = vector.shape_cast %reduce_min3A_2792 : vector<64xf32> to vector<64x1xf32>
    %eq3A_2794 = vector.broadcast %broadcast_in_dim3A_2793 : vector<64x1xf32> to vector<64x128xf32>
    %eq3A_2795 = arith.cmpf oeq, %select_n3A_2787, %eq3A_2794 : vector<64x128xf32>
    %mul3A_2796 = arith.constant 1.280000e+02 : f32
    %mul3A_2797 = vector.broadcast %mul3A_2796 : f32 to vector<64x128xf32>
    %mul3A_2798 = arith.mulf %select_n3A_2790, %mul3A_2797 : vector<64x128xf32>
    %add3A_2799 = arith.addf %mul3A_2798, %convert_element_type3A : vector<64x128xf32>
    %jit3A_2800 = arith.constant 1.024000e+03 : f32
    %broadcast_in_dim3A_2801 = vector.broadcast %jit3A_2800 : f32 to vector<64x128xf32>
    %select_n3A_2802 = arith.select %eq3A_2795, %add3A_2799, %broadcast_in_dim3A_2801 : vector<64x128xi1>, vector<64x128xf32>
    %reduce_min3A_2803 = arith.constant dense<0x7F800000> : vector<64xf32>
    %reduce_min3A_2804 = vector.multi_reduction <minimumf>, %select_n3A_2802, %reduce_min3A_2803 [1] : vector<64x128xf32> to vector<64xf32>
    %broadcast_in_dim3A_2805 = vector.shape_cast %reduce_min3A_2804 : vector<64xf32> to vector<64x1xf32>
    %convert_element_type3A_2806 = arith.fptosi %broadcast_in_dim3A_2805 : vector<64x1xf32> to vector<64x1xi32>
    %add3A_2807 = arith.constant 6144 : i32
    %add3A_2808 = vector.broadcast %add3A_2807 : i32 to vector<64x1xi32>
    %add3A_2809 = arith.addi %convert_element_type3A_2806, %add3A_2808 : vector<64x1xi32>
    %swap3A_2810 = arith.constant 0 : index
    %swap3A_2811 = arith.constant 6 : index
    %swap3A_2812 = vector.load %arg5[%swap3A_2810, %swap3A_2811] : memref<256x8xi32, #tpu.memory_space<vmem>>, vector<64x1xi32>
    tpu.vector_store %arg5[%swap3A_2810, %swap3A_2811], %add3A_2809 {strides = array<i32>} : memref<256x8xi32, #tpu.memory_space<vmem>>, vector<64x1xi32>,
    %slice3A_2813 = vector.extract_strided_slice %broadcast_in_dim3A_2692 {offsets = [64, 0], sizes = [64, 1], strides = [1, 1]} : vector<256x1xf32> to vector<64x1xf32>
    %slice3A_2814 = vector.extract_strided_slice %dot_general3A_2699 {offsets = [64, 0], sizes = [64, 128], strides = [1, 1]} : vector<256x1024xf32> to vector<64x128xf32>
    %sub3A_2815 = vector.broadcast %slice3A_2813 : vector<64x1xf32> to vector<64x128xf32>
    %sub3A_2816 = arith.subf %sub3A_2815, %slice3A_2814 : vector<64x128xf32>
    %slice3A_2817 = vector.extract_strided_slice %get3A_2704 {offsets = [0, 0], sizes = [1, 128], strides = [1, 1]} : vector<1x1024xf32> to vector<1x128xf32>
    %add3A_2818 = vector.broadcast %slice3A_2817 : vector<1x128xf32> to vector<64x128xf32>
    %add3A_2819 = arith.addf %sub3A_2816, %add3A_2818 : vector<64x128xf32>
    %broadcast_in_dim3A_2820 = arith.constant 0.000000e+00 : f32
    %broadcast_in_dim3A_2821 = vector.broadcast %broadcast_in_dim3A_2820 : f32 to vector<64x128xf32>
    %slice3A_2822 = vector.extract_strided_slice %dot_general3A_2699 {offsets = [64, 128], sizes = [64, 128], strides = [1, 1]} : vector<256x1024xf32> to vector<64x128xf32>
    %sub3A_2823 = vector.broadcast %slice3A_2813 : vector<64x1xf32> to vector<64x128xf32>
    %sub3A_2824 = arith.subf %sub3A_2823, %slice3A_2822 : vector<64x128xf32>
    %slice3A_2825 = vector.extract_strided_slice %get3A_2704 {offsets = [0, 128], sizes = [1, 128], strides = [1, 1]} : vector<1x1024xf32> to vector<1x128xf32>
    %add3A_2826 = vector.broadcast %slice3A_2825 : vector<1x128xf32> to vector<64x128xf32>
    %add3A_2827 = arith.addf %sub3A_2824, %add3A_2826 : vector<64x128xf32>
    %lt3A_2828 = arith.cmpf olt, %add3A_2827, %add3A_2819 : vector<64x128xf32>
    %select_n3A_2829 = arith.select %lt3A_2828, %add3A_2827, %add3A_2819 : vector<64x128xi1>, vector<64x128xf32>
    %jit3A_2830 = arith.constant 1.000000e+00 : f32
    %broadcast_in_dim3A_2831 = vector.broadcast %jit3A_2830 : f32 to vector<64x128xf32>
    %select_n3A_2832 = arith.select %lt3A_2828, %broadcast_in_dim3A_2831, %broadcast_in_dim3A_2821 : vector<64x128xi1>, vector<64x128xf32>
    %slice3A_2833 = vector.extract_strided_slice %dot_general3A_2699 {offsets = [64, 256], sizes = [64, 128], strides = [1, 1]} : vector<256x1024xf32> to vector<64x128xf32>
    %sub3A_2834 = vector.broadcast %slice3A_2813 : vector<64x1xf32> to vector<64x128xf32>
    %sub3A_2835 = arith.subf %sub3A_2834, %slice3A_2833 : vector<64x128xf32>
    %slice3A_2836 = vector.extract_strided_slice %get3A_2704 {offsets = [0, 256], sizes = [1, 128], strides = [1, 1]} : vector<1x1024xf32> to vector<1x128xf32>
    %add3A_2837 = vector.broadcast %slice3A_2836 : vector<1x128xf32> to vector<64x128xf32>
    %add3A_2838 = arith.addf %sub3A_2835, %add3A_2837 : vector<64x128xf32>
    %lt3A_2839 = arith.cmpf olt, %add3A_2838, %select_n3A_2829 : vector<64x128xf32>
    %select_n3A_2840 = arith.select %lt3A_2839, %add3A_2838, %select_n3A_2829 : vector<64x128xi1>, vector<64x128xf32>
    %jit3A_2841 = arith.constant 2.000000e+00 : f32
    %broadcast_in_dim3A_2842 = vector.broadcast %jit3A_2841 : f32 to vector<64x128xf32>
    %select_n3A_2843 = arith.select %lt3A_2839, %broadcast_in_dim3A_2842, %select_n3A_2832 : vector<64x128xi1>, vector<64x128xf32>
    %slice3A_2844 = vector.extract_strided_slice %dot_general3A_2699 {offsets = [64, 384], sizes = [64, 128], strides = [1, 1]} : vector<256x1024xf32> to vector<64x128xf32>
    %sub3A_2845 = vector.broadcast %slice3A_2813 : vector<64x1xf32> to vector<64x128xf32>
    %sub3A_2846 = arith.subf %sub3A_2845, %slice3A_2844 : vector<64x128xf32>
    %slice3A_2847 = vector.extract_strided_slice %get3A_2704 {offsets = [0, 384], sizes = [1, 128], strides = [1, 1]} : vector<1x1024xf32> to vector<1x128xf32>
    %add3A_2848 = vector.broadcast %slice3A_2847 : vector<1x128xf32> to vector<64x128xf32>
    %add3A_2849 = arith.addf %sub3A_2846, %add3A_2848 : vector<64x128xf32>
    %lt3A_2850 = arith.cmpf olt, %add3A_2849, %select_n3A_2840 : vector<64x128xf32>
    %select_n3A_2851 = arith.select %lt3A_2850, %add3A_2849, %select_n3A_2840 : vector<64x128xi1>, vector<64x128xf32>
    %jit3A_2852 = arith.constant 3.000000e+00 : f32
    %broadcast_in_dim3A_2853 = vector.broadcast %jit3A_2852 : f32 to vector<64x128xf32>
    %select_n3A_2854 = arith.select %lt3A_2850, %broadcast_in_dim3A_2853, %select_n3A_2843 : vector<64x128xi1>, vector<64x128xf32>
    %slice3A_2855 = vector.extract_strided_slice %dot_general3A_2699 {offsets = [64, 512], sizes = [64, 128], strides = [1, 1]} : vector<256x1024xf32> to vector<64x128xf32>
    %sub3A_2856 = vector.broadcast %slice3A_2813 : vector<64x1xf32> to vector<64x128xf32>
    %sub3A_2857 = arith.subf %sub3A_2856, %slice3A_2855 : vector<64x128xf32>
    %slice3A_2858 = vector.extract_strided_slice %get3A_2704 {offsets = [0, 512], sizes = [1, 128], strides = [1, 1]} : vector<1x1024xf32> to vector<1x128xf32>
    %add3A_2859 = vector.broadcast %slice3A_2858 : vector<1x128xf32> to vector<64x128xf32>
    %add3A_2860 = arith.addf %sub3A_2857, %add3A_2859 : vector<64x128xf32>
    %lt3A_2861 = arith.cmpf olt, %add3A_2860, %select_n3A_2851 : vector<64x128xf32>
    %select_n3A_2862 = arith.select %lt3A_2861, %add3A_2860, %select_n3A_2851 : vector<64x128xi1>, vector<64x128xf32>
    %jit3A_2863 = arith.constant 4.000000e+00 : f32
    %broadcast_in_dim3A_2864 = vector.broadcast %jit3A_2863 : f32 to vector<64x128xf32>
    %select_n3A_2865 = arith.select %lt3A_2861, %broadcast_in_dim3A_2864, %select_n3A_2854 : vector<64x128xi1>, vector<64x128xf32>
    %slice3A_2866 = vector.extract_strided_slice %dot_general3A_2699 {offsets = [64, 640], sizes = [64, 128], strides = [1, 1]} : vector<256x1024xf32> to vector<64x128xf32>
    %sub3A_2867 = vector.broadcast %slice3A_2813 : vector<64x1xf32> to vector<64x128xf32>
    %sub3A_2868 = arith.subf %sub3A_2867, %slice3A_2866 : vector<64x128xf32>
    %slice3A_2869 = vector.extract_strided_slice %get3A_2704 {offsets = [0, 640], sizes = [1, 128], strides = [1, 1]} : vector<1x1024xf32> to vector<1x128xf32>
    %add3A_2870 = vector.broadcast %slice3A_2869 : vector<1x128xf32> to vector<64x128xf32>
    %add3A_2871 = arith.addf %sub3A_2868, %add3A_2870 : vector<64x128xf32>
    %lt3A_2872 = arith.cmpf olt, %add3A_2871, %select_n3A_2862 : vector<64x128xf32>
    %select_n3A_2873 = arith.select %lt3A_2872, %add3A_2871, %select_n3A_2862 : vector<64x128xi1>, vector<64x128xf32>
    %jit3A_2874 = arith.constant 5.000000e+00 : f32
    %broadcast_in_dim3A_2875 = vector.broadcast %jit3A_2874 : f32 to vector<64x128xf32>
    %select_n3A_2876 = arith.select %lt3A_2872, %broadcast_in_dim3A_2875, %select_n3A_2865 : vector<64x128xi1>, vector<64x128xf32>
    %slice3A_2877 = vector.extract_strided_slice %dot_general3A_2699 {offsets = [64, 768], sizes = [64, 128], strides = [1, 1]} : vector<256x1024xf32> to vector<64x128xf32>
    %sub3A_2878 = vector.broadcast %slice3A_2813 : vector<64x1xf32> to vector<64x128xf32>
    %sub3A_2879 = arith.subf %sub3A_2878, %slice3A_2877 : vector<64x128xf32>
    %slice3A_2880 = vector.extract_strided_slice %get3A_2704 {offsets = [0, 768], sizes = [1, 128], strides = [1, 1]} : vector<1x1024xf32> to vector<1x128xf32>
    %add3A_2881 = vector.broadcast %slice3A_2880 : vector<1x128xf32> to vector<64x128xf32>
    %add3A_2882 = arith.addf %sub3A_2879, %add3A_2881 : vector<64x128xf32>
    %lt3A_2883 = arith.cmpf olt, %add3A_2882, %select_n3A_2873 : vector<64x128xf32>
    %select_n3A_2884 = arith.select %lt3A_2883, %add3A_2882, %select_n3A_2873 : vector<64x128xi1>, vector<64x128xf32>
    %jit3A_2885 = arith.constant 6.000000e+00 : f32
    %broadcast_in_dim3A_2886 = vector.broadcast %jit3A_2885 : f32 to vector<64x128xf32>
    %select_n3A_2887 = arith.select %lt3A_2883, %broadcast_in_dim3A_2886, %select_n3A_2876 : vector<64x128xi1>, vector<64x128xf32>
    %slice3A_2888 = vector.extract_strided_slice %dot_general3A_2699 {offsets = [64, 896], sizes = [64, 128], strides = [1, 1]} : vector<256x1024xf32> to vector<64x128xf32>
    %sub3A_2889 = vector.broadcast %slice3A_2813 : vector<64x1xf32> to vector<64x128xf32>
    %sub3A_2890 = arith.subf %sub3A_2889, %slice3A_2888 : vector<64x128xf32>
    %slice3A_2891 = vector.extract_strided_slice %get3A_2704 {offsets = [0, 896], sizes = [1, 128], strides = [1, 1]} : vector<1x1024xf32> to vector<1x128xf32>
    %add3A_2892 = vector.broadcast %slice3A_2891 : vector<1x128xf32> to vector<64x128xf32>
    %add3A_2893 = arith.addf %sub3A_2890, %add3A_2892 : vector<64x128xf32>
    %lt3A_2894 = arith.cmpf olt, %add3A_2893, %select_n3A_2884 : vector<64x128xf32>
    %select_n3A_2895 = arith.select %lt3A_2894, %add3A_2893, %select_n3A_2884 : vector<64x128xi1>, vector<64x128xf32>
    %jit3A_2896 = arith.constant 7.000000e+00 : f32
    %broadcast_in_dim3A_2897 = vector.broadcast %jit3A_2896 : f32 to vector<64x128xf32>
    %select_n3A_2898 = arith.select %lt3A_2894, %broadcast_in_dim3A_2897, %select_n3A_2887 : vector<64x128xi1>, vector<64x128xf32>
    %reduce_min3A_2899 = arith.constant dense<0x7F800000> : vector<64xf32>
    %reduce_min3A_2900 = vector.multi_reduction <minimumf>, %select_n3A_2895, %reduce_min3A_2899 [1] : vector<64x128xf32> to vector<64xf32>
    %broadcast_in_dim3A_2901 = vector.shape_cast %reduce_min3A_2900 : vector<64xf32> to vector<64x1xf32>
    %eq3A_2902 = vector.broadcast %broadcast_in_dim3A_2901 : vector<64x1xf32> to vector<64x128xf32>
    %eq3A_2903 = arith.cmpf oeq, %select_n3A_2895, %eq3A_2902 : vector<64x128xf32>
    %mul3A_2904 = arith.constant 1.280000e+02 : f32
    %mul3A_2905 = vector.broadcast %mul3A_2904 : f32 to vector<64x128xf32>
    %mul3A_2906 = arith.mulf %select_n3A_2898, %mul3A_2905 : vector<64x128xf32>
    %add3A_2907 = arith.addf %mul3A_2906, %convert_element_type3A : vector<64x128xf32>
    %jit3A_2908 = arith.constant 1.024000e+03 : f32
    %broadcast_in_dim3A_2909 = vector.broadcast %jit3A_2908 : f32 to vector<64x128xf32>
    %select_n3A_2910 = arith.select %eq3A_2903, %add3A_2907, %broadcast_in_dim3A_2909 : vector<64x128xi1>, vector<64x128xf32>
    %reduce_min3A_2911 = arith.constant dense<0x7F800000> : vector<64xf32>
    %reduce_min3A_2912 = vector.multi_reduction <minimumf>, %select_n3A_2910, %reduce_min3A_2911 [1] : vector<64x128xf32> to vector<64xf32>
    %broadcast_in_dim3A_2913 = vector.shape_cast %reduce_min3A_2912 : vector<64xf32> to vector<64x1xf32>
    %convert_element_type3A_2914 = arith.fptosi %broadcast_in_dim3A_2913 : vector<64x1xf32> to vector<64x1xi32>
    %add3A_2915 = arith.constant 6144 : i32
    %add3A_2916 = vector.broadcast %add3A_2915 : i32 to vector<64x1xi32>
    %add3A_2917 = arith.addi %convert_element_type3A_2914, %add3A_2916 : vector<64x1xi32>
    %swap3A_2918 = arith.constant 64 : index
    %swap3A_2919 = arith.constant 6 : index
    %swap3A_2920 = vector.load %arg5[%swap3A_2918, %swap3A_2919] : memref<256x8xi32, #tpu.memory_space<vmem>>, vector<64x1xi32>
    tpu.vector_store %arg5[%swap3A_2918, %swap3A_2919], %add3A_2917 {strides = array<i32>} : memref<256x8xi32, #tpu.memory_space<vmem>>, vector<64x1xi32>,
    %slice3A_2921 = vector.extract_strided_slice %broadcast_in_dim3A_2692 {offsets = [128, 0], sizes = [64, 1], strides = [1, 1]} : vector<256x1xf32> to vector<64x1xf32>
    %slice3A_2922 = vector.extract_strided_slice %dot_general3A_2699 {offsets = [128, 0], sizes = [64, 128], strides = [1, 1]} : vector<256x1024xf32> to vector<64x128xf32>
    %sub3A_2923 = vector.broadcast %slice3A_2921 : vector<64x1xf32> to vector<64x128xf32>
    %sub3A_2924 = arith.subf %sub3A_2923, %slice3A_2922 : vector<64x128xf32>
    %slice3A_2925 = vector.extract_strided_slice %get3A_2704 {offsets = [0, 0], sizes = [1, 128], strides = [1, 1]} : vector<1x1024xf32> to vector<1x128xf32>
    %add3A_2926 = vector.broadcast %slice3A_2925 : vector<1x128xf32> to vector<64x128xf32>
    %add3A_2927 = arith.addf %sub3A_2924, %add3A_2926 : vector<64x128xf32>
    %broadcast_in_dim3A_2928 = arith.constant 0.000000e+00 : f32
    %broadcast_in_dim3A_2929 = vector.broadcast %broadcast_in_dim3A_2928 : f32 to vector<64x128xf32>
    %slice3A_2930 = vector.extract_strided_slice %dot_general3A_2699 {offsets = [128, 128], sizes = [64, 128], strides = [1, 1]} : vector<256x1024xf32> to vector<64x128xf32>
    %sub3A_2931 = vector.broadcast %slice3A_2921 : vector<64x1xf32> to vector<64x128xf32>
    %sub3A_2932 = arith.subf %sub3A_2931, %slice3A_2930 : vector<64x128xf32>
    %slice3A_2933 = vector.extract_strided_slice %get3A_2704 {offsets = [0, 128], sizes = [1, 128], strides = [1, 1]} : vector<1x1024xf32> to vector<1x128xf32>
    %add3A_2934 = vector.broadcast %slice3A_2933 : vector<1x128xf32> to vector<64x128xf32>
    %add3A_2935 = arith.addf %sub3A_2932, %add3A_2934 : vector<64x128xf32>
    %lt3A_2936 = arith.cmpf olt, %add3A_2935, %add3A_2927 : vector<64x128xf32>
    %select_n3A_2937 = arith.select %lt3A_2936, %add3A_2935, %add3A_2927 : vector<64x128xi1>, vector<64x128xf32>
    %jit3A_2938 = arith.constant 1.000000e+00 : f32
    %broadcast_in_dim3A_2939 = vector.broadcast %jit3A_2938 : f32 to vector<64x128xf32>
    %select_n3A_2940 = arith.select %lt3A_2936, %broadcast_in_dim3A_2939, %broadcast_in_dim3A_2929 : vector<64x128xi1>, vector<64x128xf32>
    %slice3A_2941 = vector.extract_strided_slice %dot_general3A_2699 {offsets = [128, 256], sizes = [64, 128], strides = [1, 1]} : vector<256x1024xf32> to vector<64x128xf32>
    %sub3A_2942 = vector.broadcast %slice3A_2921 : vector<64x1xf32> to vector<64x128xf32>
    %sub3A_2943 = arith.subf %sub3A_2942, %slice3A_2941 : vector<64x128xf32>
    %slice3A_2944 = vector.extract_strided_slice %get3A_2704 {offsets = [0, 256], sizes = [1, 128], strides = [1, 1]} : vector<1x1024xf32> to vector<1x128xf32>
    %add3A_2945 = vector.broadcast %slice3A_2944 : vector<1x128xf32> to vector<64x128xf32>
    %add3A_2946 = arith.addf %sub3A_2943, %add3A_2945 : vector<64x128xf32>
    %lt3A_2947 = arith.cmpf olt, %add3A_2946, %select_n3A_2937 : vector<64x128xf32>
    %select_n3A_2948 = arith.select %lt3A_2947, %add3A_2946, %select_n3A_2937 : vector<64x128xi1>, vector<64x128xf32>
    %jit3A_2949 = arith.constant 2.000000e+00 : f32
    %broadcast_in_dim3A_2950 = vector.broadcast %jit3A_2949 : f32 to vector<64x128xf32>
    %select_n3A_2951 = arith.select %lt3A_2947, %broadcast_in_dim3A_2950, %select_n3A_2940 : vector<64x128xi1>, vector<64x128xf32>
    %slice3A_2952 = vector.extract_strided_slice %dot_general3A_2699 {offsets = [128, 384], sizes = [64, 128], strides = [1, 1]} : vector<256x1024xf32> to vector<64x128xf32>
    %sub3A_2953 = vector.broadcast %slice3A_2921 : vector<64x1xf32> to vector<64x128xf32>
    %sub3A_2954 = arith.subf %sub3A_2953, %slice3A_2952 : vector<64x128xf32>
    %slice3A_2955 = vector.extract_strided_slice %get3A_2704 {offsets = [0, 384], sizes = [1, 128], strides = [1, 1]} : vector<1x1024xf32> to vector<1x128xf32>
    %add3A_2956 = vector.broadcast %slice3A_2955 : vector<1x128xf32> to vector<64x128xf32>
    %add3A_2957 = arith.addf %sub3A_2954, %add3A_2956 : vector<64x128xf32>
    %lt3A_2958 = arith.cmpf olt, %add3A_2957, %select_n3A_2948 : vector<64x128xf32>
    %select_n3A_2959 = arith.select %lt3A_2958, %add3A_2957, %select_n3A_2948 : vector<64x128xi1>, vector<64x128xf32>
    %jit3A_2960 = arith.constant 3.000000e+00 : f32
    %broadcast_in_dim3A_2961 = vector.broadcast %jit3A_2960 : f32 to vector<64x128xf32>
    %select_n3A_2962 = arith.select %lt3A_2958, %broadcast_in_dim3A_2961, %select_n3A_2951 : vector<64x128xi1>, vector<64x128xf32>
    %slice3A_2963 = vector.extract_strided_slice %dot_general3A_2699 {offsets = [128, 512], sizes = [64, 128], strides = [1, 1]} : vector<256x1024xf32> to vector<64x128xf32>
    %sub3A_2964 = vector.broadcast %slice3A_2921 : vector<64x1xf32> to vector<64x128xf32>
    %sub3A_2965 = arith.subf %sub3A_2964, %slice3A_2963 : vector<64x128xf32>
    %slice3A_2966 = vector.extract_strided_slice %get3A_2704 {offsets = [0, 512], sizes = [1, 128], strides = [1, 1]} : vector<1x1024xf32> to vector<1x128xf32>
    %add3A_2967 = vector.broadcast %slice3A_2966 : vector<1x128xf32> to vector<64x128xf32>
    %add3A_2968 = arith.addf %sub3A_2965, %add3A_2967 : vector<64x128xf32>
    %lt3A_2969 = arith.cmpf olt, %add3A_2968, %select_n3A_2959 : vector<64x128xf32>
    %select_n3A_2970 = arith.select %lt3A_2969, %add3A_2968, %select_n3A_2959 : vector<64x128xi1>, vector<64x128xf32>
    %jit3A_2971 = arith.constant 4.000000e+00 : f32
    %broadcast_in_dim3A_2972 = vector.broadcast %jit3A_2971 : f32 to vector<64x128xf32>
    %select_n3A_2973 = arith.select %lt3A_2969, %broadcast_in_dim3A_2972, %select_n3A_2962 : vector<64x128xi1>, vector<64x128xf32>
    %slice3A_2974 = vector.extract_strided_slice %dot_general3A_2699 {offsets = [128, 640], sizes = [64, 128], strides = [1, 1]} : vector<256x1024xf32> to vector<64x128xf32>
    %sub3A_2975 = vector.broadcast %slice3A_2921 : vector<64x1xf32> to vector<64x128xf32>
    %sub3A_2976 = arith.subf %sub3A_2975, %slice3A_2974 : vector<64x128xf32>
    %slice3A_2977 = vector.extract_strided_slice %get3A_2704 {offsets = [0, 640], sizes = [1, 128], strides = [1, 1]} : vector<1x1024xf32> to vector<1x128xf32>
    %add3A_2978 = vector.broadcast %slice3A_2977 : vector<1x128xf32> to vector<64x128xf32>
    %add3A_2979 = arith.addf %sub3A_2976, %add3A_2978 : vector<64x128xf32>
    %lt3A_2980 = arith.cmpf olt, %add3A_2979, %select_n3A_2970 : vector<64x128xf32>
    %select_n3A_2981 = arith.select %lt3A_2980, %add3A_2979, %select_n3A_2970 : vector<64x128xi1>, vector<64x128xf32>
    %jit3A_2982 = arith.constant 5.000000e+00 : f32
    %broadcast_in_dim3A_2983 = vector.broadcast %jit3A_2982 : f32 to vector<64x128xf32>
    %select_n3A_2984 = arith.select %lt3A_2980, %broadcast_in_dim3A_2983, %select_n3A_2973 : vector<64x128xi1>, vector<64x128xf32>
    %slice3A_2985 = vector.extract_strided_slice %dot_general3A_2699 {offsets = [128, 768], sizes = [64, 128], strides = [1, 1]} : vector<256x1024xf32> to vector<64x128xf32>
    %sub3A_2986 = vector.broadcast %slice3A_2921 : vector<64x1xf32> to vector<64x128xf32>
    %sub3A_2987 = arith.subf %sub3A_2986, %slice3A_2985 : vector<64x128xf32>
    %slice3A_2988 = vector.extract_strided_slice %get3A_2704 {offsets = [0, 768], sizes = [1, 128], strides = [1, 1]} : vector<1x1024xf32> to vector<1x128xf32>
    %add3A_2989 = vector.broadcast %slice3A_2988 : vector<1x128xf32> to vector<64x128xf32>
    %add3A_2990 = arith.addf %sub3A_2987, %add3A_2989 : vector<64x128xf32>
    %lt3A_2991 = arith.cmpf olt, %add3A_2990, %select_n3A_2981 : vector<64x128xf32>
    %select_n3A_2992 = arith.select %lt3A_2991, %add3A_2990, %select_n3A_2981 : vector<64x128xi1>, vector<64x128xf32>
    %jit3A_2993 = arith.constant 6.000000e+00 : f32
    %broadcast_in_dim3A_2994 = vector.broadcast %jit3A_2993 : f32 to vector<64x128xf32>
    %select_n3A_2995 = arith.select %lt3A_2991, %broadcast_in_dim3A_2994, %select_n3A_2984 : vector<64x128xi1>, vector<64x128xf32>
    %slice3A_2996 = vector.extract_strided_slice %dot_general3A_2699 {offsets = [128, 896], sizes = [64, 128], strides = [1, 1]} : vector<256x1024xf32> to vector<64x128xf32>
    %sub3A_2997 = vector.broadcast %slice3A_2921 : vector<64x1xf32> to vector<64x128xf32>
    %sub3A_2998 = arith.subf %sub3A_2997, %slice3A_2996 : vector<64x128xf32>
    %slice3A_2999 = vector.extract_strided_slice %get3A_2704 {offsets = [0, 896], sizes = [1, 128], strides = [1, 1]} : vector<1x1024xf32> to vector<1x128xf32>
    %add3A_3000 = vector.broadcast %slice3A_2999 : vector<1x128xf32> to vector<64x128xf32>
    %add3A_3001 = arith.addf %sub3A_2998, %add3A_3000 : vector<64x128xf32>
    %lt3A_3002 = arith.cmpf olt, %add3A_3001, %select_n3A_2992 : vector<64x128xf32>
    %select_n3A_3003 = arith.select %lt3A_3002, %add3A_3001, %select_n3A_2992 : vector<64x128xi1>, vector<64x128xf32>
    %jit3A_3004 = arith.constant 7.000000e+00 : f32
    %broadcast_in_dim3A_3005 = vector.broadcast %jit3A_3004 : f32 to vector<64x128xf32>
    %select_n3A_3006 = arith.select %lt3A_3002, %broadcast_in_dim3A_3005, %select_n3A_2995 : vector<64x128xi1>, vector<64x128xf32>
    %reduce_min3A_3007 = arith.constant dense<0x7F800000> : vector<64xf32>
    %reduce_min3A_3008 = vector.multi_reduction <minimumf>, %select_n3A_3003, %reduce_min3A_3007 [1] : vector<64x128xf32> to vector<64xf32>
    %broadcast_in_dim3A_3009 = vector.shape_cast %reduce_min3A_3008 : vector<64xf32> to vector<64x1xf32>
    %eq3A_3010 = vector.broadcast %broadcast_in_dim3A_3009 : vector<64x1xf32> to vector<64x128xf32>
    %eq3A_3011 = arith.cmpf oeq, %select_n3A_3003, %eq3A_3010 : vector<64x128xf32>
    %mul3A_3012 = arith.constant 1.280000e+02 : f32
    %mul3A_3013 = vector.broadcast %mul3A_3012 : f32 to vector<64x128xf32>
    %mul3A_3014 = arith.mulf %select_n3A_3006, %mul3A_3013 : vector<64x128xf32>
    %add3A_3015 = arith.addf %mul3A_3014, %convert_element_type3A : vector<64x128xf32>
    %jit3A_3016 = arith.constant 1.024000e+03 : f32
    %broadcast_in_dim3A_3017 = vector.broadcast %jit3A_3016 : f32 to vector<64x128xf32>
    %select_n3A_3018 = arith.select %eq3A_3011, %add3A_3015, %broadcast_in_dim3A_3017 : vector<64x128xi1>, vector<64x128xf32>
    %reduce_min3A_3019 = arith.constant dense<0x7F800000> : vector<64xf32>
    %reduce_min3A_3020 = vector.multi_reduction <minimumf>, %select_n3A_3018, %reduce_min3A_3019 [1] : vector<64x128xf32> to vector<64xf32>
    %broadcast_in_dim3A_3021 = vector.shape_cast %reduce_min3A_3020 : vector<64xf32> to vector<64x1xf32>
    %convert_element_type3A_3022 = arith.fptosi %broadcast_in_dim3A_3021 : vector<64x1xf32> to vector<64x1xi32>
    %add3A_3023 = arith.constant 6144 : i32
    %add3A_3024 = vector.broadcast %add3A_3023 : i32 to vector<64x1xi32>
    %add3A_3025 = arith.addi %convert_element_type3A_3022, %add3A_3024 : vector<64x1xi32>
    %swap3A_3026 = arith.constant 128 : index
    %swap3A_3027 = arith.constant 6 : index
    %swap3A_3028 = vector.load %arg5[%swap3A_3026, %swap3A_3027] : memref<256x8xi32, #tpu.memory_space<vmem>>, vector<64x1xi32>
    tpu.vector_store %arg5[%swap3A_3026, %swap3A_3027], %add3A_3025 {strides = array<i32>} : memref<256x8xi32, #tpu.memory_space<vmem>>, vector<64x1xi32>,
    %slice3A_3029 = vector.extract_strided_slice %broadcast_in_dim3A_2692 {offsets = [192, 0], sizes = [64, 1], strides = [1, 1]} : vector<256x1xf32> to vector<64x1xf32>
    %slice3A_3030 = vector.extract_strided_slice %dot_general3A_2699 {offsets = [192, 0], sizes = [64, 128], strides = [1, 1]} : vector<256x1024xf32> to vector<64x128xf32>
    %sub3A_3031 = vector.broadcast %slice3A_3029 : vector<64x1xf32> to vector<64x128xf32>
    %sub3A_3032 = arith.subf %sub3A_3031, %slice3A_3030 : vector<64x128xf32>
    %slice3A_3033 = vector.extract_strided_slice %get3A_2704 {offsets = [0, 0], sizes = [1, 128], strides = [1, 1]} : vector<1x1024xf32> to vector<1x128xf32>
    %add3A_3034 = vector.broadcast %slice3A_3033 : vector<1x128xf32> to vector<64x128xf32>
    %add3A_3035 = arith.addf %sub3A_3032, %add3A_3034 : vector<64x128xf32>
    %broadcast_in_dim3A_3036 = arith.constant 0.000000e+00 : f32
    %broadcast_in_dim3A_3037 = vector.broadcast %broadcast_in_dim3A_3036 : f32 to vector<64x128xf32>
    %slice3A_3038 = vector.extract_strided_slice %dot_general3A_2699 {offsets = [192, 128], sizes = [64, 128], strides = [1, 1]} : vector<256x1024xf32> to vector<64x128xf32>
    %sub3A_3039 = vector.broadcast %slice3A_3029 : vector<64x1xf32> to vector<64x128xf32>
    %sub3A_3040 = arith.subf %sub3A_3039, %slice3A_3038 : vector<64x128xf32>
    %slice3A_3041 = vector.extract_strided_slice %get3A_2704 {offsets = [0, 128], sizes = [1, 128], strides = [1, 1]} : vector<1x1024xf32> to vector<1x128xf32>
    %add3A_3042 = vector.broadcast %slice3A_3041 : vector<1x128xf32> to vector<64x128xf32>
    %add3A_3043 = arith.addf %sub3A_3040, %add3A_3042 : vector<64x128xf32>
    %lt3A_3044 = arith.cmpf olt, %add3A_3043, %add3A_3035 : vector<64x128xf32>
    %select_n3A_3045 = arith.select %lt3A_3044, %add3A_3043, %add3A_3035 : vector<64x128xi1>, vector<64x128xf32>
    %jit3A_3046 = arith.constant 1.000000e+00 : f32
    %broadcast_in_dim3A_3047 = vector.broadcast %jit3A_3046 : f32 to vector<64x128xf32>
    %select_n3A_3048 = arith.select %lt3A_3044, %broadcast_in_dim3A_3047, %broadcast_in_dim3A_3037 : vector<64x128xi1>, vector<64x128xf32>
    %slice3A_3049 = vector.extract_strided_slice %dot_general3A_2699 {offsets = [192, 256], sizes = [64, 128], strides = [1, 1]} : vector<256x1024xf32> to vector<64x128xf32>
    %sub3A_3050 = vector.broadcast %slice3A_3029 : vector<64x1xf32> to vector<64x128xf32>
    %sub3A_3051 = arith.subf %sub3A_3050, %slice3A_3049 : vector<64x128xf32>
    %slice3A_3052 = vector.extract_strided_slice %get3A_2704 {offsets = [0, 256], sizes = [1, 128], strides = [1, 1]} : vector<1x1024xf32> to vector<1x128xf32>
    %add3A_3053 = vector.broadcast %slice3A_3052 : vector<1x128xf32> to vector<64x128xf32>
    %add3A_3054 = arith.addf %sub3A_3051, %add3A_3053 : vector<64x128xf32>
    %lt3A_3055 = arith.cmpf olt, %add3A_3054, %select_n3A_3045 : vector<64x128xf32>
    %select_n3A_3056 = arith.select %lt3A_3055, %add3A_3054, %select_n3A_3045 : vector<64x128xi1>, vector<64x128xf32>
    %jit3A_3057 = arith.constant 2.000000e+00 : f32
    %broadcast_in_dim3A_3058 = vector.broadcast %jit3A_3057 : f32 to vector<64x128xf32>
    %select_n3A_3059 = arith.select %lt3A_3055, %broadcast_in_dim3A_3058, %select_n3A_3048 : vector<64x128xi1>, vector<64x128xf32>
    %slice3A_3060 = vector.extract_strided_slice %dot_general3A_2699 {offsets = [192, 384], sizes = [64, 128], strides = [1, 1]} : vector<256x1024xf32> to vector<64x128xf32>
    %sub3A_3061 = vector.broadcast %slice3A_3029 : vector<64x1xf32> to vector<64x128xf32>
    %sub3A_3062 = arith.subf %sub3A_3061, %slice3A_3060 : vector<64x128xf32>
    %slice3A_3063 = vector.extract_strided_slice %get3A_2704 {offsets = [0, 384], sizes = [1, 128], strides = [1, 1]} : vector<1x1024xf32> to vector<1x128xf32>
    %add3A_3064 = vector.broadcast %slice3A_3063 : vector<1x128xf32> to vector<64x128xf32>
    %add3A_3065 = arith.addf %sub3A_3062, %add3A_3064 : vector<64x128xf32>
    %lt3A_3066 = arith.cmpf olt, %add3A_3065, %select_n3A_3056 : vector<64x128xf32>
    %select_n3A_3067 = arith.select %lt3A_3066, %add3A_3065, %select_n3A_3056 : vector<64x128xi1>, vector<64x128xf32>
    %jit3A_3068 = arith.constant 3.000000e+00 : f32
    %broadcast_in_dim3A_3069 = vector.broadcast %jit3A_3068 : f32 to vector<64x128xf32>
    %select_n3A_3070 = arith.select %lt3A_3066, %broadcast_in_dim3A_3069, %select_n3A_3059 : vector<64x128xi1>, vector<64x128xf32>
    %slice3A_3071 = vector.extract_strided_slice %dot_general3A_2699 {offsets = [192, 512], sizes = [64, 128], strides = [1, 1]} : vector<256x1024xf32> to vector<64x128xf32>
    %sub3A_3072 = vector.broadcast %slice3A_3029 : vector<64x1xf32> to vector<64x128xf32>
    %sub3A_3073 = arith.subf %sub3A_3072, %slice3A_3071 : vector<64x128xf32>
    %slice3A_3074 = vector.extract_strided_slice %get3A_2704 {offsets = [0, 512], sizes = [1, 128], strides = [1, 1]} : vector<1x1024xf32> to vector<1x128xf32>
    %add3A_3075 = vector.broadcast %slice3A_3074 : vector<1x128xf32> to vector<64x128xf32>
    %add3A_3076 = arith.addf %sub3A_3073, %add3A_3075 : vector<64x128xf32>
    %lt3A_3077 = arith.cmpf olt, %add3A_3076, %select_n3A_3067 : vector<64x128xf32>
    %select_n3A_3078 = arith.select %lt3A_3077, %add3A_3076, %select_n3A_3067 : vector<64x128xi1>, vector<64x128xf32>
    %jit3A_3079 = arith.constant 4.000000e+00 : f32
    %broadcast_in_dim3A_3080 = vector.broadcast %jit3A_3079 : f32 to vector<64x128xf32>
    %select_n3A_3081 = arith.select %lt3A_3077, %broadcast_in_dim3A_3080, %select_n3A_3070 : vector<64x128xi1>, vector<64x128xf32>
    %slice3A_3082 = vector.extract_strided_slice %dot_general3A_2699 {offsets = [192, 640], sizes = [64, 128], strides = [1, 1]} : vector<256x1024xf32> to vector<64x128xf32>
    %sub3A_3083 = vector.broadcast %slice3A_3029 : vector<64x1xf32> to vector<64x128xf32>
    %sub3A_3084 = arith.subf %sub3A_3083, %slice3A_3082 : vector<64x128xf32>
    %slice3A_3085 = vector.extract_strided_slice %get3A_2704 {offsets = [0, 640], sizes = [1, 128], strides = [1, 1]} : vector<1x1024xf32> to vector<1x128xf32>
    %add3A_3086 = vector.broadcast %slice3A_3085 : vector<1x128xf32> to vector<64x128xf32>
    %add3A_3087 = arith.addf %sub3A_3084, %add3A_3086 : vector<64x128xf32>
    %lt3A_3088 = arith.cmpf olt, %add3A_3087, %select_n3A_3078 : vector<64x128xf32>
    %select_n3A_3089 = arith.select %lt3A_3088, %add3A_3087, %select_n3A_3078 : vector<64x128xi1>, vector<64x128xf32>
    %jit3A_3090 = arith.constant 5.000000e+00 : f32
    %broadcast_in_dim3A_3091 = vector.broadcast %jit3A_3090 : f32 to vector<64x128xf32>
    %select_n3A_3092 = arith.select %lt3A_3088, %broadcast_in_dim3A_3091, %select_n3A_3081 : vector<64x128xi1>, vector<64x128xf32>
    %slice3A_3093 = vector.extract_strided_slice %dot_general3A_2699 {offsets = [192, 768], sizes = [64, 128], strides = [1, 1]} : vector<256x1024xf32> to vector<64x128xf32>
    %sub3A_3094 = vector.broadcast %slice3A_3029 : vector<64x1xf32> to vector<64x128xf32>
    %sub3A_3095 = arith.subf %sub3A_3094, %slice3A_3093 : vector<64x128xf32>
    %slice3A_3096 = vector.extract_strided_slice %get3A_2704 {offsets = [0, 768], sizes = [1, 128], strides = [1, 1]} : vector<1x1024xf32> to vector<1x128xf32>
    %add3A_3097 = vector.broadcast %slice3A_3096 : vector<1x128xf32> to vector<64x128xf32>
    %add3A_3098 = arith.addf %sub3A_3095, %add3A_3097 : vector<64x128xf32>
    %lt3A_3099 = arith.cmpf olt, %add3A_3098, %select_n3A_3089 : vector<64x128xf32>
    %select_n3A_3100 = arith.select %lt3A_3099, %add3A_3098, %select_n3A_3089 : vector<64x128xi1>, vector<64x128xf32>
    %jit3A_3101 = arith.constant 6.000000e+00 : f32
    %broadcast_in_dim3A_3102 = vector.broadcast %jit3A_3101 : f32 to vector<64x128xf32>
    %select_n3A_3103 = arith.select %lt3A_3099, %broadcast_in_dim3A_3102, %select_n3A_3092 : vector<64x128xi1>, vector<64x128xf32>
    %slice3A_3104 = vector.extract_strided_slice %dot_general3A_2699 {offsets = [192, 896], sizes = [64, 128], strides = [1, 1]} : vector<256x1024xf32> to vector<64x128xf32>
    %sub3A_3105 = vector.broadcast %slice3A_3029 : vector<64x1xf32> to vector<64x128xf32>
    %sub3A_3106 = arith.subf %sub3A_3105, %slice3A_3104 : vector<64x128xf32>
    %slice3A_3107 = vector.extract_strided_slice %get3A_2704 {offsets = [0, 896], sizes = [1, 128], strides = [1, 1]} : vector<1x1024xf32> to vector<1x128xf32>
    %add3A_3108 = vector.broadcast %slice3A_3107 : vector<1x128xf32> to vector<64x128xf32>
    %add3A_3109 = arith.addf %sub3A_3106, %add3A_3108 : vector<64x128xf32>
    %lt3A_3110 = arith.cmpf olt, %add3A_3109, %select_n3A_3100 : vector<64x128xf32>
    %select_n3A_3111 = arith.select %lt3A_3110, %add3A_3109, %select_n3A_3100 : vector<64x128xi1>, vector<64x128xf32>
    %jit3A_3112 = arith.constant 7.000000e+00 : f32
    %broadcast_in_dim3A_3113 = vector.broadcast %jit3A_3112 : f32 to vector<64x128xf32>
    %select_n3A_3114 = arith.select %lt3A_3110, %broadcast_in_dim3A_3113, %select_n3A_3103 : vector<64x128xi1>, vector<64x128xf32>
    %reduce_min3A_3115 = arith.constant dense<0x7F800000> : vector<64xf32>
    %reduce_min3A_3116 = vector.multi_reduction <minimumf>, %select_n3A_3111, %reduce_min3A_3115 [1] : vector<64x128xf32> to vector<64xf32>
    %broadcast_in_dim3A_3117 = vector.shape_cast %reduce_min3A_3116 : vector<64xf32> to vector<64x1xf32>
    %eq3A_3118 = vector.broadcast %broadcast_in_dim3A_3117 : vector<64x1xf32> to vector<64x128xf32>
    %eq3A_3119 = arith.cmpf oeq, %select_n3A_3111, %eq3A_3118 : vector<64x128xf32>
    %mul3A_3120 = arith.constant 1.280000e+02 : f32
    %mul3A_3121 = vector.broadcast %mul3A_3120 : f32 to vector<64x128xf32>
    %mul3A_3122 = arith.mulf %select_n3A_3114, %mul3A_3121 : vector<64x128xf32>
    %add3A_3123 = arith.addf %mul3A_3122, %convert_element_type3A : vector<64x128xf32>
    %jit3A_3124 = arith.constant 1.024000e+03 : f32
    %broadcast_in_dim3A_3125 = vector.broadcast %jit3A_3124 : f32 to vector<64x128xf32>
    %select_n3A_3126 = arith.select %eq3A_3119, %add3A_3123, %broadcast_in_dim3A_3125 : vector<64x128xi1>, vector<64x128xf32>
    %reduce_min3A_3127 = arith.constant dense<0x7F800000> : vector<64xf32>
    %reduce_min3A_3128 = vector.multi_reduction <minimumf>, %select_n3A_3126, %reduce_min3A_3127 [1] : vector<64x128xf32> to vector<64xf32>
    %broadcast_in_dim3A_3129 = vector.shape_cast %reduce_min3A_3128 : vector<64xf32> to vector<64x1xf32>
    %convert_element_type3A_3130 = arith.fptosi %broadcast_in_dim3A_3129 : vector<64x1xf32> to vector<64x1xi32>
    %add3A_3131 = arith.constant 6144 : i32
    %add3A_3132 = vector.broadcast %add3A_3131 : i32 to vector<64x1xi32>
    %add3A_3133 = arith.addi %convert_element_type3A_3130, %add3A_3132 : vector<64x1xi32>
    %swap3A_3134 = arith.constant 192 : index
    %swap3A_3135 = arith.constant 6 : index
    %swap3A_3136 = vector.load %arg5[%swap3A_3134, %swap3A_3135] : memref<256x8xi32, #tpu.memory_space<vmem>>, vector<64x1xi32>
    tpu.vector_store %arg5[%swap3A_3134, %swap3A_3135], %add3A_3133 {strides = array<i32>} : memref<256x8xi32, #tpu.memory_space<vmem>>, vector<64x1xi32>,
    %slice3A_3137 = vector.extract_strided_slice %dot_general3A_5 {offsets = [0, 448], sizes = [256, 64], strides = [1, 1]} : vector<256x512xf32> to vector<256x64xf32>
    %mul3A_3138 = arith.mulf %slice3A_3137, %slice3A_3137 : vector<256x64xf32>
    %reduce_sum3A_3139 = arith.constant dense<0.000000e+00> : vector<256xf32>
    %reduce_sum3A_3140 = vector.multi_reduction <add>, %mul3A_3138, %reduce_sum3A_3139 [1] : vector<256x64xf32> to vector<256xf32>
    %broadcast_in_dim3A_3141 = vector.shape_cast %reduce_sum3A_3140 : vector<256xf32> to vector<256x1xf32>
    %get3A_3142 = arith.constant 7 : index
    %get3A_3143 = arith.constant 0 : index
    %get3A_3144 = arith.constant 0 : index
    %get3A_3145 = vector.load %arg3[%get3A_3142, %get3A_3143, %get3A_3144] : memref<8x1024x64xf32, #tpu.memory_space<vmem>>, vector<1x1024x64xf32>
    %get3A_3146 = vector.shape_cast %get3A_3145 : vector<1x1024x64xf32> to vector<1024x64xf32>
    %dot_general3A_3147 = arith.constant dense<0.000000e+00> : vector<256x1024xf32>
    %dot_general3A_3148 = tpu.matmul %slice3A_3137, %get3A_3146, %dot_general3A_3147 {dimension_numbers = #tpu.dot_dimension_numbers<[1], [1], [0], [0], [0, 0, 1, 0], [], []>, transpose_lhs_hint = false} : vector<256x64xf32>, vector<1024x64xf32>, vector<256x1024xf32> -> vector<256x1024xf32>
    %get3A_3149 = arith.constant 7 : index
    %get3A_3150 = arith.constant 0 : index
    %get3A_3151 = arith.constant 0 : index
    %get3A_3152 = vector.load %arg4[%get3A_3149, %get3A_3150, %get3A_3151] : memref<8x1x1024xf32, #tpu.memory_space<vmem>>, vector<1x1x1024xf32>
    %get3A_3153 = vector.shape_cast %get3A_3152 : vector<1x1x1024xf32> to vector<1x1024xf32>
    %slice3A_3154 = vector.extract_strided_slice %broadcast_in_dim3A_3141 {offsets = [0, 0], sizes = [64, 1], strides = [1, 1]} : vector<256x1xf32> to vector<64x1xf32>
    %slice3A_3155 = vector.extract_strided_slice %dot_general3A_3148 {offsets = [0, 0], sizes = [64, 128], strides = [1, 1]} : vector<256x1024xf32> to vector<64x128xf32>
    %sub3A_3156 = vector.broadcast %slice3A_3154 : vector<64x1xf32> to vector<64x128xf32>
    %sub3A_3157 = arith.subf %sub3A_3156, %slice3A_3155 : vector<64x128xf32>
    %slice3A_3158 = vector.extract_strided_slice %get3A_3153 {offsets = [0, 0], sizes = [1, 128], strides = [1, 1]} : vector<1x1024xf32> to vector<1x128xf32>
    %add3A_3159 = vector.broadcast %slice3A_3158 : vector<1x128xf32> to vector<64x128xf32>
    %add3A_3160 = arith.addf %sub3A_3157, %add3A_3159 : vector<64x128xf32>
    %broadcast_in_dim3A_3161 = arith.constant 0.000000e+00 : f32
    %broadcast_in_dim3A_3162 = vector.broadcast %broadcast_in_dim3A_3161 : f32 to vector<64x128xf32>
    %slice3A_3163 = vector.extract_strided_slice %dot_general3A_3148 {offsets = [0, 128], sizes = [64, 128], strides = [1, 1]} : vector<256x1024xf32> to vector<64x128xf32>
    %sub3A_3164 = vector.broadcast %slice3A_3154 : vector<64x1xf32> to vector<64x128xf32>
    %sub3A_3165 = arith.subf %sub3A_3164, %slice3A_3163 : vector<64x128xf32>
    %slice3A_3166 = vector.extract_strided_slice %get3A_3153 {offsets = [0, 128], sizes = [1, 128], strides = [1, 1]} : vector<1x1024xf32> to vector<1x128xf32>
    %add3A_3167 = vector.broadcast %slice3A_3166 : vector<1x128xf32> to vector<64x128xf32>
    %add3A_3168 = arith.addf %sub3A_3165, %add3A_3167 : vector<64x128xf32>
    %lt3A_3169 = arith.cmpf olt, %add3A_3168, %add3A_3160 : vector<64x128xf32>
    %select_n3A_3170 = arith.select %lt3A_3169, %add3A_3168, %add3A_3160 : vector<64x128xi1>, vector<64x128xf32>
    %jit3A_3171 = arith.constant 1.000000e+00 : f32
    %broadcast_in_dim3A_3172 = vector.broadcast %jit3A_3171 : f32 to vector<64x128xf32>
    %select_n3A_3173 = arith.select %lt3A_3169, %broadcast_in_dim3A_3172, %broadcast_in_dim3A_3162 : vector<64x128xi1>, vector<64x128xf32>
    %slice3A_3174 = vector.extract_strided_slice %dot_general3A_3148 {offsets = [0, 256], sizes = [64, 128], strides = [1, 1]} : vector<256x1024xf32> to vector<64x128xf32>
    %sub3A_3175 = vector.broadcast %slice3A_3154 : vector<64x1xf32> to vector<64x128xf32>
    %sub3A_3176 = arith.subf %sub3A_3175, %slice3A_3174 : vector<64x128xf32>
    %slice3A_3177 = vector.extract_strided_slice %get3A_3153 {offsets = [0, 256], sizes = [1, 128], strides = [1, 1]} : vector<1x1024xf32> to vector<1x128xf32>
    %add3A_3178 = vector.broadcast %slice3A_3177 : vector<1x128xf32> to vector<64x128xf32>
    %add3A_3179 = arith.addf %sub3A_3176, %add3A_3178 : vector<64x128xf32>
    %lt3A_3180 = arith.cmpf olt, %add3A_3179, %select_n3A_3170 : vector<64x128xf32>
    %select_n3A_3181 = arith.select %lt3A_3180, %add3A_3179, %select_n3A_3170 : vector<64x128xi1>, vector<64x128xf32>
    %jit3A_3182 = arith.constant 2.000000e+00 : f32
    %broadcast_in_dim3A_3183 = vector.broadcast %jit3A_3182 : f32 to vector<64x128xf32>
    %select_n3A_3184 = arith.select %lt3A_3180, %broadcast_in_dim3A_3183, %select_n3A_3173 : vector<64x128xi1>, vector<64x128xf32>
    %slice3A_3185 = vector.extract_strided_slice %dot_general3A_3148 {offsets = [0, 384], sizes = [64, 128], strides = [1, 1]} : vector<256x1024xf32> to vector<64x128xf32>
    %sub3A_3186 = vector.broadcast %slice3A_3154 : vector<64x1xf32> to vector<64x128xf32>
    %sub3A_3187 = arith.subf %sub3A_3186, %slice3A_3185 : vector<64x128xf32>
    %slice3A_3188 = vector.extract_strided_slice %get3A_3153 {offsets = [0, 384], sizes = [1, 128], strides = [1, 1]} : vector<1x1024xf32> to vector<1x128xf32>
    %add3A_3189 = vector.broadcast %slice3A_3188 : vector<1x128xf32> to vector<64x128xf32>
    %add3A_3190 = arith.addf %sub3A_3187, %add3A_3189 : vector<64x128xf32>
    %lt3A_3191 = arith.cmpf olt, %add3A_3190, %select_n3A_3181 : vector<64x128xf32>
    %select_n3A_3192 = arith.select %lt3A_3191, %add3A_3190, %select_n3A_3181 : vector<64x128xi1>, vector<64x128xf32>
    %jit3A_3193 = arith.constant 3.000000e+00 : f32
    %broadcast_in_dim3A_3194 = vector.broadcast %jit3A_3193 : f32 to vector<64x128xf32>
    %select_n3A_3195 = arith.select %lt3A_3191, %broadcast_in_dim3A_3194, %select_n3A_3184 : vector<64x128xi1>, vector<64x128xf32>
    %slice3A_3196 = vector.extract_strided_slice %dot_general3A_3148 {offsets = [0, 512], sizes = [64, 128], strides = [1, 1]} : vector<256x1024xf32> to vector<64x128xf32>
    %sub3A_3197 = vector.broadcast %slice3A_3154 : vector<64x1xf32> to vector<64x128xf32>
    %sub3A_3198 = arith.subf %sub3A_3197, %slice3A_3196 : vector<64x128xf32>
    %slice3A_3199 = vector.extract_strided_slice %get3A_3153 {offsets = [0, 512], sizes = [1, 128], strides = [1, 1]} : vector<1x1024xf32> to vector<1x128xf32>
    %add3A_3200 = vector.broadcast %slice3A_3199 : vector<1x128xf32> to vector<64x128xf32>
    %add3A_3201 = arith.addf %sub3A_3198, %add3A_3200 : vector<64x128xf32>
    %lt3A_3202 = arith.cmpf olt, %add3A_3201, %select_n3A_3192 : vector<64x128xf32>
    %select_n3A_3203 = arith.select %lt3A_3202, %add3A_3201, %select_n3A_3192 : vector<64x128xi1>, vector<64x128xf32>
    %jit3A_3204 = arith.constant 4.000000e+00 : f32
    %broadcast_in_dim3A_3205 = vector.broadcast %jit3A_3204 : f32 to vector<64x128xf32>
    %select_n3A_3206 = arith.select %lt3A_3202, %broadcast_in_dim3A_3205, %select_n3A_3195 : vector<64x128xi1>, vector<64x128xf32>
    %slice3A_3207 = vector.extract_strided_slice %dot_general3A_3148 {offsets = [0, 640], sizes = [64, 128], strides = [1, 1]} : vector<256x1024xf32> to vector<64x128xf32>
    %sub3A_3208 = vector.broadcast %slice3A_3154 : vector<64x1xf32> to vector<64x128xf32>
    %sub3A_3209 = arith.subf %sub3A_3208, %slice3A_3207 : vector<64x128xf32>
    %slice3A_3210 = vector.extract_strided_slice %get3A_3153 {offsets = [0, 640], sizes = [1, 128], strides = [1, 1]} : vector<1x1024xf32> to vector<1x128xf32>
    %add3A_3211 = vector.broadcast %slice3A_3210 : vector<1x128xf32> to vector<64x128xf32>
    %add3A_3212 = arith.addf %sub3A_3209, %add3A_3211 : vector<64x128xf32>
    %lt3A_3213 = arith.cmpf olt, %add3A_3212, %select_n3A_3203 : vector<64x128xf32>
    %select_n3A_3214 = arith.select %lt3A_3213, %add3A_3212, %select_n3A_3203 : vector<64x128xi1>, vector<64x128xf32>
    %jit3A_3215 = arith.constant 5.000000e+00 : f32
    %broadcast_in_dim3A_3216 = vector.broadcast %jit3A_3215 : f32 to vector<64x128xf32>
    %select_n3A_3217 = arith.select %lt3A_3213, %broadcast_in_dim3A_3216, %select_n3A_3206 : vector<64x128xi1>, vector<64x128xf32>
    %slice3A_3218 = vector.extract_strided_slice %dot_general3A_3148 {offsets = [0, 768], sizes = [64, 128], strides = [1, 1]} : vector<256x1024xf32> to vector<64x128xf32>
    %sub3A_3219 = vector.broadcast %slice3A_3154 : vector<64x1xf32> to vector<64x128xf32>
    %sub3A_3220 = arith.subf %sub3A_3219, %slice3A_3218 : vector<64x128xf32>
    %slice3A_3221 = vector.extract_strided_slice %get3A_3153 {offsets = [0, 768], sizes = [1, 128], strides = [1, 1]} : vector<1x1024xf32> to vector<1x128xf32>
    %add3A_3222 = vector.broadcast %slice3A_3221 : vector<1x128xf32> to vector<64x128xf32>
    %add3A_3223 = arith.addf %sub3A_3220, %add3A_3222 : vector<64x128xf32>
    %lt3A_3224 = arith.cmpf olt, %add3A_3223, %select_n3A_3214 : vector<64x128xf32>
    %select_n3A_3225 = arith.select %lt3A_3224, %add3A_3223, %select_n3A_3214 : vector<64x128xi1>, vector<64x128xf32>
    %jit3A_3226 = arith.constant 6.000000e+00 : f32
    %broadcast_in_dim3A_3227 = vector.broadcast %jit3A_3226 : f32 to vector<64x128xf32>
    %select_n3A_3228 = arith.select %lt3A_3224, %broadcast_in_dim3A_3227, %select_n3A_3217 : vector<64x128xi1>, vector<64x128xf32>
    %slice3A_3229 = vector.extract_strided_slice %dot_general3A_3148 {offsets = [0, 896], sizes = [64, 128], strides = [1, 1]} : vector<256x1024xf32> to vector<64x128xf32>
    %sub3A_3230 = vector.broadcast %slice3A_3154 : vector<64x1xf32> to vector<64x128xf32>
    %sub3A_3231 = arith.subf %sub3A_3230, %slice3A_3229 : vector<64x128xf32>
    %slice3A_3232 = vector.extract_strided_slice %get3A_3153 {offsets = [0, 896], sizes = [1, 128], strides = [1, 1]} : vector<1x1024xf32> to vector<1x128xf32>
    %add3A_3233 = vector.broadcast %slice3A_3232 : vector<1x128xf32> to vector<64x128xf32>
    %add3A_3234 = arith.addf %sub3A_3231, %add3A_3233 : vector<64x128xf32>
    %lt3A_3235 = arith.cmpf olt, %add3A_3234, %select_n3A_3225 : vector<64x128xf32>
    %select_n3A_3236 = arith.select %lt3A_3235, %add3A_3234, %select_n3A_3225 : vector<64x128xi1>, vector<64x128xf32>
    %jit3A_3237 = arith.constant 7.000000e+00 : f32
    %broadcast_in_dim3A_3238 = vector.broadcast %jit3A_3237 : f32 to vector<64x128xf32>
    %select_n3A_3239 = arith.select %lt3A_3235, %broadcast_in_dim3A_3238, %select_n3A_3228 : vector<64x128xi1>, vector<64x128xf32>
    %reduce_min3A_3240 = arith.constant dense<0x7F800000> : vector<64xf32>
    %reduce_min3A_3241 = vector.multi_reduction <minimumf>, %select_n3A_3236, %reduce_min3A_3240 [1] : vector<64x128xf32> to vector<64xf32>
    %broadcast_in_dim3A_3242 = vector.shape_cast %reduce_min3A_3241 : vector<64xf32> to vector<64x1xf32>
    %eq3A_3243 = vector.broadcast %broadcast_in_dim3A_3242 : vector<64x1xf32> to vector<64x128xf32>
    %eq3A_3244 = arith.cmpf oeq, %select_n3A_3236, %eq3A_3243 : vector<64x128xf32>
    %mul3A_3245 = arith.constant 1.280000e+02 : f32
    %mul3A_3246 = vector.broadcast %mul3A_3245 : f32 to vector<64x128xf32>
    %mul3A_3247 = arith.mulf %select_n3A_3239, %mul3A_3246 : vector<64x128xf32>
    %add3A_3248 = arith.addf %mul3A_3247, %convert_element_type3A : vector<64x128xf32>
    %jit3A_3249 = arith.constant 1.024000e+03 : f32
    %broadcast_in_dim3A_3250 = vector.broadcast %jit3A_3249 : f32 to vector<64x128xf32>
    %select_n3A_3251 = arith.select %eq3A_3244, %add3A_3248, %broadcast_in_dim3A_3250 : vector<64x128xi1>, vector<64x128xf32>
    %reduce_min3A_3252 = arith.constant dense<0x7F800000> : vector<64xf32>
    %reduce_min3A_3253 = vector.multi_reduction <minimumf>, %select_n3A_3251, %reduce_min3A_3252 [1] : vector<64x128xf32> to vector<64xf32>
    %broadcast_in_dim3A_3254 = vector.shape_cast %reduce_min3A_3253 : vector<64xf32> to vector<64x1xf32>
    %convert_element_type3A_3255 = arith.fptosi %broadcast_in_dim3A_3254 : vector<64x1xf32> to vector<64x1xi32>
    %add3A_3256 = arith.constant 7168 : i32
    %add3A_3257 = vector.broadcast %add3A_3256 : i32 to vector<64x1xi32>
    %add3A_3258 = arith.addi %convert_element_type3A_3255, %add3A_3257 : vector<64x1xi32>
    %swap3A_3259 = arith.constant 0 : index
    %swap3A_3260 = arith.constant 7 : index
    %swap3A_3261 = vector.load %arg5[%swap3A_3259, %swap3A_3260] : memref<256x8xi32, #tpu.memory_space<vmem>>, vector<64x1xi32>
    tpu.vector_store %arg5[%swap3A_3259, %swap3A_3260], %add3A_3258 {strides = array<i32>} : memref<256x8xi32, #tpu.memory_space<vmem>>, vector<64x1xi32>,
    %slice3A_3262 = vector.extract_strided_slice %broadcast_in_dim3A_3141 {offsets = [64, 0], sizes = [64, 1], strides = [1, 1]} : vector<256x1xf32> to vector<64x1xf32>
    %slice3A_3263 = vector.extract_strided_slice %dot_general3A_3148 {offsets = [64, 0], sizes = [64, 128], strides = [1, 1]} : vector<256x1024xf32> to vector<64x128xf32>
    %sub3A_3264 = vector.broadcast %slice3A_3262 : vector<64x1xf32> to vector<64x128xf32>
    %sub3A_3265 = arith.subf %sub3A_3264, %slice3A_3263 : vector<64x128xf32>
    %slice3A_3266 = vector.extract_strided_slice %get3A_3153 {offsets = [0, 0], sizes = [1, 128], strides = [1, 1]} : vector<1x1024xf32> to vector<1x128xf32>
    %add3A_3267 = vector.broadcast %slice3A_3266 : vector<1x128xf32> to vector<64x128xf32>
    %add3A_3268 = arith.addf %sub3A_3265, %add3A_3267 : vector<64x128xf32>
    %broadcast_in_dim3A_3269 = arith.constant 0.000000e+00 : f32
    %broadcast_in_dim3A_3270 = vector.broadcast %broadcast_in_dim3A_3269 : f32 to vector<64x128xf32>
    %slice3A_3271 = vector.extract_strided_slice %dot_general3A_3148 {offsets = [64, 128], sizes = [64, 128], strides = [1, 1]} : vector<256x1024xf32> to vector<64x128xf32>
    %sub3A_3272 = vector.broadcast %slice3A_3262 : vector<64x1xf32> to vector<64x128xf32>
    %sub3A_3273 = arith.subf %sub3A_3272, %slice3A_3271 : vector<64x128xf32>
    %slice3A_3274 = vector.extract_strided_slice %get3A_3153 {offsets = [0, 128], sizes = [1, 128], strides = [1, 1]} : vector<1x1024xf32> to vector<1x128xf32>
    %add3A_3275 = vector.broadcast %slice3A_3274 : vector<1x128xf32> to vector<64x128xf32>
    %add3A_3276 = arith.addf %sub3A_3273, %add3A_3275 : vector<64x128xf32>
    %lt3A_3277 = arith.cmpf olt, %add3A_3276, %add3A_3268 : vector<64x128xf32>
    %select_n3A_3278 = arith.select %lt3A_3277, %add3A_3276, %add3A_3268 : vector<64x128xi1>, vector<64x128xf32>
    %jit3A_3279 = arith.constant 1.000000e+00 : f32
    %broadcast_in_dim3A_3280 = vector.broadcast %jit3A_3279 : f32 to vector<64x128xf32>
    %select_n3A_3281 = arith.select %lt3A_3277, %broadcast_in_dim3A_3280, %broadcast_in_dim3A_3270 : vector<64x128xi1>, vector<64x128xf32>
    %slice3A_3282 = vector.extract_strided_slice %dot_general3A_3148 {offsets = [64, 256], sizes = [64, 128], strides = [1, 1]} : vector<256x1024xf32> to vector<64x128xf32>
    %sub3A_3283 = vector.broadcast %slice3A_3262 : vector<64x1xf32> to vector<64x128xf32>
    %sub3A_3284 = arith.subf %sub3A_3283, %slice3A_3282 : vector<64x128xf32>
    %slice3A_3285 = vector.extract_strided_slice %get3A_3153 {offsets = [0, 256], sizes = [1, 128], strides = [1, 1]} : vector<1x1024xf32> to vector<1x128xf32>
    %add3A_3286 = vector.broadcast %slice3A_3285 : vector<1x128xf32> to vector<64x128xf32>
    %add3A_3287 = arith.addf %sub3A_3284, %add3A_3286 : vector<64x128xf32>
    %lt3A_3288 = arith.cmpf olt, %add3A_3287, %select_n3A_3278 : vector<64x128xf32>
    %select_n3A_3289 = arith.select %lt3A_3288, %add3A_3287, %select_n3A_3278 : vector<64x128xi1>, vector<64x128xf32>
    %jit3A_3290 = arith.constant 2.000000e+00 : f32
    %broadcast_in_dim3A_3291 = vector.broadcast %jit3A_3290 : f32 to vector<64x128xf32>
    %select_n3A_3292 = arith.select %lt3A_3288, %broadcast_in_dim3A_3291, %select_n3A_3281 : vector<64x128xi1>, vector<64x128xf32>
    %slice3A_3293 = vector.extract_strided_slice %dot_general3A_3148 {offsets = [64, 384], sizes = [64, 128], strides = [1, 1]} : vector<256x1024xf32> to vector<64x128xf32>
    %sub3A_3294 = vector.broadcast %slice3A_3262 : vector<64x1xf32> to vector<64x128xf32>
    %sub3A_3295 = arith.subf %sub3A_3294, %slice3A_3293 : vector<64x128xf32>
    %slice3A_3296 = vector.extract_strided_slice %get3A_3153 {offsets = [0, 384], sizes = [1, 128], strides = [1, 1]} : vector<1x1024xf32> to vector<1x128xf32>
    %add3A_3297 = vector.broadcast %slice3A_3296 : vector<1x128xf32> to vector<64x128xf32>
    %add3A_3298 = arith.addf %sub3A_3295, %add3A_3297 : vector<64x128xf32>
    %lt3A_3299 = arith.cmpf olt, %add3A_3298, %select_n3A_3289 : vector<64x128xf32>
    %select_n3A_3300 = arith.select %lt3A_3299, %add3A_3298, %select_n3A_3289 : vector<64x128xi1>, vector<64x128xf32>
    %jit3A_3301 = arith.constant 3.000000e+00 : f32
    %broadcast_in_dim3A_3302 = vector.broadcast %jit3A_3301 : f32 to vector<64x128xf32>
    %select_n3A_3303 = arith.select %lt3A_3299, %broadcast_in_dim3A_3302, %select_n3A_3292 : vector<64x128xi1>, vector<64x128xf32>
    %slice3A_3304 = vector.extract_strided_slice %dot_general3A_3148 {offsets = [64, 512], sizes = [64, 128], strides = [1, 1]} : vector<256x1024xf32> to vector<64x128xf32>
    %sub3A_3305 = vector.broadcast %slice3A_3262 : vector<64x1xf32> to vector<64x128xf32>
    %sub3A_3306 = arith.subf %sub3A_3305, %slice3A_3304 : vector<64x128xf32>
    %slice3A_3307 = vector.extract_strided_slice %get3A_3153 {offsets = [0, 512], sizes = [1, 128], strides = [1, 1]} : vector<1x1024xf32> to vector<1x128xf32>
    %add3A_3308 = vector.broadcast %slice3A_3307 : vector<1x128xf32> to vector<64x128xf32>
    %add3A_3309 = arith.addf %sub3A_3306, %add3A_3308 : vector<64x128xf32>
    %lt3A_3310 = arith.cmpf olt, %add3A_3309, %select_n3A_3300 : vector<64x128xf32>
    %select_n3A_3311 = arith.select %lt3A_3310, %add3A_3309, %select_n3A_3300 : vector<64x128xi1>, vector<64x128xf32>
    %jit3A_3312 = arith.constant 4.000000e+00 : f32
    %broadcast_in_dim3A_3313 = vector.broadcast %jit3A_3312 : f32 to vector<64x128xf32>
    %select_n3A_3314 = arith.select %lt3A_3310, %broadcast_in_dim3A_3313, %select_n3A_3303 : vector<64x128xi1>, vector<64x128xf32>
    %slice3A_3315 = vector.extract_strided_slice %dot_general3A_3148 {offsets = [64, 640], sizes = [64, 128], strides = [1, 1]} : vector<256x1024xf32> to vector<64x128xf32>
    %sub3A_3316 = vector.broadcast %slice3A_3262 : vector<64x1xf32> to vector<64x128xf32>
    %sub3A_3317 = arith.subf %sub3A_3316, %slice3A_3315 : vector<64x128xf32>
    %slice3A_3318 = vector.extract_strided_slice %get3A_3153 {offsets = [0, 640], sizes = [1, 128], strides = [1, 1]} : vector<1x1024xf32> to vector<1x128xf32>
    %add3A_3319 = vector.broadcast %slice3A_3318 : vector<1x128xf32> to vector<64x128xf32>
    %add3A_3320 = arith.addf %sub3A_3317, %add3A_3319 : vector<64x128xf32>
    %lt3A_3321 = arith.cmpf olt, %add3A_3320, %select_n3A_3311 : vector<64x128xf32>
    %select_n3A_3322 = arith.select %lt3A_3321, %add3A_3320, %select_n3A_3311 : vector<64x128xi1>, vector<64x128xf32>
    %jit3A_3323 = arith.constant 5.000000e+00 : f32
    %broadcast_in_dim3A_3324 = vector.broadcast %jit3A_3323 : f32 to vector<64x128xf32>
    %select_n3A_3325 = arith.select %lt3A_3321, %broadcast_in_dim3A_3324, %select_n3A_3314 : vector<64x128xi1>, vector<64x128xf32>
    %slice3A_3326 = vector.extract_strided_slice %dot_general3A_3148 {offsets = [64, 768], sizes = [64, 128], strides = [1, 1]} : vector<256x1024xf32> to vector<64x128xf32>
    %sub3A_3327 = vector.broadcast %slice3A_3262 : vector<64x1xf32> to vector<64x128xf32>
    %sub3A_3328 = arith.subf %sub3A_3327, %slice3A_3326 : vector<64x128xf32>
    %slice3A_3329 = vector.extract_strided_slice %get3A_3153 {offsets = [0, 768], sizes = [1, 128], strides = [1, 1]} : vector<1x1024xf32> to vector<1x128xf32>
    %add3A_3330 = vector.broadcast %slice3A_3329 : vector<1x128xf32> to vector<64x128xf32>
    %add3A_3331 = arith.addf %sub3A_3328, %add3A_3330 : vector<64x128xf32>
    %lt3A_3332 = arith.cmpf olt, %add3A_3331, %select_n3A_3322 : vector<64x128xf32>
    %select_n3A_3333 = arith.select %lt3A_3332, %add3A_3331, %select_n3A_3322 : vector<64x128xi1>, vector<64x128xf32>
    %jit3A_3334 = arith.constant 6.000000e+00 : f32
    %broadcast_in_dim3A_3335 = vector.broadcast %jit3A_3334 : f32 to vector<64x128xf32>
    %select_n3A_3336 = arith.select %lt3A_3332, %broadcast_in_dim3A_3335, %select_n3A_3325 : vector<64x128xi1>, vector<64x128xf32>
    %slice3A_3337 = vector.extract_strided_slice %dot_general3A_3148 {offsets = [64, 896], sizes = [64, 128], strides = [1, 1]} : vector<256x1024xf32> to vector<64x128xf32>
    %sub3A_3338 = vector.broadcast %slice3A_3262 : vector<64x1xf32> to vector<64x128xf32>
    %sub3A_3339 = arith.subf %sub3A_3338, %slice3A_3337 : vector<64x128xf32>
    %slice3A_3340 = vector.extract_strided_slice %get3A_3153 {offsets = [0, 896], sizes = [1, 128], strides = [1, 1]} : vector<1x1024xf32> to vector<1x128xf32>
    %add3A_3341 = vector.broadcast %slice3A_3340 : vector<1x128xf32> to vector<64x128xf32>
    %add3A_3342 = arith.addf %sub3A_3339, %add3A_3341 : vector<64x128xf32>
    %lt3A_3343 = arith.cmpf olt, %add3A_3342, %select_n3A_3333 : vector<64x128xf32>
    %select_n3A_3344 = arith.select %lt3A_3343, %add3A_3342, %select_n3A_3333 : vector<64x128xi1>, vector<64x128xf32>
    %jit3A_3345 = arith.constant 7.000000e+00 : f32
    %broadcast_in_dim3A_3346 = vector.broadcast %jit3A_3345 : f32 to vector<64x128xf32>
    %select_n3A_3347 = arith.select %lt3A_3343, %broadcast_in_dim3A_3346, %select_n3A_3336 : vector<64x128xi1>, vector<64x128xf32>
    %reduce_min3A_3348 = arith.constant dense<0x7F800000> : vector<64xf32>
    %reduce_min3A_3349 = vector.multi_reduction <minimumf>, %select_n3A_3344, %reduce_min3A_3348 [1] : vector<64x128xf32> to vector<64xf32>
    %broadcast_in_dim3A_3350 = vector.shape_cast %reduce_min3A_3349 : vector<64xf32> to vector<64x1xf32>
    %eq3A_3351 = vector.broadcast %broadcast_in_dim3A_3350 : vector<64x1xf32> to vector<64x128xf32>
    %eq3A_3352 = arith.cmpf oeq, %select_n3A_3344, %eq3A_3351 : vector<64x128xf32>
    %mul3A_3353 = arith.constant 1.280000e+02 : f32
    %mul3A_3354 = vector.broadcast %mul3A_3353 : f32 to vector<64x128xf32>
    %mul3A_3355 = arith.mulf %select_n3A_3347, %mul3A_3354 : vector<64x128xf32>
    %add3A_3356 = arith.addf %mul3A_3355, %convert_element_type3A : vector<64x128xf32>
    %jit3A_3357 = arith.constant 1.024000e+03 : f32
    %broadcast_in_dim3A_3358 = vector.broadcast %jit3A_3357 : f32 to vector<64x128xf32>
    %select_n3A_3359 = arith.select %eq3A_3352, %add3A_3356, %broadcast_in_dim3A_3358 : vector<64x128xi1>, vector<64x128xf32>
    %reduce_min3A_3360 = arith.constant dense<0x7F800000> : vector<64xf32>
    %reduce_min3A_3361 = vector.multi_reduction <minimumf>, %select_n3A_3359, %reduce_min3A_3360 [1] : vector<64x128xf32> to vector<64xf32>
    %broadcast_in_dim3A_3362 = vector.shape_cast %reduce_min3A_3361 : vector<64xf32> to vector<64x1xf32>
    %convert_element_type3A_3363 = arith.fptosi %broadcast_in_dim3A_3362 : vector<64x1xf32> to vector<64x1xi32>
    %add3A_3364 = arith.constant 7168 : i32
    %add3A_3365 = vector.broadcast %add3A_3364 : i32 to vector<64x1xi32>
    %add3A_3366 = arith.addi %convert_element_type3A_3363, %add3A_3365 : vector<64x1xi32>
    %swap3A_3367 = arith.constant 64 : index
    %swap3A_3368 = arith.constant 7 : index
    %swap3A_3369 = vector.load %arg5[%swap3A_3367, %swap3A_3368] : memref<256x8xi32, #tpu.memory_space<vmem>>, vector<64x1xi32>
    tpu.vector_store %arg5[%swap3A_3367, %swap3A_3368], %add3A_3366 {strides = array<i32>} : memref<256x8xi32, #tpu.memory_space<vmem>>, vector<64x1xi32>,
    %slice3A_3370 = vector.extract_strided_slice %broadcast_in_dim3A_3141 {offsets = [128, 0], sizes = [64, 1], strides = [1, 1]} : vector<256x1xf32> to vector<64x1xf32>
    %slice3A_3371 = vector.extract_strided_slice %dot_general3A_3148 {offsets = [128, 0], sizes = [64, 128], strides = [1, 1]} : vector<256x1024xf32> to vector<64x128xf32>
    %sub3A_3372 = vector.broadcast %slice3A_3370 : vector<64x1xf32> to vector<64x128xf32>
    %sub3A_3373 = arith.subf %sub3A_3372, %slice3A_3371 : vector<64x128xf32>
    %slice3A_3374 = vector.extract_strided_slice %get3A_3153 {offsets = [0, 0], sizes = [1, 128], strides = [1, 1]} : vector<1x1024xf32> to vector<1x128xf32>
    %add3A_3375 = vector.broadcast %slice3A_3374 : vector<1x128xf32> to vector<64x128xf32>
    %add3A_3376 = arith.addf %sub3A_3373, %add3A_3375 : vector<64x128xf32>
    %broadcast_in_dim3A_3377 = arith.constant 0.000000e+00 : f32
    %broadcast_in_dim3A_3378 = vector.broadcast %broadcast_in_dim3A_3377 : f32 to vector<64x128xf32>
    %slice3A_3379 = vector.extract_strided_slice %dot_general3A_3148 {offsets = [128, 128], sizes = [64, 128], strides = [1, 1]} : vector<256x1024xf32> to vector<64x128xf32>
    %sub3A_3380 = vector.broadcast %slice3A_3370 : vector<64x1xf32> to vector<64x128xf32>
    %sub3A_3381 = arith.subf %sub3A_3380, %slice3A_3379 : vector<64x128xf32>
    %slice3A_3382 = vector.extract_strided_slice %get3A_3153 {offsets = [0, 128], sizes = [1, 128], strides = [1, 1]} : vector<1x1024xf32> to vector<1x128xf32>
    %add3A_3383 = vector.broadcast %slice3A_3382 : vector<1x128xf32> to vector<64x128xf32>
    %add3A_3384 = arith.addf %sub3A_3381, %add3A_3383 : vector<64x128xf32>
    %lt3A_3385 = arith.cmpf olt, %add3A_3384, %add3A_3376 : vector<64x128xf32>
    %select_n3A_3386 = arith.select %lt3A_3385, %add3A_3384, %add3A_3376 : vector<64x128xi1>, vector<64x128xf32>
    %jit3A_3387 = arith.constant 1.000000e+00 : f32
    %broadcast_in_dim3A_3388 = vector.broadcast %jit3A_3387 : f32 to vector<64x128xf32>
    %select_n3A_3389 = arith.select %lt3A_3385, %broadcast_in_dim3A_3388, %broadcast_in_dim3A_3378 : vector<64x128xi1>, vector<64x128xf32>
    %slice3A_3390 = vector.extract_strided_slice %dot_general3A_3148 {offsets = [128, 256], sizes = [64, 128], strides = [1, 1]} : vector<256x1024xf32> to vector<64x128xf32>
    %sub3A_3391 = vector.broadcast %slice3A_3370 : vector<64x1xf32> to vector<64x128xf32>
    %sub3A_3392 = arith.subf %sub3A_3391, %slice3A_3390 : vector<64x128xf32>
    %slice3A_3393 = vector.extract_strided_slice %get3A_3153 {offsets = [0, 256], sizes = [1, 128], strides = [1, 1]} : vector<1x1024xf32> to vector<1x128xf32>
    %add3A_3394 = vector.broadcast %slice3A_3393 : vector<1x128xf32> to vector<64x128xf32>
    %add3A_3395 = arith.addf %sub3A_3392, %add3A_3394 : vector<64x128xf32>
    %lt3A_3396 = arith.cmpf olt, %add3A_3395, %select_n3A_3386 : vector<64x128xf32>
    %select_n3A_3397 = arith.select %lt3A_3396, %add3A_3395, %select_n3A_3386 : vector<64x128xi1>, vector<64x128xf32>
    %jit3A_3398 = arith.constant 2.000000e+00 : f32
    %broadcast_in_dim3A_3399 = vector.broadcast %jit3A_3398 : f32 to vector<64x128xf32>
    %select_n3A_3400 = arith.select %lt3A_3396, %broadcast_in_dim3A_3399, %select_n3A_3389 : vector<64x128xi1>, vector<64x128xf32>
    %slice3A_3401 = vector.extract_strided_slice %dot_general3A_3148 {offsets = [128, 384], sizes = [64, 128], strides = [1, 1]} : vector<256x1024xf32> to vector<64x128xf32>
    %sub3A_3402 = vector.broadcast %slice3A_3370 : vector<64x1xf32> to vector<64x128xf32>
    %sub3A_3403 = arith.subf %sub3A_3402, %slice3A_3401 : vector<64x128xf32>
    %slice3A_3404 = vector.extract_strided_slice %get3A_3153 {offsets = [0, 384], sizes = [1, 128], strides = [1, 1]} : vector<1x1024xf32> to vector<1x128xf32>
    %add3A_3405 = vector.broadcast %slice3A_3404 : vector<1x128xf32> to vector<64x128xf32>
    %add3A_3406 = arith.addf %sub3A_3403, %add3A_3405 : vector<64x128xf32>
    %lt3A_3407 = arith.cmpf olt, %add3A_3406, %select_n3A_3397 : vector<64x128xf32>
    %select_n3A_3408 = arith.select %lt3A_3407, %add3A_3406, %select_n3A_3397 : vector<64x128xi1>, vector<64x128xf32>
    %jit3A_3409 = arith.constant 3.000000e+00 : f32
    %broadcast_in_dim3A_3410 = vector.broadcast %jit3A_3409 : f32 to vector<64x128xf32>
    %select_n3A_3411 = arith.select %lt3A_3407, %broadcast_in_dim3A_3410, %select_n3A_3400 : vector<64x128xi1>, vector<64x128xf32>
    %slice3A_3412 = vector.extract_strided_slice %dot_general3A_3148 {offsets = [128, 512], sizes = [64, 128], strides = [1, 1]} : vector<256x1024xf32> to vector<64x128xf32>
    %sub3A_3413 = vector.broadcast %slice3A_3370 : vector<64x1xf32> to vector<64x128xf32>
    %sub3A_3414 = arith.subf %sub3A_3413, %slice3A_3412 : vector<64x128xf32>
    %slice3A_3415 = vector.extract_strided_slice %get3A_3153 {offsets = [0, 512], sizes = [1, 128], strides = [1, 1]} : vector<1x1024xf32> to vector<1x128xf32>
    %add3A_3416 = vector.broadcast %slice3A_3415 : vector<1x128xf32> to vector<64x128xf32>
    %add3A_3417 = arith.addf %sub3A_3414, %add3A_3416 : vector<64x128xf32>
    %lt3A_3418 = arith.cmpf olt, %add3A_3417, %select_n3A_3408 : vector<64x128xf32>
    %select_n3A_3419 = arith.select %lt3A_3418, %add3A_3417, %select_n3A_3408 : vector<64x128xi1>, vector<64x128xf32>
    %jit3A_3420 = arith.constant 4.000000e+00 : f32
    %broadcast_in_dim3A_3421 = vector.broadcast %jit3A_3420 : f32 to vector<64x128xf32>
    %select_n3A_3422 = arith.select %lt3A_3418, %broadcast_in_dim3A_3421, %select_n3A_3411 : vector<64x128xi1>, vector<64x128xf32>
    %slice3A_3423 = vector.extract_strided_slice %dot_general3A_3148 {offsets = [128, 640], sizes = [64, 128], strides = [1, 1]} : vector<256x1024xf32> to vector<64x128xf32>
    %sub3A_3424 = vector.broadcast %slice3A_3370 : vector<64x1xf32> to vector<64x128xf32>
    %sub3A_3425 = arith.subf %sub3A_3424, %slice3A_3423 : vector<64x128xf32>
    %slice3A_3426 = vector.extract_strided_slice %get3A_3153 {offsets = [0, 640], sizes = [1, 128], strides = [1, 1]} : vector<1x1024xf32> to vector<1x128xf32>
    %add3A_3427 = vector.broadcast %slice3A_3426 : vector<1x128xf32> to vector<64x128xf32>
    %add3A_3428 = arith.addf %sub3A_3425, %add3A_3427 : vector<64x128xf32>
    %lt3A_3429 = arith.cmpf olt, %add3A_3428, %select_n3A_3419 : vector<64x128xf32>
    %select_n3A_3430 = arith.select %lt3A_3429, %add3A_3428, %select_n3A_3419 : vector<64x128xi1>, vector<64x128xf32>
    %jit3A_3431 = arith.constant 5.000000e+00 : f32
    %broadcast_in_dim3A_3432 = vector.broadcast %jit3A_3431 : f32 to vector<64x128xf32>
    %select_n3A_3433 = arith.select %lt3A_3429, %broadcast_in_dim3A_3432, %select_n3A_3422 : vector<64x128xi1>, vector<64x128xf32>
    %slice3A_3434 = vector.extract_strided_slice %dot_general3A_3148 {offsets = [128, 768], sizes = [64, 128], strides = [1, 1]} : vector<256x1024xf32> to vector<64x128xf32>
    %sub3A_3435 = vector.broadcast %slice3A_3370 : vector<64x1xf32> to vector<64x128xf32>
    %sub3A_3436 = arith.subf %sub3A_3435, %slice3A_3434 : vector<64x128xf32>
    %slice3A_3437 = vector.extract_strided_slice %get3A_3153 {offsets = [0, 768], sizes = [1, 128], strides = [1, 1]} : vector<1x1024xf32> to vector<1x128xf32>
    %add3A_3438 = vector.broadcast %slice3A_3437 : vector<1x128xf32> to vector<64x128xf32>
    %add3A_3439 = arith.addf %sub3A_3436, %add3A_3438 : vector<64x128xf32>
    %lt3A_3440 = arith.cmpf olt, %add3A_3439, %select_n3A_3430 : vector<64x128xf32>
    %select_n3A_3441 = arith.select %lt3A_3440, %add3A_3439, %select_n3A_3430 : vector<64x128xi1>, vector<64x128xf32>
    %jit3A_3442 = arith.constant 6.000000e+00 : f32
    %broadcast_in_dim3A_3443 = vector.broadcast %jit3A_3442 : f32 to vector<64x128xf32>
    %select_n3A_3444 = arith.select %lt3A_3440, %broadcast_in_dim3A_3443, %select_n3A_3433 : vector<64x128xi1>, vector<64x128xf32>
    %slice3A_3445 = vector.extract_strided_slice %dot_general3A_3148 {offsets = [128, 896], sizes = [64, 128], strides = [1, 1]} : vector<256x1024xf32> to vector<64x128xf32>
    %sub3A_3446 = vector.broadcast %slice3A_3370 : vector<64x1xf32> to vector<64x128xf32>
    %sub3A_3447 = arith.subf %sub3A_3446, %slice3A_3445 : vector<64x128xf32>
    %slice3A_3448 = vector.extract_strided_slice %get3A_3153 {offsets = [0, 896], sizes = [1, 128], strides = [1, 1]} : vector<1x1024xf32> to vector<1x128xf32>
    %add3A_3449 = vector.broadcast %slice3A_3448 : vector<1x128xf32> to vector<64x128xf32>
    %add3A_3450 = arith.addf %sub3A_3447, %add3A_3449 : vector<64x128xf32>
    %lt3A_3451 = arith.cmpf olt, %add3A_3450, %select_n3A_3441 : vector<64x128xf32>
    %select_n3A_3452 = arith.select %lt3A_3451, %add3A_3450, %select_n3A_3441 : vector<64x128xi1>, vector<64x128xf32>
    %jit3A_3453 = arith.constant 7.000000e+00 : f32
    %broadcast_in_dim3A_3454 = vector.broadcast %jit3A_3453 : f32 to vector<64x128xf32>
    %select_n3A_3455 = arith.select %lt3A_3451, %broadcast_in_dim3A_3454, %select_n3A_3444 : vector<64x128xi1>, vector<64x128xf32>
    %reduce_min3A_3456 = arith.constant dense<0x7F800000> : vector<64xf32>
    %reduce_min3A_3457 = vector.multi_reduction <minimumf>, %select_n3A_3452, %reduce_min3A_3456 [1] : vector<64x128xf32> to vector<64xf32>
    %broadcast_in_dim3A_3458 = vector.shape_cast %reduce_min3A_3457 : vector<64xf32> to vector<64x1xf32>
    %eq3A_3459 = vector.broadcast %broadcast_in_dim3A_3458 : vector<64x1xf32> to vector<64x128xf32>
    %eq3A_3460 = arith.cmpf oeq, %select_n3A_3452, %eq3A_3459 : vector<64x128xf32>
    %mul3A_3461 = arith.constant 1.280000e+02 : f32
    %mul3A_3462 = vector.broadcast %mul3A_3461 : f32 to vector<64x128xf32>
    %mul3A_3463 = arith.mulf %select_n3A_3455, %mul3A_3462 : vector<64x128xf32>
    %add3A_3464 = arith.addf %mul3A_3463, %convert_element_type3A : vector<64x128xf32>
    %jit3A_3465 = arith.constant 1.024000e+03 : f32
    %broadcast_in_dim3A_3466 = vector.broadcast %jit3A_3465 : f32 to vector<64x128xf32>
    %select_n3A_3467 = arith.select %eq3A_3460, %add3A_3464, %broadcast_in_dim3A_3466 : vector<64x128xi1>, vector<64x128xf32>
    %reduce_min3A_3468 = arith.constant dense<0x7F800000> : vector<64xf32>
    %reduce_min3A_3469 = vector.multi_reduction <minimumf>, %select_n3A_3467, %reduce_min3A_3468 [1] : vector<64x128xf32> to vector<64xf32>
    %broadcast_in_dim3A_3470 = vector.shape_cast %reduce_min3A_3469 : vector<64xf32> to vector<64x1xf32>
    %convert_element_type3A_3471 = arith.fptosi %broadcast_in_dim3A_3470 : vector<64x1xf32> to vector<64x1xi32>
    %add3A_3472 = arith.constant 7168 : i32
    %add3A_3473 = vector.broadcast %add3A_3472 : i32 to vector<64x1xi32>
    %add3A_3474 = arith.addi %convert_element_type3A_3471, %add3A_3473 : vector<64x1xi32>
    %swap3A_3475 = arith.constant 128 : index
    %swap3A_3476 = arith.constant 7 : index
    %swap3A_3477 = vector.load %arg5[%swap3A_3475, %swap3A_3476] : memref<256x8xi32, #tpu.memory_space<vmem>>, vector<64x1xi32>
    tpu.vector_store %arg5[%swap3A_3475, %swap3A_3476], %add3A_3474 {strides = array<i32>} : memref<256x8xi32, #tpu.memory_space<vmem>>, vector<64x1xi32>,
    %slice3A_3478 = vector.extract_strided_slice %broadcast_in_dim3A_3141 {offsets = [192, 0], sizes = [64, 1], strides = [1, 1]} : vector<256x1xf32> to vector<64x1xf32>
    %slice3A_3479 = vector.extract_strided_slice %dot_general3A_3148 {offsets = [192, 0], sizes = [64, 128], strides = [1, 1]} : vector<256x1024xf32> to vector<64x128xf32>
    %sub3A_3480 = vector.broadcast %slice3A_3478 : vector<64x1xf32> to vector<64x128xf32>
    %sub3A_3481 = arith.subf %sub3A_3480, %slice3A_3479 : vector<64x128xf32>
    %slice3A_3482 = vector.extract_strided_slice %get3A_3153 {offsets = [0, 0], sizes = [1, 128], strides = [1, 1]} : vector<1x1024xf32> to vector<1x128xf32>
    %add3A_3483 = vector.broadcast %slice3A_3482 : vector<1x128xf32> to vector<64x128xf32>
    %add3A_3484 = arith.addf %sub3A_3481, %add3A_3483 : vector<64x128xf32>
    %broadcast_in_dim3A_3485 = arith.constant 0.000000e+00 : f32
    %broadcast_in_dim3A_3486 = vector.broadcast %broadcast_in_dim3A_3485 : f32 to vector<64x128xf32>
    %slice3A_3487 = vector.extract_strided_slice %dot_general3A_3148 {offsets = [192, 128], sizes = [64, 128], strides = [1, 1]} : vector<256x1024xf32> to vector<64x128xf32>
    %sub3A_3488 = vector.broadcast %slice3A_3478 : vector<64x1xf32> to vector<64x128xf32>
    %sub3A_3489 = arith.subf %sub3A_3488, %slice3A_3487 : vector<64x128xf32>
    %slice3A_3490 = vector.extract_strided_slice %get3A_3153 {offsets = [0, 128], sizes = [1, 128], strides = [1, 1]} : vector<1x1024xf32> to vector<1x128xf32>
    %add3A_3491 = vector.broadcast %slice3A_3490 : vector<1x128xf32> to vector<64x128xf32>
    %add3A_3492 = arith.addf %sub3A_3489, %add3A_3491 : vector<64x128xf32>
    %lt3A_3493 = arith.cmpf olt, %add3A_3492, %add3A_3484 : vector<64x128xf32>
    %select_n3A_3494 = arith.select %lt3A_3493, %add3A_3492, %add3A_3484 : vector<64x128xi1>, vector<64x128xf32>
    %jit3A_3495 = arith.constant 1.000000e+00 : f32
    %broadcast_in_dim3A_3496 = vector.broadcast %jit3A_3495 : f32 to vector<64x128xf32>
    %select_n3A_3497 = arith.select %lt3A_3493, %broadcast_in_dim3A_3496, %broadcast_in_dim3A_3486 : vector<64x128xi1>, vector<64x128xf32>
    %slice3A_3498 = vector.extract_strided_slice %dot_general3A_3148 {offsets = [192, 256], sizes = [64, 128], strides = [1, 1]} : vector<256x1024xf32> to vector<64x128xf32>
    %sub3A_3499 = vector.broadcast %slice3A_3478 : vector<64x1xf32> to vector<64x128xf32>
    %sub3A_3500 = arith.subf %sub3A_3499, %slice3A_3498 : vector<64x128xf32>
    %slice3A_3501 = vector.extract_strided_slice %get3A_3153 {offsets = [0, 256], sizes = [1, 128], strides = [1, 1]} : vector<1x1024xf32> to vector<1x128xf32>
    %add3A_3502 = vector.broadcast %slice3A_3501 : vector<1x128xf32> to vector<64x128xf32>
    %add3A_3503 = arith.addf %sub3A_3500, %add3A_3502 : vector<64x128xf32>
    %lt3A_3504 = arith.cmpf olt, %add3A_3503, %select_n3A_3494 : vector<64x128xf32>
    %select_n3A_3505 = arith.select %lt3A_3504, %add3A_3503, %select_n3A_3494 : vector<64x128xi1>, vector<64x128xf32>
    %jit3A_3506 = arith.constant 2.000000e+00 : f32
    %broadcast_in_dim3A_3507 = vector.broadcast %jit3A_3506 : f32 to vector<64x128xf32>
    %select_n3A_3508 = arith.select %lt3A_3504, %broadcast_in_dim3A_3507, %select_n3A_3497 : vector<64x128xi1>, vector<64x128xf32>
    %slice3A_3509 = vector.extract_strided_slice %dot_general3A_3148 {offsets = [192, 384], sizes = [64, 128], strides = [1, 1]} : vector<256x1024xf32> to vector<64x128xf32>
    %sub3A_3510 = vector.broadcast %slice3A_3478 : vector<64x1xf32> to vector<64x128xf32>
    %sub3A_3511 = arith.subf %sub3A_3510, %slice3A_3509 : vector<64x128xf32>
    %slice3A_3512 = vector.extract_strided_slice %get3A_3153 {offsets = [0, 384], sizes = [1, 128], strides = [1, 1]} : vector<1x1024xf32> to vector<1x128xf32>
    %add3A_3513 = vector.broadcast %slice3A_3512 : vector<1x128xf32> to vector<64x128xf32>
    %add3A_3514 = arith.addf %sub3A_3511, %add3A_3513 : vector<64x128xf32>
    %lt3A_3515 = arith.cmpf olt, %add3A_3514, %select_n3A_3505 : vector<64x128xf32>
    %select_n3A_3516 = arith.select %lt3A_3515, %add3A_3514, %select_n3A_3505 : vector<64x128xi1>, vector<64x128xf32>
    %jit3A_3517 = arith.constant 3.000000e+00 : f32
    %broadcast_in_dim3A_3518 = vector.broadcast %jit3A_3517 : f32 to vector<64x128xf32>
    %select_n3A_3519 = arith.select %lt3A_3515, %broadcast_in_dim3A_3518, %select_n3A_3508 : vector<64x128xi1>, vector<64x128xf32>
    %slice3A_3520 = vector.extract_strided_slice %dot_general3A_3148 {offsets = [192, 512], sizes = [64, 128], strides = [1, 1]} : vector<256x1024xf32> to vector<64x128xf32>
    %sub3A_3521 = vector.broadcast %slice3A_3478 : vector<64x1xf32> to vector<64x128xf32>
    %sub3A_3522 = arith.subf %sub3A_3521, %slice3A_3520 : vector<64x128xf32>
    %slice3A_3523 = vector.extract_strided_slice %get3A_3153 {offsets = [0, 512], sizes = [1, 128], strides = [1, 1]} : vector<1x1024xf32> to vector<1x128xf32>
    %add3A_3524 = vector.broadcast %slice3A_3523 : vector<1x128xf32> to vector<64x128xf32>
    %add3A_3525 = arith.addf %sub3A_3522, %add3A_3524 : vector<64x128xf32>
    %lt3A_3526 = arith.cmpf olt, %add3A_3525, %select_n3A_3516 : vector<64x128xf32>
    %select_n3A_3527 = arith.select %lt3A_3526, %add3A_3525, %select_n3A_3516 : vector<64x128xi1>, vector<64x128xf32>
    %jit3A_3528 = arith.constant 4.000000e+00 : f32
    %broadcast_in_dim3A_3529 = vector.broadcast %jit3A_3528 : f32 to vector<64x128xf32>
    %select_n3A_3530 = arith.select %lt3A_3526, %broadcast_in_dim3A_3529, %select_n3A_3519 : vector<64x128xi1>, vector<64x128xf32>
    %slice3A_3531 = vector.extract_strided_slice %dot_general3A_3148 {offsets = [192, 640], sizes = [64, 128], strides = [1, 1]} : vector<256x1024xf32> to vector<64x128xf32>
    %sub3A_3532 = vector.broadcast %slice3A_3478 : vector<64x1xf32> to vector<64x128xf32>
    %sub3A_3533 = arith.subf %sub3A_3532, %slice3A_3531 : vector<64x128xf32>
    %slice3A_3534 = vector.extract_strided_slice %get3A_3153 {offsets = [0, 640], sizes = [1, 128], strides = [1, 1]} : vector<1x1024xf32> to vector<1x128xf32>
    %add3A_3535 = vector.broadcast %slice3A_3534 : vector<1x128xf32> to vector<64x128xf32>
    %add3A_3536 = arith.addf %sub3A_3533, %add3A_3535 : vector<64x128xf32>
    %lt3A_3537 = arith.cmpf olt, %add3A_3536, %select_n3A_3527 : vector<64x128xf32>
    %select_n3A_3538 = arith.select %lt3A_3537, %add3A_3536, %select_n3A_3527 : vector<64x128xi1>, vector<64x128xf32>
    %jit3A_3539 = arith.constant 5.000000e+00 : f32
    %broadcast_in_dim3A_3540 = vector.broadcast %jit3A_3539 : f32 to vector<64x128xf32>
    %select_n3A_3541 = arith.select %lt3A_3537, %broadcast_in_dim3A_3540, %select_n3A_3530 : vector<64x128xi1>, vector<64x128xf32>
    %slice3A_3542 = vector.extract_strided_slice %dot_general3A_3148 {offsets = [192, 768], sizes = [64, 128], strides = [1, 1]} : vector<256x1024xf32> to vector<64x128xf32>
    %sub3A_3543 = vector.broadcast %slice3A_3478 : vector<64x1xf32> to vector<64x128xf32>
    %sub3A_3544 = arith.subf %sub3A_3543, %slice3A_3542 : vector<64x128xf32>
    %slice3A_3545 = vector.extract_strided_slice %get3A_3153 {offsets = [0, 768], sizes = [1, 128], strides = [1, 1]} : vector<1x1024xf32> to vector<1x128xf32>
    %add3A_3546 = vector.broadcast %slice3A_3545 : vector<1x128xf32> to vector<64x128xf32>
    %add3A_3547 = arith.addf %sub3A_3544, %add3A_3546 : vector<64x128xf32>
    %lt3A_3548 = arith.cmpf olt, %add3A_3547, %select_n3A_3538 : vector<64x128xf32>
    %select_n3A_3549 = arith.select %lt3A_3548, %add3A_3547, %select_n3A_3538 : vector<64x128xi1>, vector<64x128xf32>
    %jit3A_3550 = arith.constant 6.000000e+00 : f32
    %broadcast_in_dim3A_3551 = vector.broadcast %jit3A_3550 : f32 to vector<64x128xf32>
    %select_n3A_3552 = arith.select %lt3A_3548, %broadcast_in_dim3A_3551, %select_n3A_3541 : vector<64x128xi1>, vector<64x128xf32>
    %slice3A_3553 = vector.extract_strided_slice %dot_general3A_3148 {offsets = [192, 896], sizes = [64, 128], strides = [1, 1]} : vector<256x1024xf32> to vector<64x128xf32>
    %sub3A_3554 = vector.broadcast %slice3A_3478 : vector<64x1xf32> to vector<64x128xf32>
    %sub3A_3555 = arith.subf %sub3A_3554, %slice3A_3553 : vector<64x128xf32>
    %slice3A_3556 = vector.extract_strided_slice %get3A_3153 {offsets = [0, 896], sizes = [1, 128], strides = [1, 1]} : vector<1x1024xf32> to vector<1x128xf32>
    %add3A_3557 = vector.broadcast %slice3A_3556 : vector<1x128xf32> to vector<64x128xf32>
    %add3A_3558 = arith.addf %sub3A_3555, %add3A_3557 : vector<64x128xf32>
    %lt3A_3559 = arith.cmpf olt, %add3A_3558, %select_n3A_3549 : vector<64x128xf32>
    %select_n3A_3560 = arith.select %lt3A_3559, %add3A_3558, %select_n3A_3549 : vector<64x128xi1>, vector<64x128xf32>
    %jit3A_3561 = arith.constant 7.000000e+00 : f32
    %broadcast_in_dim3A_3562 = vector.broadcast %jit3A_3561 : f32 to vector<64x128xf32>
    %select_n3A_3563 = arith.select %lt3A_3559, %broadcast_in_dim3A_3562, %select_n3A_3552 : vector<64x128xi1>, vector<64x128xf32>
    %reduce_min3A_3564 = arith.constant dense<0x7F800000> : vector<64xf32>
    %reduce_min3A_3565 = vector.multi_reduction <minimumf>, %select_n3A_3560, %reduce_min3A_3564 [1] : vector<64x128xf32> to vector<64xf32>
    %broadcast_in_dim3A_3566 = vector.shape_cast %reduce_min3A_3565 : vector<64xf32> to vector<64x1xf32>
    %eq3A_3567 = vector.broadcast %broadcast_in_dim3A_3566 : vector<64x1xf32> to vector<64x128xf32>
    %eq3A_3568 = arith.cmpf oeq, %select_n3A_3560, %eq3A_3567 : vector<64x128xf32>
    %mul3A_3569 = arith.constant 1.280000e+02 : f32
    %mul3A_3570 = vector.broadcast %mul3A_3569 : f32 to vector<64x128xf32>
    %mul3A_3571 = arith.mulf %select_n3A_3563, %mul3A_3570 : vector<64x128xf32>
    %add3A_3572 = arith.addf %mul3A_3571, %convert_element_type3A : vector<64x128xf32>
    %jit3A_3573 = arith.constant 1.024000e+03 : f32
    %broadcast_in_dim3A_3574 = vector.broadcast %jit3A_3573 : f32 to vector<64x128xf32>
    %select_n3A_3575 = arith.select %eq3A_3568, %add3A_3572, %broadcast_in_dim3A_3574 : vector<64x128xi1>, vector<64x128xf32>
    %reduce_min3A_3576 = arith.constant dense<0x7F800000> : vector<64xf32>
    %reduce_min3A_3577 = vector.multi_reduction <minimumf>, %select_n3A_3575, %reduce_min3A_3576 [1] : vector<64x128xf32> to vector<64xf32>
    %broadcast_in_dim3A_3578 = vector.shape_cast %reduce_min3A_3577 : vector<64xf32> to vector<64x1xf32>
    %convert_element_type3A_3579 = arith.fptosi %broadcast_in_dim3A_3578 : vector<64x1xf32> to vector<64x1xi32>
    %add3A_3580 = arith.constant 7168 : i32
    %add3A_3581 = vector.broadcast %add3A_3580 : i32 to vector<64x1xi32>
    %add3A_3582 = arith.addi %convert_element_type3A_3579, %add3A_3581 : vector<64x1xi32>
    %swap3A_3583 = arith.constant 192 : index
    %swap3A_3584 = arith.constant 7 : index
    %swap3A_3585 = vector.load %arg5[%swap3A_3583, %swap3A_3584] : memref<256x8xi32, #tpu.memory_space<vmem>>, vector<64x1xi32>
    tpu.vector_store %arg5[%swap3A_3583, %swap3A_3584], %add3A_3582 {strides = array<i32>} : memref<256x8xi32, #tpu.memory_space<vmem>>, vector<64x1xi32>,
    return
  }
  func.func @transform_0(%arg0: i32) -> (i32, i32) {
    %c0_i32 = arith.constant 0 : i32
    %c0_i32_0 = arith.constant 0 : i32
    return %arg0, %c0_i32 : i32, i32
  }
  func.func @transform_1(%arg0: i32) -> (i32, i32) {
    %c0_i32 = arith.constant 0 : i32
    %c0_i32_0 = arith.constant 0 : i32
    %c0_i32_1 = arith.constant 0 : i32
    return %c0_i32, %c0_i32_0 : i32, i32
  }
  func.func @transform_2(%arg0: i32) -> (i32, i32, i32) {
    %c0_i32 = arith.constant 0 : i32
    %c0_i32_0 = arith.constant 0 : i32
    %c0_i32_1 = arith.constant 0 : i32
    %c0_i32_2 = arith.constant 0 : i32
    return %c0_i32, %c0_i32_0, %c0_i32_1 : i32, i32, i32
  }
  func.func @transform_3(%arg0: i32) -> (i32, i32, i32) {
    %c0_i32 = arith.constant 0 : i32
    %c0_i32_0 = arith.constant 0 : i32
    %c0_i32_1 = arith.constant 0 : i32
    %c0_i32_2 = arith.constant 0 : i32
    return %c0_i32, %c0_i32_0, %c0_i32_1 : i32, i32, i32
  }
  func.func @transform_4(%arg0: i32) -> (i32, i32) {
    %c0_i32 = arith.constant 0 : i32
    %c0_i32_0 = arith.constant 0 : i32
    return %arg0, %c0_i32 : i32, i32
  }
}

module attributes {stable_mosaic.version = 14 : i64} {
  func.func @_mean_body(%arg0: i32, %arg1: memref<512x8x64xf32, #tpu.memory_space<vmem>>, %arg2: memref<512x64xf32, #tpu.memory_space<vmem>>) attributes {dimension_semantics = [#tpu.dimension_semantics<arbitrary>], iteration_bounds = array<i64: 36>, scalar_prefetch = 0 : i64, scratch_operands = 0 : i64, tpu.core_type = #tpu.core_type<tc>, window_params = [{transform_indices = @transform_0, window_bounds = array<i64: 512, 8, 64>}, {transform_indices = @transform_1, window_bounds = array<i64: 512, 64>}]} {
    %get3A = arith.constant 0 : index
    %get3A_0 = arith.constant 0 : index
    %get3A_1 = arith.constant 0 : index
    %get3A_2 = vector.load %arg1[%get3A, %get3A_0, %get3A_1] : memref<512x8x64xf32, #tpu.memory_space<vmem>>, vector<512x8x64xf32>
    %reduce_sum3A = arith.constant dense<0.000000e+00> : vector<512x64xf32>
    %reduce_sum3A_3 = vector.multi_reduction <add>, %get3A_2, %reduce_sum3A [1] : vector<512x8x64xf32> to vector<512x64xf32>
    %mul3A = arith.constant 1.250000e-01 : f32
    %mul3A_4 = vector.broadcast %mul3A : f32 to vector<512x64xf32>
    %mul3A_5 = arith.mulf %reduce_sum3A_3, %mul3A_4 : vector<512x64xf32>
    %swap3A = arith.constant 0 : index
    %swap3A_6 = arith.constant 0 : index
    %swap3A_7 = vector.load %arg2[%swap3A, %swap3A_6] : memref<512x64xf32, #tpu.memory_space<vmem>>, vector<512x64xf32>
    tpu.vector_store %arg2[%swap3A, %swap3A_6], %mul3A_5 {strides = array<i32>} : memref<512x64xf32, #tpu.memory_space<vmem>>, vector<512x64xf32>,
    return
  }
  func.func @transform_0(%arg0: i32) -> (i32, i32, i32) {
    %c0_i32 = arith.constant 0 : i32
    %c0_i32_0 = arith.constant 0 : i32
    %c0_i32_1 = arith.constant 0 : i32
    return %arg0, %c0_i32, %c0_i32_0 : i32, i32, i32
  }
  func.func @transform_1(%arg0: i32) -> (i32, i32) {
    %c0_i32 = arith.constant 0 : i32
    %c0_i32_0 = arith.constant 0 : i32
    return %arg0, %c0_i32 : i32, i32
  }
}

</mosaic_0001>

<sc_bundles>
// kernel: kernel.6.cloned.1.call-start
scs
__scs_entry_jumppad:
0x0: {  	(pc) =	sbr.rel $0x88, $3  }
0x1: {  	(tag) =	ssettag $0x0;
	lr =	simm.s32 $0x1  }
0x2: {  	[smem:$0x3F9D] =	sst lr;
	_ =	strace $0xD0000000  }
0x3: {  	_ = 	snop  }
0x4: {  	_ = 	snop  }
0x5: {  	_ = 	snop  }
0x6: {  	_ = 	snop  }
0x7: {  	_ = 	snop  }
__scs_overlays_trampoline_lowered:
0x8: {  	[smem:$0x3FAC] =	sst s0  }
0x9: {  	[smem:$0x3FAD] =	sst s1  }
0xa: {  	[smem:$0x3FAE] =	sst s2  }
0xb: {  	[smem:$0x3FAF] =	sst s3  }
0xc: {  	[smem:$0x3FB0] =	sst s4  }
0xd: {  	[smem:$0x3FB1] =	sst s5  }
0xe: {  	[smem:$0x3FB2] =	sst s6  }
0xf: {  	[smem:$0x3FB3] =	sst s7  }
0x10: {  	[smem:$0x3FB4] =	sst s8  }
0x11: {  	[smem:$0x3FB5] =	sst s9;
	s0 =	simm.s32 @!p0 $0x0  }
0x12: {  	s1 =	sld [smem:$0x3F9B];
	s0 =	simm.s32 @p0 $0x1  }
0x13: {  	[smem:$0x3FB6] =	sst s0;
	s0 =	simm.s32 @!p1 $0x0  }
0x14: {  	s2 =	sld [smem:$0x3F9A];
	s0 =	simm.s32 @p1 $0x1  }
0x15: {  	[smem:$0x3FB7] =	sst s0;
	s0 =	simm.s32 @!p2 $0x0  }
0x16: {  	s3 =	sld [smem:$0x3FDB];
	s0 =	simm.s32 @p2 $0x1  }
0x17: {  	s4 =	simm.s32 $0x1BF5;
	[smem:$0x3FB9] =	sst s0  }
0x18: {  	s0 =	sld [smem:$0x3F9C];
	_ =	swait.ge [sflag:s4], $0x0  }
0x19: {  	s7 =	sld [smem:$0x3F9D]  }
0x1a: {  	s8 =	sadd.s32 $0xFFFFE003, lr  }
0x1b: {  	s9 =	sadd.s32 $0xFFFFFEF7, lr;
	s5 =	simm.s32 $0xFFFFFFFF;
	p2 =	slt.u32 s8, $0xFFFFF086  }
0x1c: {  	p1 =	slt.u32 s9, $0xF7A;
	s5 =	simm.s32 @!p2 $0x0  }
0x1d: {  	s5 =	simm.s32 @p1 $0x1;
	p0 =	seq.s32 s7, s2  }
0x1e: {  	s7 =	smul.u32 @!p0 $0xF7A, s2;
	p2 =	seq.s32 @!p0 s5, $0x0  }
0x1f: {  	s9 =	smul.u32 $0xF7A, s1;
	s8 =	simm.s32 @!p0 $0x1BF5;
	p2 =	por !p2, p0  }
0x20: {  	[sflag:s8] =	ssyncset.s32 @!p0 $0xFFFFF086;
	s6 =	sadd.s32 @!p0 s3, s7;
	s7 =	simm.s32 @!p0 $0x108  }
0x21: {  	s3 =	sadd.s32 s3, s9;
	s6 =	sadd.s32 @!p0 $0x88, s6;
	s7 =	simm.s32 @p2 $0x1082  }
0x22: {  	[simem:s7], [sflag:s8] =	dma.local @!p0 [hbm:s6], $0xF7A  }
0x23: {  	s9 =	sor.u32 $0xD0000000, s2;
	s6 =	simm.s32 $0x108;
	_ =	swait.ge @!p0 [sflag:s8], $0x0  }
0x24: {  	s3 =	sadd.s32 $0x88, s3;
	s6 =	simm.s32 @!p1 $0x1082;
	[sflag:s4] =	ssyncset.s32 $0xFFFFF086  }
0x25: {  	[simem:s6], [sflag:s4] =	dma.local [hbm:s3], $0xF7A  }
0x26: {  	[smem:$0x3F9D] =	sst s1;
	(tag) =	ssettag s2;
	_ =	strace s9  }
0x27: {  	s1 =	sld [smem:$0x3FAD]  }
0x28: {  	s2 =	sld [smem:$0x3FAE]  }
0x29: {  	s4 =	sld [smem:$0x3FB0]  }
0x2a: {  	p0 =	seq.s32 s5, $0x0;
	s5 =	sld [smem:$0x3FB1]  }
0x2b: {  	s6 =	sld [smem:$0x3FB2]  }
0x2c: {  	s7 =	sld [smem:$0x3FB3]  }
0x2d: {  	s3 =	simm.s32 $0x108;
	s8 =	sld [smem:$0x3FB4]  }
0x2e: {  	s3 =	simm.s32 @!p0 $0x1082;
	s9 =	sld [smem:$0x3FB5]  }
0x2f: {  	lr =	sadd.s32 s0, s3;
	s0 =	sld [smem:$0x3FAC]  }
0x30: {  	s3 =	sld [smem:$0x3FAF]  }
0x31: {  	[smem:$0x3FB8] =	sst s10  }
0x32: {  	s10 =	sld [smem:$0x3FB6];
	_ =	sdelay $0x3  }
0x33: {  	p0 =	seq.s32 s10, $0x1;
	s10 =	sld [smem:$0x3FB8];
	_ =	sdelay $0x3  }
0x34: {  	[smem:$0x3FB8] =	sst s10  }
0x35: {  	s10 =	sld [smem:$0x3FB7];
	_ =	sdelay $0x3  }
0x36: {  	p1 =	seq.s32 s10, $0x1;
	s10 =	sld [smem:$0x3FB8];
	_ =	sdelay $0x3  }
0x37: {  	[smem:$0x3FB8] =	sst s10  }
0x38: {  	s10 =	sld [smem:$0x3FB9]  }
0x39: {  	_ = 	snop;
	(pc) =	sbr.ind lr, $3  }
0x3a: {  	_ = 	snop  }
0x3b: {  	_ = 	snop  }
0x3c: {  	p2 =	seq.s32 s10, $0x1;
	s10 =	sld [smem:$0x3FB8]  }
0x3d: {  	_ =	shalt  }
0x3e: {  	_ =	shalt  }
0x3f: {  	_ =	shalt  }
0x40: {  	_ =	shalt  }
0x41: {  	_ =	shalt  }
0x42: {  	_ =	shalt  }
0x43: {  	_ =	shalt  }
0x44: {  	_ =	shalt  }
0x45: {  	_ =	shalt  }
0x46: {  	_ =	shalt  }
0x47: {  	_ =	shalt  }
0x48: {  	_ =	shalt  }
0x49: {  	_ =	shalt  }
0x4a: {  	_ =	shalt  }
0x4b: {  	_ =	shalt  }
0x4c: {  	_ =	shalt  }
0x4d: {  	_ =	shalt  }
0x4e: {  	_ =	shalt  }
0x4f: {  	_ =	shalt  }
0x50: {  	_ =	shalt  }
0x51: {  	_ =	shalt  }
0x52: {  	_ =	shalt  }
0x53: {  	_ =	shalt  }
0x54: {  	_ =	shalt  }
0x55: {  	_ =	shalt  }
0x56: {  	_ =	shalt  }
0x57: {  	_ =	shalt  }
0x58: {  	_ =	shalt  }
0x59: {  	_ =	shalt  }
0x5a: {  	_ =	shalt  }
0x5b: {  	_ =	shalt  }
0x5c: {  	_ =	shalt  }
0x5d: {  	_ =	shalt  }
0x5e: {  	_ =	shalt  }
0x5f: {  	_ =	shalt  }
0x60: {  	_ =	shalt  }
0x61: {  	_ =	shalt  }
0x62: {  	_ =	shalt  }
0x63: {  	_ =	shalt  }
0x64: {  	_ =	shalt  }
0x65: {  	_ =	shalt  }
0x66: {  	_ =	shalt  }
0x67: {  	_ =	shalt  }
0x68: {  	_ =	shalt  }
0x69: {  	_ =	shalt  }
0x6a: {  	_ =	shalt  }
0x6b: {  	_ =	shalt  }
0x6c: {  	_ =	shalt  }
0x6d: {  	_ =	shalt  }
0x6e: {  	_ =	shalt  }
0x6f: {  	_ =	shalt  }
0x70: {  	_ =	shalt  }
0x71: {  	_ =	shalt  }
0x72: {  	_ =	shalt  }
0x73: {  	_ =	shalt  }
0x74: {  	_ =	shalt  }
0x75: {  	_ =	shalt  }
0x76: {  	_ =	shalt  }
0x77: {  	_ =	shalt  }
0x78: {  	_ =	shalt  }
0x79: {  	_ =	shalt  }
0x7a: {  	_ =	shalt  }
0x7b: {  	_ =	shalt  }
0x7c: {  	_ =	shalt  }
0x7d: {  	_ =	shalt  }
0x7e: {  	_ =	shalt  }
0x7f: {  	_ =	shalt  }
0x80: {  	_ =	shalt  }
0x81: {  	_ =	shalt  }
0x82: {  	_ =	shalt  }
0x83: {  	_ =	shalt  }
0x84: {  	_ =	shalt  }
0x85: {  	_ =	shalt  }
0x86: {  	_ =	shalt  }
0x87: {  	_ =	shalt  }
.Lfunc_end0:
.L_simem_size_0:
called_computation_lowered:
.L_overlay_start_0:
0x88: {  	s2 =	sld [smem:$0x3FD9]  }
0x89: {  	s3 =	sld [smem:$0x3FFE];
	_ =	sdelay $0x1  }
0x8a: {  	s1 =	srdreg.scid  }
0x8b: {  	s0 =	sand.u32 $0x1, s1  }
0x8c: {  	s17 =	sshll.u32 s0, $0xA;
	s2 =	sadd.s32 s3, s2  }
0x8d: {  	s2 =	sadd.s32 s2, s17  }
0x8e: {  	[smem:$0x3FC4] =	sst s2  }
0x8f: {  	_ = 	snop  }
0x90: {  	s2 =	sld [smem:$0x3FD0];
	(tm) =	ssettm $0x1  }
0x91: {  	s18 =	sld [smem:$0x3FFB];
	_ =	sdelay $0x3  }
0x92: {  	_ =	strace s18  }
0x93: {  	s3 =	sld [smem:$0x3FFC];
	_ =	sdelay $0x3  }
0x94: {  	_ =	strace s3  }
0x95: {  	s3 =	sld [smem:$0x3FFD];
	_ =	sdelay $0x3  }
0x96: {  	_ =	strace s3  }
0x97: {  	_ =	strace $0x8FFFFFFF  }
0x98: {  	s19 =	sld [smem:$0x3FDB];
	_ =	sdelay $0x1  }
0x99: {  	s4 =	simm.s32 $_scs_section_size  }
0x9a: {  	s5 =	simm.s32 $_size__tile_overlayer_lowered;
	s6 =	simm.s32 $_tile_overlayer_lowered  }
0x9b: {  	s22 =	simm.s32 $0x1BFF;
	s21 =	sshll.u32 s6, $0x1;
	s3 =	sadd.s32 s4, s19  }
0x9c: {  	s7 =	simm.s32 $0x0;
	s20 =	sshll.u32 s5, $0x1;
	s5 =	sadd.s32 s21, s3  }
0x9d: {  	[timem:s7], [sflag:s22] =	dma.local [hbm:s5], s20  }
0x9e: {  	_ =	swait.ge [sflag:s22], s20  }
0x9f: {  	s4 =	ssub.s32 $0x0, s20;
	[sflag:s22] =	ssyncset.done $0x0  }
0xa0: {  	[sflag:s22] =	ssyncadd.s32 s4;
	_ =	sdelay $0x1  }
0xa1: {  	s23 =	simm.s32 $0x1B8B  }
0xa2: {  	_ =	swait.ge [sflag:s23], $0x1  }
0xa3: {  	[sflag:s23] =	ssyncset.done $0x0  }
0xa4: {  	s25 =	simm.s32 $0x1B8E;
	s24 =	sld [smem:$0x3FFE];
	[sflag:s23] =	ssyncadd.s32 $0xFFFFFFFF  }
0xa5: {  	s26 =	simm.s32 $execute0_lowered;
	[smem:$0x3FD2] =	sst s25  }
0xa6: {  	s5 =	sshll.u32 s26, $0x1;
	_ =	strace $0x80000046;
	[dreg:$0x1] =	wrdreg $0xFFFFFFFF  }
0xa7: {  	s28 =	simm.s32 $_size_execute0_lowered;
	s3 =	sadd.s32 s3, s5;
	[dreg:$0x0] =	wrdreg $0x0  }
0xa8: {  	s5 =	sshll.u32 s28, $0x1;
	[dreg:$0x2] =	wrdreg s3  }
0xa9: {  	[dreg:$0x3] =	wrdreg s5  }
0xaa: {  	[dreg:$0x4] =	wrdreg $0xC0  }
0xab: {  	_ =	task [dreg:s7], $0x5FFFF  }
0xac: {  	[dreg:$0x1] =	wrdreg $0xFFFFFFFF  }
0xad: {  	[dreg:$0x0] =	wrdreg $0x60  }
0xae: {  	[dreg:$0x2] =	wrdreg s2  }
0xaf: {  	[dreg:$0x3] =	wrdreg s24  }
0xb0: {  	[dreg:$0x4] =	wrdreg $0x9  }
0xb1: {  	_ =	task.clear_ibuf [dreg:s7], $0x5FFFF;
	_ =	strace $0x90000046  }
0xb2: {  	s29 =	simm.s32 $0x9;
	_ =	strace $0x8000004F  }
0xb3: {  	_ =	swait.ge [sflag:s29], $0x1  }
0xb4: {  	[sflag:s29] =	ssyncadd.s32 $0xFFFFFFFF  }
0xb5: {  	_ =	strace $0x9000004F  }
0xb6: {  	_ =	sfence  }
0xb7: {  	s30 =	sld [smem:$0x0];
	_ =	sdelay $0x2  }
0xb8: {  	s31 =	sshll.u32 s1, $0xD;
	s1 =	sshrl.u32 s1, $0x2  }
0xb9: {  	s3 =	sand.u32 $0x4000, s31;
	s1 =	sadd.s32 s1, s30  }
0xba: {  	s0 =	sor.u32 s3, s0;
	s1 =	sshll.u32 s1, $0x11  }
0xbb: {  	s0 =	sor.u32 s1, s0  }
0xbc: {  	s0 =	sadd.s32 $0x8F2B, s0  }
0xbd: {  	[sflag:s0] =	ssyncadd.remote.s32 $0x1  }
0xbe: {  	_ =	sfence.sel $0xFFFF  }
0xbf: {  	[dreg:$0x0] =	wrdreg $0xFFFFFFFF;
	(pc) =	sbr.abs _section_cstart, $3  }
0xc0: {  	[dreg:$0x1] =	wrdreg $0xFFFFFFFF  }
0xc1: {  	_ =	task.clear_ibuf [dreg:s7], $0x2FFFF;
	_ =	strace $0x9FFFFFFF  }
0xc2: {  	(tm) =	ssettm $0x7FFFFFFF  }
0xc3: {  	_ =	shalt  }
tec
execute0_lowered:
.L_overlay_start_1:
0x0: {  	(tag) =	ssettag $0x1  }
0x1: {  	s0 =	rddreg [dreg:$0x0]  }
0x2: {  	s3 =	rddreg [dreg:$0x1];
	s1 =	srdreg.scid;
	s2 =	simm.s32 $0x0  }
0x3: {  	s31 =	simm.s32 $0x80;
	s9 =	simm.s32 $0x4;
	[dreg:$0x3] =	wrdreg s0  }
0x4: {  	s10 =	simm.s32 $0x0;
	s0 =	rddreg [dreg:$0x2];
	s4 =	sand.u32 $0x1, s1  }
0x5: {  	[smem:$0x7FF] =	sst s2;
	s1 =	stileid.u32;
	s6 =	sadd.s32 $0x5200, s3  }
0x6: {  	s3 =	sadd.s32 $0xA00, s3;
	s5 =	sshll.u32 s4, $0x4;
	_ =	strace $0x80000047  }
0x7: {  	s4 =	ssub.s32 $0x2, s4;
	[dreg:$0x5] =	wrdreg s6;
	s5 =	sor.u32 s1, s5  }
0x8: {  	[dreg:$0x4] =	wrdreg s31;
	s7 =	sshrl.u32 s4, $0x1;
	s8 =	smul.u32 $0x240, s5  }
0x9: {  	s30 =	ssub.s32 s4, s7;
	s4 =	smul.u32 $0x24, s5;
	s7 =	simm.s32 $0x1  }
0xa: {  	s6 =	smax.u32 s30, $0x1;
	s5 =	sadd.s32 s3, s8;
	s8 =	simm.s32 $0x5  }
.LBB2_1:
0xb: {  	_ =	strace $0x80000048;
	s11 =	simm.s32 $0x1;
	p0 =	por $0x0, $0x0  }
0xc: {  	[tilespmem:s2], [sflag:$0x1] =	stream.linear.gather [hbm4b:s5+s2], $0x80, $0x200038;
	[tilespmem:$0x4100] =	vst v63  }
0xd: {  	s11 =	simm.s32 @p0 $0x0  }
0xe: {  	p4 =	por $0x1, $0x1;
	s20 =	sand.u32 $0x1, s2;
	p1 =	sne.s32 s11, $0x0  }
0xf: {  	p2 =	por $0x1, $0x1;
	s18 =	simm.s32 $0x22;
	p0 =	por !p4, !p1  }
0x10: {  	s16 =	simm.s32 $0x0;
	p5 =	por $0x0, $0x0;
	p0 =	por !p0, !p0  }
0x11: {  	s23 =	sadd.s32 $0x0, s4;
	s30 =	sadd.s32 $0x1, s20;
	s12 =	sadd.s32 @p0 s4, s11  }
0x12: {  	_ =	strace $0x90000048;
	s13 =	sand.u32 @p0 $0x1, s7;
	s12 =	sshll.u32 @p0 s12, $0x4  }
0x13: {  	_ =	strace @p0 $0x80000049;
	s15 =	simm.s32 @p0 $0x0;
	s12 =	sand.u32 @p0 $0x1FFFFFF0, s12  }
0x14: {  	s14 =	sshll.u32 @p0 s13, $0x7;
	s13 =	sadd.s32 @p0 $0x1, s13;
	s12 =	sadd.s32 @p0 s3, s12  }
0x15: {  	[tilespmem:s14], [sflag:s13] =	stream.linear.gather @p0 [hbm4b:s12+s15], $0x80, $0x200038;
	[tilespmem:$0x4100] =	vst v63  }
0x16: {  	p3 =	por p2, p2;
	s21 =	sshll.u32 s20, $0xD;
	_ =	strace @p0 $0x90000049  }
0x17: {  	s16 =	sand.u32 $0x80, s16;
	p2 =	por p5, p5;
	_ =	strace $0x8000004A  }
0x18: {  	s17 =	sadd.s32 $0x1, s11;
	s22 =	sor.u32 $0x100, s21;
	_ =	swait.ge [sflag:s30], $0x80  }
0x19: {  	s21 =	simm.s32 $0x1;
	p6 =	por p1, p1;
	[sflag:s30] =	ssyncset.done $0x0  }
0x1a: {  	p1 =	por p3, p3;
	p4 =	por $0x1, $0x1;
	[sflag:s30] =	ssyncadd.s32 $0xFFFFFF80  }
0x1b: {  	s12 =	simm.s32 $0x23;
	s15 =	sand.u32 @!p3 $0x1, s2;
	_ =	strace $0x9000004A  }
0x1c: {  	s13 =	simm.s32 $0x1;
	p3 =	seq.s32 s17, $0x24;
	_ =	strace $0x8000004B  }
0x1d: {  	s13 =	simm.s32 @!p0 $0x0;
	s17 =	simm.s32 @p3 $0x0;
	s19 =	rddreg [dreg:$0x4]  }
0x1e: {  	p0 =	por $0x0, $0x0;
	s14 =	sadd.s32 $0x1, s13;
	s31 =	rddreg [dreg:$0x3]  }
0x1f: {  	[tilespmem:s22], [sflag:$0x5] =	stream.indirect.gather [hbm4b:s31+s19], $0x40, s16, s19, $0x2000b8;
	[tilespmem:$0x4100] =	vst v63  }
0x20: {  	p3 =	sne.s32 s11, s17;
	s21 =	simm.s32 @!p0 $0x0;
	_ =	swait.ge [sflag:s8], $0x2000  }
0x21: {  	p5 =	por !p4, !p3;
	p4 =	por $0x0, $0x0;
	[sflag:s8] =	ssyncset.done $0x0  }
0x22: {  	s13 =	simm.s32 $0x0;
	p6 =	por p4, p6;
	[sflag:s8] =	ssyncadd.s32 $0xFFFFE000  }
0x23: {  	s16 =	simm.s32 $0x0;
	s19 =	simm.s32 $0x0;
	_ =	strace $0x9000004B  }
.LBB2_2:
0x24: {  	_ =	strace @p6 $0x8000004C;
	s13 =	sadd.s32 s21, s13;
	s21 =	smov.u32 s12  }
0x25: {  	s12 =	smov.u32 s18;
	s18 =	sadd.s32 $0xFFFFFFFF, s18;
	p0 =	por p3, p3  }
0x26: {  	s28 =	sshll.u32 @p6 s23, $0xA;
	s20 =	sadd.s32 @p6 $0x3, s20;
	s24 =	simm.s32 @!p0 $0x0  }
0x27: {  	s25 =	rddreg [dreg:$0x5];
	s28 =	sand.u32 @p6 $0x1FFFFC00, s28;
	s24 =	simm.s32 @p0 $0x1  }
0x28: {  	s25 =	sadd.s32 @p6 s25, s28;
	s28 =	simm.s32 @p6 $0x0;
	p0 =	sne.s32 s18, $0x0  }
0x29: {  	[hbm4b:s25+s28] =	stream.linear.scatter @p6 [tilespmem:s22], [sflag:s20], $0x2000, $0x200038;
	[tilespmem:$0x4100] =	vst v63  }
0x2a: {  	s20 =	sadd.s32 @!p1 $0x3, s15;
	s15 =	simm.s32 @!p0 $0x0  }
0x2b: {  	s26 =	simm.s32 $0x1;
	[smem:$0x7FC] =	sst s24;
	s15 =	simm.s32 @p0 $0x1  }
0x2c: {  	s26 =	simm.s32 @!p6 $0x0;
	_ =	strace @p6 $0x9000004C;
	[smem:$0x7FD] =	sst s15  }
0x2d: {  	p5 =	por !p5, !p5;
	s19 =	sadd.s32 s26, s19;
	_ =	strace @!p1 $0x8000004D  }
0x2e: {  	s24 =	sand.u32 @!p2 $0x1, s13;
	s22 =	sand.u32 @p5 $0x1, s14;
	_ =	swait.ge @!p1 [sflag:s20], $0x2000  }
0x2f: {  	s15 =	smov.u32 s24;
	s24 =	sadd.s32 @p5 s4, s17;
	[sflag:s20] =	ssyncset.done @!p1 $0x0  }
0x30: {  	s25 =	sshll.u32 @p5 s22, $0x7;
	s24 =	sshll.u32 @p5 s24, $0x4;
	[sflag:s20] =	ssyncadd.s32 @!p1 $0xFFFFE000  }
0x31: {  	s20 =	sadd.s32 @p5 $0x1, s22;
	s22 =	sand.u32 @p5 $0x1FFFFFF0, s24;
	_ =	strace @!p1 $0x9000004D  }
0x32: {  	s24 =	simm.s32 @p5 $0x0;
	s22 =	sadd.s32 @p5 s3, s22;
	_ =	strace @p5 $0x80000049  }
0x33: {  	[tilespmem:s25], [sflag:s20] =	stream.linear.gather @p5 [hbm4b:s22+s24], $0x80, $0x200038;
	[tilespmem:$0x4100] =	vst v63  }
0x34: {  	s16 =	sadd.s32 s26, s16;
	s26 =	sand.u32 $0x1, s19;
	_ =	strace @p5 $0x90000049  }
0x35: {  	s24 =	sadd.s32 $0x1, s26;
	_ =	strace $0x8000004A  }
0x36: {  	_ =	swait.ge [sflag:s24], $0x80  }
0x37: {  	[sflag:s24] =	ssyncset.done $0x0  }
0x38: {  	s20 =	simm.s32 $0x1;
	[sflag:s24] =	ssyncadd.s32 $0xFFFFFF80  }
0x39: {  	s20 =	simm.s32 @!p5 $0x0;
	_ =	strace $0x9000004A  }
0x3a: {  	s14 =	sadd.s32 s20, s14;
	s20 =	sand.u32 $0x1, s16;
	_ =	strace $0x8000004B  }
0x3b: {  	s29 =	sshll.u32 s19, $0x7;
	s25 =	sshll.u32 s20, $0xD;
	s26 =	rddreg [dreg:$0x4]  }
0x3c: {  	s29 =	sand.u32 $0x80, s29;
	s22 =	sor.u32 $0x100, s25;
	s30 =	rddreg [dreg:$0x3]  }
0x3d: {  	[tilespmem:s22], [sflag:$0x5] =	stream.indirect.gather [hbm4b:s30+s26], $0x40, s29, s26, $0x2000b8;
	[tilespmem:$0x4100] =	vst v63  }
0x3e: {  	_ =	swait.ge [sflag:s8], $0x2000  }
0x3f: {  	s31 =	sadd.s32 $0x1, s17;
	[sflag:s8] =	ssyncset.done $0x0  }
0x40: {  	s23 =	sadd.s32 s4, s11;
	s11 =	smov.u32 s17;
	[sflag:s8] =	ssyncadd.s32 $0xFFFFE000  }
0x41: {  	p3 =	seq.s32 s31, $0x24;
	s17 =	smov.u32 s31;
	_ =	strace $0x9000004B  }
0x42: {  	s17 =	simm.s32 @p3 $0x0;
	s31 =	sld [smem:$0x7FD]  }
0x43: {  	p6 =	sne.s32 s12, $0x1;
	p0 =	sne.s32 s21, $0x24;
	p3 =	sne.s32 s11, s17  }
0x44: {  	p5 =	por !p6, !p3;
	p6 =	seq.s32 s21, $0x1;
	s21 =	simm.s32 $0x1  }
0x45: {  	s21 =	simm.s32 @!p0 $0x0;
	p0 =	seq.s32 s31, $0x1  }
.Ltmp0:
0x46: {  	s30 =	sld [smem:$0x7FC];
	(pc) =	sbr.rel @p0 .LBB2_2-.Ltmp0, $4  }
0x47: {  	_ = 	snop  }
0x48: {  	p4 =	seq.s32 s12, $0x24  }
0x49: {  	p1 =	por p2, p2;
	p2 =	por p4, p4;
	p4 =	seq.s32 s30, $0x1  }
0x4a: {  	p6 =	por p6, p4  }
0x4b: {  	_ =	strace @p6 $0x8000004C;
	s23 =	sshll.u32 @p6 s23, $0xA  }
0x4c: {  	s18 =	rddreg [dreg:$0x5];
	s23 =	sand.u32 @p6 $0x1FFFFC00, s23  }
0x4d: {  	s20 =	sadd.s32 @p6 $0x3, s20;
	s18 =	sadd.s32 @p6 s18, s23;
	s23 =	simm.s32 @p6 $0x0  }
0x4e: {  	[hbm4b:s18+s23] =	stream.linear.scatter @p6 [tilespmem:s22], [sflag:s20], $0x2000, $0x200038;
	[tilespmem:$0x4100] =	vst v63  }
0x4f: {  	p0 =	por !p5, !p5;
	_ =	strace @p6 $0x9000004C  }
0x50: {  	s15 =	sadd.s32 @!p1 $0x3, s15;
	s17 =	sadd.s32 @p0 s4, s17;
	_ =	strace @!p1 $0x8000004D  }
0x51: {  	s14 =	sand.u32 @p0 $0x1, s14;
	s17 =	sshll.u32 @p0 s17, $0x4;
	_ =	swait.ge @!p1 [sflag:s15], $0x2000  }
0x52: {  	s18 =	simm.s32 $0x1;
	s20 =	sshll.u32 @p0 s14, $0x7;
	[sflag:s15] =	ssyncset.done @!p1 $0x0  }
0x53: {  	s14 =	sadd.s32 @p0 $0x1, s14;
	s18 =	simm.s32 @!p6 $0x0;
	[sflag:s15] =	ssyncadd.s32 @!p1 $0xFFFFE000  }
0x54: {  	s19 =	sadd.s32 s18, s19;
	s15 =	sand.u32 @p0 $0x1FFFFFF0, s17;
	_ =	strace @!p1 $0x9000004D  }
0x55: {  	s17 =	simm.s32 @p0 $0x0;
	s15 =	sadd.s32 @p0 s3, s15;
	_ =	strace @p0 $0x80000049  }
0x56: {  	[tilespmem:s20], [sflag:s14] =	stream.linear.gather @p0 [hbm4b:s15+s17], $0x80, $0x200038;
	[tilespmem:$0x4100] =	vst v63  }
0x57: {  	s25 =	sand.u32 $0x1, s19;
	_ =	strace @p0 $0x90000049  }
0x58: {  	s14 =	sadd.s32 $0x1, s25;
	_ =	strace $0x8000004A  }
0x59: {  	_ =	swait.ge [sflag:s14], $0x80  }
0x5a: {  	[sflag:s14] =	ssyncset.done $0x0  }
0x5b: {  	[sflag:s14] =	ssyncadd.s32 $0xFFFFFF80  }
0x5c: {  	s26 =	sadd.s32 s18, s16;
	_ =	strace $0x9000004A  }
0x5d: {  	s14 =	sand.u32 $0x1, s26;
	_ =	strace $0x8000004B  }
0x5e: {  	s30 =	sshll.u32 s19, $0x7;
	s31 =	sshll.u32 s14, $0xD;
	s28 =	rddreg [dreg:$0x4]  }
0x5f: {  	s17 =	sand.u32 $0x80, s30;
	s18 =	sor.u32 $0x100, s31;
	s29 =	rddreg [dreg:$0x3]  }
0x60: {  	[tilespmem:s18], [sflag:$0x5] =	stream.indirect.gather [hbm4b:s29+s28], $0x40, s17, s28, $0x2000b8;
	[tilespmem:$0x4100] =	vst v63  }
0x61: {  	_ =	swait.ge [sflag:s8], $0x2000  }
0x62: {  	[sflag:s8] =	ssyncset.done $0x0  }
0x63: {  	p5 =	por p3, p3;
	p6 =	seq.s32 s12, $0x1;
	[sflag:s8] =	ssyncadd.s32 $0xFFFFE000  }
0x64: {  	s11 =	sadd.s32 s4, s11;
	p0 =	por p6, p5;
	_ =	strace $0x9000004B  }
0x65: {  	s11 =	sshll.u32 @p0 s11, $0xA;
	_ =	strace @p0 $0x8000004C  }
0x66: {  	s13 =	sadd.s32 s21, s13;
	s11 =	sand.u32 @p0 $0x1FFFFC00, s11;
	s12 =	rddreg [dreg:$0x5]  }
0x67: {  	s14 =	sadd.s32 @p0 $0x3, s14;
	s11 =	sadd.s32 @p0 s12, s11;
	s12 =	simm.s32 @p0 $0x0  }
0x68: {  	[hbm4b:s11+s12] =	stream.linear.scatter @p0 [tilespmem:s18], [sflag:s14], $0x2000, $0x200038;
	[tilespmem:$0x4100] =	vst v63  }
0x69: {  	p1 =	por p2, p2;
	s11 =	sand.u32 @!p2 $0x1, s13;
	_ =	strace @p0 $0x9000004C  }
0x6a: {  	s11 =	sadd.s32 @!p1 $0x3, s11;
	_ =	strace @!p1 $0x8000004D  }
0x6b: {  	_ =	swait.ge @!p1 [sflag:s11], $0x2000  }
0x6c: {  	[sflag:s11] =	ssyncset.done @!p1 $0x0  }
0x6d: {  	s10 =	sadd.s32 $0x1, s10;
	[sflag:s11] =	ssyncadd.s32 @!p1 $0xFFFFE000  }
0x6e: {  	p0 =	sne.s32 s10, s6;
	_ =	strace @!p1 $0x9000004D  }
.Ltmp1:
0x6f: {  	_ =	strace $0x8000004E;
	(pc) =	sbr.rel @p0 .LBB2_1-.Ltmp1, $4  }
0x70: {  	_ =	swait.ge [sflag:s9], $0x2000  }
0x71: {  	[sflag:s9] =	ssyncset.done $0x0  }
0x72: {  	[sflag:s9] =	ssyncadd.s32 $0xFFFFE000  }
0x73: {  	_ =	strace $0x9000004E  }
0x74: {  	_ =	sfence.sel $0x180000  }
0x75: {  	[bflag:$0x0] =	sbarrier.arrive $0xFFFF  }
0x76: {  	p0 =	sne.s32 s1, $0x0;
	_ =	strace $0x90000047  }
0x77: {  	s0 =	sadd.s32 @!p0 $0x100000, s0;
	[bflag:$0x2] =	sbarrier.arrive $0xFFFF  }
0x78: {  	[sflag:s0] =	ssyncadd.tile.s32 @!p0 $0x1;
	_ =	shalt  }
.Lfunc_end2:
_tile_overlayer_lowered:
.L_overlay_start_2:
0x79: {  	(tag) =	ssettag $0x2  }
0x7a: {  	s0 =	rddreg [dreg:$0x0];
	s2 =	stileid.u32  }
0x7b: {  	s1 =	rddreg [dreg:$0x1];
	p0 =	sne.s32 s2, $0x0  }
0x7c: {  	s3 =	rddreg [dreg:$0x2];
	[bflag:$0x3] =	sbarrier.arrive $0xFFFF;
	s2 =	simm.s32 @!p0 $0x1C01  }
0x7d: {  	[timem:s3], [sflag:s2] =	dma.local @!p0 [hbm:s0], s1  }
0x7e: {  	s0 =	simm.s32 @!p0 $0x1  }
0x7f: {  	_ =	swait.ge @!p0 [sflag:s0], s1  }
0x80: {  	s1 =	ssub.s32 @!p0 $0x0, s1;
	[sflag:s0] =	ssyncset.done @!p0 $0x0  }
0x81: {  	[sflag:s0] =	ssyncadd.s32 @!p0 s1  }
0x82: {  	[bflag:$0x3] =	sbarrier.arrive $0xFFFF  }
0x83: {  	_ =	shalt  }

</sc_bundles>
